<compile_context>
chip_gen: v7x
topology: tpu7x:2x2x1
jax: 0.10.2.dev20260603
libtpu: 0.0.44.dev20260713+nightly
codegen_flags: <defaults>
</compile_context>

<pallas_src>
import functools
import math

import jax
import jax.numpy as jnp
from jax import lax
from jax.experimental import pallas as pl
from jax.experimental.pallas import tpu as pltpu
from jax.experimental.pallas import tpu_sc as plsc

CUTOFF = 5.0
H = 64
F = 64
NI = 3
G = 64

N_NODES = 50000
E_EDGES = 800000

N_TILES = 16
N_CORES = 2
EPT = 50176
CHUNKS = EPT // 128
E_PAD = EPT * N_TILES
N_ACC = 51200
APT = N_ACC // N_TILES

BN = 2000
BNN = 400
BEQ = 512


def _ssp(x):
    return jnp.maximum(x, 0.0) + jnp.log1p(jnp.exp(-jnp.abs(x))) - math.log(2.0)


def _emb_body(z_ref, emb_ref, w1_ref, h_ref, xjp_ref):
    z = z_ref[...]
    oh = (z == lax.broadcasted_iota(jnp.int32, (BN, 128), 1)).astype(jnp.float32)
    h = jnp.dot(oh, emb_ref[...], preferred_element_type=jnp.float32)
    h_ref[...] = h
    xp = jnp.dot(h, w1_ref[0], preferred_element_type=jnp.float32)
    xjp_ref[...] = jnp.concatenate(
        [xp, jnp.zeros((BN, 64), jnp.float32)], axis=1)


def _emb_call(z2, emb_p, cf_w1):
    n_blk = N_NODES // BN
    return pl.pallas_call(
        _emb_body,
        grid=(n_blk,),
        in_specs=[
            pl.BlockSpec((BN, 1), lambda n: (n, 0)),
            pl.BlockSpec((128, H), lambda n: (0, 0)),
            pl.BlockSpec((1, H, F), lambda n: (0, 0, 0)),
        ],
        out_specs=[
            pl.BlockSpec((BN, H), lambda n: (n, 0)),
            pl.BlockSpec((BN, 128), lambda n: (n, 0)),
        ],
        out_shape=[
            jax.ShapeDtypeStruct((N_NODES, H), jnp.float32),
            jax.ShapeDtypeStruct((N_NODES, 128), jnp.float32),
        ],
    )(z2, emb_p, cf_w1)


def _edge_body(e0_ref, e1_ref, e2_ref, e3_ref, w1_ref, b1_ref, w2_ref,
               b2_ref, w_ref):
    step = CUTOFF / (F - 1)
    off = lax.broadcasted_iota(jnp.int32, (1, F), 1).astype(jnp.float32) * step
    coeff = -0.5 / (step * step)
    lo = []
    hi = []
    for eref in (e0_ref, e1_ref, e2_ref, e3_ref):
        d = eref[0]
        ea = jnp.exp(coeff * (d - off) ** 2)
        t = _ssp(jnp.dot(ea, w1_ref[0], preferred_element_type=jnp.float32)
                 + b1_ref[0])
        t = jnp.dot(t, w2_ref[0], preferred_element_type=jnp.float32) + b2_ref[0]
        cwin = 0.5 * (jnp.cos(d * (math.pi / CUTOFF)) + 1.0)
        t = t * cwin
        lo.append(t[:, :32])
        hi.append(t[:, 32:])
    w_ref[0, 0] = jnp.concatenate(lo, axis=1)
    w_ref[0, 1] = jnp.concatenate(hi, axis=1)


def _edge_call(ew4t, mlp_w1, mlp_b1, mlp_w2, mlp_b2):
    e_blk = (E_PAD // 4) // BEQ
    qspec = lambda q: pl.BlockSpec((1, BEQ, 1), lambda i, e, q=q: (q, e, 0))
    return pl.pallas_call(
        _edge_body,
        grid=(NI, e_blk),
        in_specs=[
            qspec(0), qspec(1), qspec(2), qspec(3),
            pl.BlockSpec((1, F, F), lambda i, e: (i, 0, 0)),
            pl.BlockSpec((1, 1, F), lambda i, e: (i, 0, 0)),
            pl.BlockSpec((1, F, F), lambda i, e: (i, 0, 0)),
            pl.BlockSpec((1, 1, F), lambda i, e: (i, 0, 0)),
        ],
        out_specs=pl.BlockSpec((1, 2, BEQ, 128), lambda i, e: (i, 0, e, 0)),
        out_shape=jax.ShapeDtypeStruct((NI, 2, E_PAD // 4, 128), jnp.float32),
    )(ew4t, ew4t, ew4t, ew4t, mlp_w1, mlp_b1.reshape(NI, 1, F), mlp_w2,
      mlp_b2.reshape(NI, 1, F))


def _make_sc_agg(li):
    mesh = plsc.VectorSubcoreMesh(core_axis_name="c", subcore_axis_name="s")

    @functools.partial(
        pl.kernel,
        out_type=jax.ShapeDtypeStruct((N_CORES * N_ACC, 32), jnp.float32),
        mesh=mesh,
        scratch_types=[
            pltpu.VMEM((8, 128), jnp.int32),
            pltpu.VMEM((8, 128), jnp.int32),
            pltpu.VMEM((32, 128), jnp.float32),
            pltpu.VMEM((32, 128), jnp.float32),
            pltpu.VMEM((128, 32), jnp.float32),
            pltpu.VMEM_SHARED((N_ACC, 32), jnp.float32),
            pltpu.SemaphoreType.DMA,
        ],
    )
    def sc_agg(xjp_hbm, w_hbm, src_hbm, dst_hbm, zidx_hbm, agg_hbm,
               srcb, dstb, rows, wb, prod, acc, sem):
        c = lax.axis_index("c")
        s = lax.axis_index("s")
        zbase = s * APT

        @pl.loop(0, 128)
        def _z(k):
            prod[k, pl.ds(0, 16)] = jnp.zeros((16,), jnp.float32)
            prod[k, pl.ds(16, 16)] = jnp.zeros((16,), jnp.float32)

        @pl.loop(0, 4)
        def _zc8(zc8):
            pltpu.sync_copy(zidx_hbm.at[pl.ds(s * 32 + zc8 * 8, 8)], dstb)

            @pl.loop(0, 8)
            def _zc(zc):
                pltpu.sync_copy(prod, acc.at[dstb.at[zc]])

        plsc.subcore_barrier()

        w_row0 = (li * 2 + c) * (E_PAD // 4) + s * (EPT // 4)

        @pl.loop(0, CHUNKS // 8)
        def _super(it8):
            g8 = s * CHUNKS + it8 * 8
            pltpu.sync_copy(src_hbm.at[pl.ds(g8, 8)], srcb)
            pltpu.sync_copy(dst_hbm.at[pl.ds(g8, 8)], dstb)

            @pl.loop(0, 8)
            def _chunk(j):
                it = it8 * 8 + j
                pltpu.sync_copy(w_hbm.at[pl.ds(w_row0 + it * 32, 32)], wb)

                for hh in (0, 1, 2, 3):
                    pltpu.async_copy(
                        xjp_hbm.at[srcb.at[j, pl.ds(hh * 32, 32)]],
                        rows, sem).wait()
                    for cc in (0, 32):
                        @pl.when(c == cc // 32)
                        def _():
                            @pl.loop(0, 32)
                            def _mul(k):
                                kk = hh * 32 + k
                                r = hh * 8 + k // 4
                                cb = (k % 4) * 32
                                prod[kk, pl.ds(0, 16)] = (
                                    rows[k, pl.ds(cc, 16)]
                                    * wb[r, pl.ds(cb, 16)])
                                prod[kk, pl.ds(16, 16)] = (
                                    rows[k, pl.ds(cc + 16, 16)]
                                    * wb[r, pl.ds(cb + 16, 16)])

                pltpu.async_copy(prod, acc.at[dstb.at[j]], sem,
                                 add=True).wait()

        plsc.subcore_barrier()

        obase = c * N_ACC + zbase

        @pl.loop(0, 4)
        def _f8(z8):
            pltpu.sync_copy(zidx_hbm.at[pl.ds(s * 32 + z8 * 8, 8)], dstb)
            nz = jnp.where(z8 == 3, 1, 8)

            @pl.loop(0, nz)
            def _f(z):
                pltpu.async_copy(acc.at[dstb.at[z]], prod, sem).wait()
                pltpu.sync_copy(
                    prod,
                    agg_hbm.at[pl.ds(obase + (z8 * 8 + z) * 128, 128)])

    return sc_agg


_SC_AGG_CACHE = {}


def _sc_agg_for(li):
    if li not in _SC_AGG_CACHE:
        _SC_AGG_CACHE[li] = _make_sc_agg(li)
    return _SC_AGG_CACHE[li]


def _node_body(h_ref, ga_ref, gb_ref, w2_ref, b2_ref, bw_ref, bb_ref,
               w1n_ref, h_out, xjp_ref):
    w2 = w2_ref[0]
    x = (jnp.dot(ga_ref[...], w2[:32, :], preferred_element_type=jnp.float32)
         + jnp.dot(gb_ref[...], w2[32:, :], preferred_element_type=jnp.float32)
         + b2_ref[0])
    x = _ssp(x)
    x = jnp.dot(x, bw_ref[0], preferred_element_type=jnp.float32) + bb_ref[0]
    hn = h_ref[...] + x
    h_out[...] = hn
    xp = jnp.dot(hn, w1n_ref[0], preferred_element_type=jnp.float32)
    xjp_ref[...] = jnp.concatenate(
        [xp, jnp.zeros((BNN, 64), jnp.float32)], axis=1)


def _node_call(li, h, agg2, cf_w2, cf_b2, blk_w, blk_b, cf_w1):
    n_blk = N_NODES // BNN
    return pl.pallas_call(
        _node_body,
        grid=(n_blk,),
        in_specs=[
            pl.BlockSpec((BNN, H), lambda n: (n, 0)),
            pl.BlockSpec((BNN, 32), lambda n: (n, 0)),
            pl.BlockSpec((BNN, 32), lambda n: (n + N_ACC // BNN, 0)),
            pl.BlockSpec((1, F, H), lambda n: (li, 0, 0)),
            pl.BlockSpec((1, 1, H), lambda n: (li, 0, 0)),
            pl.BlockSpec((1, H, H), lambda n: (li, 0, 0)),
            pl.BlockSpec((1, 1, H), lambda n: (li, 0, 0)),
            pl.BlockSpec((1, H, F), lambda n: (li + 1, 0, 0)),
        ],
        out_specs=[
            pl.BlockSpec((BNN, H), lambda n: (n, 0)),
            pl.BlockSpec((BNN, 128), lambda n: (n, 0)),
        ],
        out_shape=[
            jax.ShapeDtypeStruct((N_NODES, H), jnp.float32),
            jax.ShapeDtypeStruct((N_NODES, 128), jnp.float32),
        ],
    )(h, agg2, agg2, cf_w2, cf_b2.reshape(NI, 1, H), blk_w,
      blk_b.reshape(NI, 1, H), cf_w1)


def _final_body(h_ref, ga_ref, gb_ref, w2_ref, b2_ref, bw_ref, bb_ref,
                ow1_ref, ob1_ref, ow2_ref, ob2_ref, batch_ref, out_ref):
    w2 = w2_ref[0]
    x = (jnp.dot(ga_ref[...], w2[:32, :], preferred_element_type=jnp.float32)
         + jnp.dot(gb_ref[...], w2[32:, :], preferred_element_type=jnp.float32)
         + b2_ref[0])
    x = _ssp(x)
    x = jnp.dot(x, bw_ref[0], preferred_element_type=jnp.float32) + bb_ref[0]
    hn = h_ref[...] + x
    t = _ssp(jnp.dot(hn, ow1_ref[...], preferred_element_type=jnp.float32)
             + ob1_ref[...])
    y = jnp.sum(t * ow2_ref[...], axis=1, keepdims=True) + ob2_ref[...]
    oh = (batch_ref[...] == lax.broadcasted_iota(jnp.int32, (BNN, G), 1)
          ).astype(jnp.float32)
    contrib = jnp.sum(oh * y, axis=0, keepdims=True)

    @pl.when(pl.program_id(0) == 0)
    def _():
        out_ref[...] = jnp.zeros_like(out_ref)

    out_ref[...] += contrib


def _final_call(li, h, agg2, cf_w2, cf_b2, blk_w, blk_b,
                out_w1, out_b1, out_w2, out_b2, batch2):
    n_blk = N_NODES // BNN
    return pl.pallas_call(
        _final_body,
        grid=(n_blk,),
        in_specs=[
            pl.BlockSpec((BNN, H), lambda n: (n, 0)),
            pl.BlockSpec((BNN, 32), lambda n: (n, 0)),
            pl.BlockSpec((BNN, 32), lambda n: (n + N_ACC // BNN, 0)),
            pl.BlockSpec((1, F, H), lambda n: (li, 0, 0)),
            pl.BlockSpec((1, 1, H), lambda n: (li, 0, 0)),
            pl.BlockSpec((1, H, H), lambda n: (li, 0, 0)),
            pl.BlockSpec((1, 1, H), lambda n: (li, 0, 0)),
            pl.BlockSpec((H, H // 2), lambda n: (0, 0)),
            pl.BlockSpec((1, H // 2), lambda n: (0, 0)),
            pl.BlockSpec((1, H // 2), lambda n: (0, 0)),
            pl.BlockSpec((1, 1), lambda n: (0, 0)),
            pl.BlockSpec((BNN, 1), lambda n: (n, 0)),
        ],
        out_specs=pl.BlockSpec((1, G), lambda n: (0, 0)),
        out_shape=jax.ShapeDtypeStruct((1, G), jnp.float32),
    )(h, agg2, agg2, cf_w2, cf_b2.reshape(NI, 1, H), blk_w,
      blk_b.reshape(NI, 1, H), out_w1, out_b1.reshape(1, -1),
      out_w2.reshape(1, -1), out_b2.reshape(1, 1), batch2)


def kernel(z, edge_index, edge_attr, batch, emb, mlp_w1, mlp_b1, mlp_w2,
           mlp_b2, cf_w1, cf_w2, cf_b2, blk_w, blk_b, out_w1, out_b1,
           out_w2, out_b2):
    pad = E_PAD - E_EDGES
    src = edge_index[0].astype(jnp.int32)
    dst = edge_index[1].astype(jnp.int32)
    src_p = jnp.concatenate([src, jnp.zeros((pad,), jnp.int32)])
    dst_p = jnp.concatenate([dst, jnp.full((pad,), N_NODES, jnp.int32)])
    src2 = src_p.reshape(-1, 128)
    dst2 = dst_p.reshape(-1, 128)
    ew = edge_attr.reshape(-1)
    ew_p = jnp.concatenate([ew, jnp.zeros((pad,), jnp.float32)])
    ew4t = ew_p.reshape(-1, 4).T.reshape(4, E_PAD // 4, 1)
    emb_p = jnp.pad(emb, ((0, 128 - emb.shape[0]), (0, 0)))
    z2 = z.reshape(N_NODES, 1).astype(jnp.int32)
    batch2 = batch.reshape(N_NODES, 1).astype(jnp.int32)

    jrow = jnp.minimum(jnp.arange(32), 24)
    zidx = (jnp.arange(N_TILES)[:, None, None] * APT
            + jrow[None, :, None] * 128
            + jnp.arange(128)[None, None, :]).astype(jnp.int32)
    zidx = zidx.reshape(N_TILES * 32, 128)

    h, xjp = _emb_call(z2, emb_p, cf_w1)
    w_all = _edge_call(ew4t, mlp_w1, mlp_b1, mlp_w2, mlp_b2)
    w_flat = w_all.reshape(-1, 128)

    for i in range(NI):
        agg2 = _sc_agg_for(i)(xjp, w_flat, src2, dst2, zidx)
        if i < NI - 1:
            h, xjp = _node_call(i, h, agg2, cf_w2, cf_b2, blk_w, blk_b, cf_w1)
        else:
            out2d = _final_call(i, h, agg2, cf_w2, cf_b2, blk_w, blk_b,
                                out_w1, out_b1, out_w2, out_b2, batch2)
    return out2d.reshape(-1)

# --- scband reference (transcript-rebuilt; emitter-appended) ---
"""Pipeline reference for scband-sota-sch-net-24008867184936 (READ-ONLY COPY).

The authoritative reference and input builder live on the scoring server;
editing this copy changes nothing except your own understanding.
"""

import jax, jax.numpy as jnp
import numpy as np

CUTOFF = 5.0
H = 64
F = 64
NI = 3
G = 64


def ssp(x):
    return jax.nn.softplus(x) - jnp.log(2.0)


def gaussian_smearing(d):
    offset = jnp.linspace(0.0, CUTOFF, F)
    coeff = -0.5 / (offset[1] - offset[0]) ** 2
    return jnp.exp(coeff * (d[:, None] - offset[None, :]) ** 2)


def setup_inputs(seed: int = 0):
    key = jax.random.key(seed)
    ks = jax.random.split(key, 16)
    N, E = 50000, 800000
    z = jax.random.randint(ks[0], (N,), 0, 100)
    edge_index = jax.random.randint(ks[1], (2, E), 0, N)
    edge_attr = jax.random.uniform(ks[2], (E, 1), dtype=jnp.float32) * CUTOFF
    batch = jnp.sort(jax.random.randint(ks[3], (N,), 0, G))

    def nrm(k, shape, s=0.1):
        return jax.random.normal(k, shape, dtype=jnp.float32) * s

    emb = nrm(ks[4], (100, H))
    mlp_w1 = nrm(ks[5], (NI, F, F))
    mlp_b1 = jnp.zeros((NI, F), jnp.float32)
    mlp_w2 = nrm(ks[6], (NI, F, F))
    mlp_b2 = jnp.zeros((NI, F), jnp.float32)
    cf_w1 = nrm(ks[7], (NI, H, F))
    cf_w2 = nrm(ks[8], (NI, F, H))
    cf_b2 = jnp.zeros((NI, H), jnp.float32)
    blk_w = nrm(ks[9], (NI, H, H))
    blk_b = jnp.zeros((NI, H), jnp.float32)
    out_w1 = nrm(ks[10], (H, H // 2))
    out_b1 = jnp.zeros((H // 2,), jnp.float32)
    out_w2 = nrm(ks[11], (H // 2, 1))
    out_b2 = jnp.zeros((1,), jnp.float32)
    return {"z": z, "edge_index": edge_index, "edge_attr": edge_attr, "batch": batch,
            "emb": emb, "mlp_w1": mlp_w1, "mlp_b1": mlp_b1, "mlp_w2": mlp_w2, "mlp_b2": mlp_b2,
            "cf_w1": cf_w1, "cf_w2": cf_w2, "cf_b2": cf_b2, "blk_w": blk_w, "blk_b": blk_b,
            "out_w1": out_w1, "out_b1": out_b1, "out_w2": out_w2, "out_b2": out_b2}


def reference(z, edge_index, edge_attr, batch, emb, mlp_w1, mlp_b1, mlp_w2, mlp_b2,
              cf_w1, cf_w2, cf_b2, blk_w, blk_b, out_w1, out_b1, out_w2, out_b2):
    N = z.shape[0]
    h = emb[z]
    ew = edge_attr.reshape(-1)
    ea = gaussian_smearing(ew)
    C = 0.5 * (jnp.cos(ew * jnp.pi / CUTOFF) + 1.0)
    src = edge_index[0]
    dst = edge_index[1]
    for i in range(NI):
        W = ssp(ea @ mlp_w1[i] + mlp_b1[i]) @ mlp_w2[i] + mlp_b2[i]
        W = W * C[:, None]
        xj = (h @ cf_w1[i])[src]
        agg = jax.ops.segment_sum(xj * W, dst, num_segments=N)
        x = agg @ cf_w2[i] + cf_b2[i]
        x = ssp(x)
        x = x @ blk_w[i] + blk_b[i]
        h = h + x
    h = ssp(h @ out_w1 + out_b1)
    h = h @ out_w2 + out_b2
    out = jax.ops.segment_sum(h, batch, num_segments=G)
    return out.reshape(-1)

if __name__ == "__main__":
    import jax
    _d = setup_inputs()
    print(jax.jit(kernel)(*tuple(_d.values())))

</pallas_src>

<mosaic_0001>
#map = affine_map<(d0, d1) -> (0, 0)>
module attributes {stable_mosaic.version = 14 : i64} {
  func.func @sc_agg(%arg0: i32, %arg1: i32, %arg2: memref<50000x128xf32, #tpu.memory_space<hbm>>, %arg3: memref<1204224x128xf32, #tpu.memory_space<hbm>>, %arg4: memref<6272x128xi32, #tpu.memory_space<hbm>>, %arg5: memref<6272x128xi32, #tpu.memory_space<hbm>>, %arg6: memref<512x128xi32, #tpu.memory_space<hbm>>, %arg7: memref<102400x32xf32, #tpu.memory_space<hbm>>, %arg8: memref<8x128xi32, #tpu.memory_space<vmem>>, %arg9: memref<8x128xi32, #tpu.memory_space<vmem>>, %arg10: memref<32x128xf32, #tpu.memory_space<vmem>>, %arg11: memref<32x128xf32, #tpu.memory_space<vmem>>, %arg12: memref<128x32xf32, #tpu.memory_space<vmem>>, %arg13: memref<51200x32xf32, #tpu.memory_space<vmem_shared>>, %arg14: memref<!tpu.dma_semaphore, #tpu.memory_space<semaphore_mem>>) attributes {dimension_semantics = [#tpu.dimension_semantics<core_parallel>, #tpu.dimension_semantics<subcore_parallel>], iteration_bounds = array<i64: 2, 16>, scalar_prefetch = 0 : i64, scratch_operands = 7 : i64, tpu.core_type = #tpu.core_type<sc_vector_subcore>, window_params = [{transform_indices = #map}, {transform_indices = #map}, {transform_indices = #map}, {transform_indices = #map}, {transform_indices = #map}, {transform_indices = #map}]} {
    %mul3A = arith.constant 3200 : i32
    %mul3A_0 = arith.muli %arg1, %mul3A : i32
    %scan3A = arith.constant 0 : i32
    %scan3A_1 = arith.constant 128 : i32
    %scan3A_2 = arith.addi %scan3A, %scan3A_1 : i32
    %scan3A_3 = arith.constant 1 : i32
    scf.for %scan3A_30 = %scan3A to %scan3A_2 step %scan3A_3  : i32 {
      %mul3A_31 = arith.constant 1 : i32
      %mul3A_32 = arith.muli %scan3A_30, %mul3A_31 : i32
      %add3A_33 = arith.constant 0 : i32
      %add3A_34 = arith.addi %add3A_33, %mul3A_32 : i32
      %broadcast_in_dim3A = arith.constant 0.000000e+00 : f32
      %broadcast_in_dim3A_35 = vector.broadcast %broadcast_in_dim3A : f32 to vector<16xf32>
      %swap3A = arith.index_cast %add3A_34 : i32 to index
      %swap3A_36 = arith.constant 0 : index
      %swap3A_37 = tpu.vector_load %arg12[%swap3A, %swap3A_36] {strides = array<i32>} : memref<128x32xf32, #tpu.memory_space<vmem>>, vector<1x16xf32>,
      %swap3A_38 = vector.shape_cast %swap3A_37 : vector<1x16xf32> to vector<16xf32>
      %swap3A_39 = vector.shape_cast %broadcast_in_dim3A_35 : vector<16xf32> to vector<1x16xf32>
      tpu.vector_store %arg12[%swap3A, %swap3A_36], %swap3A_39 {strides = array<i32>} : memref<128x32xf32, #tpu.memory_space<vmem>>, vector<1x16xf32>,
      %broadcast_in_dim3A_40 = arith.constant 0.000000e+00 : f32
      %broadcast_in_dim3A_41 = vector.broadcast %broadcast_in_dim3A_40 : f32 to vector<16xf32>
      %swap3A_42 = arith.index_cast %add3A_34 : i32 to index
      %swap3A_43 = arith.constant 16 : index
      %swap3A_44 = tpu.vector_load %arg12[%swap3A_42, %swap3A_43] {strides = array<i32>} : memref<128x32xf32, #tpu.memory_space<vmem>>, vector<1x16xf32>,
      %swap3A_45 = vector.shape_cast %swap3A_44 : vector<1x16xf32> to vector<16xf32>
      %swap3A_46 = vector.shape_cast %broadcast_in_dim3A_41 : vector<16xf32> to vector<1x16xf32>
      tpu.vector_store %arg12[%swap3A_42, %swap3A_43], %swap3A_46 {strides = array<i32>} : memref<128x32xf32, #tpu.memory_space<vmem>>, vector<1x16xf32>,
    }
    %scan3A_4 = arith.constant 128 : i32
    %scan3A_5 = arith.constant 0 : i32
    %scan3A_6 = arith.constant 4 : i32
    %scan3A_7 = arith.addi %scan3A_5, %scan3A_6 : i32
    %scan3A_8 = arith.constant 1 : i32
    scf.for %scan3A_30 = %scan3A_5 to %scan3A_7 step %scan3A_8  : i32 {
      %mul3A_31 = arith.constant 1 : i32
      %mul3A_32 = arith.muli %scan3A_30, %mul3A_31 : i32
      %add3A_33 = arith.constant 0 : i32
      %add3A_34 = arith.addi %add3A_33, %mul3A_32 : i32
      %mul3A_35 = arith.constant 32 : i32
      %mul3A_36 = arith.muli %arg1, %mul3A_35 : i32
      %mul3A_37 = arith.constant 8 : i32
      %mul3A_38 = arith.muli %add3A_34, %mul3A_37 : i32
      %add3A_39 = arith.addi %mul3A_36, %mul3A_38 : i32
      "tpu.region"() ({
        %run_scoped3A = tpu.sem_alloc : memref<!tpu.dma_semaphore, #tpu.memory_space<semaphore_mem>>
        %dma_start3A = arith.constant 0 : i32
        %dma_start3A_45 = tpu.memref_slice %arg6[%add3A_39, %dma_start3A] : memref<512x128xi32, #tpu.memory_space<hbm>> -> memref<8x128xi32, #tpu.memory_space<hbm>>
        %dma_start3A_46 = arith.constant 0 : i32
        %dma_start3A_47 = tpu.memref_slice %arg6[%add3A_39, %dma_start3A_46] : memref<512x128xi32, #tpu.memory_space<hbm>> -> memref<8x128xi32, #tpu.memory_space<hbm>>
        tpu.enqueue_dma source(%dma_start3A_47 : memref<8x128xi32, #tpu.memory_space<hbm>>) target(%arg9 : memref<8x128xi32, #tpu.memory_space<vmem>>) target_semaphore(%run_scoped3A : memref<!tpu.dma_semaphore, #tpu.memory_space<semaphore_mem>>)
        %dma_wait3A = arith.constant 0 : i32
        %dma_wait3A_48 = tpu.memref_slice %arg6[%add3A_39, %dma_wait3A] : memref<512x128xi32, #tpu.memory_space<hbm>> -> memref<8x128xi32, #tpu.memory_space<hbm>>
        %dma_wait3A_49 = arith.constant 0 : i32
        %dma_wait3A_50 = tpu.memref_slice %arg6[%add3A_39, %dma_wait3A_49] : memref<512x128xi32, #tpu.memory_space<hbm>> -> memref<8x128xi32, #tpu.memory_space<hbm>>
        tpu.wait_dma2 semaphore(%run_scoped3A : memref<!tpu.dma_semaphore, #tpu.memory_space<semaphore_mem>>) src(%dma_wait3A_50 : memref<8x128xi32, #tpu.memory_space<hbm>>) dst(%arg9 : memref<8x128xi32, #tpu.memory_space<vmem>>)
        tpu.yield
      }) : () -> ()
      %scan3A_40 = arith.constant 0 : i32
      %scan3A_41 = arith.constant 8 : i32
      %scan3A_42 = arith.addi %scan3A_40, %scan3A_41 : i32
      %scan3A_43 = arith.constant 1 : i32
      scf.for %scan3A_45 = %scan3A_40 to %scan3A_42 step %scan3A_43  : i32 {
        %mul3A_46 = arith.constant 1 : i32
        %mul3A_47 = arith.muli %scan3A_45, %mul3A_46 : i32
        %add3A_48 = arith.constant 0 : i32
        %add3A_49 = arith.addi %add3A_48, %mul3A_47 : i32
        "tpu.region"() ({
          %run_scoped3A = tpu.sem_alloc : memref<!tpu.dma_semaphore, #tpu.memory_space<semaphore_mem>>
          %dma_start3A = arith.constant 0 : i32
          %dma_start3A_50 = tpu.memref_slice %arg9[%add3A_49, %dma_start3A] : memref<8x128xi32, #tpu.memory_space<vmem>> -> memref<1x128xi32, #tpu.memory_space<vmem>>
          %dma_start3A_51 = tpu.memref_squeeze %dma_start3A_50 : memref<1x128xi32, #tpu.memory_space<vmem>> -> memref<128xi32, #tpu.memory_space<vmem>>
          %dma_start3A_52 = arith.constant 0 : i32
          %dma_start3A_53 = arith.constant 0 : i32
          %dma_start3A_54 = tpu.memref_slice %arg13[%dma_start3A_52, %dma_start3A_53] : memref<51200x32xf32, #tpu.memory_space<vmem_shared>> -> memref<51200x32xf32, #tpu.memory_space<vmem_shared>>
          tpu.enqueue_indirect_dma source(%arg12 : memref<128x32xf32, #tpu.memory_space<vmem>>) target(%dma_start3A_54 : memref<51200x32xf32, #tpu.memory_space<vmem_shared>>) offsets(%dma_start3A_51 : memref<128xi32, #tpu.memory_space<vmem>>) semaphore(%run_scoped3A : memref<!tpu.dma_semaphore, #tpu.memory_space<semaphore_mem>>)
          %dma_wait3A = arith.constant 0 : i32
          %dma_wait3A_55 = tpu.memref_slice %arg9[%add3A_49, %dma_wait3A] : memref<8x128xi32, #tpu.memory_space<vmem>> -> memref<1x128xi32, #tpu.memory_space<vmem>>
          %dma_wait3A_56 = tpu.memref_squeeze %dma_wait3A_55 : memref<1x128xi32, #tpu.memory_space<vmem>> -> memref<128xi32, #tpu.memory_space<vmem>>
          %dma_wait3A_57 = arith.constant 0 : i32
          %dma_wait3A_58 = arith.constant 0 : i32
          %dma_wait3A_59 = tpu.memref_slice %arg13[%dma_wait3A_57, %dma_wait3A_58] : memref<51200x32xf32, #tpu.memory_space<vmem_shared>> -> memref<51200x32xf32, #tpu.memory_space<vmem_shared>>
          tpu.wait_indirect_dma semaphore(%run_scoped3A : memref<!tpu.dma_semaphore, #tpu.memory_space<semaphore_mem>>) src(%arg12 : memref<128x32xf32, #tpu.memory_space<vmem>>) dst(%dma_wait3A_59 : memref<51200x32xf32, #tpu.memory_space<vmem_shared>>)
          tpu.yield
        }) : () -> ()
      }
      %scan3A_44 = arith.constant 8 : i32
    }
    %scan3A_9 = arith.constant 4 : i32
    %barrier3A = arith.constant 0 : index
    tpu.barrier barrier_id(%barrier3A)
    %add3A = arith.constant 0 : i32
    %add3A_10 = arith.addi %add3A, %arg0 : i32
    %mul3A_11 = arith.constant 200704 : i32
    %mul3A_12 = arith.muli %add3A_10, %mul3A_11 : i32
    %mul3A_13 = arith.constant 12544 : i32
    %mul3A_14 = arith.muli %arg1, %mul3A_13 : i32
    %add3A_15 = arith.addi %mul3A_12, %mul3A_14 : i32
    %scan3A_16 = arith.constant 0 : i32
    %scan3A_17 = arith.constant 49 : i32
    %scan3A_18 = arith.addi %scan3A_16, %scan3A_17 : i32
    %scan3A_19 = arith.constant 1 : i32
    scf.for %scan3A_30 = %scan3A_16 to %scan3A_18 step %scan3A_19  : i32 {
      %mul3A_31 = arith.constant 1 : i32
      %mul3A_32 = arith.muli %scan3A_30, %mul3A_31 : i32
      %add3A_33 = arith.constant 0 : i32
      %add3A_34 = arith.addi %add3A_33, %mul3A_32 : i32
      %mul3A_35 = arith.constant 392 : i32
      %mul3A_36 = arith.muli %arg1, %mul3A_35 : i32
      %mul3A_37 = arith.constant 8 : i32
      %mul3A_38 = arith.muli %add3A_34, %mul3A_37 : i32
      %add3A_39 = arith.addi %mul3A_36, %mul3A_38 : i32
      "tpu.region"() ({
        %run_scoped3A = tpu.sem_alloc : memref<!tpu.dma_semaphore, #tpu.memory_space<semaphore_mem>>
        %dma_start3A = arith.constant 0 : i32
        %dma_start3A_45 = tpu.memref_slice %arg4[%add3A_39, %dma_start3A] : memref<6272x128xi32, #tpu.memory_space<hbm>> -> memref<8x128xi32, #tpu.memory_space<hbm>>
        %dma_start3A_46 = arith.constant 0 : i32
        %dma_start3A_47 = tpu.memref_slice %arg4[%add3A_39, %dma_start3A_46] : memref<6272x128xi32, #tpu.memory_space<hbm>> -> memref<8x128xi32, #tpu.memory_space<hbm>>
        tpu.enqueue_dma source(%dma_start3A_47 : memref<8x128xi32, #tpu.memory_space<hbm>>) target(%arg8 : memref<8x128xi32, #tpu.memory_space<vmem>>) target_semaphore(%run_scoped3A : memref<!tpu.dma_semaphore, #tpu.memory_space<semaphore_mem>>)
        %dma_wait3A = arith.constant 0 : i32
        %dma_wait3A_48 = tpu.memref_slice %arg4[%add3A_39, %dma_wait3A] : memref<6272x128xi32, #tpu.memory_space<hbm>> -> memref<8x128xi32, #tpu.memory_space<hbm>>
        %dma_wait3A_49 = arith.constant 0 : i32
        %dma_wait3A_50 = tpu.memref_slice %arg4[%add3A_39, %dma_wait3A_49] : memref<6272x128xi32, #tpu.memory_space<hbm>> -> memref<8x128xi32, #tpu.memory_space<hbm>>
        tpu.wait_dma2 semaphore(%run_scoped3A : memref<!tpu.dma_semaphore, #tpu.memory_space<semaphore_mem>>) src(%dma_wait3A_50 : memref<8x128xi32, #tpu.memory_space<hbm>>) dst(%arg8 : memref<8x128xi32, #tpu.memory_space<vmem>>)
        tpu.yield
      }) : () -> ()
      "tpu.region"() ({
        %run_scoped3A = tpu.sem_alloc : memref<!tpu.dma_semaphore, #tpu.memory_space<semaphore_mem>>
        %dma_start3A = arith.constant 0 : i32
        %dma_start3A_45 = tpu.memref_slice %arg5[%add3A_39, %dma_start3A] : memref<6272x128xi32, #tpu.memory_space<hbm>> -> memref<8x128xi32, #tpu.memory_space<hbm>>
        %dma_start3A_46 = arith.constant 0 : i32
        %dma_start3A_47 = tpu.memref_slice %arg5[%add3A_39, %dma_start3A_46] : memref<6272x128xi32, #tpu.memory_space<hbm>> -> memref<8x128xi32, #tpu.memory_space<hbm>>
        tpu.enqueue_dma source(%dma_start3A_47 : memref<8x128xi32, #tpu.memory_space<hbm>>) target(%arg9 : memref<8x128xi32, #tpu.memory_space<vmem>>) target_semaphore(%run_scoped3A : memref<!tpu.dma_semaphore, #tpu.memory_space<semaphore_mem>>)
        %dma_wait3A = arith.constant 0 : i32
        %dma_wait3A_48 = tpu.memref_slice %arg5[%add3A_39, %dma_wait3A] : memref<6272x128xi32, #tpu.memory_space<hbm>> -> memref<8x128xi32, #tpu.memory_space<hbm>>
        %dma_wait3A_49 = arith.constant 0 : i32
        %dma_wait3A_50 = tpu.memref_slice %arg5[%add3A_39, %dma_wait3A_49] : memref<6272x128xi32, #tpu.memory_space<hbm>> -> memref<8x128xi32, #tpu.memory_space<hbm>>
        tpu.wait_dma2 semaphore(%run_scoped3A : memref<!tpu.dma_semaphore, #tpu.memory_space<semaphore_mem>>) src(%dma_wait3A_50 : memref<8x128xi32, #tpu.memory_space<hbm>>) dst(%arg9 : memref<8x128xi32, #tpu.memory_space<vmem>>)
        tpu.yield
      }) : () -> ()
      %scan3A_40 = arith.constant 0 : i32
      %scan3A_41 = arith.constant 8 : i32
      %scan3A_42 = arith.addi %scan3A_40, %scan3A_41 : i32
      %scan3A_43 = arith.constant 1 : i32
      scf.for %scan3A_45 = %scan3A_40 to %scan3A_42 step %scan3A_43  : i32 {
        %mul3A_46 = arith.constant 1 : i32
        %mul3A_47 = arith.muli %scan3A_45, %mul3A_46 : i32
        %add3A_48 = arith.constant 0 : i32
        %add3A_49 = arith.addi %add3A_48, %mul3A_47 : i32
        %mul3A_50 = arith.constant 8 : i32
        %mul3A_51 = arith.muli %add3A_34, %mul3A_50 : i32
        %add3A_52 = arith.addi %mul3A_51, %add3A_49 : i32
        %mul3A_53 = arith.constant 32 : i32
        %mul3A_54 = arith.muli %add3A_52, %mul3A_53 : i32
        %add3A_55 = arith.addi %add3A_15, %mul3A_54 : i32
        "tpu.region"() ({
          %run_scoped3A = tpu.sem_alloc : memref<!tpu.dma_semaphore, #tpu.memory_space<semaphore_mem>>
          %dma_start3A_151 = arith.constant 0 : i32
          %dma_start3A_152 = tpu.memref_slice %arg3[%add3A_55, %dma_start3A_151] : memref<1204224x128xf32, #tpu.memory_space<hbm>> -> memref<32x128xf32, #tpu.memory_space<hbm>>
          %dma_start3A_153 = arith.constant 0 : i32
          %dma_start3A_154 = tpu.memref_slice %arg3[%add3A_55, %dma_start3A_153] : memref<1204224x128xf32, #tpu.memory_space<hbm>> -> memref<32x128xf32, #tpu.memory_space<hbm>>
          tpu.enqueue_dma source(%dma_start3A_154 : memref<32x128xf32, #tpu.memory_space<hbm>>) target(%arg11 : memref<32x128xf32, #tpu.memory_space<vmem>>) target_semaphore(%run_scoped3A : memref<!tpu.dma_semaphore, #tpu.memory_space<semaphore_mem>>)
          %dma_wait3A_155 = arith.constant 0 : i32
          %dma_wait3A_156 = tpu.memref_slice %arg3[%add3A_55, %dma_wait3A_155] : memref<1204224x128xf32, #tpu.memory_space<hbm>> -> memref<32x128xf32, #tpu.memory_space<hbm>>
          %dma_wait3A_157 = arith.constant 0 : i32
          %dma_wait3A_158 = tpu.memref_slice %arg3[%add3A_55, %dma_wait3A_157] : memref<1204224x128xf32, #tpu.memory_space<hbm>> -> memref<32x128xf32, #tpu.memory_space<hbm>>
          tpu.wait_dma2 semaphore(%run_scoped3A : memref<!tpu.dma_semaphore, #tpu.memory_space<semaphore_mem>>) src(%dma_wait3A_158 : memref<32x128xf32, #tpu.memory_space<hbm>>) dst(%arg11 : memref<32x128xf32, #tpu.memory_space<vmem>>)
          tpu.yield
        }) : () -> ()
        %dma_start3A = arith.constant 0 : i32
        %dma_start3A_56 = tpu.memref_slice %arg8[%add3A_49, %dma_start3A] : memref<8x128xi32, #tpu.memory_space<vmem>> -> memref<1x32xi32, #tpu.memory_space<vmem>>
        %dma_start3A_57 = tpu.memref_squeeze %dma_start3A_56 : memref<1x32xi32, #tpu.memory_space<vmem>> -> memref<32xi32, #tpu.memory_space<vmem>>
        %dma_start3A_58 = arith.constant 0 : i32
        %dma_start3A_59 = arith.constant 0 : i32
        %dma_start3A_60 = tpu.memref_slice %arg2[%dma_start3A_58, %dma_start3A_59] : memref<50000x128xf32, #tpu.memory_space<hbm>> -> memref<50000x128xf32, #tpu.memory_space<hbm>>
        tpu.enqueue_indirect_dma source(%dma_start3A_60 : memref<50000x128xf32, #tpu.memory_space<hbm>>) target(%arg10 : memref<32x128xf32, #tpu.memory_space<vmem>>) offsets(%dma_start3A_57 : memref<32xi32, #tpu.memory_space<vmem>>) semaphore(%arg14 : memref<!tpu.dma_semaphore, #tpu.memory_space<semaphore_mem>>)
        %dma_wait3A = arith.constant 0 : i32
        %dma_wait3A_61 = tpu.memref_slice %arg8[%add3A_49, %dma_wait3A] : memref<8x128xi32, #tpu.memory_space<vmem>> -> memref<1x32xi32, #tpu.memory_space<vmem>>
        %dma_wait3A_62 = tpu.memref_squeeze %dma_wait3A_61 : memref<1x32xi32, #tpu.memory_space<vmem>> -> memref<32xi32, #tpu.memory_space<vmem>>
        %dma_wait3A_63 = arith.constant 0 : i32
        %dma_wait3A_64 = arith.constant 0 : i32
        %dma_wait3A_65 = tpu.memref_slice %arg2[%dma_wait3A_63, %dma_wait3A_64] : memref<50000x128xf32, #tpu.memory_space<hbm>> -> memref<50000x128xf32, #tpu.memory_space<hbm>>
        tpu.wait_indirect_dma semaphore(%arg14 : memref<!tpu.dma_semaphore, #tpu.memory_space<semaphore_mem>>) src(%dma_wait3A_65 : memref<50000x128xf32, #tpu.memory_space<hbm>>) dst(%arg10 : memref<32x128xf32, #tpu.memory_space<vmem>>)
        %eq3A = arith.constant 0 : i32
        %eq3A_66 = arith.cmpi eq, %arg0, %eq3A : i32
        %convert_element_type3A = arith.extui %eq3A_66 : i1 to i32
        %cond3A = arith.constant 0 : i32
        %cond3A_67 = arith.cmpi ne, %convert_element_type3A, %cond3A : i32
        scf.if %cond3A_67 {
          %scan3A_151 = arith.constant 0 : i32
          %scan3A_152 = arith.constant 32 : i32
          %scan3A_153 = arith.addi %scan3A_151, %scan3A_152 : i32
          %scan3A_154 = arith.constant 1 : i32
          scf.for %scan3A_156 = %scan3A_151 to %scan3A_153 step %scan3A_154  : i32 {
            %mul3A_157 = arith.constant 1 : i32
            %mul3A_158 = arith.muli %scan3A_156, %mul3A_157 : i32
            %add3A_159 = arith.constant 0 : i32
            %add3A_160 = arith.addi %add3A_159, %mul3A_158 : i32
            %add3A_161 = arith.constant 0 : i32
            %add3A_162 = arith.addi %add3A_161, %add3A_160 : i32
            %jit3A = arith.constant 4 : i32
            %div3A = arith.divsi %add3A_160, %jit3A : i32
            %sign3A = arith.constant 0 : i32
            %sign3A_163 = arith.cmpi sgt, %add3A_160, %sign3A : i32
            %sign3A_164 = arith.extui %sign3A_163 : i1 to i32
            %sign3A_165 = arith.constant 0 : i32
            %sign3A_166 = arith.cmpi slt, %add3A_160, %sign3A_165 : i32
            %sign3A_167 = arith.extui %sign3A_166 : i1 to i32
            %sign3A_168 = arith.subi %sign3A_164, %sign3A_167 : i32
            %sign3A_169 = arith.constant 0 : i32
            %sign3A_170 = arith.cmpi sgt, %jit3A, %sign3A_169 : i32
            %sign3A_171 = arith.extui %sign3A_170 : i1 to i32
            %sign3A_172 = arith.constant 0 : i32
            %sign3A_173 = arith.cmpi slt, %jit3A, %sign3A_172 : i32
            %sign3A_174 = arith.extui %sign3A_173 : i1 to i32
            %sign3A_175 = arith.subi %sign3A_171, %sign3A_174 : i32
            %ne3A = arith.cmpi ne, %sign3A_168, %sign3A_175 : i32
            %rem3A = arith.remsi %add3A_160, %jit3A : i32
            %ne3A_176 = arith.constant 0 : i32
            %ne3A_177 = arith.cmpi ne, %rem3A, %ne3A_176 : i32
            %and3A = arith.andi %ne3A, %ne3A_177 : i1
            %sub3A = arith.constant 1 : i32
            %sub3A_178 = arith.subi %div3A, %sub3A : i32
            %select_n3A = arith.select %and3A, %sub3A_178, %div3A : i32
            %add3A_179 = arith.constant 0 : i32
            %add3A_180 = arith.addi %add3A_179, %select_n3A : i32
            %jit3A_181 = arith.constant 4 : i32
            %eq3A_182 = arith.constant 0 : i32
            %eq3A_183 = arith.cmpi eq, %jit3A_181, %eq3A_182 : i32
            %jit3A_184 = arith.constant 1 : i32
            %select_n3A_185 = arith.select %eq3A_183, %jit3A_184, %jit3A_181 : i32
            %rem3A_186 = arith.remsi %add3A_160, %select_n3A_185 : i32
            %ne3A_187 = arith.constant 0 : i32
            %ne3A_188 = arith.cmpi ne, %rem3A_186, %ne3A_187 : i32
            %lt3A = arith.constant 0 : i32
            %lt3A_189 = arith.cmpi slt, %rem3A_186, %lt3A : i32
            %lt3A_190 = arith.constant 0 : i32
            %lt3A_191 = arith.cmpi slt, %select_n3A_185, %lt3A_190 : i32
            %ne3A_192 = arith.xori %lt3A_189, %lt3A_191 : i1
            %and3A_193 = arith.andi %ne3A_192, %ne3A_188 : i1
            %add3A_194 = arith.addi %rem3A_186, %select_n3A_185 : i32
            %select_n3A_195 = arith.select %and3A_193, %add3A_194, %rem3A_186 : i32
            %mul3A_196 = arith.constant 32 : i32
            %mul3A_197 = arith.muli %select_n3A_195, %mul3A_196 : i32
            %get3A = arith.index_cast %add3A_160 : i32 to index
            %get3A_198 = arith.constant 0 : index
            %get3A_199 = tpu.vector_load %arg10[%get3A, %get3A_198] {strides = array<i32>} : memref<32x128xf32, #tpu.memory_space<vmem>>, vector<1x16xf32>,
            %get3A_200 = vector.shape_cast %get3A_199 : vector<1x16xf32> to vector<16xf32>
            %get3A_201 = arith.index_cast %add3A_180 : i32 to index
            %get3A_202 = arith.index_cast %mul3A_197 : i32 to index
            %get3A_203 = tpu.vector_load %arg11[%get3A_201, %get3A_202] {strides = array<i32>} : memref<32x128xf32, #tpu.memory_space<vmem>>, vector<1x16xf32>,
            %get3A_204 = vector.shape_cast %get3A_203 : vector<1x16xf32> to vector<16xf32>
            %mul3A_205 = arith.mulf %get3A_200, %get3A_204 : vector<16xf32>
            %swap3A = arith.index_cast %add3A_162 : i32 to index
            %swap3A_206 = arith.constant 0 : index
            %swap3A_207 = tpu.vector_load %arg12[%swap3A, %swap3A_206] {strides = array<i32>} : memref<128x32xf32, #tpu.memory_space<vmem>>, vector<1x16xf32>,
            %swap3A_208 = vector.shape_cast %swap3A_207 : vector<1x16xf32> to vector<16xf32>
            %swap3A_209 = vector.shape_cast %mul3A_205 : vector<16xf32> to vector<1x16xf32>
            tpu.vector_store %arg12[%swap3A, %swap3A_206], %swap3A_209 {strides = array<i32>} : memref<128x32xf32, #tpu.memory_space<vmem>>, vector<1x16xf32>,
            %get3A_210 = arith.index_cast %add3A_160 : i32 to index
            %get3A_211 = arith.constant 16 : index
            %get3A_212 = tpu.vector_load %arg10[%get3A_210, %get3A_211] {strides = array<i32>} : memref<32x128xf32, #tpu.memory_space<vmem>>, vector<1x16xf32>,
            %get3A_213 = vector.shape_cast %get3A_212 : vector<1x16xf32> to vector<16xf32>
            %add3A_214 = arith.constant 16 : i32
            %add3A_215 = arith.addi %mul3A_197, %add3A_214 : i32
            %get3A_216 = arith.index_cast %add3A_180 : i32 to index
            %get3A_217 = arith.index_cast %add3A_215 : i32 to index
            %get3A_218 = tpu.vector_load %arg11[%get3A_216, %get3A_217] {strides = array<i32>} : memref<32x128xf32, #tpu.memory_space<vmem>>, vector<1x16xf32>,
            %get3A_219 = vector.shape_cast %get3A_218 : vector<1x16xf32> to vector<16xf32>
            %mul3A_220 = arith.mulf %get3A_213, %get3A_219 : vector<16xf32>
            %swap3A_221 = arith.index_cast %add3A_162 : i32 to index
            %swap3A_222 = arith.constant 16 : index
            %swap3A_223 = tpu.vector_load %arg12[%swap3A_221, %swap3A_222] {strides = array<i32>} : memref<128x32xf32, #tpu.memory_space<vmem>>, vector<1x16xf32>,
            %swap3A_224 = vector.shape_cast %swap3A_223 : vector<1x16xf32> to vector<16xf32>
            %swap3A_225 = vector.shape_cast %mul3A_220 : vector<16xf32> to vector<1x16xf32>
            tpu.vector_store %arg12[%swap3A_221, %swap3A_222], %swap3A_225 {strides = array<i32>} : memref<128x32xf32, #tpu.memory_space<vmem>>, vector<1x16xf32>,
          }
          %scan3A_155 = arith.constant 32 : i32
        } else {
        }
        %eq3A_68 = arith.constant 1 : i32
        %eq3A_69 = arith.cmpi eq, %arg0, %eq3A_68 : i32
        %convert_element_type3A_70 = arith.extui %eq3A_69 : i1 to i32
        %cond3A_71 = arith.constant 0 : i32
        %cond3A_72 = arith.cmpi ne, %convert_element_type3A_70, %cond3A_71 : i32
        scf.if %cond3A_72 {
          %scan3A_151 = arith.constant 0 : i32
          %scan3A_152 = arith.constant 32 : i32
          %scan3A_153 = arith.addi %scan3A_151, %scan3A_152 : i32
          %scan3A_154 = arith.constant 1 : i32
          scf.for %scan3A_156 = %scan3A_151 to %scan3A_153 step %scan3A_154  : i32 {
            %mul3A_157 = arith.constant 1 : i32
            %mul3A_158 = arith.muli %scan3A_156, %mul3A_157 : i32
            %add3A_159 = arith.constant 0 : i32
            %add3A_160 = arith.addi %add3A_159, %mul3A_158 : i32
            %add3A_161 = arith.constant 0 : i32
            %add3A_162 = arith.addi %add3A_161, %add3A_160 : i32
            %jit3A = arith.constant 4 : i32
            %div3A = arith.divsi %add3A_160, %jit3A : i32
            %sign3A = arith.constant 0 : i32
            %sign3A_163 = arith.cmpi sgt, %add3A_160, %sign3A : i32
            %sign3A_164 = arith.extui %sign3A_163 : i1 to i32
            %sign3A_165 = arith.constant 0 : i32
            %sign3A_166 = arith.cmpi slt, %add3A_160, %sign3A_165 : i32
            %sign3A_167 = arith.extui %sign3A_166 : i1 to i32
            %sign3A_168 = arith.subi %sign3A_164, %sign3A_167 : i32
            %sign3A_169 = arith.constant 0 : i32
            %sign3A_170 = arith.cmpi sgt, %jit3A, %sign3A_169 : i32
            %sign3A_171 = arith.extui %sign3A_170 : i1 to i32
            %sign3A_172 = arith.constant 0 : i32
            %sign3A_173 = arith.cmpi slt, %jit3A, %sign3A_172 : i32
            %sign3A_174 = arith.extui %sign3A_173 : i1 to i32
            %sign3A_175 = arith.subi %sign3A_171, %sign3A_174 : i32
            %ne3A = arith.cmpi ne, %sign3A_168, %sign3A_175 : i32
            %rem3A = arith.remsi %add3A_160, %jit3A : i32
            %ne3A_176 = arith.constant 0 : i32
            %ne3A_177 = arith.cmpi ne, %rem3A, %ne3A_176 : i32
            %and3A = arith.andi %ne3A, %ne3A_177 : i1
            %sub3A = arith.constant 1 : i32
            %sub3A_178 = arith.subi %div3A, %sub3A : i32
            %select_n3A = arith.select %and3A, %sub3A_178, %div3A : i32
            %add3A_179 = arith.constant 0 : i32
            %add3A_180 = arith.addi %add3A_179, %select_n3A : i32
            %jit3A_181 = arith.constant 4 : i32
            %eq3A_182 = arith.constant 0 : i32
            %eq3A_183 = arith.cmpi eq, %jit3A_181, %eq3A_182 : i32
            %jit3A_184 = arith.constant 1 : i32
            %select_n3A_185 = arith.select %eq3A_183, %jit3A_184, %jit3A_181 : i32
            %rem3A_186 = arith.remsi %add3A_160, %select_n3A_185 : i32
            %ne3A_187 = arith.constant 0 : i32
            %ne3A_188 = arith.cmpi ne, %rem3A_186, %ne3A_187 : i32
            %lt3A = arith.constant 0 : i32
            %lt3A_189 = arith.cmpi slt, %rem3A_186, %lt3A : i32
            %lt3A_190 = arith.constant 0 : i32
            %lt3A_191 = arith.cmpi slt, %select_n3A_185, %lt3A_190 : i32
            %ne3A_192 = arith.xori %lt3A_189, %lt3A_191 : i1
            %and3A_193 = arith.andi %ne3A_192, %ne3A_188 : i1
            %add3A_194 = arith.addi %rem3A_186, %select_n3A_185 : i32
            %select_n3A_195 = arith.select %and3A_193, %add3A_194, %rem3A_186 : i32
            %mul3A_196 = arith.constant 32 : i32
            %mul3A_197 = arith.muli %select_n3A_195, %mul3A_196 : i32
            %get3A = arith.index_cast %add3A_160 : i32 to index
            %get3A_198 = arith.constant 32 : index
            %get3A_199 = tpu.vector_load %arg10[%get3A, %get3A_198] {strides = array<i32>} : memref<32x128xf32, #tpu.memory_space<vmem>>, vector<1x16xf32>,
            %get3A_200 = vector.shape_cast %get3A_199 : vector<1x16xf32> to vector<16xf32>
            %get3A_201 = arith.index_cast %add3A_180 : i32 to index
            %get3A_202 = arith.index_cast %mul3A_197 : i32 to index
            %get3A_203 = tpu.vector_load %arg11[%get3A_201, %get3A_202] {strides = array<i32>} : memref<32x128xf32, #tpu.memory_space<vmem>>, vector<1x16xf32>,
            %get3A_204 = vector.shape_cast %get3A_203 : vector<1x16xf32> to vector<16xf32>
            %mul3A_205 = arith.mulf %get3A_200, %get3A_204 : vector<16xf32>
            %swap3A = arith.index_cast %add3A_162 : i32 to index
            %swap3A_206 = arith.constant 0 : index
            %swap3A_207 = tpu.vector_load %arg12[%swap3A, %swap3A_206] {strides = array<i32>} : memref<128x32xf32, #tpu.memory_space<vmem>>, vector<1x16xf32>,
            %swap3A_208 = vector.shape_cast %swap3A_207 : vector<1x16xf32> to vector<16xf32>
            %swap3A_209 = vector.shape_cast %mul3A_205 : vector<16xf32> to vector<1x16xf32>
            tpu.vector_store %arg12[%swap3A, %swap3A_206], %swap3A_209 {strides = array<i32>} : memref<128x32xf32, #tpu.memory_space<vmem>>, vector<1x16xf32>,
            %get3A_210 = arith.index_cast %add3A_160 : i32 to index
            %get3A_211 = arith.constant 48 : index
            %get3A_212 = tpu.vector_load %arg10[%get3A_210, %get3A_211] {strides = array<i32>} : memref<32x128xf32, #tpu.memory_space<vmem>>, vector<1x16xf32>,
            %get3A_213 = vector.shape_cast %get3A_212 : vector<1x16xf32> to vector<16xf32>
            %add3A_214 = arith.constant 16 : i32
            %add3A_215 = arith.addi %mul3A_197, %add3A_214 : i32
            %get3A_216 = arith.index_cast %add3A_180 : i32 to index
            %get3A_217 = arith.index_cast %add3A_215 : i32 to index
            %get3A_218 = tpu.vector_load %arg11[%get3A_216, %get3A_217] {strides = array<i32>} : memref<32x128xf32, #tpu.memory_space<vmem>>, vector<1x16xf32>,
            %get3A_219 = vector.shape_cast %get3A_218 : vector<1x16xf32> to vector<16xf32>
            %mul3A_220 = arith.mulf %get3A_213, %get3A_219 : vector<16xf32>
            %swap3A_221 = arith.index_cast %add3A_162 : i32 to index
            %swap3A_222 = arith.constant 16 : index
            %swap3A_223 = tpu.vector_load %arg12[%swap3A_221, %swap3A_222] {strides = array<i32>} : memref<128x32xf32, #tpu.memory_space<vmem>>, vector<1x16xf32>,
            %swap3A_224 = vector.shape_cast %swap3A_223 : vector<1x16xf32> to vector<16xf32>
            %swap3A_225 = vector.shape_cast %mul3A_220 : vector<16xf32> to vector<1x16xf32>
            tpu.vector_store %arg12[%swap3A_221, %swap3A_222], %swap3A_225 {strides = array<i32>} : memref<128x32xf32, #tpu.memory_space<vmem>>, vector<1x16xf32>,
          }
          %scan3A_155 = arith.constant 32 : i32
        } else {
        }
        %dma_start3A_73 = arith.constant 32 : i32
        %dma_start3A_74 = tpu.memref_slice %arg8[%add3A_49, %dma_start3A_73] : memref<8x128xi32, #tpu.memory_space<vmem>> -> memref<1x32xi32, #tpu.memory_space<vmem>>
        %dma_start3A_75 = tpu.memref_squeeze %dma_start3A_74 : memref<1x32xi32, #tpu.memory_space<vmem>> -> memref<32xi32, #tpu.memory_space<vmem>>
        %dma_start3A_76 = arith.constant 0 : i32
        %dma_start3A_77 = arith.constant 0 : i32
        %dma_start3A_78 = tpu.memref_slice %arg2[%dma_start3A_76, %dma_start3A_77] : memref<50000x128xf32, #tpu.memory_space<hbm>> -> memref<50000x128xf32, #tpu.memory_space<hbm>>
        tpu.enqueue_indirect_dma source(%dma_start3A_78 : memref<50000x128xf32, #tpu.memory_space<hbm>>) target(%arg10 : memref<32x128xf32, #tpu.memory_space<vmem>>) offsets(%dma_start3A_75 : memref<32xi32, #tpu.memory_space<vmem>>) semaphore(%arg14 : memref<!tpu.dma_semaphore, #tpu.memory_space<semaphore_mem>>)
        %dma_wait3A_79 = arith.constant 32 : i32
        %dma_wait3A_80 = tpu.memref_slice %arg8[%add3A_49, %dma_wait3A_79] : memref<8x128xi32, #tpu.memory_space<vmem>> -> memref<1x32xi32, #tpu.memory_space<vmem>>
        %dma_wait3A_81 = tpu.memref_squeeze %dma_wait3A_80 : memref<1x32xi32, #tpu.memory_space<vmem>> -> memref<32xi32, #tpu.memory_space<vmem>>
        %dma_wait3A_82 = arith.constant 0 : i32
        %dma_wait3A_83 = arith.constant 0 : i32
        %dma_wait3A_84 = tpu.memref_slice %arg2[%dma_wait3A_82, %dma_wait3A_83] : memref<50000x128xf32, #tpu.memory_space<hbm>> -> memref<50000x128xf32, #tpu.memory_space<hbm>>
        tpu.wait_indirect_dma semaphore(%arg14 : memref<!tpu.dma_semaphore, #tpu.memory_space<semaphore_mem>>) src(%dma_wait3A_84 : memref<50000x128xf32, #tpu.memory_space<hbm>>) dst(%arg10 : memref<32x128xf32, #tpu.memory_space<vmem>>)
        %eq3A_85 = arith.constant 0 : i32
        %eq3A_86 = arith.cmpi eq, %arg0, %eq3A_85 : i32
        %convert_element_type3A_87 = arith.extui %eq3A_86 : i1 to i32
        %cond3A_88 = arith.constant 0 : i32
        %cond3A_89 = arith.cmpi ne, %convert_element_type3A_87, %cond3A_88 : i32
        scf.if %cond3A_89 {
          %scan3A_151 = arith.constant 0 : i32
          %scan3A_152 = arith.constant 32 : i32
          %scan3A_153 = arith.addi %scan3A_151, %scan3A_152 : i32
          %scan3A_154 = arith.constant 1 : i32
          scf.for %scan3A_156 = %scan3A_151 to %scan3A_153 step %scan3A_154  : i32 {
            %mul3A_157 = arith.constant 1 : i32
            %mul3A_158 = arith.muli %scan3A_156, %mul3A_157 : i32
            %add3A_159 = arith.constant 0 : i32
            %add3A_160 = arith.addi %add3A_159, %mul3A_158 : i32
            %add3A_161 = arith.constant 32 : i32
            %add3A_162 = arith.addi %add3A_161, %add3A_160 : i32
            %jit3A = arith.constant 4 : i32
            %div3A = arith.divsi %add3A_160, %jit3A : i32
            %sign3A = arith.constant 0 : i32
            %sign3A_163 = arith.cmpi sgt, %add3A_160, %sign3A : i32
            %sign3A_164 = arith.extui %sign3A_163 : i1 to i32
            %sign3A_165 = arith.constant 0 : i32
            %sign3A_166 = arith.cmpi slt, %add3A_160, %sign3A_165 : i32
            %sign3A_167 = arith.extui %sign3A_166 : i1 to i32
            %sign3A_168 = arith.subi %sign3A_164, %sign3A_167 : i32
            %sign3A_169 = arith.constant 0 : i32
            %sign3A_170 = arith.cmpi sgt, %jit3A, %sign3A_169 : i32
            %sign3A_171 = arith.extui %sign3A_170 : i1 to i32
            %sign3A_172 = arith.constant 0 : i32
            %sign3A_173 = arith.cmpi slt, %jit3A, %sign3A_172 : i32
            %sign3A_174 = arith.extui %sign3A_173 : i1 to i32
            %sign3A_175 = arith.subi %sign3A_171, %sign3A_174 : i32
            %ne3A = arith.cmpi ne, %sign3A_168, %sign3A_175 : i32
            %rem3A = arith.remsi %add3A_160, %jit3A : i32
            %ne3A_176 = arith.constant 0 : i32
            %ne3A_177 = arith.cmpi ne, %rem3A, %ne3A_176 : i32
            %and3A = arith.andi %ne3A, %ne3A_177 : i1
            %sub3A = arith.constant 1 : i32
            %sub3A_178 = arith.subi %div3A, %sub3A : i32
            %select_n3A = arith.select %and3A, %sub3A_178, %div3A : i32
            %add3A_179 = arith.constant 8 : i32
            %add3A_180 = arith.addi %add3A_179, %select_n3A : i32
            %jit3A_181 = arith.constant 4 : i32
            %eq3A_182 = arith.constant 0 : i32
            %eq3A_183 = arith.cmpi eq, %jit3A_181, %eq3A_182 : i32
            %jit3A_184 = arith.constant 1 : i32
            %select_n3A_185 = arith.select %eq3A_183, %jit3A_184, %jit3A_181 : i32
            %rem3A_186 = arith.remsi %add3A_160, %select_n3A_185 : i32
            %ne3A_187 = arith.constant 0 : i32
            %ne3A_188 = arith.cmpi ne, %rem3A_186, %ne3A_187 : i32
            %lt3A = arith.constant 0 : i32
            %lt3A_189 = arith.cmpi slt, %rem3A_186, %lt3A : i32
            %lt3A_190 = arith.constant 0 : i32
            %lt3A_191 = arith.cmpi slt, %select_n3A_185, %lt3A_190 : i32
            %ne3A_192 = arith.xori %lt3A_189, %lt3A_191 : i1
            %and3A_193 = arith.andi %ne3A_192, %ne3A_188 : i1
            %add3A_194 = arith.addi %rem3A_186, %select_n3A_185 : i32
            %select_n3A_195 = arith.select %and3A_193, %add3A_194, %rem3A_186 : i32
            %mul3A_196 = arith.constant 32 : i32
            %mul3A_197 = arith.muli %select_n3A_195, %mul3A_196 : i32
            %get3A = arith.index_cast %add3A_160 : i32 to index
            %get3A_198 = arith.constant 0 : index
            %get3A_199 = tpu.vector_load %arg10[%get3A, %get3A_198] {strides = array<i32>} : memref<32x128xf32, #tpu.memory_space<vmem>>, vector<1x16xf32>,
            %get3A_200 = vector.shape_cast %get3A_199 : vector<1x16xf32> to vector<16xf32>
            %get3A_201 = arith.index_cast %add3A_180 : i32 to index
            %get3A_202 = arith.index_cast %mul3A_197 : i32 to index
            %get3A_203 = tpu.vector_load %arg11[%get3A_201, %get3A_202] {strides = array<i32>} : memref<32x128xf32, #tpu.memory_space<vmem>>, vector<1x16xf32>,
            %get3A_204 = vector.shape_cast %get3A_203 : vector<1x16xf32> to vector<16xf32>
            %mul3A_205 = arith.mulf %get3A_200, %get3A_204 : vector<16xf32>
            %swap3A = arith.index_cast %add3A_162 : i32 to index
            %swap3A_206 = arith.constant 0 : index
            %swap3A_207 = tpu.vector_load %arg12[%swap3A, %swap3A_206] {strides = array<i32>} : memref<128x32xf32, #tpu.memory_space<vmem>>, vector<1x16xf32>,
            %swap3A_208 = vector.shape_cast %swap3A_207 : vector<1x16xf32> to vector<16xf32>
            %swap3A_209 = vector.shape_cast %mul3A_205 : vector<16xf32> to vector<1x16xf32>
            tpu.vector_store %arg12[%swap3A, %swap3A_206], %swap3A_209 {strides = array<i32>} : memref<128x32xf32, #tpu.memory_space<vmem>>, vector<1x16xf32>,
            %get3A_210 = arith.index_cast %add3A_160 : i32 to index
            %get3A_211 = arith.constant 16 : index
            %get3A_212 = tpu.vector_load %arg10[%get3A_210, %get3A_211] {strides = array<i32>} : memref<32x128xf32, #tpu.memory_space<vmem>>, vector<1x16xf32>,
            %get3A_213 = vector.shape_cast %get3A_212 : vector<1x16xf32> to vector<16xf32>
            %add3A_214 = arith.constant 16 : i32
            %add3A_215 = arith.addi %mul3A_197, %add3A_214 : i32
            %get3A_216 = arith.index_cast %add3A_180 : i32 to index
            %get3A_217 = arith.index_cast %add3A_215 : i32 to index
            %get3A_218 = tpu.vector_load %arg11[%get3A_216, %get3A_217] {strides = array<i32>} : memref<32x128xf32, #tpu.memory_space<vmem>>, vector<1x16xf32>,
            %get3A_219 = vector.shape_cast %get3A_218 : vector<1x16xf32> to vector<16xf32>
            %mul3A_220 = arith.mulf %get3A_213, %get3A_219 : vector<16xf32>
            %swap3A_221 = arith.index_cast %add3A_162 : i32 to index
            %swap3A_222 = arith.constant 16 : index
            %swap3A_223 = tpu.vector_load %arg12[%swap3A_221, %swap3A_222] {strides = array<i32>} : memref<128x32xf32, #tpu.memory_space<vmem>>, vector<1x16xf32>,
            %swap3A_224 = vector.shape_cast %swap3A_223 : vector<1x16xf32> to vector<16xf32>
            %swap3A_225 = vector.shape_cast %mul3A_220 : vector<16xf32> to vector<1x16xf32>
            tpu.vector_store %arg12[%swap3A_221, %swap3A_222], %swap3A_225 {strides = array<i32>} : memref<128x32xf32, #tpu.memory_space<vmem>>, vector<1x16xf32>,
          }
          %scan3A_155 = arith.constant 32 : i32
        } else {
        }
        %eq3A_90 = arith.constant 1 : i32
        %eq3A_91 = arith.cmpi eq, %arg0, %eq3A_90 : i32
        %convert_element_type3A_92 = arith.extui %eq3A_91 : i1 to i32
        %cond3A_93 = arith.constant 0 : i32
        %cond3A_94 = arith.cmpi ne, %convert_element_type3A_92, %cond3A_93 : i32
        scf.if %cond3A_94 {
          %scan3A_151 = arith.constant 0 : i32
          %scan3A_152 = arith.constant 32 : i32
          %scan3A_153 = arith.addi %scan3A_151, %scan3A_152 : i32
          %scan3A_154 = arith.constant 1 : i32
          scf.for %scan3A_156 = %scan3A_151 to %scan3A_153 step %scan3A_154  : i32 {
            %mul3A_157 = arith.constant 1 : i32
            %mul3A_158 = arith.muli %scan3A_156, %mul3A_157 : i32
            %add3A_159 = arith.constant 0 : i32
            %add3A_160 = arith.addi %add3A_159, %mul3A_158 : i32
            %add3A_161 = arith.constant 32 : i32
            %add3A_162 = arith.addi %add3A_161, %add3A_160 : i32
            %jit3A = arith.constant 4 : i32
            %div3A = arith.divsi %add3A_160, %jit3A : i32
            %sign3A = arith.constant 0 : i32
            %sign3A_163 = arith.cmpi sgt, %add3A_160, %sign3A : i32
            %sign3A_164 = arith.extui %sign3A_163 : i1 to i32
            %sign3A_165 = arith.constant 0 : i32
            %sign3A_166 = arith.cmpi slt, %add3A_160, %sign3A_165 : i32
            %sign3A_167 = arith.extui %sign3A_166 : i1 to i32
            %sign3A_168 = arith.subi %sign3A_164, %sign3A_167 : i32
            %sign3A_169 = arith.constant 0 : i32
            %sign3A_170 = arith.cmpi sgt, %jit3A, %sign3A_169 : i32
            %sign3A_171 = arith.extui %sign3A_170 : i1 to i32
            %sign3A_172 = arith.constant 0 : i32
            %sign3A_173 = arith.cmpi slt, %jit3A, %sign3A_172 : i32
            %sign3A_174 = arith.extui %sign3A_173 : i1 to i32
            %sign3A_175 = arith.subi %sign3A_171, %sign3A_174 : i32
            %ne3A = arith.cmpi ne, %sign3A_168, %sign3A_175 : i32
            %rem3A = arith.remsi %add3A_160, %jit3A : i32
            %ne3A_176 = arith.constant 0 : i32
            %ne3A_177 = arith.cmpi ne, %rem3A, %ne3A_176 : i32
            %and3A = arith.andi %ne3A, %ne3A_177 : i1
            %sub3A = arith.constant 1 : i32
            %sub3A_178 = arith.subi %div3A, %sub3A : i32
            %select_n3A = arith.select %and3A, %sub3A_178, %div3A : i32
            %add3A_179 = arith.constant 8 : i32
            %add3A_180 = arith.addi %add3A_179, %select_n3A : i32
            %jit3A_181 = arith.constant 4 : i32
            %eq3A_182 = arith.constant 0 : i32
            %eq3A_183 = arith.cmpi eq, %jit3A_181, %eq3A_182 : i32
            %jit3A_184 = arith.constant 1 : i32
            %select_n3A_185 = arith.select %eq3A_183, %jit3A_184, %jit3A_181 : i32
            %rem3A_186 = arith.remsi %add3A_160, %select_n3A_185 : i32
            %ne3A_187 = arith.constant 0 : i32
            %ne3A_188 = arith.cmpi ne, %rem3A_186, %ne3A_187 : i32
            %lt3A = arith.constant 0 : i32
            %lt3A_189 = arith.cmpi slt, %rem3A_186, %lt3A : i32
            %lt3A_190 = arith.constant 0 : i32
            %lt3A_191 = arith.cmpi slt, %select_n3A_185, %lt3A_190 : i32
            %ne3A_192 = arith.xori %lt3A_189, %lt3A_191 : i1
            %and3A_193 = arith.andi %ne3A_192, %ne3A_188 : i1
            %add3A_194 = arith.addi %rem3A_186, %select_n3A_185 : i32
            %select_n3A_195 = arith.select %and3A_193, %add3A_194, %rem3A_186 : i32
            %mul3A_196 = arith.constant 32 : i32
            %mul3A_197 = arith.muli %select_n3A_195, %mul3A_196 : i32
            %get3A = arith.index_cast %add3A_160 : i32 to index
            %get3A_198 = arith.constant 32 : index
            %get3A_199 = tpu.vector_load %arg10[%get3A, %get3A_198] {strides = array<i32>} : memref<32x128xf32, #tpu.memory_space<vmem>>, vector<1x16xf32>,
            %get3A_200 = vector.shape_cast %get3A_199 : vector<1x16xf32> to vector<16xf32>
            %get3A_201 = arith.index_cast %add3A_180 : i32 to index
            %get3A_202 = arith.index_cast %mul3A_197 : i32 to index
            %get3A_203 = tpu.vector_load %arg11[%get3A_201, %get3A_202] {strides = array<i32>} : memref<32x128xf32, #tpu.memory_space<vmem>>, vector<1x16xf32>,
            %get3A_204 = vector.shape_cast %get3A_203 : vector<1x16xf32> to vector<16xf32>
            %mul3A_205 = arith.mulf %get3A_200, %get3A_204 : vector<16xf32>
            %swap3A = arith.index_cast %add3A_162 : i32 to index
            %swap3A_206 = arith.constant 0 : index
            %swap3A_207 = tpu.vector_load %arg12[%swap3A, %swap3A_206] {strides = array<i32>} : memref<128x32xf32, #tpu.memory_space<vmem>>, vector<1x16xf32>,
            %swap3A_208 = vector.shape_cast %swap3A_207 : vector<1x16xf32> to vector<16xf32>
            %swap3A_209 = vector.shape_cast %mul3A_205 : vector<16xf32> to vector<1x16xf32>
            tpu.vector_store %arg12[%swap3A, %swap3A_206], %swap3A_209 {strides = array<i32>} : memref<128x32xf32, #tpu.memory_space<vmem>>, vector<1x16xf32>,
            %get3A_210 = arith.index_cast %add3A_160 : i32 to index
            %get3A_211 = arith.constant 48 : index
            %get3A_212 = tpu.vector_load %arg10[%get3A_210, %get3A_211] {strides = array<i32>} : memref<32x128xf32, #tpu.memory_space<vmem>>, vector<1x16xf32>,
            %get3A_213 = vector.shape_cast %get3A_212 : vector<1x16xf32> to vector<16xf32>
            %add3A_214 = arith.constant 16 : i32
            %add3A_215 = arith.addi %mul3A_197, %add3A_214 : i32
            %get3A_216 = arith.index_cast %add3A_180 : i32 to index
            %get3A_217 = arith.index_cast %add3A_215 : i32 to index
            %get3A_218 = tpu.vector_load %arg11[%get3A_216, %get3A_217] {strides = array<i32>} : memref<32x128xf32, #tpu.memory_space<vmem>>, vector<1x16xf32>,
            %get3A_219 = vector.shape_cast %get3A_218 : vector<1x16xf32> to vector<16xf32>
            %mul3A_220 = arith.mulf %get3A_213, %get3A_219 : vector<16xf32>
            %swap3A_221 = arith.index_cast %add3A_162 : i32 to index
            %swap3A_222 = arith.constant 16 : index
            %swap3A_223 = tpu.vector_load %arg12[%swap3A_221, %swap3A_222] {strides = array<i32>} : memref<128x32xf32, #tpu.memory_space<vmem>>, vector<1x16xf32>,
            %swap3A_224 = vector.shape_cast %swap3A_223 : vector<1x16xf32> to vector<16xf32>
            %swap3A_225 = vector.shape_cast %mul3A_220 : vector<16xf32> to vector<1x16xf32>
            tpu.vector_store %arg12[%swap3A_221, %swap3A_222], %swap3A_225 {strides = array<i32>} : memref<128x32xf32, #tpu.memory_space<vmem>>, vector<1x16xf32>,
          }
          %scan3A_155 = arith.constant 32 : i32
        } else {
        }
        %dma_start3A_95 = arith.constant 64 : i32
        %dma_start3A_96 = tpu.memref_slice %arg8[%add3A_49, %dma_start3A_95] : memref<8x128xi32, #tpu.memory_space<vmem>> -> memref<1x32xi32, #tpu.memory_space<vmem>>
        %dma_start3A_97 = tpu.memref_squeeze %dma_start3A_96 : memref<1x32xi32, #tpu.memory_space<vmem>> -> memref<32xi32, #tpu.memory_space<vmem>>
        %dma_start3A_98 = arith.constant 0 : i32
        %dma_start3A_99 = arith.constant 0 : i32
        %dma_start3A_100 = tpu.memref_slice %arg2[%dma_start3A_98, %dma_start3A_99] : memref<50000x128xf32, #tpu.memory_space<hbm>> -> memref<50000x128xf32, #tpu.memory_space<hbm>>
        tpu.enqueue_indirect_dma source(%dma_start3A_100 : memref<50000x128xf32, #tpu.memory_space<hbm>>) target(%arg10 : memref<32x128xf32, #tpu.memory_space<vmem>>) offsets(%dma_start3A_97 : memref<32xi32, #tpu.memory_space<vmem>>) semaphore(%arg14 : memref<!tpu.dma_semaphore, #tpu.memory_space<semaphore_mem>>)
        %dma_wait3A_101 = arith.constant 64 : i32
        %dma_wait3A_102 = tpu.memref_slice %arg8[%add3A_49, %dma_wait3A_101] : memref<8x128xi32, #tpu.memory_space<vmem>> -> memref<1x32xi32, #tpu.memory_space<vmem>>
        %dma_wait3A_103 = tpu.memref_squeeze %dma_wait3A_102 : memref<1x32xi32, #tpu.memory_space<vmem>> -> memref<32xi32, #tpu.memory_space<vmem>>
        %dma_wait3A_104 = arith.constant 0 : i32
        %dma_wait3A_105 = arith.constant 0 : i32
        %dma_wait3A_106 = tpu.memref_slice %arg2[%dma_wait3A_104, %dma_wait3A_105] : memref<50000x128xf32, #tpu.memory_space<hbm>> -> memref<50000x128xf32, #tpu.memory_space<hbm>>
        tpu.wait_indirect_dma semaphore(%arg14 : memref<!tpu.dma_semaphore, #tpu.memory_space<semaphore_mem>>) src(%dma_wait3A_106 : memref<50000x128xf32, #tpu.memory_space<hbm>>) dst(%arg10 : memref<32x128xf32, #tpu.memory_space<vmem>>)
        %eq3A_107 = arith.constant 0 : i32
        %eq3A_108 = arith.cmpi eq, %arg0, %eq3A_107 : i32
        %convert_element_type3A_109 = arith.extui %eq3A_108 : i1 to i32
        %cond3A_110 = arith.constant 0 : i32
        %cond3A_111 = arith.cmpi ne, %convert_element_type3A_109, %cond3A_110 : i32
        scf.if %cond3A_111 {
          %scan3A_151 = arith.constant 0 : i32
          %scan3A_152 = arith.constant 32 : i32
          %scan3A_153 = arith.addi %scan3A_151, %scan3A_152 : i32
          %scan3A_154 = arith.constant 1 : i32
          scf.for %scan3A_156 = %scan3A_151 to %scan3A_153 step %scan3A_154  : i32 {
            %mul3A_157 = arith.constant 1 : i32
            %mul3A_158 = arith.muli %scan3A_156, %mul3A_157 : i32
            %add3A_159 = arith.constant 0 : i32
            %add3A_160 = arith.addi %add3A_159, %mul3A_158 : i32
            %add3A_161 = arith.constant 64 : i32
            %add3A_162 = arith.addi %add3A_161, %add3A_160 : i32
            %jit3A = arith.constant 4 : i32
            %div3A = arith.divsi %add3A_160, %jit3A : i32
            %sign3A = arith.constant 0 : i32
            %sign3A_163 = arith.cmpi sgt, %add3A_160, %sign3A : i32
            %sign3A_164 = arith.extui %sign3A_163 : i1 to i32
            %sign3A_165 = arith.constant 0 : i32
            %sign3A_166 = arith.cmpi slt, %add3A_160, %sign3A_165 : i32
            %sign3A_167 = arith.extui %sign3A_166 : i1 to i32
            %sign3A_168 = arith.subi %sign3A_164, %sign3A_167 : i32
            %sign3A_169 = arith.constant 0 : i32
            %sign3A_170 = arith.cmpi sgt, %jit3A, %sign3A_169 : i32
            %sign3A_171 = arith.extui %sign3A_170 : i1 to i32
            %sign3A_172 = arith.constant 0 : i32
            %sign3A_173 = arith.cmpi slt, %jit3A, %sign3A_172 : i32
            %sign3A_174 = arith.extui %sign3A_173 : i1 to i32
            %sign3A_175 = arith.subi %sign3A_171, %sign3A_174 : i32
            %ne3A = arith.cmpi ne, %sign3A_168, %sign3A_175 : i32
            %rem3A = arith.remsi %add3A_160, %jit3A : i32
            %ne3A_176 = arith.constant 0 : i32
            %ne3A_177 = arith.cmpi ne, %rem3A, %ne3A_176 : i32
            %and3A = arith.andi %ne3A, %ne3A_177 : i1
            %sub3A = arith.constant 1 : i32
            %sub3A_178 = arith.subi %div3A, %sub3A : i32
            %select_n3A = arith.select %and3A, %sub3A_178, %div3A : i32
            %add3A_179 = arith.constant 16 : i32
            %add3A_180 = arith.addi %add3A_179, %select_n3A : i32
            %jit3A_181 = arith.constant 4 : i32
            %eq3A_182 = arith.constant 0 : i32
            %eq3A_183 = arith.cmpi eq, %jit3A_181, %eq3A_182 : i32
            %jit3A_184 = arith.constant 1 : i32
            %select_n3A_185 = arith.select %eq3A_183, %jit3A_184, %jit3A_181 : i32
            %rem3A_186 = arith.remsi %add3A_160, %select_n3A_185 : i32
            %ne3A_187 = arith.constant 0 : i32
            %ne3A_188 = arith.cmpi ne, %rem3A_186, %ne3A_187 : i32
            %lt3A = arith.constant 0 : i32
            %lt3A_189 = arith.cmpi slt, %rem3A_186, %lt3A : i32
            %lt3A_190 = arith.constant 0 : i32
            %lt3A_191 = arith.cmpi slt, %select_n3A_185, %lt3A_190 : i32
            %ne3A_192 = arith.xori %lt3A_189, %lt3A_191 : i1
            %and3A_193 = arith.andi %ne3A_192, %ne3A_188 : i1
            %add3A_194 = arith.addi %rem3A_186, %select_n3A_185 : i32
            %select_n3A_195 = arith.select %and3A_193, %add3A_194, %rem3A_186 : i32
            %mul3A_196 = arith.constant 32 : i32
            %mul3A_197 = arith.muli %select_n3A_195, %mul3A_196 : i32
            %get3A = arith.index_cast %add3A_160 : i32 to index
            %get3A_198 = arith.constant 0 : index
            %get3A_199 = tpu.vector_load %arg10[%get3A, %get3A_198] {strides = array<i32>} : memref<32x128xf32, #tpu.memory_space<vmem>>, vector<1x16xf32>,
            %get3A_200 = vector.shape_cast %get3A_199 : vector<1x16xf32> to vector<16xf32>
            %get3A_201 = arith.index_cast %add3A_180 : i32 to index
            %get3A_202 = arith.index_cast %mul3A_197 : i32 to index
            %get3A_203 = tpu.vector_load %arg11[%get3A_201, %get3A_202] {strides = array<i32>} : memref<32x128xf32, #tpu.memory_space<vmem>>, vector<1x16xf32>,
            %get3A_204 = vector.shape_cast %get3A_203 : vector<1x16xf32> to vector<16xf32>
            %mul3A_205 = arith.mulf %get3A_200, %get3A_204 : vector<16xf32>
            %swap3A = arith.index_cast %add3A_162 : i32 to index
            %swap3A_206 = arith.constant 0 : index
            %swap3A_207 = tpu.vector_load %arg12[%swap3A, %swap3A_206] {strides = array<i32>} : memref<128x32xf32, #tpu.memory_space<vmem>>, vector<1x16xf32>,
            %swap3A_208 = vector.shape_cast %swap3A_207 : vector<1x16xf32> to vector<16xf32>
            %swap3A_209 = vector.shape_cast %mul3A_205 : vector<16xf32> to vector<1x16xf32>
            tpu.vector_store %arg12[%swap3A, %swap3A_206], %swap3A_209 {strides = array<i32>} : memref<128x32xf32, #tpu.memory_space<vmem>>, vector<1x16xf32>,
            %get3A_210 = arith.index_cast %add3A_160 : i32 to index
            %get3A_211 = arith.constant 16 : index
            %get3A_212 = tpu.vector_load %arg10[%get3A_210, %get3A_211] {strides = array<i32>} : memref<32x128xf32, #tpu.memory_space<vmem>>, vector<1x16xf32>,
            %get3A_213 = vector.shape_cast %get3A_212 : vector<1x16xf32> to vector<16xf32>
            %add3A_214 = arith.constant 16 : i32
            %add3A_215 = arith.addi %mul3A_197, %add3A_214 : i32
            %get3A_216 = arith.index_cast %add3A_180 : i32 to index
            %get3A_217 = arith.index_cast %add3A_215 : i32 to index
            %get3A_218 = tpu.vector_load %arg11[%get3A_216, %get3A_217] {strides = array<i32>} : memref<32x128xf32, #tpu.memory_space<vmem>>, vector<1x16xf32>,
            %get3A_219 = vector.shape_cast %get3A_218 : vector<1x16xf32> to vector<16xf32>
            %mul3A_220 = arith.mulf %get3A_213, %get3A_219 : vector<16xf32>
            %swap3A_221 = arith.index_cast %add3A_162 : i32 to index
            %swap3A_222 = arith.constant 16 : index
            %swap3A_223 = tpu.vector_load %arg12[%swap3A_221, %swap3A_222] {strides = array<i32>} : memref<128x32xf32, #tpu.memory_space<vmem>>, vector<1x16xf32>,
            %swap3A_224 = vector.shape_cast %swap3A_223 : vector<1x16xf32> to vector<16xf32>
            %swap3A_225 = vector.shape_cast %mul3A_220 : vector<16xf32> to vector<1x16xf32>
            tpu.vector_store %arg12[%swap3A_221, %swap3A_222], %swap3A_225 {strides = array<i32>} : memref<128x32xf32, #tpu.memory_space<vmem>>, vector<1x16xf32>,
          }
          %scan3A_155 = arith.constant 32 : i32
        } else {
        }
        %eq3A_112 = arith.constant 1 : i32
        %eq3A_113 = arith.cmpi eq, %arg0, %eq3A_112 : i32
        %convert_element_type3A_114 = arith.extui %eq3A_113 : i1 to i32
        %cond3A_115 = arith.constant 0 : i32
        %cond3A_116 = arith.cmpi ne, %convert_element_type3A_114, %cond3A_115 : i32
        scf.if %cond3A_116 {
          %scan3A_151 = arith.constant 0 : i32
          %scan3A_152 = arith.constant 32 : i32
          %scan3A_153 = arith.addi %scan3A_151, %scan3A_152 : i32
          %scan3A_154 = arith.constant 1 : i32
          scf.for %scan3A_156 = %scan3A_151 to %scan3A_153 step %scan3A_154  : i32 {
            %mul3A_157 = arith.constant 1 : i32
            %mul3A_158 = arith.muli %scan3A_156, %mul3A_157 : i32
            %add3A_159 = arith.constant 0 : i32
            %add3A_160 = arith.addi %add3A_159, %mul3A_158 : i32
            %add3A_161 = arith.constant 64 : i32
            %add3A_162 = arith.addi %add3A_161, %add3A_160 : i32
            %jit3A = arith.constant 4 : i32
            %div3A = arith.divsi %add3A_160, %jit3A : i32
            %sign3A = arith.constant 0 : i32
            %sign3A_163 = arith.cmpi sgt, %add3A_160, %sign3A : i32
            %sign3A_164 = arith.extui %sign3A_163 : i1 to i32
            %sign3A_165 = arith.constant 0 : i32
            %sign3A_166 = arith.cmpi slt, %add3A_160, %sign3A_165 : i32
            %sign3A_167 = arith.extui %sign3A_166 : i1 to i32
            %sign3A_168 = arith.subi %sign3A_164, %sign3A_167 : i32
            %sign3A_169 = arith.constant 0 : i32
            %sign3A_170 = arith.cmpi sgt, %jit3A, %sign3A_169 : i32
            %sign3A_171 = arith.extui %sign3A_170 : i1 to i32
            %sign3A_172 = arith.constant 0 : i32
            %sign3A_173 = arith.cmpi slt, %jit3A, %sign3A_172 : i32
            %sign3A_174 = arith.extui %sign3A_173 : i1 to i32
            %sign3A_175 = arith.subi %sign3A_171, %sign3A_174 : i32
            %ne3A = arith.cmpi ne, %sign3A_168, %sign3A_175 : i32
            %rem3A = arith.remsi %add3A_160, %jit3A : i32
            %ne3A_176 = arith.constant 0 : i32
            %ne3A_177 = arith.cmpi ne, %rem3A, %ne3A_176 : i32
            %and3A = arith.andi %ne3A, %ne3A_177 : i1
            %sub3A = arith.constant 1 : i32
            %sub3A_178 = arith.subi %div3A, %sub3A : i32
            %select_n3A = arith.select %and3A, %sub3A_178, %div3A : i32
            %add3A_179 = arith.constant 16 : i32
            %add3A_180 = arith.addi %add3A_179, %select_n3A : i32
            %jit3A_181 = arith.constant 4 : i32
            %eq3A_182 = arith.constant 0 : i32
            %eq3A_183 = arith.cmpi eq, %jit3A_181, %eq3A_182 : i32
            %jit3A_184 = arith.constant 1 : i32
            %select_n3A_185 = arith.select %eq3A_183, %jit3A_184, %jit3A_181 : i32
            %rem3A_186 = arith.remsi %add3A_160, %select_n3A_185 : i32
            %ne3A_187 = arith.constant 0 : i32
            %ne3A_188 = arith.cmpi ne, %rem3A_186, %ne3A_187 : i32
            %lt3A = arith.constant 0 : i32
            %lt3A_189 = arith.cmpi slt, %rem3A_186, %lt3A : i32
            %lt3A_190 = arith.constant 0 : i32
            %lt3A_191 = arith.cmpi slt, %select_n3A_185, %lt3A_190 : i32
            %ne3A_192 = arith.xori %lt3A_189, %lt3A_191 : i1
            %and3A_193 = arith.andi %ne3A_192, %ne3A_188 : i1
            %add3A_194 = arith.addi %rem3A_186, %select_n3A_185 : i32
            %select_n3A_195 = arith.select %and3A_193, %add3A_194, %rem3A_186 : i32
            %mul3A_196 = arith.constant 32 : i32
            %mul3A_197 = arith.muli %select_n3A_195, %mul3A_196 : i32
            %get3A = arith.index_cast %add3A_160 : i32 to index
            %get3A_198 = arith.constant 32 : index
            %get3A_199 = tpu.vector_load %arg10[%get3A, %get3A_198] {strides = array<i32>} : memref<32x128xf32, #tpu.memory_space<vmem>>, vector<1x16xf32>,
            %get3A_200 = vector.shape_cast %get3A_199 : vector<1x16xf32> to vector<16xf32>
            %get3A_201 = arith.index_cast %add3A_180 : i32 to index
            %get3A_202 = arith.index_cast %mul3A_197 : i32 to index
            %get3A_203 = tpu.vector_load %arg11[%get3A_201, %get3A_202] {strides = array<i32>} : memref<32x128xf32, #tpu.memory_space<vmem>>, vector<1x16xf32>,
            %get3A_204 = vector.shape_cast %get3A_203 : vector<1x16xf32> to vector<16xf32>
            %mul3A_205 = arith.mulf %get3A_200, %get3A_204 : vector<16xf32>
            %swap3A = arith.index_cast %add3A_162 : i32 to index
            %swap3A_206 = arith.constant 0 : index
            %swap3A_207 = tpu.vector_load %arg12[%swap3A, %swap3A_206] {strides = array<i32>} : memref<128x32xf32, #tpu.memory_space<vmem>>, vector<1x16xf32>,
            %swap3A_208 = vector.shape_cast %swap3A_207 : vector<1x16xf32> to vector<16xf32>
            %swap3A_209 = vector.shape_cast %mul3A_205 : vector<16xf32> to vector<1x16xf32>
            tpu.vector_store %arg12[%swap3A, %swap3A_206], %swap3A_209 {strides = array<i32>} : memref<128x32xf32, #tpu.memory_space<vmem>>, vector<1x16xf32>,
            %get3A_210 = arith.index_cast %add3A_160 : i32 to index
            %get3A_211 = arith.constant 48 : index
            %get3A_212 = tpu.vector_load %arg10[%get3A_210, %get3A_211] {strides = array<i32>} : memref<32x128xf32, #tpu.memory_space<vmem>>, vector<1x16xf32>,
            %get3A_213 = vector.shape_cast %get3A_212 : vector<1x16xf32> to vector<16xf32>
            %add3A_214 = arith.constant 16 : i32
            %add3A_215 = arith.addi %mul3A_197, %add3A_214 : i32
            %get3A_216 = arith.index_cast %add3A_180 : i32 to index
            %get3A_217 = arith.index_cast %add3A_215 : i32 to index
            %get3A_218 = tpu.vector_load %arg11[%get3A_216, %get3A_217] {strides = array<i32>} : memref<32x128xf32, #tpu.memory_space<vmem>>, vector<1x16xf32>,
            %get3A_219 = vector.shape_cast %get3A_218 : vector<1x16xf32> to vector<16xf32>
            %mul3A_220 = arith.mulf %get3A_213, %get3A_219 : vector<16xf32>
            %swap3A_221 = arith.index_cast %add3A_162 : i32 to index
            %swap3A_222 = arith.constant 16 : index
            %swap3A_223 = tpu.vector_load %arg12[%swap3A_221, %swap3A_222] {strides = array<i32>} : memref<128x32xf32, #tpu.memory_space<vmem>>, vector<1x16xf32>,
            %swap3A_224 = vector.shape_cast %swap3A_223 : vector<1x16xf32> to vector<16xf32>
            %swap3A_225 = vector.shape_cast %mul3A_220 : vector<16xf32> to vector<1x16xf32>
            tpu.vector_store %arg12[%swap3A_221, %swap3A_222], %swap3A_225 {strides = array<i32>} : memref<128x32xf32, #tpu.memory_space<vmem>>, vector<1x16xf32>,
          }
          %scan3A_155 = arith.constant 32 : i32
        } else {
        }
        %dma_start3A_117 = arith.constant 96 : i32
        %dma_start3A_118 = tpu.memref_slice %arg8[%add3A_49, %dma_start3A_117] : memref<8x128xi32, #tpu.memory_space<vmem>> -> memref<1x32xi32, #tpu.memory_space<vmem>>
        %dma_start3A_119 = tpu.memref_squeeze %dma_start3A_118 : memref<1x32xi32, #tpu.memory_space<vmem>> -> memref<32xi32, #tpu.memory_space<vmem>>
        %dma_start3A_120 = arith.constant 0 : i32
        %dma_start3A_121 = arith.constant 0 : i32
        %dma_start3A_122 = tpu.memref_slice %arg2[%dma_start3A_120, %dma_start3A_121] : memref<50000x128xf32, #tpu.memory_space<hbm>> -> memref<50000x128xf32, #tpu.memory_space<hbm>>
        tpu.enqueue_indirect_dma source(%dma_start3A_122 : memref<50000x128xf32, #tpu.memory_space<hbm>>) target(%arg10 : memref<32x128xf32, #tpu.memory_space<vmem>>) offsets(%dma_start3A_119 : memref<32xi32, #tpu.memory_space<vmem>>) semaphore(%arg14 : memref<!tpu.dma_semaphore, #tpu.memory_space<semaphore_mem>>)
        %dma_wait3A_123 = arith.constant 96 : i32
        %dma_wait3A_124 = tpu.memref_slice %arg8[%add3A_49, %dma_wait3A_123] : memref<8x128xi32, #tpu.memory_space<vmem>> -> memref<1x32xi32, #tpu.memory_space<vmem>>
        %dma_wait3A_125 = tpu.memref_squeeze %dma_wait3A_124 : memref<1x32xi32, #tpu.memory_space<vmem>> -> memref<32xi32, #tpu.memory_space<vmem>>
        %dma_wait3A_126 = arith.constant 0 : i32
        %dma_wait3A_127 = arith.constant 0 : i32
        %dma_wait3A_128 = tpu.memref_slice %arg2[%dma_wait3A_126, %dma_wait3A_127] : memref<50000x128xf32, #tpu.memory_space<hbm>> -> memref<50000x128xf32, #tpu.memory_space<hbm>>
        tpu.wait_indirect_dma semaphore(%arg14 : memref<!tpu.dma_semaphore, #tpu.memory_space<semaphore_mem>>) src(%dma_wait3A_128 : memref<50000x128xf32, #tpu.memory_space<hbm>>) dst(%arg10 : memref<32x128xf32, #tpu.memory_space<vmem>>)
        %eq3A_129 = arith.constant 0 : i32
        %eq3A_130 = arith.cmpi eq, %arg0, %eq3A_129 : i32
        %convert_element_type3A_131 = arith.extui %eq3A_130 : i1 to i32
        %cond3A_132 = arith.constant 0 : i32
        %cond3A_133 = arith.cmpi ne, %convert_element_type3A_131, %cond3A_132 : i32
        scf.if %cond3A_133 {
          %scan3A_151 = arith.constant 0 : i32
          %scan3A_152 = arith.constant 32 : i32
          %scan3A_153 = arith.addi %scan3A_151, %scan3A_152 : i32
          %scan3A_154 = arith.constant 1 : i32
          scf.for %scan3A_156 = %scan3A_151 to %scan3A_153 step %scan3A_154  : i32 {
            %mul3A_157 = arith.constant 1 : i32
            %mul3A_158 = arith.muli %scan3A_156, %mul3A_157 : i32
            %add3A_159 = arith.constant 0 : i32
            %add3A_160 = arith.addi %add3A_159, %mul3A_158 : i32
            %add3A_161 = arith.constant 96 : i32
            %add3A_162 = arith.addi %add3A_161, %add3A_160 : i32
            %jit3A = arith.constant 4 : i32
            %div3A = arith.divsi %add3A_160, %jit3A : i32
            %sign3A = arith.constant 0 : i32
            %sign3A_163 = arith.cmpi sgt, %add3A_160, %sign3A : i32
            %sign3A_164 = arith.extui %sign3A_163 : i1 to i32
            %sign3A_165 = arith.constant 0 : i32
            %sign3A_166 = arith.cmpi slt, %add3A_160, %sign3A_165 : i32
            %sign3A_167 = arith.extui %sign3A_166 : i1 to i32
            %sign3A_168 = arith.subi %sign3A_164, %sign3A_167 : i32
            %sign3A_169 = arith.constant 0 : i32
            %sign3A_170 = arith.cmpi sgt, %jit3A, %sign3A_169 : i32
            %sign3A_171 = arith.extui %sign3A_170 : i1 to i32
            %sign3A_172 = arith.constant 0 : i32
            %sign3A_173 = arith.cmpi slt, %jit3A, %sign3A_172 : i32
            %sign3A_174 = arith.extui %sign3A_173 : i1 to i32
            %sign3A_175 = arith.subi %sign3A_171, %sign3A_174 : i32
            %ne3A = arith.cmpi ne, %sign3A_168, %sign3A_175 : i32
            %rem3A = arith.remsi %add3A_160, %jit3A : i32
            %ne3A_176 = arith.constant 0 : i32
            %ne3A_177 = arith.cmpi ne, %rem3A, %ne3A_176 : i32
            %and3A = arith.andi %ne3A, %ne3A_177 : i1
            %sub3A = arith.constant 1 : i32
            %sub3A_178 = arith.subi %div3A, %sub3A : i32
            %select_n3A = arith.select %and3A, %sub3A_178, %div3A : i32
            %add3A_179 = arith.constant 24 : i32
            %add3A_180 = arith.addi %add3A_179, %select_n3A : i32
            %jit3A_181 = arith.constant 4 : i32
            %eq3A_182 = arith.constant 0 : i32
            %eq3A_183 = arith.cmpi eq, %jit3A_181, %eq3A_182 : i32
            %jit3A_184 = arith.constant 1 : i32
            %select_n3A_185 = arith.select %eq3A_183, %jit3A_184, %jit3A_181 : i32
            %rem3A_186 = arith.remsi %add3A_160, %select_n3A_185 : i32
            %ne3A_187 = arith.constant 0 : i32
            %ne3A_188 = arith.cmpi ne, %rem3A_186, %ne3A_187 : i32
            %lt3A = arith.constant 0 : i32
            %lt3A_189 = arith.cmpi slt, %rem3A_186, %lt3A : i32
            %lt3A_190 = arith.constant 0 : i32
            %lt3A_191 = arith.cmpi slt, %select_n3A_185, %lt3A_190 : i32
            %ne3A_192 = arith.xori %lt3A_189, %lt3A_191 : i1
            %and3A_193 = arith.andi %ne3A_192, %ne3A_188 : i1
            %add3A_194 = arith.addi %rem3A_186, %select_n3A_185 : i32
            %select_n3A_195 = arith.select %and3A_193, %add3A_194, %rem3A_186 : i32
            %mul3A_196 = arith.constant 32 : i32
            %mul3A_197 = arith.muli %select_n3A_195, %mul3A_196 : i32
            %get3A = arith.index_cast %add3A_160 : i32 to index
            %get3A_198 = arith.constant 0 : index
            %get3A_199 = tpu.vector_load %arg10[%get3A, %get3A_198] {strides = array<i32>} : memref<32x128xf32, #tpu.memory_space<vmem>>, vector<1x16xf32>,
            %get3A_200 = vector.shape_cast %get3A_199 : vector<1x16xf32> to vector<16xf32>
            %get3A_201 = arith.index_cast %add3A_180 : i32 to index
            %get3A_202 = arith.index_cast %mul3A_197 : i32 to index
            %get3A_203 = tpu.vector_load %arg11[%get3A_201, %get3A_202] {strides = array<i32>} : memref<32x128xf32, #tpu.memory_space<vmem>>, vector<1x16xf32>,
            %get3A_204 = vector.shape_cast %get3A_203 : vector<1x16xf32> to vector<16xf32>
            %mul3A_205 = arith.mulf %get3A_200, %get3A_204 : vector<16xf32>
            %swap3A = arith.index_cast %add3A_162 : i32 to index
            %swap3A_206 = arith.constant 0 : index
            %swap3A_207 = tpu.vector_load %arg12[%swap3A, %swap3A_206] {strides = array<i32>} : memref<128x32xf32, #tpu.memory_space<vmem>>, vector<1x16xf32>,
            %swap3A_208 = vector.shape_cast %swap3A_207 : vector<1x16xf32> to vector<16xf32>
            %swap3A_209 = vector.shape_cast %mul3A_205 : vector<16xf32> to vector<1x16xf32>
            tpu.vector_store %arg12[%swap3A, %swap3A_206], %swap3A_209 {strides = array<i32>} : memref<128x32xf32, #tpu.memory_space<vmem>>, vector<1x16xf32>,
            %get3A_210 = arith.index_cast %add3A_160 : i32 to index
            %get3A_211 = arith.constant 16 : index
            %get3A_212 = tpu.vector_load %arg10[%get3A_210, %get3A_211] {strides = array<i32>} : memref<32x128xf32, #tpu.memory_space<vmem>>, vector<1x16xf32>,
            %get3A_213 = vector.shape_cast %get3A_212 : vector<1x16xf32> to vector<16xf32>
            %add3A_214 = arith.constant 16 : i32
            %add3A_215 = arith.addi %mul3A_197, %add3A_214 : i32
            %get3A_216 = arith.index_cast %add3A_180 : i32 to index
            %get3A_217 = arith.index_cast %add3A_215 : i32 to index
            %get3A_218 = tpu.vector_load %arg11[%get3A_216, %get3A_217] {strides = array<i32>} : memref<32x128xf32, #tpu.memory_space<vmem>>, vector<1x16xf32>,
            %get3A_219 = vector.shape_cast %get3A_218 : vector<1x16xf32> to vector<16xf32>
            %mul3A_220 = arith.mulf %get3A_213, %get3A_219 : vector<16xf32>
            %swap3A_221 = arith.index_cast %add3A_162 : i32 to index
            %swap3A_222 = arith.constant 16 : index
            %swap3A_223 = tpu.vector_load %arg12[%swap3A_221, %swap3A_222] {strides = array<i32>} : memref<128x32xf32, #tpu.memory_space<vmem>>, vector<1x16xf32>,
            %swap3A_224 = vector.shape_cast %swap3A_223 : vector<1x16xf32> to vector<16xf32>
            %swap3A_225 = vector.shape_cast %mul3A_220 : vector<16xf32> to vector<1x16xf32>
            tpu.vector_store %arg12[%swap3A_221, %swap3A_222], %swap3A_225 {strides = array<i32>} : memref<128x32xf32, #tpu.memory_space<vmem>>, vector<1x16xf32>,
          }
          %scan3A_155 = arith.constant 32 : i32
        } else {
        }
        %eq3A_134 = arith.constant 1 : i32
        %eq3A_135 = arith.cmpi eq, %arg0, %eq3A_134 : i32
        %convert_element_type3A_136 = arith.extui %eq3A_135 : i1 to i32
        %cond3A_137 = arith.constant 0 : i32
        %cond3A_138 = arith.cmpi ne, %convert_element_type3A_136, %cond3A_137 : i32
        scf.if %cond3A_138 {
          %scan3A_151 = arith.constant 0 : i32
          %scan3A_152 = arith.constant 32 : i32
          %scan3A_153 = arith.addi %scan3A_151, %scan3A_152 : i32
          %scan3A_154 = arith.constant 1 : i32
          scf.for %scan3A_156 = %scan3A_151 to %scan3A_153 step %scan3A_154  : i32 {
            %mul3A_157 = arith.constant 1 : i32
            %mul3A_158 = arith.muli %scan3A_156, %mul3A_157 : i32
            %add3A_159 = arith.constant 0 : i32
            %add3A_160 = arith.addi %add3A_159, %mul3A_158 : i32
            %add3A_161 = arith.constant 96 : i32
            %add3A_162 = arith.addi %add3A_161, %add3A_160 : i32
            %jit3A = arith.constant 4 : i32
            %div3A = arith.divsi %add3A_160, %jit3A : i32
            %sign3A = arith.constant 0 : i32
            %sign3A_163 = arith.cmpi sgt, %add3A_160, %sign3A : i32
            %sign3A_164 = arith.extui %sign3A_163 : i1 to i32
            %sign3A_165 = arith.constant 0 : i32
            %sign3A_166 = arith.cmpi slt, %add3A_160, %sign3A_165 : i32
            %sign3A_167 = arith.extui %sign3A_166 : i1 to i32
            %sign3A_168 = arith.subi %sign3A_164, %sign3A_167 : i32
            %sign3A_169 = arith.constant 0 : i32
            %sign3A_170 = arith.cmpi sgt, %jit3A, %sign3A_169 : i32
            %sign3A_171 = arith.extui %sign3A_170 : i1 to i32
            %sign3A_172 = arith.constant 0 : i32
            %sign3A_173 = arith.cmpi slt, %jit3A, %sign3A_172 : i32
            %sign3A_174 = arith.extui %sign3A_173 : i1 to i32
            %sign3A_175 = arith.subi %sign3A_171, %sign3A_174 : i32
            %ne3A = arith.cmpi ne, %sign3A_168, %sign3A_175 : i32
            %rem3A = arith.remsi %add3A_160, %jit3A : i32
            %ne3A_176 = arith.constant 0 : i32
            %ne3A_177 = arith.cmpi ne, %rem3A, %ne3A_176 : i32
            %and3A = arith.andi %ne3A, %ne3A_177 : i1
            %sub3A = arith.constant 1 : i32
            %sub3A_178 = arith.subi %div3A, %sub3A : i32
            %select_n3A = arith.select %and3A, %sub3A_178, %div3A : i32
            %add3A_179 = arith.constant 24 : i32
            %add3A_180 = arith.addi %add3A_179, %select_n3A : i32
            %jit3A_181 = arith.constant 4 : i32
            %eq3A_182 = arith.constant 0 : i32
            %eq3A_183 = arith.cmpi eq, %jit3A_181, %eq3A_182 : i32
            %jit3A_184 = arith.constant 1 : i32
            %select_n3A_185 = arith.select %eq3A_183, %jit3A_184, %jit3A_181 : i32
            %rem3A_186 = arith.remsi %add3A_160, %select_n3A_185 : i32
            %ne3A_187 = arith.constant 0 : i32
            %ne3A_188 = arith.cmpi ne, %rem3A_186, %ne3A_187 : i32
            %lt3A = arith.constant 0 : i32
            %lt3A_189 = arith.cmpi slt, %rem3A_186, %lt3A : i32
            %lt3A_190 = arith.constant 0 : i32
            %lt3A_191 = arith.cmpi slt, %select_n3A_185, %lt3A_190 : i32
            %ne3A_192 = arith.xori %lt3A_189, %lt3A_191 : i1
            %and3A_193 = arith.andi %ne3A_192, %ne3A_188 : i1
            %add3A_194 = arith.addi %rem3A_186, %select_n3A_185 : i32
            %select_n3A_195 = arith.select %and3A_193, %add3A_194, %rem3A_186 : i32
            %mul3A_196 = arith.constant 32 : i32
            %mul3A_197 = arith.muli %select_n3A_195, %mul3A_196 : i32
            %get3A = arith.index_cast %add3A_160 : i32 to index
            %get3A_198 = arith.constant 32 : index
            %get3A_199 = tpu.vector_load %arg10[%get3A, %get3A_198] {strides = array<i32>} : memref<32x128xf32, #tpu.memory_space<vmem>>, vector<1x16xf32>,
            %get3A_200 = vector.shape_cast %get3A_199 : vector<1x16xf32> to vector<16xf32>
            %get3A_201 = arith.index_cast %add3A_180 : i32 to index
            %get3A_202 = arith.index_cast %mul3A_197 : i32 to index
            %get3A_203 = tpu.vector_load %arg11[%get3A_201, %get3A_202] {strides = array<i32>} : memref<32x128xf32, #tpu.memory_space<vmem>>, vector<1x16xf32>,
            %get3A_204 = vector.shape_cast %get3A_203 : vector<1x16xf32> to vector<16xf32>
            %mul3A_205 = arith.mulf %get3A_200, %get3A_204 : vector<16xf32>
            %swap3A = arith.index_cast %add3A_162 : i32 to index
            %swap3A_206 = arith.constant 0 : index
            %swap3A_207 = tpu.vector_load %arg12[%swap3A, %swap3A_206] {strides = array<i32>} : memref<128x32xf32, #tpu.memory_space<vmem>>, vector<1x16xf32>,
            %swap3A_208 = vector.shape_cast %swap3A_207 : vector<1x16xf32> to vector<16xf32>
            %swap3A_209 = vector.shape_cast %mul3A_205 : vector<16xf32> to vector<1x16xf32>
            tpu.vector_store %arg12[%swap3A, %swap3A_206], %swap3A_209 {strides = array<i32>} : memref<128x32xf32, #tpu.memory_space<vmem>>, vector<1x16xf32>,
            %get3A_210 = arith.index_cast %add3A_160 : i32 to index
            %get3A_211 = arith.constant 48 : index
            %get3A_212 = tpu.vector_load %arg10[%get3A_210, %get3A_211] {strides = array<i32>} : memref<32x128xf32, #tpu.memory_space<vmem>>, vector<1x16xf32>,
            %get3A_213 = vector.shape_cast %get3A_212 : vector<1x16xf32> to vector<16xf32>
            %add3A_214 = arith.constant 16 : i32
            %add3A_215 = arith.addi %mul3A_197, %add3A_214 : i32
            %get3A_216 = arith.index_cast %add3A_180 : i32 to index
            %get3A_217 = arith.index_cast %add3A_215 : i32 to index
            %get3A_218 = tpu.vector_load %arg11[%get3A_216, %get3A_217] {strides = array<i32>} : memref<32x128xf32, #tpu.memory_space<vmem>>, vector<1x16xf32>,
            %get3A_219 = vector.shape_cast %get3A_218 : vector<1x16xf32> to vector<16xf32>
            %mul3A_220 = arith.mulf %get3A_213, %get3A_219 : vector<16xf32>
            %swap3A_221 = arith.index_cast %add3A_162 : i32 to index
            %swap3A_222 = arith.constant 16 : index
            %swap3A_223 = tpu.vector_load %arg12[%swap3A_221, %swap3A_222] {strides = array<i32>} : memref<128x32xf32, #tpu.memory_space<vmem>>, vector<1x16xf32>,
            %swap3A_224 = vector.shape_cast %swap3A_223 : vector<1x16xf32> to vector<16xf32>
            %swap3A_225 = vector.shape_cast %mul3A_220 : vector<16xf32> to vector<1x16xf32>
            tpu.vector_store %arg12[%swap3A_221, %swap3A_222], %swap3A_225 {strides = array<i32>} : memref<128x32xf32, #tpu.memory_space<vmem>>, vector<1x16xf32>,
          }
          %scan3A_155 = arith.constant 32 : i32
        } else {
        }
        %dma_start3A_139 = arith.constant 0 : i32
        %dma_start3A_140 = tpu.memref_slice %arg9[%add3A_49, %dma_start3A_139] : memref<8x128xi32, #tpu.memory_space<vmem>> -> memref<1x128xi32, #tpu.memory_space<vmem>>
        %dma_start3A_141 = tpu.memref_squeeze %dma_start3A_140 : memref<1x128xi32, #tpu.memory_space<vmem>> -> memref<128xi32, #tpu.memory_space<vmem>>
        %dma_start3A_142 = arith.constant 0 : i32
        %dma_start3A_143 = arith.constant 0 : i32
        %dma_start3A_144 = tpu.memref_slice %arg13[%dma_start3A_142, %dma_start3A_143] : memref<51200x32xf32, #tpu.memory_space<vmem_shared>> -> memref<51200x32xf32, #tpu.memory_space<vmem_shared>>
        tpu.enqueue_indirect_dma source(%arg12 : memref<128x32xf32, #tpu.memory_space<vmem>>) target(%dma_start3A_144 : memref<51200x32xf32, #tpu.memory_space<vmem_shared>>) offsets(%dma_start3A_141 : memref<128xi32, #tpu.memory_space<vmem>>) semaphore(%arg14 : memref<!tpu.dma_semaphore, #tpu.memory_space<semaphore_mem>>) {add = true}
        %dma_wait3A_145 = arith.constant 0 : i32
        %dma_wait3A_146 = tpu.memref_slice %arg9[%add3A_49, %dma_wait3A_145] : memref<8x128xi32, #tpu.memory_space<vmem>> -> memref<1x128xi32, #tpu.memory_space<vmem>>
        %dma_wait3A_147 = tpu.memref_squeeze %dma_wait3A_146 : memref<1x128xi32, #tpu.memory_space<vmem>> -> memref<128xi32, #tpu.memory_space<vmem>>
        %dma_wait3A_148 = arith.constant 0 : i32
        %dma_wait3A_149 = arith.constant 0 : i32
        %dma_wait3A_150 = tpu.memref_slice %arg13[%dma_wait3A_148, %dma_wait3A_149] : memref<51200x32xf32, #tpu.memory_space<vmem_shared>> -> memref<51200x32xf32, #tpu.memory_space<vmem_shared>>
        tpu.wait_indirect_dma semaphore(%arg14 : memref<!tpu.dma_semaphore, #tpu.memory_space<semaphore_mem>>) src(%arg12 : memref<128x32xf32, #tpu.memory_space<vmem>>) dst(%dma_wait3A_150 : memref<51200x32xf32, #tpu.memory_space<vmem_shared>>)
      }
      %scan3A_44 = arith.constant 8 : i32
    }
    %scan3A_20 = arith.constant 49 : i32
    %barrier3A_21 = arith.constant 0 : index
    tpu.barrier barrier_id(%barrier3A_21)
    %mul3A_22 = arith.constant 51200 : i32
    %mul3A_23 = arith.muli %arg0, %mul3A_22 : i32
    %add3A_24 = arith.addi %mul3A_23, %mul3A_0 : i32
    %scan3A_25 = arith.constant 0 : i32
    %scan3A_26 = arith.constant 4 : i32
    %scan3A_27 = arith.addi %scan3A_25, %scan3A_26 : i32
    %scan3A_28 = arith.constant 1 : i32
    scf.for %scan3A_30 = %scan3A_25 to %scan3A_27 step %scan3A_28  : i32 {
      %mul3A_31 = arith.constant 1 : i32
      %mul3A_32 = arith.muli %scan3A_30, %mul3A_31 : i32
      %add3A_33 = arith.constant 0 : i32
      %add3A_34 = arith.addi %add3A_33, %mul3A_32 : i32
      %mul3A_35 = arith.constant 32 : i32
      %mul3A_36 = arith.muli %arg1, %mul3A_35 : i32
      %mul3A_37 = arith.constant 8 : i32
      %mul3A_38 = arith.muli %add3A_34, %mul3A_37 : i32
      %add3A_39 = arith.addi %mul3A_36, %mul3A_38 : i32
      "tpu.region"() ({
        %run_scoped3A = tpu.sem_alloc : memref<!tpu.dma_semaphore, #tpu.memory_space<semaphore_mem>>
        %dma_start3A = arith.constant 0 : i32
        %dma_start3A_58 = tpu.memref_slice %arg6[%add3A_39, %dma_start3A] : memref<512x128xi32, #tpu.memory_space<hbm>> -> memref<8x128xi32, #tpu.memory_space<hbm>>
        %dma_start3A_59 = arith.constant 0 : i32
        %dma_start3A_60 = tpu.memref_slice %arg6[%add3A_39, %dma_start3A_59] : memref<512x128xi32, #tpu.memory_space<hbm>> -> memref<8x128xi32, #tpu.memory_space<hbm>>
        tpu.enqueue_dma source(%dma_start3A_60 : memref<8x128xi32, #tpu.memory_space<hbm>>) target(%arg9 : memref<8x128xi32, #tpu.memory_space<vmem>>) target_semaphore(%run_scoped3A : memref<!tpu.dma_semaphore, #tpu.memory_space<semaphore_mem>>)
        %dma_wait3A = arith.constant 0 : i32
        %dma_wait3A_61 = tpu.memref_slice %arg6[%add3A_39, %dma_wait3A] : memref<512x128xi32, #tpu.memory_space<hbm>> -> memref<8x128xi32, #tpu.memory_space<hbm>>
        %dma_wait3A_62 = arith.constant 0 : i32
        %dma_wait3A_63 = tpu.memref_slice %arg6[%add3A_39, %dma_wait3A_62] : memref<512x128xi32, #tpu.memory_space<hbm>> -> memref<8x128xi32, #tpu.memory_space<hbm>>
        tpu.wait_dma2 semaphore(%run_scoped3A : memref<!tpu.dma_semaphore, #tpu.memory_space<semaphore_mem>>) src(%dma_wait3A_63 : memref<8x128xi32, #tpu.memory_space<hbm>>) dst(%arg9 : memref<8x128xi32, #tpu.memory_space<vmem>>)
        tpu.yield
      }) : () -> ()
      %eq3A = arith.constant 3 : i32
      %eq3A_40 = arith.cmpi eq, %add3A_34, %eq3A : i32
      %jit3A = arith.constant 1 : i32
      %jit3A_41 = arith.constant 8 : i32
      %select_n3A = arith.select %eq3A_40, %jit3A, %jit3A_41 : i32
      %sub3A = arith.constant 0 : i32
      %sub3A_42 = arith.subi %select_n3A, %sub3A : i32
      %sub3A_43 = arith.constant 1 : i32
      %sub3A_44 = arith.constant 1 : i32
      %sub3A_45 = arith.subi %sub3A_43, %sub3A_44 : i32
      %add3A_46 = arith.addi %sub3A_42, %sub3A_45 : i32
      %div3A = arith.constant 1 : i32
      %div3A_47 = arith.divsi %add3A_46, %div3A : i32
      %while3A = arith.constant 1 : i32
      %while3A_48 = arith.constant 0 : i32
      %while3A_49 = arith.constant 0 : i32
      %while3A_50 = arith.subi %div3A_47, %while3A_49 : i32
      %while3A_51 = arith.addi %while3A_49, %while3A_50 : i32
      %while3A_52 = arith.constant 1 : i32
      %while3A_53 = arith.divsi %while3A_50, %while3A_52 : i32
      %while3A_54 = arith.muli %while3A_53, %while3A_52 : i32
      %while3A_55 = arith.addi %while3A_49, %while3A_54 : i32
      %while3A_56 = arith.constant 1 : i32
      scf.for %while3A_58 = %while3A_49 to %while3A_55 step %while3A_56  : i32 {
        %mul3A_59 = arith.muli %while3A_58, %while3A : i32
        %add3A_60 = arith.addi %while3A_48, %mul3A_59 : i32
        %dma_start3A = arith.constant 0 : i32
        %dma_start3A_61 = tpu.memref_slice %arg9[%add3A_60, %dma_start3A] : memref<8x128xi32, #tpu.memory_space<vmem>> -> memref<1x128xi32, #tpu.memory_space<vmem>>
        %dma_start3A_62 = tpu.memref_squeeze %dma_start3A_61 : memref<1x128xi32, #tpu.memory_space<vmem>> -> memref<128xi32, #tpu.memory_space<vmem>>
        %dma_start3A_63 = arith.constant 0 : i32
        %dma_start3A_64 = arith.constant 0 : i32
        %dma_start3A_65 = tpu.memref_slice %arg13[%dma_start3A_63, %dma_start3A_64] : memref<51200x32xf32, #tpu.memory_space<vmem_shared>> -> memref<51200x32xf32, #tpu.memory_space<vmem_shared>>
        tpu.enqueue_indirect_dma source(%dma_start3A_65 : memref<51200x32xf32, #tpu.memory_space<vmem_shared>>) target(%arg12 : memref<128x32xf32, #tpu.memory_space<vmem>>) offsets(%dma_start3A_62 : memref<128xi32, #tpu.memory_space<vmem>>) semaphore(%arg14 : memref<!tpu.dma_semaphore, #tpu.memory_space<semaphore_mem>>)
        %dma_wait3A = arith.constant 0 : i32
        %dma_wait3A_66 = tpu.memref_slice %arg9[%add3A_60, %dma_wait3A] : memref<8x128xi32, #tpu.memory_space<vmem>> -> memref<1x128xi32, #tpu.memory_space<vmem>>
        %dma_wait3A_67 = tpu.memref_squeeze %dma_wait3A_66 : memref<1x128xi32, #tpu.memory_space<vmem>> -> memref<128xi32, #tpu.memory_space<vmem>>
        %dma_wait3A_68 = arith.constant 0 : i32
        %dma_wait3A_69 = arith.constant 0 : i32
        %dma_wait3A_70 = tpu.memref_slice %arg13[%dma_wait3A_68, %dma_wait3A_69] : memref<51200x32xf32, #tpu.memory_space<vmem_shared>> -> memref<51200x32xf32, #tpu.memory_space<vmem_shared>>
        tpu.wait_indirect_dma semaphore(%arg14 : memref<!tpu.dma_semaphore, #tpu.memory_space<semaphore_mem>>) src(%dma_wait3A_70 : memref<51200x32xf32, #tpu.memory_space<vmem_shared>>) dst(%arg12 : memref<128x32xf32, #tpu.memory_space<vmem>>)
        %mul3A_71 = arith.constant 8 : i32
        %mul3A_72 = arith.muli %add3A_34, %mul3A_71 : i32
        %add3A_73 = arith.addi %mul3A_72, %add3A_60 : i32
        %mul3A_74 = arith.constant 128 : i32
        %mul3A_75 = arith.muli %add3A_73, %mul3A_74 : i32
        %add3A_76 = arith.addi %add3A_24, %mul3A_75 : i32
        "tpu.region"() ({
          %run_scoped3A = tpu.sem_alloc : memref<!tpu.dma_semaphore, #tpu.memory_space<semaphore_mem>>
          %dma_start3A_77 = arith.constant 0 : i32
          %dma_start3A_78 = tpu.memref_slice %arg7[%add3A_76, %dma_start3A_77] : memref<102400x32xf32, #tpu.memory_space<hbm>> -> memref<128x32xf32, #tpu.memory_space<hbm>>
          %dma_start3A_79 = arith.constant 0 : i32
          %dma_start3A_80 = tpu.memref_slice %arg7[%add3A_76, %dma_start3A_79] : memref<102400x32xf32, #tpu.memory_space<hbm>> -> memref<128x32xf32, #tpu.memory_space<hbm>>
          tpu.enqueue_dma source(%arg12 : memref<128x32xf32, #tpu.memory_space<vmem>>) target(%dma_start3A_80 : memref<128x32xf32, #tpu.memory_space<hbm>>) target_semaphore(%run_scoped3A : memref<!tpu.dma_semaphore, #tpu.memory_space<semaphore_mem>>)
          %dma_wait3A_81 = arith.constant 0 : i32
          %dma_wait3A_82 = tpu.memref_slice %arg7[%add3A_76, %dma_wait3A_81] : memref<102400x32xf32, #tpu.memory_space<hbm>> -> memref<128x32xf32, #tpu.memory_space<hbm>>
          %dma_wait3A_83 = arith.constant 0 : i32
          %dma_wait3A_84 = tpu.memref_slice %arg7[%add3A_76, %dma_wait3A_83] : memref<102400x32xf32, #tpu.memory_space<hbm>> -> memref<128x32xf32, #tpu.memory_space<hbm>>
          tpu.wait_dma2 semaphore(%run_scoped3A : memref<!tpu.dma_semaphore, #tpu.memory_space<semaphore_mem>>) src(%arg12 : memref<128x32xf32, #tpu.memory_space<vmem>>) dst(%dma_wait3A_84 : memref<128x32xf32, #tpu.memory_space<hbm>>)
          tpu.yield
        }) : () -> ()
      }
      %while3A_57 = arith.constant 1 : i32
      scf.for %while3A_58 = %while3A_55 to %while3A_51 step %while3A_57  : i32 {
        %mul3A_59 = arith.muli %while3A_58, %while3A : i32
        %add3A_60 = arith.addi %while3A_48, %mul3A_59 : i32
        %dma_start3A = arith.constant 0 : i32
        %dma_start3A_61 = tpu.memref_slice %arg9[%add3A_60, %dma_start3A] : memref<8x128xi32, #tpu.memory_space<vmem>> -> memref<1x128xi32, #tpu.memory_space<vmem>>
        %dma_start3A_62 = tpu.memref_squeeze %dma_start3A_61 : memref<1x128xi32, #tpu.memory_space<vmem>> -> memref<128xi32, #tpu.memory_space<vmem>>
        %dma_start3A_63 = arith.constant 0 : i32
        %dma_start3A_64 = arith.constant 0 : i32
        %dma_start3A_65 = tpu.memref_slice %arg13[%dma_start3A_63, %dma_start3A_64] : memref<51200x32xf32, #tpu.memory_space<vmem_shared>> -> memref<51200x32xf32, #tpu.memory_space<vmem_shared>>
        tpu.enqueue_indirect_dma source(%dma_start3A_65 : memref<51200x32xf32, #tpu.memory_space<vmem_shared>>) target(%arg12 : memref<128x32xf32, #tpu.memory_space<vmem>>) offsets(%dma_start3A_62 : memref<128xi32, #tpu.memory_space<vmem>>) semaphore(%arg14 : memref<!tpu.dma_semaphore, #tpu.memory_space<semaphore_mem>>)
        %dma_wait3A = arith.constant 0 : i32
        %dma_wait3A_66 = tpu.memref_slice %arg9[%add3A_60, %dma_wait3A] : memref<8x128xi32, #tpu.memory_space<vmem>> -> memref<1x128xi32, #tpu.memory_space<vmem>>
        %dma_wait3A_67 = tpu.memref_squeeze %dma_wait3A_66 : memref<1x128xi32, #tpu.memory_space<vmem>> -> memref<128xi32, #tpu.memory_space<vmem>>
        %dma_wait3A_68 = arith.constant 0 : i32
        %dma_wait3A_69 = arith.constant 0 : i32
        %dma_wait3A_70 = tpu.memref_slice %arg13[%dma_wait3A_68, %dma_wait3A_69] : memref<51200x32xf32, #tpu.memory_space<vmem_shared>> -> memref<51200x32xf32, #tpu.memory_space<vmem_shared>>
        tpu.wait_indirect_dma semaphore(%arg14 : memref<!tpu.dma_semaphore, #tpu.memory_space<semaphore_mem>>) src(%dma_wait3A_70 : memref<51200x32xf32, #tpu.memory_space<vmem_shared>>) dst(%arg12 : memref<128x32xf32, #tpu.memory_space<vmem>>)
        %mul3A_71 = arith.constant 8 : i32
        %mul3A_72 = arith.muli %add3A_34, %mul3A_71 : i32
        %add3A_73 = arith.addi %mul3A_72, %add3A_60 : i32
        %mul3A_74 = arith.constant 128 : i32
        %mul3A_75 = arith.muli %add3A_73, %mul3A_74 : i32
        %add3A_76 = arith.addi %add3A_24, %mul3A_75 : i32
        "tpu.region"() ({
          %run_scoped3A = tpu.sem_alloc : memref<!tpu.dma_semaphore, #tpu.memory_space<semaphore_mem>>
          %dma_start3A_77 = arith.constant 0 : i32
          %dma_start3A_78 = tpu.memref_slice %arg7[%add3A_76, %dma_start3A_77] : memref<102400x32xf32, #tpu.memory_space<hbm>> -> memref<128x32xf32, #tpu.memory_space<hbm>>
          %dma_start3A_79 = arith.constant 0 : i32
          %dma_start3A_80 = tpu.memref_slice %arg7[%add3A_76, %dma_start3A_79] : memref<102400x32xf32, #tpu.memory_space<hbm>> -> memref<128x32xf32, #tpu.memory_space<hbm>>
          tpu.enqueue_dma source(%arg12 : memref<128x32xf32, #tpu.memory_space<vmem>>) target(%dma_start3A_80 : memref<128x32xf32, #tpu.memory_space<hbm>>) target_semaphore(%run_scoped3A : memref<!tpu.dma_semaphore, #tpu.memory_space<semaphore_mem>>)
          %dma_wait3A_81 = arith.constant 0 : i32
          %dma_wait3A_82 = tpu.memref_slice %arg7[%add3A_76, %dma_wait3A_81] : memref<102400x32xf32, #tpu.memory_space<hbm>> -> memref<128x32xf32, #tpu.memory_space<hbm>>
          %dma_wait3A_83 = arith.constant 0 : i32
          %dma_wait3A_84 = tpu.memref_slice %arg7[%add3A_76, %dma_wait3A_83] : memref<102400x32xf32, #tpu.memory_space<hbm>> -> memref<128x32xf32, #tpu.memory_space<hbm>>
          tpu.wait_dma2 semaphore(%run_scoped3A : memref<!tpu.dma_semaphore, #tpu.memory_space<semaphore_mem>>) src(%arg12 : memref<128x32xf32, #tpu.memory_space<vmem>>) dst(%dma_wait3A_84 : memref<128x32xf32, #tpu.memory_space<hbm>>)
          tpu.yield
        }) : () -> ()
      }
    }
    %scan3A_29 = arith.constant 4 : i32
    return
  }
}

#map = affine_map<(d0, d1) -> (0, 0)>
module attributes {stable_mosaic.version = 14 : i64} {
  func.func @sc_agg(%arg0: i32, %arg1: i32, %arg2: memref<50000x128xf32, #tpu.memory_space<hbm>>, %arg3: memref<1204224x128xf32, #tpu.memory_space<hbm>>, %arg4: memref<6272x128xi32, #tpu.memory_space<hbm>>, %arg5: memref<6272x128xi32, #tpu.memory_space<hbm>>, %arg6: memref<512x128xi32, #tpu.memory_space<hbm>>, %arg7: memref<102400x32xf32, #tpu.memory_space<hbm>>, %arg8: memref<8x128xi32, #tpu.memory_space<vmem>>, %arg9: memref<8x128xi32, #tpu.memory_space<vmem>>, %arg10: memref<32x128xf32, #tpu.memory_space<vmem>>, %arg11: memref<32x128xf32, #tpu.memory_space<vmem>>, %arg12: memref<128x32xf32, #tpu.memory_space<vmem>>, %arg13: memref<51200x32xf32, #tpu.memory_space<vmem_shared>>, %arg14: memref<!tpu.dma_semaphore, #tpu.memory_space<semaphore_mem>>) attributes {dimension_semantics = [#tpu.dimension_semantics<core_parallel>, #tpu.dimension_semantics<subcore_parallel>], iteration_bounds = array<i64: 2, 16>, scalar_prefetch = 0 : i64, scratch_operands = 7 : i64, tpu.core_type = #tpu.core_type<sc_vector_subcore>, window_params = [{transform_indices = #map}, {transform_indices = #map}, {transform_indices = #map}, {transform_indices = #map}, {transform_indices = #map}, {transform_indices = #map}]} {
    %mul3A = arith.constant 3200 : i32
    %mul3A_0 = arith.muli %arg1, %mul3A : i32
    %scan3A = arith.constant 0 : i32
    %scan3A_1 = arith.constant 128 : i32
    %scan3A_2 = arith.addi %scan3A, %scan3A_1 : i32
    %scan3A_3 = arith.constant 1 : i32
    scf.for %scan3A_30 = %scan3A to %scan3A_2 step %scan3A_3  : i32 {
      %mul3A_31 = arith.constant 1 : i32
      %mul3A_32 = arith.muli %scan3A_30, %mul3A_31 : i32
      %add3A_33 = arith.constant 0 : i32
      %add3A_34 = arith.addi %add3A_33, %mul3A_32 : i32
      %broadcast_in_dim3A = arith.constant 0.000000e+00 : f32
      %broadcast_in_dim3A_35 = vector.broadcast %broadcast_in_dim3A : f32 to vector<16xf32>
      %swap3A = arith.index_cast %add3A_34 : i32 to index
      %swap3A_36 = arith.constant 0 : index
      %swap3A_37 = tpu.vector_load %arg12[%swap3A, %swap3A_36] {strides = array<i32>} : memref<128x32xf32, #tpu.memory_space<vmem>>, vector<1x16xf32>,
      %swap3A_38 = vector.shape_cast %swap3A_37 : vector<1x16xf32> to vector<16xf32>
      %swap3A_39 = vector.shape_cast %broadcast_in_dim3A_35 : vector<16xf32> to vector<1x16xf32>
      tpu.vector_store %arg12[%swap3A, %swap3A_36], %swap3A_39 {strides = array<i32>} : memref<128x32xf32, #tpu.memory_space<vmem>>, vector<1x16xf32>,
      %broadcast_in_dim3A_40 = arith.constant 0.000000e+00 : f32
      %broadcast_in_dim3A_41 = vector.broadcast %broadcast_in_dim3A_40 : f32 to vector<16xf32>
      %swap3A_42 = arith.index_cast %add3A_34 : i32 to index
      %swap3A_43 = arith.constant 16 : index
      %swap3A_44 = tpu.vector_load %arg12[%swap3A_42, %swap3A_43] {strides = array<i32>} : memref<128x32xf32, #tpu.memory_space<vmem>>, vector<1x16xf32>,
      %swap3A_45 = vector.shape_cast %swap3A_44 : vector<1x16xf32> to vector<16xf32>
      %swap3A_46 = vector.shape_cast %broadcast_in_dim3A_41 : vector<16xf32> to vector<1x16xf32>
      tpu.vector_store %arg12[%swap3A_42, %swap3A_43], %swap3A_46 {strides = array<i32>} : memref<128x32xf32, #tpu.memory_space<vmem>>, vector<1x16xf32>,
    }
    %scan3A_4 = arith.constant 128 : i32
    %scan3A_5 = arith.constant 0 : i32
    %scan3A_6 = arith.constant 4 : i32
    %scan3A_7 = arith.addi %scan3A_5, %scan3A_6 : i32
    %scan3A_8 = arith.constant 1 : i32
    scf.for %scan3A_30 = %scan3A_5 to %scan3A_7 step %scan3A_8  : i32 {
      %mul3A_31 = arith.constant 1 : i32
      %mul3A_32 = arith.muli %scan3A_30, %mul3A_31 : i32
      %add3A_33 = arith.constant 0 : i32
      %add3A_34 = arith.addi %add3A_33, %mul3A_32 : i32
      %mul3A_35 = arith.constant 32 : i32
      %mul3A_36 = arith.muli %arg1, %mul3A_35 : i32
      %mul3A_37 = arith.constant 8 : i32
      %mul3A_38 = arith.muli %add3A_34, %mul3A_37 : i32
      %add3A_39 = arith.addi %mul3A_36, %mul3A_38 : i32
      "tpu.region"() ({
        %run_scoped3A = tpu.sem_alloc : memref<!tpu.dma_semaphore, #tpu.memory_space<semaphore_mem>>
        %dma_start3A = arith.constant 0 : i32
        %dma_start3A_45 = tpu.memref_slice %arg6[%add3A_39, %dma_start3A] : memref<512x128xi32, #tpu.memory_space<hbm>> -> memref<8x128xi32, #tpu.memory_space<hbm>>
        %dma_start3A_46 = arith.constant 0 : i32
        %dma_start3A_47 = tpu.memref_slice %arg6[%add3A_39, %dma_start3A_46] : memref<512x128xi32, #tpu.memory_space<hbm>> -> memref<8x128xi32, #tpu.memory_space<hbm>>
        tpu.enqueue_dma source(%dma_start3A_47 : memref<8x128xi32, #tpu.memory_space<hbm>>) target(%arg9 : memref<8x128xi32, #tpu.memory_space<vmem>>) target_semaphore(%run_scoped3A : memref<!tpu.dma_semaphore, #tpu.memory_space<semaphore_mem>>)
        %dma_wait3A = arith.constant 0 : i32
        %dma_wait3A_48 = tpu.memref_slice %arg6[%add3A_39, %dma_wait3A] : memref<512x128xi32, #tpu.memory_space<hbm>> -> memref<8x128xi32, #tpu.memory_space<hbm>>
        %dma_wait3A_49 = arith.constant 0 : i32
        %dma_wait3A_50 = tpu.memref_slice %arg6[%add3A_39, %dma_wait3A_49] : memref<512x128xi32, #tpu.memory_space<hbm>> -> memref<8x128xi32, #tpu.memory_space<hbm>>
        tpu.wait_dma2 semaphore(%run_scoped3A : memref<!tpu.dma_semaphore, #tpu.memory_space<semaphore_mem>>) src(%dma_wait3A_50 : memref<8x128xi32, #tpu.memory_space<hbm>>) dst(%arg9 : memref<8x128xi32, #tpu.memory_space<vmem>>)
        tpu.yield
      }) : () -> ()
      %scan3A_40 = arith.constant 0 : i32
      %scan3A_41 = arith.constant 8 : i32
      %scan3A_42 = arith.addi %scan3A_40, %scan3A_41 : i32
      %scan3A_43 = arith.constant 1 : i32
      scf.for %scan3A_45 = %scan3A_40 to %scan3A_42 step %scan3A_43  : i32 {
        %mul3A_46 = arith.constant 1 : i32
        %mul3A_47 = arith.muli %scan3A_45, %mul3A_46 : i32
        %add3A_48 = arith.constant 0 : i32
        %add3A_49 = arith.addi %add3A_48, %mul3A_47 : i32
        "tpu.region"() ({
          %run_scoped3A = tpu.sem_alloc : memref<!tpu.dma_semaphore, #tpu.memory_space<semaphore_mem>>
          %dma_start3A = arith.constant 0 : i32
          %dma_start3A_50 = tpu.memref_slice %arg9[%add3A_49, %dma_start3A] : memref<8x128xi32, #tpu.memory_space<vmem>> -> memref<1x128xi32, #tpu.memory_space<vmem>>
          %dma_start3A_51 = tpu.memref_squeeze %dma_start3A_50 : memref<1x128xi32, #tpu.memory_space<vmem>> -> memref<128xi32, #tpu.memory_space<vmem>>
          %dma_start3A_52 = arith.constant 0 : i32
          %dma_start3A_53 = arith.constant 0 : i32
          %dma_start3A_54 = tpu.memref_slice %arg13[%dma_start3A_52, %dma_start3A_53] : memref<51200x32xf32, #tpu.memory_space<vmem_shared>> -> memref<51200x32xf32, #tpu.memory_space<vmem_shared>>
          tpu.enqueue_indirect_dma source(%arg12 : memref<128x32xf32, #tpu.memory_space<vmem>>) target(%dma_start3A_54 : memref<51200x32xf32, #tpu.memory_space<vmem_shared>>) offsets(%dma_start3A_51 : memref<128xi32, #tpu.memory_space<vmem>>) semaphore(%run_scoped3A : memref<!tpu.dma_semaphore, #tpu.memory_space<semaphore_mem>>)
          %dma_wait3A = arith.constant 0 : i32
          %dma_wait3A_55 = tpu.memref_slice %arg9[%add3A_49, %dma_wait3A] : memref<8x128xi32, #tpu.memory_space<vmem>> -> memref<1x128xi32, #tpu.memory_space<vmem>>
          %dma_wait3A_56 = tpu.memref_squeeze %dma_wait3A_55 : memref<1x128xi32, #tpu.memory_space<vmem>> -> memref<128xi32, #tpu.memory_space<vmem>>
          %dma_wait3A_57 = arith.constant 0 : i32
          %dma_wait3A_58 = arith.constant 0 : i32
          %dma_wait3A_59 = tpu.memref_slice %arg13[%dma_wait3A_57, %dma_wait3A_58] : memref<51200x32xf32, #tpu.memory_space<vmem_shared>> -> memref<51200x32xf32, #tpu.memory_space<vmem_shared>>
          tpu.wait_indirect_dma semaphore(%run_scoped3A : memref<!tpu.dma_semaphore, #tpu.memory_space<semaphore_mem>>) src(%arg12 : memref<128x32xf32, #tpu.memory_space<vmem>>) dst(%dma_wait3A_59 : memref<51200x32xf32, #tpu.memory_space<vmem_shared>>)
          tpu.yield
        }) : () -> ()
      }
      %scan3A_44 = arith.constant 8 : i32
    }
    %scan3A_9 = arith.constant 4 : i32
    %barrier3A = arith.constant 0 : index
    tpu.barrier barrier_id(%barrier3A)
    %add3A = arith.constant 2 : i32
    %add3A_10 = arith.addi %add3A, %arg0 : i32
    %mul3A_11 = arith.constant 200704 : i32
    %mul3A_12 = arith.muli %add3A_10, %mul3A_11 : i32
    %mul3A_13 = arith.constant 12544 : i32
    %mul3A_14 = arith.muli %arg1, %mul3A_13 : i32
    %add3A_15 = arith.addi %mul3A_12, %mul3A_14 : i32
    %scan3A_16 = arith.constant 0 : i32
    %scan3A_17 = arith.constant 49 : i32
    %scan3A_18 = arith.addi %scan3A_16, %scan3A_17 : i32
    %scan3A_19 = arith.constant 1 : i32
    scf.for %scan3A_30 = %scan3A_16 to %scan3A_18 step %scan3A_19  : i32 {
      %mul3A_31 = arith.constant 1 : i32
      %mul3A_32 = arith.muli %scan3A_30, %mul3A_31 : i32
      %add3A_33 = arith.constant 0 : i32
      %add3A_34 = arith.addi %add3A_33, %mul3A_32 : i32
      %mul3A_35 = arith.constant 392 : i32
      %mul3A_36 = arith.muli %arg1, %mul3A_35 : i32
      %mul3A_37 = arith.constant 8 : i32
      %mul3A_38 = arith.muli %add3A_34, %mul3A_37 : i32
      %add3A_39 = arith.addi %mul3A_36, %mul3A_38 : i32
      "tpu.region"() ({
        %run_scoped3A = tpu.sem_alloc : memref<!tpu.dma_semaphore, #tpu.memory_space<semaphore_mem>>
        %dma_start3A = arith.constant 0 : i32
        %dma_start3A_45 = tpu.memref_slice %arg4[%add3A_39, %dma_start3A] : memref<6272x128xi32, #tpu.memory_space<hbm>> -> memref<8x128xi32, #tpu.memory_space<hbm>>
        %dma_start3A_46 = arith.constant 0 : i32
        %dma_start3A_47 = tpu.memref_slice %arg4[%add3A_39, %dma_start3A_46] : memref<6272x128xi32, #tpu.memory_space<hbm>> -> memref<8x128xi32, #tpu.memory_space<hbm>>
        tpu.enqueue_dma source(%dma_start3A_47 : memref<8x128xi32, #tpu.memory_space<hbm>>) target(%arg8 : memref<8x128xi32, #tpu.memory_space<vmem>>) target_semaphore(%run_scoped3A : memref<!tpu.dma_semaphore, #tpu.memory_space<semaphore_mem>>)
        %dma_wait3A = arith.constant 0 : i32
        %dma_wait3A_48 = tpu.memref_slice %arg4[%add3A_39, %dma_wait3A] : memref<6272x128xi32, #tpu.memory_space<hbm>> -> memref<8x128xi32, #tpu.memory_space<hbm>>
        %dma_wait3A_49 = arith.constant 0 : i32
        %dma_wait3A_50 = tpu.memref_slice %arg4[%add3A_39, %dma_wait3A_49] : memref<6272x128xi32, #tpu.memory_space<hbm>> -> memref<8x128xi32, #tpu.memory_space<hbm>>
        tpu.wait_dma2 semaphore(%run_scoped3A : memref<!tpu.dma_semaphore, #tpu.memory_space<semaphore_mem>>) src(%dma_wait3A_50 : memref<8x128xi32, #tpu.memory_space<hbm>>) dst(%arg8 : memref<8x128xi32, #tpu.memory_space<vmem>>)
        tpu.yield
      }) : () -> ()
      "tpu.region"() ({
        %run_scoped3A = tpu.sem_alloc : memref<!tpu.dma_semaphore, #tpu.memory_space<semaphore_mem>>
        %dma_start3A = arith.constant 0 : i32
        %dma_start3A_45 = tpu.memref_slice %arg5[%add3A_39, %dma_start3A] : memref<6272x128xi32, #tpu.memory_space<hbm>> -> memref<8x128xi32, #tpu.memory_space<hbm>>
        %dma_start3A_46 = arith.constant 0 : i32
        %dma_start3A_47 = tpu.memref_slice %arg5[%add3A_39, %dma_start3A_46] : memref<6272x128xi32, #tpu.memory_space<hbm>> -> memref<8x128xi32, #tpu.memory_space<hbm>>
        tpu.enqueue_dma source(%dma_start3A_47 : memref<8x128xi32, #tpu.memory_space<hbm>>) target(%arg9 : memref<8x128xi32, #tpu.memory_space<vmem>>) target_semaphore(%run_scoped3A : memref<!tpu.dma_semaphore, #tpu.memory_space<semaphore_mem>>)
        %dma_wait3A = arith.constant 0 : i32
        %dma_wait3A_48 = tpu.memref_slice %arg5[%add3A_39, %dma_wait3A] : memref<6272x128xi32, #tpu.memory_space<hbm>> -> memref<8x128xi32, #tpu.memory_space<hbm>>
        %dma_wait3A_49 = arith.constant 0 : i32
        %dma_wait3A_50 = tpu.memref_slice %arg5[%add3A_39, %dma_wait3A_49] : memref<6272x128xi32, #tpu.memory_space<hbm>> -> memref<8x128xi32, #tpu.memory_space<hbm>>
        tpu.wait_dma2 semaphore(%run_scoped3A : memref<!tpu.dma_semaphore, #tpu.memory_space<semaphore_mem>>) src(%dma_wait3A_50 : memref<8x128xi32, #tpu.memory_space<hbm>>) dst(%arg9 : memref<8x128xi32, #tpu.memory_space<vmem>>)
        tpu.yield
      }) : () -> ()
      %scan3A_40 = arith.constant 0 : i32
      %scan3A_41 = arith.constant 8 : i32
      %scan3A_42 = arith.addi %scan3A_40, %scan3A_41 : i32
      %scan3A_43 = arith.constant 1 : i32
      scf.for %scan3A_45 = %scan3A_40 to %scan3A_42 step %scan3A_43  : i32 {
        %mul3A_46 = arith.constant 1 : i32
        %mul3A_47 = arith.muli %scan3A_45, %mul3A_46 : i32
        %add3A_48 = arith.constant 0 : i32
        %add3A_49 = arith.addi %add3A_48, %mul3A_47 : i32
        %mul3A_50 = arith.constant 8 : i32
        %mul3A_51 = arith.muli %add3A_34, %mul3A_50 : i32
        %add3A_52 = arith.addi %mul3A_51, %add3A_49 : i32
        %mul3A_53 = arith.constant 32 : i32
        %mul3A_54 = arith.muli %add3A_52, %mul3A_53 : i32
        %add3A_55 = arith.addi %add3A_15, %mul3A_54 : i32
        "tpu.region"() ({
          %run_scoped3A = tpu.sem_alloc : memref<!tpu.dma_semaphore, #tpu.memory_space<semaphore_mem>>
          %dma_start3A_151 = arith.constant 0 : i32
          %dma_start3A_152 = tpu.memref_slice %arg3[%add3A_55, %dma_start3A_151] : memref<1204224x128xf32, #tpu.memory_space<hbm>> -> memref<32x128xf32, #tpu.memory_space<hbm>>
          %dma_start3A_153 = arith.constant 0 : i32
          %dma_start3A_154 = tpu.memref_slice %arg3[%add3A_55, %dma_start3A_153] : memref<1204224x128xf32, #tpu.memory_space<hbm>> -> memref<32x128xf32, #tpu.memory_space<hbm>>
          tpu.enqueue_dma source(%dma_start3A_154 : memref<32x128xf32, #tpu.memory_space<hbm>>) target(%arg11 : memref<32x128xf32, #tpu.memory_space<vmem>>) target_semaphore(%run_scoped3A : memref<!tpu.dma_semaphore, #tpu.memory_space<semaphore_mem>>)
          %dma_wait3A_155 = arith.constant 0 : i32
          %dma_wait3A_156 = tpu.memref_slice %arg3[%add3A_55, %dma_wait3A_155] : memref<1204224x128xf32, #tpu.memory_space<hbm>> -> memref<32x128xf32, #tpu.memory_space<hbm>>
          %dma_wait3A_157 = arith.constant 0 : i32
          %dma_wait3A_158 = tpu.memref_slice %arg3[%add3A_55, %dma_wait3A_157] : memref<1204224x128xf32, #tpu.memory_space<hbm>> -> memref<32x128xf32, #tpu.memory_space<hbm>>
          tpu.wait_dma2 semaphore(%run_scoped3A : memref<!tpu.dma_semaphore, #tpu.memory_space<semaphore_mem>>) src(%dma_wait3A_158 : memref<32x128xf32, #tpu.memory_space<hbm>>) dst(%arg11 : memref<32x128xf32, #tpu.memory_space<vmem>>)
          tpu.yield
        }) : () -> ()
        %dma_start3A = arith.constant 0 : i32
        %dma_start3A_56 = tpu.memref_slice %arg8[%add3A_49, %dma_start3A] : memref<8x128xi32, #tpu.memory_space<vmem>> -> memref<1x32xi32, #tpu.memory_space<vmem>>
        %dma_start3A_57 = tpu.memref_squeeze %dma_start3A_56 : memref<1x32xi32, #tpu.memory_space<vmem>> -> memref<32xi32, #tpu.memory_space<vmem>>
        %dma_start3A_58 = arith.constant 0 : i32
        %dma_start3A_59 = arith.constant 0 : i32
        %dma_start3A_60 = tpu.memref_slice %arg2[%dma_start3A_58, %dma_start3A_59] : memref<50000x128xf32, #tpu.memory_space<hbm>> -> memref<50000x128xf32, #tpu.memory_space<hbm>>
        tpu.enqueue_indirect_dma source(%dma_start3A_60 : memref<50000x128xf32, #tpu.memory_space<hbm>>) target(%arg10 : memref<32x128xf32, #tpu.memory_space<vmem>>) offsets(%dma_start3A_57 : memref<32xi32, #tpu.memory_space<vmem>>) semaphore(%arg14 : memref<!tpu.dma_semaphore, #tpu.memory_space<semaphore_mem>>)
        %dma_wait3A = arith.constant 0 : i32
        %dma_wait3A_61 = tpu.memref_slice %arg8[%add3A_49, %dma_wait3A] : memref<8x128xi32, #tpu.memory_space<vmem>> -> memref<1x32xi32, #tpu.memory_space<vmem>>
        %dma_wait3A_62 = tpu.memref_squeeze %dma_wait3A_61 : memref<1x32xi32, #tpu.memory_space<vmem>> -> memref<32xi32, #tpu.memory_space<vmem>>
        %dma_wait3A_63 = arith.constant 0 : i32
        %dma_wait3A_64 = arith.constant 0 : i32
        %dma_wait3A_65 = tpu.memref_slice %arg2[%dma_wait3A_63, %dma_wait3A_64] : memref<50000x128xf32, #tpu.memory_space<hbm>> -> memref<50000x128xf32, #tpu.memory_space<hbm>>
        tpu.wait_indirect_dma semaphore(%arg14 : memref<!tpu.dma_semaphore, #tpu.memory_space<semaphore_mem>>) src(%dma_wait3A_65 : memref<50000x128xf32, #tpu.memory_space<hbm>>) dst(%arg10 : memref<32x128xf32, #tpu.memory_space<vmem>>)
        %eq3A = arith.constant 0 : i32
        %eq3A_66 = arith.cmpi eq, %arg0, %eq3A : i32
        %convert_element_type3A = arith.extui %eq3A_66 : i1 to i32
        %cond3A = arith.constant 0 : i32
        %cond3A_67 = arith.cmpi ne, %convert_element_type3A, %cond3A : i32
        scf.if %cond3A_67 {
          %scan3A_151 = arith.constant 0 : i32
          %scan3A_152 = arith.constant 32 : i32
          %scan3A_153 = arith.addi %scan3A_151, %scan3A_152 : i32
          %scan3A_154 = arith.constant 1 : i32
          scf.for %scan3A_156 = %scan3A_151 to %scan3A_153 step %scan3A_154  : i32 {
            %mul3A_157 = arith.constant 1 : i32
            %mul3A_158 = arith.muli %scan3A_156, %mul3A_157 : i32
            %add3A_159 = arith.constant 0 : i32
            %add3A_160 = arith.addi %add3A_159, %mul3A_158 : i32
            %add3A_161 = arith.constant 0 : i32
            %add3A_162 = arith.addi %add3A_161, %add3A_160 : i32
            %jit3A = arith.constant 4 : i32
            %div3A = arith.divsi %add3A_160, %jit3A : i32
            %sign3A = arith.constant 0 : i32
            %sign3A_163 = arith.cmpi sgt, %add3A_160, %sign3A : i32
            %sign3A_164 = arith.extui %sign3A_163 : i1 to i32
            %sign3A_165 = arith.constant 0 : i32
            %sign3A_166 = arith.cmpi slt, %add3A_160, %sign3A_165 : i32
            %sign3A_167 = arith.extui %sign3A_166 : i1 to i32
            %sign3A_168 = arith.subi %sign3A_164, %sign3A_167 : i32
            %sign3A_169 = arith.constant 0 : i32
            %sign3A_170 = arith.cmpi sgt, %jit3A, %sign3A_169 : i32
            %sign3A_171 = arith.extui %sign3A_170 : i1 to i32
            %sign3A_172 = arith.constant 0 : i32
            %sign3A_173 = arith.cmpi slt, %jit3A, %sign3A_172 : i32
            %sign3A_174 = arith.extui %sign3A_173 : i1 to i32
            %sign3A_175 = arith.subi %sign3A_171, %sign3A_174 : i32
            %ne3A = arith.cmpi ne, %sign3A_168, %sign3A_175 : i32
            %rem3A = arith.remsi %add3A_160, %jit3A : i32
            %ne3A_176 = arith.constant 0 : i32
            %ne3A_177 = arith.cmpi ne, %rem3A, %ne3A_176 : i32
            %and3A = arith.andi %ne3A, %ne3A_177 : i1
            %sub3A = arith.constant 1 : i32
            %sub3A_178 = arith.subi %div3A, %sub3A : i32
            %select_n3A = arith.select %and3A, %sub3A_178, %div3A : i32
            %add3A_179 = arith.constant 0 : i32
            %add3A_180 = arith.addi %add3A_179, %select_n3A : i32
            %jit3A_181 = arith.constant 4 : i32
            %eq3A_182 = arith.constant 0 : i32
            %eq3A_183 = arith.cmpi eq, %jit3A_181, %eq3A_182 : i32
            %jit3A_184 = arith.constant 1 : i32
            %select_n3A_185 = arith.select %eq3A_183, %jit3A_184, %jit3A_181 : i32
            %rem3A_186 = arith.remsi %add3A_160, %select_n3A_185 : i32
            %ne3A_187 = arith.constant 0 : i32
            %ne3A_188 = arith.cmpi ne, %rem3A_186, %ne3A_187 : i32
            %lt3A = arith.constant 0 : i32
            %lt3A_189 = arith.cmpi slt, %rem3A_186, %lt3A : i32
            %lt3A_190 = arith.constant 0 : i32
            %lt3A_191 = arith.cmpi slt, %select_n3A_185, %lt3A_190 : i32
            %ne3A_192 = arith.xori %lt3A_189, %lt3A_191 : i1
            %and3A_193 = arith.andi %ne3A_192, %ne3A_188 : i1
            %add3A_194 = arith.addi %rem3A_186, %select_n3A_185 : i32
            %select_n3A_195 = arith.select %and3A_193, %add3A_194, %rem3A_186 : i32
            %mul3A_196 = arith.constant 32 : i32
            %mul3A_197 = arith.muli %select_n3A_195, %mul3A_196 : i32
            %get3A = arith.index_cast %add3A_160 : i32 to index
            %get3A_198 = arith.constant 0 : index
            %get3A_199 = tpu.vector_load %arg10[%get3A, %get3A_198] {strides = array<i32>} : memref<32x128xf32, #tpu.memory_space<vmem>>, vector<1x16xf32>,
            %get3A_200 = vector.shape_cast %get3A_199 : vector<1x16xf32> to vector<16xf32>
            %get3A_201 = arith.index_cast %add3A_180 : i32 to index
            %get3A_202 = arith.index_cast %mul3A_197 : i32 to index
            %get3A_203 = tpu.vector_load %arg11[%get3A_201, %get3A_202] {strides = array<i32>} : memref<32x128xf32, #tpu.memory_space<vmem>>, vector<1x16xf32>,
            %get3A_204 = vector.shape_cast %get3A_203 : vector<1x16xf32> to vector<16xf32>
            %mul3A_205 = arith.mulf %get3A_200, %get3A_204 : vector<16xf32>
            %swap3A = arith.index_cast %add3A_162 : i32 to index
            %swap3A_206 = arith.constant 0 : index
            %swap3A_207 = tpu.vector_load %arg12[%swap3A, %swap3A_206] {strides = array<i32>} : memref<128x32xf32, #tpu.memory_space<vmem>>, vector<1x16xf32>,
            %swap3A_208 = vector.shape_cast %swap3A_207 : vector<1x16xf32> to vector<16xf32>
            %swap3A_209 = vector.shape_cast %mul3A_205 : vector<16xf32> to vector<1x16xf32>
            tpu.vector_store %arg12[%swap3A, %swap3A_206], %swap3A_209 {strides = array<i32>} : memref<128x32xf32, #tpu.memory_space<vmem>>, vector<1x16xf32>,
            %get3A_210 = arith.index_cast %add3A_160 : i32 to index
            %get3A_211 = arith.constant 16 : index
            %get3A_212 = tpu.vector_load %arg10[%get3A_210, %get3A_211] {strides = array<i32>} : memref<32x128xf32, #tpu.memory_space<vmem>>, vector<1x16xf32>,
            %get3A_213 = vector.shape_cast %get3A_212 : vector<1x16xf32> to vector<16xf32>
            %add3A_214 = arith.constant 16 : i32
            %add3A_215 = arith.addi %mul3A_197, %add3A_214 : i32
            %get3A_216 = arith.index_cast %add3A_180 : i32 to index
            %get3A_217 = arith.index_cast %add3A_215 : i32 to index
            %get3A_218 = tpu.vector_load %arg11[%get3A_216, %get3A_217] {strides = array<i32>} : memref<32x128xf32, #tpu.memory_space<vmem>>, vector<1x16xf32>,
            %get3A_219 = vector.shape_cast %get3A_218 : vector<1x16xf32> to vector<16xf32>
            %mul3A_220 = arith.mulf %get3A_213, %get3A_219 : vector<16xf32>
            %swap3A_221 = arith.index_cast %add3A_162 : i32 to index
            %swap3A_222 = arith.constant 16 : index
            %swap3A_223 = tpu.vector_load %arg12[%swap3A_221, %swap3A_222] {strides = array<i32>} : memref<128x32xf32, #tpu.memory_space<vmem>>, vector<1x16xf32>,
            %swap3A_224 = vector.shape_cast %swap3A_223 : vector<1x16xf32> to vector<16xf32>
            %swap3A_225 = vector.shape_cast %mul3A_220 : vector<16xf32> to vector<1x16xf32>
            tpu.vector_store %arg12[%swap3A_221, %swap3A_222], %swap3A_225 {strides = array<i32>} : memref<128x32xf32, #tpu.memory_space<vmem>>, vector<1x16xf32>,
          }
          %scan3A_155 = arith.constant 32 : i32
        } else {
        }
        %eq3A_68 = arith.constant 1 : i32
        %eq3A_69 = arith.cmpi eq, %arg0, %eq3A_68 : i32
        %convert_element_type3A_70 = arith.extui %eq3A_69 : i1 to i32
        %cond3A_71 = arith.constant 0 : i32
        %cond3A_72 = arith.cmpi ne, %convert_element_type3A_70, %cond3A_71 : i32
        scf.if %cond3A_72 {
          %scan3A_151 = arith.constant 0 : i32
          %scan3A_152 = arith.constant 32 : i32
          %scan3A_153 = arith.addi %scan3A_151, %scan3A_152 : i32
          %scan3A_154 = arith.constant 1 : i32
          scf.for %scan3A_156 = %scan3A_151 to %scan3A_153 step %scan3A_154  : i32 {
            %mul3A_157 = arith.constant 1 : i32
            %mul3A_158 = arith.muli %scan3A_156, %mul3A_157 : i32
            %add3A_159 = arith.constant 0 : i32
            %add3A_160 = arith.addi %add3A_159, %mul3A_158 : i32
            %add3A_161 = arith.constant 0 : i32
            %add3A_162 = arith.addi %add3A_161, %add3A_160 : i32
            %jit3A = arith.constant 4 : i32
            %div3A = arith.divsi %add3A_160, %jit3A : i32
            %sign3A = arith.constant 0 : i32
            %sign3A_163 = arith.cmpi sgt, %add3A_160, %sign3A : i32
            %sign3A_164 = arith.extui %sign3A_163 : i1 to i32
            %sign3A_165 = arith.constant 0 : i32
            %sign3A_166 = arith.cmpi slt, %add3A_160, %sign3A_165 : i32
            %sign3A_167 = arith.extui %sign3A_166 : i1 to i32
            %sign3A_168 = arith.subi %sign3A_164, %sign3A_167 : i32
            %sign3A_169 = arith.constant 0 : i32
            %sign3A_170 = arith.cmpi sgt, %jit3A, %sign3A_169 : i32
            %sign3A_171 = arith.extui %sign3A_170 : i1 to i32
            %sign3A_172 = arith.constant 0 : i32
            %sign3A_173 = arith.cmpi slt, %jit3A, %sign3A_172 : i32
            %sign3A_174 = arith.extui %sign3A_173 : i1 to i32
            %sign3A_175 = arith.subi %sign3A_171, %sign3A_174 : i32
            %ne3A = arith.cmpi ne, %sign3A_168, %sign3A_175 : i32
            %rem3A = arith.remsi %add3A_160, %jit3A : i32
            %ne3A_176 = arith.constant 0 : i32
            %ne3A_177 = arith.cmpi ne, %rem3A, %ne3A_176 : i32
            %and3A = arith.andi %ne3A, %ne3A_177 : i1
            %sub3A = arith.constant 1 : i32
            %sub3A_178 = arith.subi %div3A, %sub3A : i32
            %select_n3A = arith.select %and3A, %sub3A_178, %div3A : i32
            %add3A_179 = arith.constant 0 : i32
            %add3A_180 = arith.addi %add3A_179, %select_n3A : i32
            %jit3A_181 = arith.constant 4 : i32
            %eq3A_182 = arith.constant 0 : i32
            %eq3A_183 = arith.cmpi eq, %jit3A_181, %eq3A_182 : i32
            %jit3A_184 = arith.constant 1 : i32
            %select_n3A_185 = arith.select %eq3A_183, %jit3A_184, %jit3A_181 : i32
            %rem3A_186 = arith.remsi %add3A_160, %select_n3A_185 : i32
            %ne3A_187 = arith.constant 0 : i32
            %ne3A_188 = arith.cmpi ne, %rem3A_186, %ne3A_187 : i32
            %lt3A = arith.constant 0 : i32
            %lt3A_189 = arith.cmpi slt, %rem3A_186, %lt3A : i32
            %lt3A_190 = arith.constant 0 : i32
            %lt3A_191 = arith.cmpi slt, %select_n3A_185, %lt3A_190 : i32
            %ne3A_192 = arith.xori %lt3A_189, %lt3A_191 : i1
            %and3A_193 = arith.andi %ne3A_192, %ne3A_188 : i1
            %add3A_194 = arith.addi %rem3A_186, %select_n3A_185 : i32
            %select_n3A_195 = arith.select %and3A_193, %add3A_194, %rem3A_186 : i32
            %mul3A_196 = arith.constant 32 : i32
            %mul3A_197 = arith.muli %select_n3A_195, %mul3A_196 : i32
            %get3A = arith.index_cast %add3A_160 : i32 to index
            %get3A_198 = arith.constant 32 : index
            %get3A_199 = tpu.vector_load %arg10[%get3A, %get3A_198] {strides = array<i32>} : memref<32x128xf32, #tpu.memory_space<vmem>>, vector<1x16xf32>,
            %get3A_200 = vector.shape_cast %get3A_199 : vector<1x16xf32> to vector<16xf32>
            %get3A_201 = arith.index_cast %add3A_180 : i32 to index
            %get3A_202 = arith.index_cast %mul3A_197 : i32 to index
            %get3A_203 = tpu.vector_load %arg11[%get3A_201, %get3A_202] {strides = array<i32>} : memref<32x128xf32, #tpu.memory_space<vmem>>, vector<1x16xf32>,
            %get3A_204 = vector.shape_cast %get3A_203 : vector<1x16xf32> to vector<16xf32>
            %mul3A_205 = arith.mulf %get3A_200, %get3A_204 : vector<16xf32>
            %swap3A = arith.index_cast %add3A_162 : i32 to index
            %swap3A_206 = arith.constant 0 : index
            %swap3A_207 = tpu.vector_load %arg12[%swap3A, %swap3A_206] {strides = array<i32>} : memref<128x32xf32, #tpu.memory_space<vmem>>, vector<1x16xf32>,
            %swap3A_208 = vector.shape_cast %swap3A_207 : vector<1x16xf32> to vector<16xf32>
            %swap3A_209 = vector.shape_cast %mul3A_205 : vector<16xf32> to vector<1x16xf32>
            tpu.vector_store %arg12[%swap3A, %swap3A_206], %swap3A_209 {strides = array<i32>} : memref<128x32xf32, #tpu.memory_space<vmem>>, vector<1x16xf32>,
            %get3A_210 = arith.index_cast %add3A_160 : i32 to index
            %get3A_211 = arith.constant 48 : index
            %get3A_212 = tpu.vector_load %arg10[%get3A_210, %get3A_211] {strides = array<i32>} : memref<32x128xf32, #tpu.memory_space<vmem>>, vector<1x16xf32>,
            %get3A_213 = vector.shape_cast %get3A_212 : vector<1x16xf32> to vector<16xf32>
            %add3A_214 = arith.constant 16 : i32
            %add3A_215 = arith.addi %mul3A_197, %add3A_214 : i32
            %get3A_216 = arith.index_cast %add3A_180 : i32 to index
            %get3A_217 = arith.index_cast %add3A_215 : i32 to index
            %get3A_218 = tpu.vector_load %arg11[%get3A_216, %get3A_217] {strides = array<i32>} : memref<32x128xf32, #tpu.memory_space<vmem>>, vector<1x16xf32>,
            %get3A_219 = vector.shape_cast %get3A_218 : vector<1x16xf32> to vector<16xf32>
            %mul3A_220 = arith.mulf %get3A_213, %get3A_219 : vector<16xf32>
            %swap3A_221 = arith.index_cast %add3A_162 : i32 to index
            %swap3A_222 = arith.constant 16 : index
            %swap3A_223 = tpu.vector_load %arg12[%swap3A_221, %swap3A_222] {strides = array<i32>} : memref<128x32xf32, #tpu.memory_space<vmem>>, vector<1x16xf32>,
            %swap3A_224 = vector.shape_cast %swap3A_223 : vector<1x16xf32> to vector<16xf32>
            %swap3A_225 = vector.shape_cast %mul3A_220 : vector<16xf32> to vector<1x16xf32>
            tpu.vector_store %arg12[%swap3A_221, %swap3A_222], %swap3A_225 {strides = array<i32>} : memref<128x32xf32, #tpu.memory_space<vmem>>, vector<1x16xf32>,
          }
          %scan3A_155 = arith.constant 32 : i32
        } else {
        }
        %dma_start3A_73 = arith.constant 32 : i32
        %dma_start3A_74 = tpu.memref_slice %arg8[%add3A_49, %dma_start3A_73] : memref<8x128xi32, #tpu.memory_space<vmem>> -> memref<1x32xi32, #tpu.memory_space<vmem>>
        %dma_start3A_75 = tpu.memref_squeeze %dma_start3A_74 : memref<1x32xi32, #tpu.memory_space<vmem>> -> memref<32xi32, #tpu.memory_space<vmem>>
        %dma_start3A_76 = arith.constant 0 : i32
        %dma_start3A_77 = arith.constant 0 : i32
        %dma_start3A_78 = tpu.memref_slice %arg2[%dma_start3A_76, %dma_start3A_77] : memref<50000x128xf32, #tpu.memory_space<hbm>> -> memref<50000x128xf32, #tpu.memory_space<hbm>>
        tpu.enqueue_indirect_dma source(%dma_start3A_78 : memref<50000x128xf32, #tpu.memory_space<hbm>>) target(%arg10 : memref<32x128xf32, #tpu.memory_space<vmem>>) offsets(%dma_start3A_75 : memref<32xi32, #tpu.memory_space<vmem>>) semaphore(%arg14 : memref<!tpu.dma_semaphore, #tpu.memory_space<semaphore_mem>>)
        %dma_wait3A_79 = arith.constant 32 : i32
        %dma_wait3A_80 = tpu.memref_slice %arg8[%add3A_49, %dma_wait3A_79] : memref<8x128xi32, #tpu.memory_space<vmem>> -> memref<1x32xi32, #tpu.memory_space<vmem>>
        %dma_wait3A_81 = tpu.memref_squeeze %dma_wait3A_80 : memref<1x32xi32, #tpu.memory_space<vmem>> -> memref<32xi32, #tpu.memory_space<vmem>>
        %dma_wait3A_82 = arith.constant 0 : i32
        %dma_wait3A_83 = arith.constant 0 : i32
        %dma_wait3A_84 = tpu.memref_slice %arg2[%dma_wait3A_82, %dma_wait3A_83] : memref<50000x128xf32, #tpu.memory_space<hbm>> -> memref<50000x128xf32, #tpu.memory_space<hbm>>
        tpu.wait_indirect_dma semaphore(%arg14 : memref<!tpu.dma_semaphore, #tpu.memory_space<semaphore_mem>>) src(%dma_wait3A_84 : memref<50000x128xf32, #tpu.memory_space<hbm>>) dst(%arg10 : memref<32x128xf32, #tpu.memory_space<vmem>>)
        %eq3A_85 = arith.constant 0 : i32
        %eq3A_86 = arith.cmpi eq, %arg0, %eq3A_85 : i32
        %convert_element_type3A_87 = arith.extui %eq3A_86 : i1 to i32
        %cond3A_88 = arith.constant 0 : i32
        %cond3A_89 = arith.cmpi ne, %convert_element_type3A_87, %cond3A_88 : i32
        scf.if %cond3A_89 {
          %scan3A_151 = arith.constant 0 : i32
          %scan3A_152 = arith.constant 32 : i32
          %scan3A_153 = arith.addi %scan3A_151, %scan3A_152 : i32
          %scan3A_154 = arith.constant 1 : i32
          scf.for %scan3A_156 = %scan3A_151 to %scan3A_153 step %scan3A_154  : i32 {
            %mul3A_157 = arith.constant 1 : i32
            %mul3A_158 = arith.muli %scan3A_156, %mul3A_157 : i32
            %add3A_159 = arith.constant 0 : i32
            %add3A_160 = arith.addi %add3A_159, %mul3A_158 : i32
            %add3A_161 = arith.constant 32 : i32
            %add3A_162 = arith.addi %add3A_161, %add3A_160 : i32
            %jit3A = arith.constant 4 : i32
            %div3A = arith.divsi %add3A_160, %jit3A : i32
            %sign3A = arith.constant 0 : i32
            %sign3A_163 = arith.cmpi sgt, %add3A_160, %sign3A : i32
            %sign3A_164 = arith.extui %sign3A_163 : i1 to i32
            %sign3A_165 = arith.constant 0 : i32
            %sign3A_166 = arith.cmpi slt, %add3A_160, %sign3A_165 : i32
            %sign3A_167 = arith.extui %sign3A_166 : i1 to i32
            %sign3A_168 = arith.subi %sign3A_164, %sign3A_167 : i32
            %sign3A_169 = arith.constant 0 : i32
            %sign3A_170 = arith.cmpi sgt, %jit3A, %sign3A_169 : i32
            %sign3A_171 = arith.extui %sign3A_170 : i1 to i32
            %sign3A_172 = arith.constant 0 : i32
            %sign3A_173 = arith.cmpi slt, %jit3A, %sign3A_172 : i32
            %sign3A_174 = arith.extui %sign3A_173 : i1 to i32
            %sign3A_175 = arith.subi %sign3A_171, %sign3A_174 : i32
            %ne3A = arith.cmpi ne, %sign3A_168, %sign3A_175 : i32
            %rem3A = arith.remsi %add3A_160, %jit3A : i32
            %ne3A_176 = arith.constant 0 : i32
            %ne3A_177 = arith.cmpi ne, %rem3A, %ne3A_176 : i32
            %and3A = arith.andi %ne3A, %ne3A_177 : i1
            %sub3A = arith.constant 1 : i32
            %sub3A_178 = arith.subi %div3A, %sub3A : i32
            %select_n3A = arith.select %and3A, %sub3A_178, %div3A : i32
            %add3A_179 = arith.constant 8 : i32
            %add3A_180 = arith.addi %add3A_179, %select_n3A : i32
            %jit3A_181 = arith.constant 4 : i32
            %eq3A_182 = arith.constant 0 : i32
            %eq3A_183 = arith.cmpi eq, %jit3A_181, %eq3A_182 : i32
            %jit3A_184 = arith.constant 1 : i32
            %select_n3A_185 = arith.select %eq3A_183, %jit3A_184, %jit3A_181 : i32
            %rem3A_186 = arith.remsi %add3A_160, %select_n3A_185 : i32
            %ne3A_187 = arith.constant 0 : i32
            %ne3A_188 = arith.cmpi ne, %rem3A_186, %ne3A_187 : i32
            %lt3A = arith.constant 0 : i32
            %lt3A_189 = arith.cmpi slt, %rem3A_186, %lt3A : i32
            %lt3A_190 = arith.constant 0 : i32
            %lt3A_191 = arith.cmpi slt, %select_n3A_185, %lt3A_190 : i32
            %ne3A_192 = arith.xori %lt3A_189, %lt3A_191 : i1
            %and3A_193 = arith.andi %ne3A_192, %ne3A_188 : i1
            %add3A_194 = arith.addi %rem3A_186, %select_n3A_185 : i32
            %select_n3A_195 = arith.select %and3A_193, %add3A_194, %rem3A_186 : i32
            %mul3A_196 = arith.constant 32 : i32
            %mul3A_197 = arith.muli %select_n3A_195, %mul3A_196 : i32
            %get3A = arith.index_cast %add3A_160 : i32 to index
            %get3A_198 = arith.constant 0 : index
            %get3A_199 = tpu.vector_load %arg10[%get3A, %get3A_198] {strides = array<i32>} : memref<32x128xf32, #tpu.memory_space<vmem>>, vector<1x16xf32>,
            %get3A_200 = vector.shape_cast %get3A_199 : vector<1x16xf32> to vector<16xf32>
            %get3A_201 = arith.index_cast %add3A_180 : i32 to index
            %get3A_202 = arith.index_cast %mul3A_197 : i32 to index
            %get3A_203 = tpu.vector_load %arg11[%get3A_201, %get3A_202] {strides = array<i32>} : memref<32x128xf32, #tpu.memory_space<vmem>>, vector<1x16xf32>,
            %get3A_204 = vector.shape_cast %get3A_203 : vector<1x16xf32> to vector<16xf32>
            %mul3A_205 = arith.mulf %get3A_200, %get3A_204 : vector<16xf32>
            %swap3A = arith.index_cast %add3A_162 : i32 to index
            %swap3A_206 = arith.constant 0 : index
            %swap3A_207 = tpu.vector_load %arg12[%swap3A, %swap3A_206] {strides = array<i32>} : memref<128x32xf32, #tpu.memory_space<vmem>>, vector<1x16xf32>,
            %swap3A_208 = vector.shape_cast %swap3A_207 : vector<1x16xf32> to vector<16xf32>
            %swap3A_209 = vector.shape_cast %mul3A_205 : vector<16xf32> to vector<1x16xf32>
            tpu.vector_store %arg12[%swap3A, %swap3A_206], %swap3A_209 {strides = array<i32>} : memref<128x32xf32, #tpu.memory_space<vmem>>, vector<1x16xf32>,
            %get3A_210 = arith.index_cast %add3A_160 : i32 to index
            %get3A_211 = arith.constant 16 : index
            %get3A_212 = tpu.vector_load %arg10[%get3A_210, %get3A_211] {strides = array<i32>} : memref<32x128xf32, #tpu.memory_space<vmem>>, vector<1x16xf32>,
            %get3A_213 = vector.shape_cast %get3A_212 : vector<1x16xf32> to vector<16xf32>
            %add3A_214 = arith.constant 16 : i32
            %add3A_215 = arith.addi %mul3A_197, %add3A_214 : i32
            %get3A_216 = arith.index_cast %add3A_180 : i32 to index
            %get3A_217 = arith.index_cast %add3A_215 : i32 to index
            %get3A_218 = tpu.vector_load %arg11[%get3A_216, %get3A_217] {strides = array<i32>} : memref<32x128xf32, #tpu.memory_space<vmem>>, vector<1x16xf32>,
            %get3A_219 = vector.shape_cast %get3A_218 : vector<1x16xf32> to vector<16xf32>
            %mul3A_220 = arith.mulf %get3A_213, %get3A_219 : vector<16xf32>
            %swap3A_221 = arith.index_cast %add3A_162 : i32 to index
            %swap3A_222 = arith.constant 16 : index
            %swap3A_223 = tpu.vector_load %arg12[%swap3A_221, %swap3A_222] {strides = array<i32>} : memref<128x32xf32, #tpu.memory_space<vmem>>, vector<1x16xf32>,
            %swap3A_224 = vector.shape_cast %swap3A_223 : vector<1x16xf32> to vector<16xf32>
            %swap3A_225 = vector.shape_cast %mul3A_220 : vector<16xf32> to vector<1x16xf32>
            tpu.vector_store %arg12[%swap3A_221, %swap3A_222], %swap3A_225 {strides = array<i32>} : memref<128x32xf32, #tpu.memory_space<vmem>>, vector<1x16xf32>,
          }
          %scan3A_155 = arith.constant 32 : i32
        } else {
        }
        %eq3A_90 = arith.constant 1 : i32
        %eq3A_91 = arith.cmpi eq, %arg0, %eq3A_90 : i32
        %convert_element_type3A_92 = arith.extui %eq3A_91 : i1 to i32
        %cond3A_93 = arith.constant 0 : i32
        %cond3A_94 = arith.cmpi ne, %convert_element_type3A_92, %cond3A_93 : i32
        scf.if %cond3A_94 {
          %scan3A_151 = arith.constant 0 : i32
          %scan3A_152 = arith.constant 32 : i32
          %scan3A_153 = arith.addi %scan3A_151, %scan3A_152 : i32
          %scan3A_154 = arith.constant 1 : i32
          scf.for %scan3A_156 = %scan3A_151 to %scan3A_153 step %scan3A_154  : i32 {
            %mul3A_157 = arith.constant 1 : i32
            %mul3A_158 = arith.muli %scan3A_156, %mul3A_157 : i32
            %add3A_159 = arith.constant 0 : i32
            %add3A_160 = arith.addi %add3A_159, %mul3A_158 : i32
            %add3A_161 = arith.constant 32 : i32
            %add3A_162 = arith.addi %add3A_161, %add3A_160 : i32
            %jit3A = arith.constant 4 : i32
            %div3A = arith.divsi %add3A_160, %jit3A : i32
            %sign3A = arith.constant 0 : i32
            %sign3A_163 = arith.cmpi sgt, %add3A_160, %sign3A : i32
            %sign3A_164 = arith.extui %sign3A_163 : i1 to i32
            %sign3A_165 = arith.constant 0 : i32
            %sign3A_166 = arith.cmpi slt, %add3A_160, %sign3A_165 : i32
            %sign3A_167 = arith.extui %sign3A_166 : i1 to i32
            %sign3A_168 = arith.subi %sign3A_164, %sign3A_167 : i32
            %sign3A_169 = arith.constant 0 : i32
            %sign3A_170 = arith.cmpi sgt, %jit3A, %sign3A_169 : i32
            %sign3A_171 = arith.extui %sign3A_170 : i1 to i32
            %sign3A_172 = arith.constant 0 : i32
            %sign3A_173 = arith.cmpi slt, %jit3A, %sign3A_172 : i32
            %sign3A_174 = arith.extui %sign3A_173 : i1 to i32
            %sign3A_175 = arith.subi %sign3A_171, %sign3A_174 : i32
            %ne3A = arith.cmpi ne, %sign3A_168, %sign3A_175 : i32
            %rem3A = arith.remsi %add3A_160, %jit3A : i32
            %ne3A_176 = arith.constant 0 : i32
            %ne3A_177 = arith.cmpi ne, %rem3A, %ne3A_176 : i32
            %and3A = arith.andi %ne3A, %ne3A_177 : i1
            %sub3A = arith.constant 1 : i32
            %sub3A_178 = arith.subi %div3A, %sub3A : i32
            %select_n3A = arith.select %and3A, %sub3A_178, %div3A : i32
            %add3A_179 = arith.constant 8 : i32
            %add3A_180 = arith.addi %add3A_179, %select_n3A : i32
            %jit3A_181 = arith.constant 4 : i32
            %eq3A_182 = arith.constant 0 : i32
            %eq3A_183 = arith.cmpi eq, %jit3A_181, %eq3A_182 : i32
            %jit3A_184 = arith.constant 1 : i32
            %select_n3A_185 = arith.select %eq3A_183, %jit3A_184, %jit3A_181 : i32
            %rem3A_186 = arith.remsi %add3A_160, %select_n3A_185 : i32
            %ne3A_187 = arith.constant 0 : i32
            %ne3A_188 = arith.cmpi ne, %rem3A_186, %ne3A_187 : i32
            %lt3A = arith.constant 0 : i32
            %lt3A_189 = arith.cmpi slt, %rem3A_186, %lt3A : i32
            %lt3A_190 = arith.constant 0 : i32
            %lt3A_191 = arith.cmpi slt, %select_n3A_185, %lt3A_190 : i32
            %ne3A_192 = arith.xori %lt3A_189, %lt3A_191 : i1
            %and3A_193 = arith.andi %ne3A_192, %ne3A_188 : i1
            %add3A_194 = arith.addi %rem3A_186, %select_n3A_185 : i32
            %select_n3A_195 = arith.select %and3A_193, %add3A_194, %rem3A_186 : i32
            %mul3A_196 = arith.constant 32 : i32
            %mul3A_197 = arith.muli %select_n3A_195, %mul3A_196 : i32
            %get3A = arith.index_cast %add3A_160 : i32 to index
            %get3A_198 = arith.constant 32 : index
            %get3A_199 = tpu.vector_load %arg10[%get3A, %get3A_198] {strides = array<i32>} : memref<32x128xf32, #tpu.memory_space<vmem>>, vector<1x16xf32>,
            %get3A_200 = vector.shape_cast %get3A_199 : vector<1x16xf32> to vector<16xf32>
            %get3A_201 = arith.index_cast %add3A_180 : i32 to index
            %get3A_202 = arith.index_cast %mul3A_197 : i32 to index
            %get3A_203 = tpu.vector_load %arg11[%get3A_201, %get3A_202] {strides = array<i32>} : memref<32x128xf32, #tpu.memory_space<vmem>>, vector<1x16xf32>,
            %get3A_204 = vector.shape_cast %get3A_203 : vector<1x16xf32> to vector<16xf32>
            %mul3A_205 = arith.mulf %get3A_200, %get3A_204 : vector<16xf32>
            %swap3A = arith.index_cast %add3A_162 : i32 to index
            %swap3A_206 = arith.constant 0 : index
            %swap3A_207 = tpu.vector_load %arg12[%swap3A, %swap3A_206] {strides = array<i32>} : memref<128x32xf32, #tpu.memory_space<vmem>>, vector<1x16xf32>,
            %swap3A_208 = vector.shape_cast %swap3A_207 : vector<1x16xf32> to vector<16xf32>
            %swap3A_209 = vector.shape_cast %mul3A_205 : vector<16xf32> to vector<1x16xf32>
            tpu.vector_store %arg12[%swap3A, %swap3A_206], %swap3A_209 {strides = array<i32>} : memref<128x32xf32, #tpu.memory_space<vmem>>, vector<1x16xf32>,
            %get3A_210 = arith.index_cast %add3A_160 : i32 to index
            %get3A_211 = arith.constant 48 : index
            %get3A_212 = tpu.vector_load %arg10[%get3A_210, %get3A_211] {strides = array<i32>} : memref<32x128xf32, #tpu.memory_space<vmem>>, vector<1x16xf32>,
            %get3A_213 = vector.shape_cast %get3A_212 : vector<1x16xf32> to vector<16xf32>
            %add3A_214 = arith.constant 16 : i32
            %add3A_215 = arith.addi %mul3A_197, %add3A_214 : i32
            %get3A_216 = arith.index_cast %add3A_180 : i32 to index
            %get3A_217 = arith.index_cast %add3A_215 : i32 to index
            %get3A_218 = tpu.vector_load %arg11[%get3A_216, %get3A_217] {strides = array<i32>} : memref<32x128xf32, #tpu.memory_space<vmem>>, vector<1x16xf32>,
            %get3A_219 = vector.shape_cast %get3A_218 : vector<1x16xf32> to vector<16xf32>
            %mul3A_220 = arith.mulf %get3A_213, %get3A_219 : vector<16xf32>
            %swap3A_221 = arith.index_cast %add3A_162 : i32 to index
            %swap3A_222 = arith.constant 16 : index
            %swap3A_223 = tpu.vector_load %arg12[%swap3A_221, %swap3A_222] {strides = array<i32>} : memref<128x32xf32, #tpu.memory_space<vmem>>, vector<1x16xf32>,
            %swap3A_224 = vector.shape_cast %swap3A_223 : vector<1x16xf32> to vector<16xf32>
            %swap3A_225 = vector.shape_cast %mul3A_220 : vector<16xf32> to vector<1x16xf32>
            tpu.vector_store %arg12[%swap3A_221, %swap3A_222], %swap3A_225 {strides = array<i32>} : memref<128x32xf32, #tpu.memory_space<vmem>>, vector<1x16xf32>,
          }
          %scan3A_155 = arith.constant 32 : i32
        } else {
        }
        %dma_start3A_95 = arith.constant 64 : i32
        %dma_start3A_96 = tpu.memref_slice %arg8[%add3A_49, %dma_start3A_95] : memref<8x128xi32, #tpu.memory_space<vmem>> -> memref<1x32xi32, #tpu.memory_space<vmem>>
        %dma_start3A_97 = tpu.memref_squeeze %dma_start3A_96 : memref<1x32xi32, #tpu.memory_space<vmem>> -> memref<32xi32, #tpu.memory_space<vmem>>
        %dma_start3A_98 = arith.constant 0 : i32
        %dma_start3A_99 = arith.constant 0 : i32
        %dma_start3A_100 = tpu.memref_slice %arg2[%dma_start3A_98, %dma_start3A_99] : memref<50000x128xf32, #tpu.memory_space<hbm>> -> memref<50000x128xf32, #tpu.memory_space<hbm>>
        tpu.enqueue_indirect_dma source(%dma_start3A_100 : memref<50000x128xf32, #tpu.memory_space<hbm>>) target(%arg10 : memref<32x128xf32, #tpu.memory_space<vmem>>) offsets(%dma_start3A_97 : memref<32xi32, #tpu.memory_space<vmem>>) semaphore(%arg14 : memref<!tpu.dma_semaphore, #tpu.memory_space<semaphore_mem>>)
        %dma_wait3A_101 = arith.constant 64 : i32
        %dma_wait3A_102 = tpu.memref_slice %arg8[%add3A_49, %dma_wait3A_101] : memref<8x128xi32, #tpu.memory_space<vmem>> -> memref<1x32xi32, #tpu.memory_space<vmem>>
        %dma_wait3A_103 = tpu.memref_squeeze %dma_wait3A_102 : memref<1x32xi32, #tpu.memory_space<vmem>> -> memref<32xi32, #tpu.memory_space<vmem>>
        %dma_wait3A_104 = arith.constant 0 : i32
        %dma_wait3A_105 = arith.constant 0 : i32
        %dma_wait3A_106 = tpu.memref_slice %arg2[%dma_wait3A_104, %dma_wait3A_105] : memref<50000x128xf32, #tpu.memory_space<hbm>> -> memref<50000x128xf32, #tpu.memory_space<hbm>>
        tpu.wait_indirect_dma semaphore(%arg14 : memref<!tpu.dma_semaphore, #tpu.memory_space<semaphore_mem>>) src(%dma_wait3A_106 : memref<50000x128xf32, #tpu.memory_space<hbm>>) dst(%arg10 : memref<32x128xf32, #tpu.memory_space<vmem>>)
        %eq3A_107 = arith.constant 0 : i32
        %eq3A_108 = arith.cmpi eq, %arg0, %eq3A_107 : i32
        %convert_element_type3A_109 = arith.extui %eq3A_108 : i1 to i32
        %cond3A_110 = arith.constant 0 : i32
        %cond3A_111 = arith.cmpi ne, %convert_element_type3A_109, %cond3A_110 : i32
        scf.if %cond3A_111 {
          %scan3A_151 = arith.constant 0 : i32
          %scan3A_152 = arith.constant 32 : i32
          %scan3A_153 = arith.addi %scan3A_151, %scan3A_152 : i32
          %scan3A_154 = arith.constant 1 : i32
          scf.for %scan3A_156 = %scan3A_151 to %scan3A_153 step %scan3A_154  : i32 {
            %mul3A_157 = arith.constant 1 : i32
            %mul3A_158 = arith.muli %scan3A_156, %mul3A_157 : i32
            %add3A_159 = arith.constant 0 : i32
            %add3A_160 = arith.addi %add3A_159, %mul3A_158 : i32
            %add3A_161 = arith.constant 64 : i32
            %add3A_162 = arith.addi %add3A_161, %add3A_160 : i32
            %jit3A = arith.constant 4 : i32
            %div3A = arith.divsi %add3A_160, %jit3A : i32
            %sign3A = arith.constant 0 : i32
            %sign3A_163 = arith.cmpi sgt, %add3A_160, %sign3A : i32
            %sign3A_164 = arith.extui %sign3A_163 : i1 to i32
            %sign3A_165 = arith.constant 0 : i32
            %sign3A_166 = arith.cmpi slt, %add3A_160, %sign3A_165 : i32
            %sign3A_167 = arith.extui %sign3A_166 : i1 to i32
            %sign3A_168 = arith.subi %sign3A_164, %sign3A_167 : i32
            %sign3A_169 = arith.constant 0 : i32
            %sign3A_170 = arith.cmpi sgt, %jit3A, %sign3A_169 : i32
            %sign3A_171 = arith.extui %sign3A_170 : i1 to i32
            %sign3A_172 = arith.constant 0 : i32
            %sign3A_173 = arith.cmpi slt, %jit3A, %sign3A_172 : i32
            %sign3A_174 = arith.extui %sign3A_173 : i1 to i32
            %sign3A_175 = arith.subi %sign3A_171, %sign3A_174 : i32
            %ne3A = arith.cmpi ne, %sign3A_168, %sign3A_175 : i32
            %rem3A = arith.remsi %add3A_160, %jit3A : i32
            %ne3A_176 = arith.constant 0 : i32
            %ne3A_177 = arith.cmpi ne, %rem3A, %ne3A_176 : i32
            %and3A = arith.andi %ne3A, %ne3A_177 : i1
            %sub3A = arith.constant 1 : i32
            %sub3A_178 = arith.subi %div3A, %sub3A : i32
            %select_n3A = arith.select %and3A, %sub3A_178, %div3A : i32
            %add3A_179 = arith.constant 16 : i32
            %add3A_180 = arith.addi %add3A_179, %select_n3A : i32
            %jit3A_181 = arith.constant 4 : i32
            %eq3A_182 = arith.constant 0 : i32
            %eq3A_183 = arith.cmpi eq, %jit3A_181, %eq3A_182 : i32
            %jit3A_184 = arith.constant 1 : i32
            %select_n3A_185 = arith.select %eq3A_183, %jit3A_184, %jit3A_181 : i32
            %rem3A_186 = arith.remsi %add3A_160, %select_n3A_185 : i32
            %ne3A_187 = arith.constant 0 : i32
            %ne3A_188 = arith.cmpi ne, %rem3A_186, %ne3A_187 : i32
            %lt3A = arith.constant 0 : i32
            %lt3A_189 = arith.cmpi slt, %rem3A_186, %lt3A : i32
            %lt3A_190 = arith.constant 0 : i32
            %lt3A_191 = arith.cmpi slt, %select_n3A_185, %lt3A_190 : i32
            %ne3A_192 = arith.xori %lt3A_189, %lt3A_191 : i1
            %and3A_193 = arith.andi %ne3A_192, %ne3A_188 : i1
            %add3A_194 = arith.addi %rem3A_186, %select_n3A_185 : i32
            %select_n3A_195 = arith.select %and3A_193, %add3A_194, %rem3A_186 : i32
            %mul3A_196 = arith.constant 32 : i32
            %mul3A_197 = arith.muli %select_n3A_195, %mul3A_196 : i32
            %get3A = arith.index_cast %add3A_160 : i32 to index
            %get3A_198 = arith.constant 0 : index
            %get3A_199 = tpu.vector_load %arg10[%get3A, %get3A_198] {strides = array<i32>} : memref<32x128xf32, #tpu.memory_space<vmem>>, vector<1x16xf32>,
            %get3A_200 = vector.shape_cast %get3A_199 : vector<1x16xf32> to vector<16xf32>
            %get3A_201 = arith.index_cast %add3A_180 : i32 to index
            %get3A_202 = arith.index_cast %mul3A_197 : i32 to index
            %get3A_203 = tpu.vector_load %arg11[%get3A_201, %get3A_202] {strides = array<i32>} : memref<32x128xf32, #tpu.memory_space<vmem>>, vector<1x16xf32>,
            %get3A_204 = vector.shape_cast %get3A_203 : vector<1x16xf32> to vector<16xf32>
            %mul3A_205 = arith.mulf %get3A_200, %get3A_204 : vector<16xf32>
            %swap3A = arith.index_cast %add3A_162 : i32 to index
            %swap3A_206 = arith.constant 0 : index
            %swap3A_207 = tpu.vector_load %arg12[%swap3A, %swap3A_206] {strides = array<i32>} : memref<128x32xf32, #tpu.memory_space<vmem>>, vector<1x16xf32>,
            %swap3A_208 = vector.shape_cast %swap3A_207 : vector<1x16xf32> to vector<16xf32>
            %swap3A_209 = vector.shape_cast %mul3A_205 : vector<16xf32> to vector<1x16xf32>
            tpu.vector_store %arg12[%swap3A, %swap3A_206], %swap3A_209 {strides = array<i32>} : memref<128x32xf32, #tpu.memory_space<vmem>>, vector<1x16xf32>,
            %get3A_210 = arith.index_cast %add3A_160 : i32 to index
            %get3A_211 = arith.constant 16 : index
            %get3A_212 = tpu.vector_load %arg10[%get3A_210, %get3A_211] {strides = array<i32>} : memref<32x128xf32, #tpu.memory_space<vmem>>, vector<1x16xf32>,
            %get3A_213 = vector.shape_cast %get3A_212 : vector<1x16xf32> to vector<16xf32>
            %add3A_214 = arith.constant 16 : i32
            %add3A_215 = arith.addi %mul3A_197, %add3A_214 : i32
            %get3A_216 = arith.index_cast %add3A_180 : i32 to index
            %get3A_217 = arith.index_cast %add3A_215 : i32 to index
            %get3A_218 = tpu.vector_load %arg11[%get3A_216, %get3A_217] {strides = array<i32>} : memref<32x128xf32, #tpu.memory_space<vmem>>, vector<1x16xf32>,
            %get3A_219 = vector.shape_cast %get3A_218 : vector<1x16xf32> to vector<16xf32>
            %mul3A_220 = arith.mulf %get3A_213, %get3A_219 : vector<16xf32>
            %swap3A_221 = arith.index_cast %add3A_162 : i32 to index
            %swap3A_222 = arith.constant 16 : index
            %swap3A_223 = tpu.vector_load %arg12[%swap3A_221, %swap3A_222] {strides = array<i32>} : memref<128x32xf32, #tpu.memory_space<vmem>>, vector<1x16xf32>,
            %swap3A_224 = vector.shape_cast %swap3A_223 : vector<1x16xf32> to vector<16xf32>
            %swap3A_225 = vector.shape_cast %mul3A_220 : vector<16xf32> to vector<1x16xf32>
            tpu.vector_store %arg12[%swap3A_221, %swap3A_222], %swap3A_225 {strides = array<i32>} : memref<128x32xf32, #tpu.memory_space<vmem>>, vector<1x16xf32>,
          }
          %scan3A_155 = arith.constant 32 : i32
        } else {
        }
        %eq3A_112 = arith.constant 1 : i32
        %eq3A_113 = arith.cmpi eq, %arg0, %eq3A_112 : i32
        %convert_element_type3A_114 = arith.extui %eq3A_113 : i1 to i32
        %cond3A_115 = arith.constant 0 : i32
        %cond3A_116 = arith.cmpi ne, %convert_element_type3A_114, %cond3A_115 : i32
        scf.if %cond3A_116 {
          %scan3A_151 = arith.constant 0 : i32
          %scan3A_152 = arith.constant 32 : i32
          %scan3A_153 = arith.addi %scan3A_151, %scan3A_152 : i32
          %scan3A_154 = arith.constant 1 : i32
          scf.for %scan3A_156 = %scan3A_151 to %scan3A_153 step %scan3A_154  : i32 {
            %mul3A_157 = arith.constant 1 : i32
            %mul3A_158 = arith.muli %scan3A_156, %mul3A_157 : i32
            %add3A_159 = arith.constant 0 : i32
            %add3A_160 = arith.addi %add3A_159, %mul3A_158 : i32
            %add3A_161 = arith.constant 64 : i32
            %add3A_162 = arith.addi %add3A_161, %add3A_160 : i32
            %jit3A = arith.constant 4 : i32
            %div3A = arith.divsi %add3A_160, %jit3A : i32
            %sign3A = arith.constant 0 : i32
            %sign3A_163 = arith.cmpi sgt, %add3A_160, %sign3A : i32
            %sign3A_164 = arith.extui %sign3A_163 : i1 to i32
            %sign3A_165 = arith.constant 0 : i32
            %sign3A_166 = arith.cmpi slt, %add3A_160, %sign3A_165 : i32
            %sign3A_167 = arith.extui %sign3A_166 : i1 to i32
            %sign3A_168 = arith.subi %sign3A_164, %sign3A_167 : i32
            %sign3A_169 = arith.constant 0 : i32
            %sign3A_170 = arith.cmpi sgt, %jit3A, %sign3A_169 : i32
            %sign3A_171 = arith.extui %sign3A_170 : i1 to i32
            %sign3A_172 = arith.constant 0 : i32
            %sign3A_173 = arith.cmpi slt, %jit3A, %sign3A_172 : i32
            %sign3A_174 = arith.extui %sign3A_173 : i1 to i32
            %sign3A_175 = arith.subi %sign3A_171, %sign3A_174 : i32
            %ne3A = arith.cmpi ne, %sign3A_168, %sign3A_175 : i32
            %rem3A = arith.remsi %add3A_160, %jit3A : i32
            %ne3A_176 = arith.constant 0 : i32
            %ne3A_177 = arith.cmpi ne, %rem3A, %ne3A_176 : i32
            %and3A = arith.andi %ne3A, %ne3A_177 : i1
            %sub3A = arith.constant 1 : i32
            %sub3A_178 = arith.subi %div3A, %sub3A : i32
            %select_n3A = arith.select %and3A, %sub3A_178, %div3A : i32
            %add3A_179 = arith.constant 16 : i32
            %add3A_180 = arith.addi %add3A_179, %select_n3A : i32
            %jit3A_181 = arith.constant 4 : i32
            %eq3A_182 = arith.constant 0 : i32
            %eq3A_183 = arith.cmpi eq, %jit3A_181, %eq3A_182 : i32
            %jit3A_184 = arith.constant 1 : i32
            %select_n3A_185 = arith.select %eq3A_183, %jit3A_184, %jit3A_181 : i32
            %rem3A_186 = arith.remsi %add3A_160, %select_n3A_185 : i32
            %ne3A_187 = arith.constant 0 : i32
            %ne3A_188 = arith.cmpi ne, %rem3A_186, %ne3A_187 : i32
            %lt3A = arith.constant 0 : i32
            %lt3A_189 = arith.cmpi slt, %rem3A_186, %lt3A : i32
            %lt3A_190 = arith.constant 0 : i32
            %lt3A_191 = arith.cmpi slt, %select_n3A_185, %lt3A_190 : i32
            %ne3A_192 = arith.xori %lt3A_189, %lt3A_191 : i1
            %and3A_193 = arith.andi %ne3A_192, %ne3A_188 : i1
            %add3A_194 = arith.addi %rem3A_186, %select_n3A_185 : i32
            %select_n3A_195 = arith.select %and3A_193, %add3A_194, %rem3A_186 : i32
            %mul3A_196 = arith.constant 32 : i32
            %mul3A_197 = arith.muli %select_n3A_195, %mul3A_196 : i32
            %get3A = arith.index_cast %add3A_160 : i32 to index
            %get3A_198 = arith.constant 32 : index
            %get3A_199 = tpu.vector_load %arg10[%get3A, %get3A_198] {strides = array<i32>} : memref<32x128xf32, #tpu.memory_space<vmem>>, vector<1x16xf32>,
            %get3A_200 = vector.shape_cast %get3A_199 : vector<1x16xf32> to vector<16xf32>
            %get3A_201 = arith.index_cast %add3A_180 : i32 to index
            %get3A_202 = arith.index_cast %mul3A_197 : i32 to index
            %get3A_203 = tpu.vector_load %arg11[%get3A_201, %get3A_202] {strides = array<i32>} : memref<32x128xf32, #tpu.memory_space<vmem>>, vector<1x16xf32>,
            %get3A_204 = vector.shape_cast %get3A_203 : vector<1x16xf32> to vector<16xf32>
            %mul3A_205 = arith.mulf %get3A_200, %get3A_204 : vector<16xf32>
            %swap3A = arith.index_cast %add3A_162 : i32 to index
            %swap3A_206 = arith.constant 0 : index
            %swap3A_207 = tpu.vector_load %arg12[%swap3A, %swap3A_206] {strides = array<i32>} : memref<128x32xf32, #tpu.memory_space<vmem>>, vector<1x16xf32>,
            %swap3A_208 = vector.shape_cast %swap3A_207 : vector<1x16xf32> to vector<16xf32>
            %swap3A_209 = vector.shape_cast %mul3A_205 : vector<16xf32> to vector<1x16xf32>
            tpu.vector_store %arg12[%swap3A, %swap3A_206], %swap3A_209 {strides = array<i32>} : memref<128x32xf32, #tpu.memory_space<vmem>>, vector<1x16xf32>,
            %get3A_210 = arith.index_cast %add3A_160 : i32 to index
            %get3A_211 = arith.constant 48 : index
            %get3A_212 = tpu.vector_load %arg10[%get3A_210, %get3A_211] {strides = array<i32>} : memref<32x128xf32, #tpu.memory_space<vmem>>, vector<1x16xf32>,
            %get3A_213 = vector.shape_cast %get3A_212 : vector<1x16xf32> to vector<16xf32>
            %add3A_214 = arith.constant 16 : i32
            %add3A_215 = arith.addi %mul3A_197, %add3A_214 : i32
            %get3A_216 = arith.index_cast %add3A_180 : i32 to index
            %get3A_217 = arith.index_cast %add3A_215 : i32 to index
            %get3A_218 = tpu.vector_load %arg11[%get3A_216, %get3A_217] {strides = array<i32>} : memref<32x128xf32, #tpu.memory_space<vmem>>, vector<1x16xf32>,
            %get3A_219 = vector.shape_cast %get3A_218 : vector<1x16xf32> to vector<16xf32>
            %mul3A_220 = arith.mulf %get3A_213, %get3A_219 : vector<16xf32>
            %swap3A_221 = arith.index_cast %add3A_162 : i32 to index
            %swap3A_222 = arith.constant 16 : index
            %swap3A_223 = tpu.vector_load %arg12[%swap3A_221, %swap3A_222] {strides = array<i32>} : memref<128x32xf32, #tpu.memory_space<vmem>>, vector<1x16xf32>,
            %swap3A_224 = vector.shape_cast %swap3A_223 : vector<1x16xf32> to vector<16xf32>
            %swap3A_225 = vector.shape_cast %mul3A_220 : vector<16xf32> to vector<1x16xf32>
            tpu.vector_store %arg12[%swap3A_221, %swap3A_222], %swap3A_225 {strides = array<i32>} : memref<128x32xf32, #tpu.memory_space<vmem>>, vector<1x16xf32>,
          }
          %scan3A_155 = arith.constant 32 : i32
        } else {
        }
        %dma_start3A_117 = arith.constant 96 : i32
        %dma_start3A_118 = tpu.memref_slice %arg8[%add3A_49, %dma_start3A_117] : memref<8x128xi32, #tpu.memory_space<vmem>> -> memref<1x32xi32, #tpu.memory_space<vmem>>
        %dma_start3A_119 = tpu.memref_squeeze %dma_start3A_118 : memref<1x32xi32, #tpu.memory_space<vmem>> -> memref<32xi32, #tpu.memory_space<vmem>>
        %dma_start3A_120 = arith.constant 0 : i32
        %dma_start3A_121 = arith.constant 0 : i32
        %dma_start3A_122 = tpu.memref_slice %arg2[%dma_start3A_120, %dma_start3A_121] : memref<50000x128xf32, #tpu.memory_space<hbm>> -> memref<50000x128xf32, #tpu.memory_space<hbm>>
        tpu.enqueue_indirect_dma source(%dma_start3A_122 : memref<50000x128xf32, #tpu.memory_space<hbm>>) target(%arg10 : memref<32x128xf32, #tpu.memory_space<vmem>>) offsets(%dma_start3A_119 : memref<32xi32, #tpu.memory_space<vmem>>) semaphore(%arg14 : memref<!tpu.dma_semaphore, #tpu.memory_space<semaphore_mem>>)
        %dma_wait3A_123 = arith.constant 96 : i32
        %dma_wait3A_124 = tpu.memref_slice %arg8[%add3A_49, %dma_wait3A_123] : memref<8x128xi32, #tpu.memory_space<vmem>> -> memref<1x32xi32, #tpu.memory_space<vmem>>
        %dma_wait3A_125 = tpu.memref_squeeze %dma_wait3A_124 : memref<1x32xi32, #tpu.memory_space<vmem>> -> memref<32xi32, #tpu.memory_space<vmem>>
        %dma_wait3A_126 = arith.constant 0 : i32
        %dma_wait3A_127 = arith.constant 0 : i32
        %dma_wait3A_128 = tpu.memref_slice %arg2[%dma_wait3A_126, %dma_wait3A_127] : memref<50000x128xf32, #tpu.memory_space<hbm>> -> memref<50000x128xf32, #tpu.memory_space<hbm>>
        tpu.wait_indirect_dma semaphore(%arg14 : memref<!tpu.dma_semaphore, #tpu.memory_space<semaphore_mem>>) src(%dma_wait3A_128 : memref<50000x128xf32, #tpu.memory_space<hbm>>) dst(%arg10 : memref<32x128xf32, #tpu.memory_space<vmem>>)
        %eq3A_129 = arith.constant 0 : i32
        %eq3A_130 = arith.cmpi eq, %arg0, %eq3A_129 : i32
        %convert_element_type3A_131 = arith.extui %eq3A_130 : i1 to i32
        %cond3A_132 = arith.constant 0 : i32
        %cond3A_133 = arith.cmpi ne, %convert_element_type3A_131, %cond3A_132 : i32
        scf.if %cond3A_133 {
          %scan3A_151 = arith.constant 0 : i32
          %scan3A_152 = arith.constant 32 : i32
          %scan3A_153 = arith.addi %scan3A_151, %scan3A_152 : i32
          %scan3A_154 = arith.constant 1 : i32
          scf.for %scan3A_156 = %scan3A_151 to %scan3A_153 step %scan3A_154  : i32 {
            %mul3A_157 = arith.constant 1 : i32
            %mul3A_158 = arith.muli %scan3A_156, %mul3A_157 : i32
            %add3A_159 = arith.constant 0 : i32
            %add3A_160 = arith.addi %add3A_159, %mul3A_158 : i32
            %add3A_161 = arith.constant 96 : i32
            %add3A_162 = arith.addi %add3A_161, %add3A_160 : i32
            %jit3A = arith.constant 4 : i32
            %div3A = arith.divsi %add3A_160, %jit3A : i32
            %sign3A = arith.constant 0 : i32
            %sign3A_163 = arith.cmpi sgt, %add3A_160, %sign3A : i32
            %sign3A_164 = arith.extui %sign3A_163 : i1 to i32
            %sign3A_165 = arith.constant 0 : i32
            %sign3A_166 = arith.cmpi slt, %add3A_160, %sign3A_165 : i32
            %sign3A_167 = arith.extui %sign3A_166 : i1 to i32
            %sign3A_168 = arith.subi %sign3A_164, %sign3A_167 : i32
            %sign3A_169 = arith.constant 0 : i32
            %sign3A_170 = arith.cmpi sgt, %jit3A, %sign3A_169 : i32
            %sign3A_171 = arith.extui %sign3A_170 : i1 to i32
            %sign3A_172 = arith.constant 0 : i32
            %sign3A_173 = arith.cmpi slt, %jit3A, %sign3A_172 : i32
            %sign3A_174 = arith.extui %sign3A_173 : i1 to i32
            %sign3A_175 = arith.subi %sign3A_171, %sign3A_174 : i32
            %ne3A = arith.cmpi ne, %sign3A_168, %sign3A_175 : i32
            %rem3A = arith.remsi %add3A_160, %jit3A : i32
            %ne3A_176 = arith.constant 0 : i32
            %ne3A_177 = arith.cmpi ne, %rem3A, %ne3A_176 : i32
            %and3A = arith.andi %ne3A, %ne3A_177 : i1
            %sub3A = arith.constant 1 : i32
            %sub3A_178 = arith.subi %div3A, %sub3A : i32
            %select_n3A = arith.select %and3A, %sub3A_178, %div3A : i32
            %add3A_179 = arith.constant 24 : i32
            %add3A_180 = arith.addi %add3A_179, %select_n3A : i32
            %jit3A_181 = arith.constant 4 : i32
            %eq3A_182 = arith.constant 0 : i32
            %eq3A_183 = arith.cmpi eq, %jit3A_181, %eq3A_182 : i32
            %jit3A_184 = arith.constant 1 : i32
            %select_n3A_185 = arith.select %eq3A_183, %jit3A_184, %jit3A_181 : i32
            %rem3A_186 = arith.remsi %add3A_160, %select_n3A_185 : i32
            %ne3A_187 = arith.constant 0 : i32
            %ne3A_188 = arith.cmpi ne, %rem3A_186, %ne3A_187 : i32
            %lt3A = arith.constant 0 : i32
            %lt3A_189 = arith.cmpi slt, %rem3A_186, %lt3A : i32
            %lt3A_190 = arith.constant 0 : i32
            %lt3A_191 = arith.cmpi slt, %select_n3A_185, %lt3A_190 : i32
            %ne3A_192 = arith.xori %lt3A_189, %lt3A_191 : i1
            %and3A_193 = arith.andi %ne3A_192, %ne3A_188 : i1
            %add3A_194 = arith.addi %rem3A_186, %select_n3A_185 : i32
            %select_n3A_195 = arith.select %and3A_193, %add3A_194, %rem3A_186 : i32
            %mul3A_196 = arith.constant 32 : i32
            %mul3A_197 = arith.muli %select_n3A_195, %mul3A_196 : i32
            %get3A = arith.index_cast %add3A_160 : i32 to index
            %get3A_198 = arith.constant 0 : index
            %get3A_199 = tpu.vector_load %arg10[%get3A, %get3A_198] {strides = array<i32>} : memref<32x128xf32, #tpu.memory_space<vmem>>, vector<1x16xf32>,
            %get3A_200 = vector.shape_cast %get3A_199 : vector<1x16xf32> to vector<16xf32>
            %get3A_201 = arith.index_cast %add3A_180 : i32 to index
            %get3A_202 = arith.index_cast %mul3A_197 : i32 to index
            %get3A_203 = tpu.vector_load %arg11[%get3A_201, %get3A_202] {strides = array<i32>} : memref<32x128xf32, #tpu.memory_space<vmem>>, vector<1x16xf32>,
            %get3A_204 = vector.shape_cast %get3A_203 : vector<1x16xf32> to vector<16xf32>
            %mul3A_205 = arith.mulf %get3A_200, %get3A_204 : vector<16xf32>
            %swap3A = arith.index_cast %add3A_162 : i32 to index
            %swap3A_206 = arith.constant 0 : index
            %swap3A_207 = tpu.vector_load %arg12[%swap3A, %swap3A_206] {strides = array<i32>} : memref<128x32xf32, #tpu.memory_space<vmem>>, vector<1x16xf32>,
            %swap3A_208 = vector.shape_cast %swap3A_207 : vector<1x16xf32> to vector<16xf32>
            %swap3A_209 = vector.shape_cast %mul3A_205 : vector<16xf32> to vector<1x16xf32>
            tpu.vector_store %arg12[%swap3A, %swap3A_206], %swap3A_209 {strides = array<i32>} : memref<128x32xf32, #tpu.memory_space<vmem>>, vector<1x16xf32>,
            %get3A_210 = arith.index_cast %add3A_160 : i32 to index
            %get3A_211 = arith.constant 16 : index
            %get3A_212 = tpu.vector_load %arg10[%get3A_210, %get3A_211] {strides = array<i32>} : memref<32x128xf32, #tpu.memory_space<vmem>>, vector<1x16xf32>,
            %get3A_213 = vector.shape_cast %get3A_212 : vector<1x16xf32> to vector<16xf32>
            %add3A_214 = arith.constant 16 : i32
            %add3A_215 = arith.addi %mul3A_197, %add3A_214 : i32
            %get3A_216 = arith.index_cast %add3A_180 : i32 to index
            %get3A_217 = arith.index_cast %add3A_215 : i32 to index
            %get3A_218 = tpu.vector_load %arg11[%get3A_216, %get3A_217] {strides = array<i32>} : memref<32x128xf32, #tpu.memory_space<vmem>>, vector<1x16xf32>,
            %get3A_219 = vector.shape_cast %get3A_218 : vector<1x16xf32> to vector<16xf32>
            %mul3A_220 = arith.mulf %get3A_213, %get3A_219 : vector<16xf32>
            %swap3A_221 = arith.index_cast %add3A_162 : i32 to index
            %swap3A_222 = arith.constant 16 : index
            %swap3A_223 = tpu.vector_load %arg12[%swap3A_221, %swap3A_222] {strides = array<i32>} : memref<128x32xf32, #tpu.memory_space<vmem>>, vector<1x16xf32>,
            %swap3A_224 = vector.shape_cast %swap3A_223 : vector<1x16xf32> to vector<16xf32>
            %swap3A_225 = vector.shape_cast %mul3A_220 : vector<16xf32> to vector<1x16xf32>
            tpu.vector_store %arg12[%swap3A_221, %swap3A_222], %swap3A_225 {strides = array<i32>} : memref<128x32xf32, #tpu.memory_space<vmem>>, vector<1x16xf32>,
          }
          %scan3A_155 = arith.constant 32 : i32
        } else {
        }
        %eq3A_134 = arith.constant 1 : i32
        %eq3A_135 = arith.cmpi eq, %arg0, %eq3A_134 : i32
        %convert_element_type3A_136 = arith.extui %eq3A_135 : i1 to i32
        %cond3A_137 = arith.constant 0 : i32
        %cond3A_138 = arith.cmpi ne, %convert_element_type3A_136, %cond3A_137 : i32
        scf.if %cond3A_138 {
          %scan3A_151 = arith.constant 0 : i32
          %scan3A_152 = arith.constant 32 : i32
          %scan3A_153 = arith.addi %scan3A_151, %scan3A_152 : i32
          %scan3A_154 = arith.constant 1 : i32
          scf.for %scan3A_156 = %scan3A_151 to %scan3A_153 step %scan3A_154  : i32 {
            %mul3A_157 = arith.constant 1 : i32
            %mul3A_158 = arith.muli %scan3A_156, %mul3A_157 : i32
            %add3A_159 = arith.constant 0 : i32
            %add3A_160 = arith.addi %add3A_159, %mul3A_158 : i32
            %add3A_161 = arith.constant 96 : i32
            %add3A_162 = arith.addi %add3A_161, %add3A_160 : i32
            %jit3A = arith.constant 4 : i32
            %div3A = arith.divsi %add3A_160, %jit3A : i32
            %sign3A = arith.constant 0 : i32
            %sign3A_163 = arith.cmpi sgt, %add3A_160, %sign3A : i32
            %sign3A_164 = arith.extui %sign3A_163 : i1 to i32
            %sign3A_165 = arith.constant 0 : i32
            %sign3A_166 = arith.cmpi slt, %add3A_160, %sign3A_165 : i32
            %sign3A_167 = arith.extui %sign3A_166 : i1 to i32
            %sign3A_168 = arith.subi %sign3A_164, %sign3A_167 : i32
            %sign3A_169 = arith.constant 0 : i32
            %sign3A_170 = arith.cmpi sgt, %jit3A, %sign3A_169 : i32
            %sign3A_171 = arith.extui %sign3A_170 : i1 to i32
            %sign3A_172 = arith.constant 0 : i32
            %sign3A_173 = arith.cmpi slt, %jit3A, %sign3A_172 : i32
            %sign3A_174 = arith.extui %sign3A_173 : i1 to i32
            %sign3A_175 = arith.subi %sign3A_171, %sign3A_174 : i32
            %ne3A = arith.cmpi ne, %sign3A_168, %sign3A_175 : i32
            %rem3A = arith.remsi %add3A_160, %jit3A : i32
            %ne3A_176 = arith.constant 0 : i32
            %ne3A_177 = arith.cmpi ne, %rem3A, %ne3A_176 : i32
            %and3A = arith.andi %ne3A, %ne3A_177 : i1
            %sub3A = arith.constant 1 : i32
            %sub3A_178 = arith.subi %div3A, %sub3A : i32
            %select_n3A = arith.select %and3A, %sub3A_178, %div3A : i32
            %add3A_179 = arith.constant 24 : i32
            %add3A_180 = arith.addi %add3A_179, %select_n3A : i32
            %jit3A_181 = arith.constant 4 : i32
            %eq3A_182 = arith.constant 0 : i32
            %eq3A_183 = arith.cmpi eq, %jit3A_181, %eq3A_182 : i32
            %jit3A_184 = arith.constant 1 : i32
            %select_n3A_185 = arith.select %eq3A_183, %jit3A_184, %jit3A_181 : i32
            %rem3A_186 = arith.remsi %add3A_160, %select_n3A_185 : i32
            %ne3A_187 = arith.constant 0 : i32
            %ne3A_188 = arith.cmpi ne, %rem3A_186, %ne3A_187 : i32
            %lt3A = arith.constant 0 : i32
            %lt3A_189 = arith.cmpi slt, %rem3A_186, %lt3A : i32
            %lt3A_190 = arith.constant 0 : i32
            %lt3A_191 = arith.cmpi slt, %select_n3A_185, %lt3A_190 : i32
            %ne3A_192 = arith.xori %lt3A_189, %lt3A_191 : i1
            %and3A_193 = arith.andi %ne3A_192, %ne3A_188 : i1
            %add3A_194 = arith.addi %rem3A_186, %select_n3A_185 : i32
            %select_n3A_195 = arith.select %and3A_193, %add3A_194, %rem3A_186 : i32
            %mul3A_196 = arith.constant 32 : i32
            %mul3A_197 = arith.muli %select_n3A_195, %mul3A_196 : i32
            %get3A = arith.index_cast %add3A_160 : i32 to index
            %get3A_198 = arith.constant 32 : index
            %get3A_199 = tpu.vector_load %arg10[%get3A, %get3A_198] {strides = array<i32>} : memref<32x128xf32, #tpu.memory_space<vmem>>, vector<1x16xf32>,
            %get3A_200 = vector.shape_cast %get3A_199 : vector<1x16xf32> to vector<16xf32>
            %get3A_201 = arith.index_cast %add3A_180 : i32 to index
            %get3A_202 = arith.index_cast %mul3A_197 : i32 to index
            %get3A_203 = tpu.vector_load %arg11[%get3A_201, %get3A_202] {strides = array<i32>} : memref<32x128xf32, #tpu.memory_space<vmem>>, vector<1x16xf32>,
            %get3A_204 = vector.shape_cast %get3A_203 : vector<1x16xf32> to vector<16xf32>
            %mul3A_205 = arith.mulf %get3A_200, %get3A_204 : vector<16xf32>
            %swap3A = arith.index_cast %add3A_162 : i32 to index
            %swap3A_206 = arith.constant 0 : index
            %swap3A_207 = tpu.vector_load %arg12[%swap3A, %swap3A_206] {strides = array<i32>} : memref<128x32xf32, #tpu.memory_space<vmem>>, vector<1x16xf32>,
            %swap3A_208 = vector.shape_cast %swap3A_207 : vector<1x16xf32> to vector<16xf32>
            %swap3A_209 = vector.shape_cast %mul3A_205 : vector<16xf32> to vector<1x16xf32>
            tpu.vector_store %arg12[%swap3A, %swap3A_206], %swap3A_209 {strides = array<i32>} : memref<128x32xf32, #tpu.memory_space<vmem>>, vector<1x16xf32>,
            %get3A_210 = arith.index_cast %add3A_160 : i32 to index
            %get3A_211 = arith.constant 48 : index
            %get3A_212 = tpu.vector_load %arg10[%get3A_210, %get3A_211] {strides = array<i32>} : memref<32x128xf32, #tpu.memory_space<vmem>>, vector<1x16xf32>,
            %get3A_213 = vector.shape_cast %get3A_212 : vector<1x16xf32> to vector<16xf32>
            %add3A_214 = arith.constant 16 : i32
            %add3A_215 = arith.addi %mul3A_197, %add3A_214 : i32
            %get3A_216 = arith.index_cast %add3A_180 : i32 to index
            %get3A_217 = arith.index_cast %add3A_215 : i32 to index
            %get3A_218 = tpu.vector_load %arg11[%get3A_216, %get3A_217] {strides = array<i32>} : memref<32x128xf32, #tpu.memory_space<vmem>>, vector<1x16xf32>,
            %get3A_219 = vector.shape_cast %get3A_218 : vector<1x16xf32> to vector<16xf32>
            %mul3A_220 = arith.mulf %get3A_213, %get3A_219 : vector<16xf32>
            %swap3A_221 = arith.index_cast %add3A_162 : i32 to index
            %swap3A_222 = arith.constant 16 : index
            %swap3A_223 = tpu.vector_load %arg12[%swap3A_221, %swap3A_222] {strides = array<i32>} : memref<128x32xf32, #tpu.memory_space<vmem>>, vector<1x16xf32>,
            %swap3A_224 = vector.shape_cast %swap3A_223 : vector<1x16xf32> to vector<16xf32>
            %swap3A_225 = vector.shape_cast %mul3A_220 : vector<16xf32> to vector<1x16xf32>
            tpu.vector_store %arg12[%swap3A_221, %swap3A_222], %swap3A_225 {strides = array<i32>} : memref<128x32xf32, #tpu.memory_space<vmem>>, vector<1x16xf32>,
          }
          %scan3A_155 = arith.constant 32 : i32
        } else {
        }
        %dma_start3A_139 = arith.constant 0 : i32
        %dma_start3A_140 = tpu.memref_slice %arg9[%add3A_49, %dma_start3A_139] : memref<8x128xi32, #tpu.memory_space<vmem>> -> memref<1x128xi32, #tpu.memory_space<vmem>>
        %dma_start3A_141 = tpu.memref_squeeze %dma_start3A_140 : memref<1x128xi32, #tpu.memory_space<vmem>> -> memref<128xi32, #tpu.memory_space<vmem>>
        %dma_start3A_142 = arith.constant 0 : i32
        %dma_start3A_143 = arith.constant 0 : i32
        %dma_start3A_144 = tpu.memref_slice %arg13[%dma_start3A_142, %dma_start3A_143] : memref<51200x32xf32, #tpu.memory_space<vmem_shared>> -> memref<51200x32xf32, #tpu.memory_space<vmem_shared>>
        tpu.enqueue_indirect_dma source(%arg12 : memref<128x32xf32, #tpu.memory_space<vmem>>) target(%dma_start3A_144 : memref<51200x32xf32, #tpu.memory_space<vmem_shared>>) offsets(%dma_start3A_141 : memref<128xi32, #tpu.memory_space<vmem>>) semaphore(%arg14 : memref<!tpu.dma_semaphore, #tpu.memory_space<semaphore_mem>>) {add = true}
        %dma_wait3A_145 = arith.constant 0 : i32
        %dma_wait3A_146 = tpu.memref_slice %arg9[%add3A_49, %dma_wait3A_145] : memref<8x128xi32, #tpu.memory_space<vmem>> -> memref<1x128xi32, #tpu.memory_space<vmem>>
        %dma_wait3A_147 = tpu.memref_squeeze %dma_wait3A_146 : memref<1x128xi32, #tpu.memory_space<vmem>> -> memref<128xi32, #tpu.memory_space<vmem>>
        %dma_wait3A_148 = arith.constant 0 : i32
        %dma_wait3A_149 = arith.constant 0 : i32
        %dma_wait3A_150 = tpu.memref_slice %arg13[%dma_wait3A_148, %dma_wait3A_149] : memref<51200x32xf32, #tpu.memory_space<vmem_shared>> -> memref<51200x32xf32, #tpu.memory_space<vmem_shared>>
        tpu.wait_indirect_dma semaphore(%arg14 : memref<!tpu.dma_semaphore, #tpu.memory_space<semaphore_mem>>) src(%arg12 : memref<128x32xf32, #tpu.memory_space<vmem>>) dst(%dma_wait3A_150 : memref<51200x32xf32, #tpu.memory_space<vmem_shared>>)
      }
      %scan3A_44 = arith.constant 8 : i32
    }
    %scan3A_20 = arith.constant 49 : i32
    %barrier3A_21 = arith.constant 0 : index
    tpu.barrier barrier_id(%barrier3A_21)
    %mul3A_22 = arith.constant 51200 : i32
    %mul3A_23 = arith.muli %arg0, %mul3A_22 : i32
    %add3A_24 = arith.addi %mul3A_23, %mul3A_0 : i32
    %scan3A_25 = arith.constant 0 : i32
    %scan3A_26 = arith.constant 4 : i32
    %scan3A_27 = arith.addi %scan3A_25, %scan3A_26 : i32
    %scan3A_28 = arith.constant 1 : i32
    scf.for %scan3A_30 = %scan3A_25 to %scan3A_27 step %scan3A_28  : i32 {
      %mul3A_31 = arith.constant 1 : i32
      %mul3A_32 = arith.muli %scan3A_30, %mul3A_31 : i32
      %add3A_33 = arith.constant 0 : i32
      %add3A_34 = arith.addi %add3A_33, %mul3A_32 : i32
      %mul3A_35 = arith.constant 32 : i32
      %mul3A_36 = arith.muli %arg1, %mul3A_35 : i32
      %mul3A_37 = arith.constant 8 : i32
      %mul3A_38 = arith.muli %add3A_34, %mul3A_37 : i32
      %add3A_39 = arith.addi %mul3A_36, %mul3A_38 : i32
      "tpu.region"() ({
        %run_scoped3A = tpu.sem_alloc : memref<!tpu.dma_semaphore, #tpu.memory_space<semaphore_mem>>
        %dma_start3A = arith.constant 0 : i32
        %dma_start3A_58 = tpu.memref_slice %arg6[%add3A_39, %dma_start3A] : memref<512x128xi32, #tpu.memory_space<hbm>> -> memref<8x128xi32, #tpu.memory_space<hbm>>
        %dma_start3A_59 = arith.constant 0 : i32
        %dma_start3A_60 = tpu.memref_slice %arg6[%add3A_39, %dma_start3A_59] : memref<512x128xi32, #tpu.memory_space<hbm>> -> memref<8x128xi32, #tpu.memory_space<hbm>>
        tpu.enqueue_dma source(%dma_start3A_60 : memref<8x128xi32, #tpu.memory_space<hbm>>) target(%arg9 : memref<8x128xi32, #tpu.memory_space<vmem>>) target_semaphore(%run_scoped3A : memref<!tpu.dma_semaphore, #tpu.memory_space<semaphore_mem>>)
        %dma_wait3A = arith.constant 0 : i32
        %dma_wait3A_61 = tpu.memref_slice %arg6[%add3A_39, %dma_wait3A] : memref<512x128xi32, #tpu.memory_space<hbm>> -> memref<8x128xi32, #tpu.memory_space<hbm>>
        %dma_wait3A_62 = arith.constant 0 : i32
        %dma_wait3A_63 = tpu.memref_slice %arg6[%add3A_39, %dma_wait3A_62] : memref<512x128xi32, #tpu.memory_space<hbm>> -> memref<8x128xi32, #tpu.memory_space<hbm>>
        tpu.wait_dma2 semaphore(%run_scoped3A : memref<!tpu.dma_semaphore, #tpu.memory_space<semaphore_mem>>) src(%dma_wait3A_63 : memref<8x128xi32, #tpu.memory_space<hbm>>) dst(%arg9 : memref<8x128xi32, #tpu.memory_space<vmem>>)
        tpu.yield
      }) : () -> ()
      %eq3A = arith.constant 3 : i32
      %eq3A_40 = arith.cmpi eq, %add3A_34, %eq3A : i32
      %jit3A = arith.constant 1 : i32
      %jit3A_41 = arith.constant 8 : i32
      %select_n3A = arith.select %eq3A_40, %jit3A, %jit3A_41 : i32
      %sub3A = arith.constant 0 : i32
      %sub3A_42 = arith.subi %select_n3A, %sub3A : i32
      %sub3A_43 = arith.constant 1 : i32
      %sub3A_44 = arith.constant 1 : i32
      %sub3A_45 = arith.subi %sub3A_43, %sub3A_44 : i32
      %add3A_46 = arith.addi %sub3A_42, %sub3A_45 : i32
      %div3A = arith.constant 1 : i32
      %div3A_47 = arith.divsi %add3A_46, %div3A : i32
      %while3A = arith.constant 1 : i32
      %while3A_48 = arith.constant 0 : i32
      %while3A_49 = arith.constant 0 : i32
      %while3A_50 = arith.subi %div3A_47, %while3A_49 : i32
      %while3A_51 = arith.addi %while3A_49, %while3A_50 : i32
      %while3A_52 = arith.constant 1 : i32
      %while3A_53 = arith.divsi %while3A_50, %while3A_52 : i32
      %while3A_54 = arith.muli %while3A_53, %while3A_52 : i32
      %while3A_55 = arith.addi %while3A_49, %while3A_54 : i32
      %while3A_56 = arith.constant 1 : i32
      scf.for %while3A_58 = %while3A_49 to %while3A_55 step %while3A_56  : i32 {
        %mul3A_59 = arith.muli %while3A_58, %while3A : i32
        %add3A_60 = arith.addi %while3A_48, %mul3A_59 : i32
        %dma_start3A = arith.constant 0 : i32
        %dma_start3A_61 = tpu.memref_slice %arg9[%add3A_60, %dma_start3A] : memref<8x128xi32, #tpu.memory_space<vmem>> -> memref<1x128xi32, #tpu.memory_space<vmem>>
        %dma_start3A_62 = tpu.memref_squeeze %dma_start3A_61 : memref<1x128xi32, #tpu.memory_space<vmem>> -> memref<128xi32, #tpu.memory_space<vmem>>
        %dma_start3A_63 = arith.constant 0 : i32
        %dma_start3A_64 = arith.constant 0 : i32
        %dma_start3A_65 = tpu.memref_slice %arg13[%dma_start3A_63, %dma_start3A_64] : memref<51200x32xf32, #tpu.memory_space<vmem_shared>> -> memref<51200x32xf32, #tpu.memory_space<vmem_shared>>
        tpu.enqueue_indirect_dma source(%dma_start3A_65 : memref<51200x32xf32, #tpu.memory_space<vmem_shared>>) target(%arg12 : memref<128x32xf32, #tpu.memory_space<vmem>>) offsets(%dma_start3A_62 : memref<128xi32, #tpu.memory_space<vmem>>) semaphore(%arg14 : memref<!tpu.dma_semaphore, #tpu.memory_space<semaphore_mem>>)
        %dma_wait3A = arith.constant 0 : i32
        %dma_wait3A_66 = tpu.memref_slice %arg9[%add3A_60, %dma_wait3A] : memref<8x128xi32, #tpu.memory_space<vmem>> -> memref<1x128xi32, #tpu.memory_space<vmem>>
        %dma_wait3A_67 = tpu.memref_squeeze %dma_wait3A_66 : memref<1x128xi32, #tpu.memory_space<vmem>> -> memref<128xi32, #tpu.memory_space<vmem>>
        %dma_wait3A_68 = arith.constant 0 : i32
        %dma_wait3A_69 = arith.constant 0 : i32
        %dma_wait3A_70 = tpu.memref_slice %arg13[%dma_wait3A_68, %dma_wait3A_69] : memref<51200x32xf32, #tpu.memory_space<vmem_shared>> -> memref<51200x32xf32, #tpu.memory_space<vmem_shared>>
        tpu.wait_indirect_dma semaphore(%arg14 : memref<!tpu.dma_semaphore, #tpu.memory_space<semaphore_mem>>) src(%dma_wait3A_70 : memref<51200x32xf32, #tpu.memory_space<vmem_shared>>) dst(%arg12 : memref<128x32xf32, #tpu.memory_space<vmem>>)
        %mul3A_71 = arith.constant 8 : i32
        %mul3A_72 = arith.muli %add3A_34, %mul3A_71 : i32
        %add3A_73 = arith.addi %mul3A_72, %add3A_60 : i32
        %mul3A_74 = arith.constant 128 : i32
        %mul3A_75 = arith.muli %add3A_73, %mul3A_74 : i32
        %add3A_76 = arith.addi %add3A_24, %mul3A_75 : i32
        "tpu.region"() ({
          %run_scoped3A = tpu.sem_alloc : memref<!tpu.dma_semaphore, #tpu.memory_space<semaphore_mem>>
          %dma_start3A_77 = arith.constant 0 : i32
          %dma_start3A_78 = tpu.memref_slice %arg7[%add3A_76, %dma_start3A_77] : memref<102400x32xf32, #tpu.memory_space<hbm>> -> memref<128x32xf32, #tpu.memory_space<hbm>>
          %dma_start3A_79 = arith.constant 0 : i32
          %dma_start3A_80 = tpu.memref_slice %arg7[%add3A_76, %dma_start3A_79] : memref<102400x32xf32, #tpu.memory_space<hbm>> -> memref<128x32xf32, #tpu.memory_space<hbm>>
          tpu.enqueue_dma source(%arg12 : memref<128x32xf32, #tpu.memory_space<vmem>>) target(%dma_start3A_80 : memref<128x32xf32, #tpu.memory_space<hbm>>) target_semaphore(%run_scoped3A : memref<!tpu.dma_semaphore, #tpu.memory_space<semaphore_mem>>)
          %dma_wait3A_81 = arith.constant 0 : i32
          %dma_wait3A_82 = tpu.memref_slice %arg7[%add3A_76, %dma_wait3A_81] : memref<102400x32xf32, #tpu.memory_space<hbm>> -> memref<128x32xf32, #tpu.memory_space<hbm>>
          %dma_wait3A_83 = arith.constant 0 : i32
          %dma_wait3A_84 = tpu.memref_slice %arg7[%add3A_76, %dma_wait3A_83] : memref<102400x32xf32, #tpu.memory_space<hbm>> -> memref<128x32xf32, #tpu.memory_space<hbm>>
          tpu.wait_dma2 semaphore(%run_scoped3A : memref<!tpu.dma_semaphore, #tpu.memory_space<semaphore_mem>>) src(%arg12 : memref<128x32xf32, #tpu.memory_space<vmem>>) dst(%dma_wait3A_84 : memref<128x32xf32, #tpu.memory_space<hbm>>)
          tpu.yield
        }) : () -> ()
      }
      %while3A_57 = arith.constant 1 : i32
      scf.for %while3A_58 = %while3A_55 to %while3A_51 step %while3A_57  : i32 {
        %mul3A_59 = arith.muli %while3A_58, %while3A : i32
        %add3A_60 = arith.addi %while3A_48, %mul3A_59 : i32
        %dma_start3A = arith.constant 0 : i32
        %dma_start3A_61 = tpu.memref_slice %arg9[%add3A_60, %dma_start3A] : memref<8x128xi32, #tpu.memory_space<vmem>> -> memref<1x128xi32, #tpu.memory_space<vmem>>
        %dma_start3A_62 = tpu.memref_squeeze %dma_start3A_61 : memref<1x128xi32, #tpu.memory_space<vmem>> -> memref<128xi32, #tpu.memory_space<vmem>>
        %dma_start3A_63 = arith.constant 0 : i32
        %dma_start3A_64 = arith.constant 0 : i32
        %dma_start3A_65 = tpu.memref_slice %arg13[%dma_start3A_63, %dma_start3A_64] : memref<51200x32xf32, #tpu.memory_space<vmem_shared>> -> memref<51200x32xf32, #tpu.memory_space<vmem_shared>>
        tpu.enqueue_indirect_dma source(%dma_start3A_65 : memref<51200x32xf32, #tpu.memory_space<vmem_shared>>) target(%arg12 : memref<128x32xf32, #tpu.memory_space<vmem>>) offsets(%dma_start3A_62 : memref<128xi32, #tpu.memory_space<vmem>>) semaphore(%arg14 : memref<!tpu.dma_semaphore, #tpu.memory_space<semaphore_mem>>)
        %dma_wait3A = arith.constant 0 : i32
        %dma_wait3A_66 = tpu.memref_slice %arg9[%add3A_60, %dma_wait3A] : memref<8x128xi32, #tpu.memory_space<vmem>> -> memref<1x128xi32, #tpu.memory_space<vmem>>
        %dma_wait3A_67 = tpu.memref_squeeze %dma_wait3A_66 : memref<1x128xi32, #tpu.memory_space<vmem>> -> memref<128xi32, #tpu.memory_space<vmem>>
        %dma_wait3A_68 = arith.constant 0 : i32
        %dma_wait3A_69 = arith.constant 0 : i32
        %dma_wait3A_70 = tpu.memref_slice %arg13[%dma_wait3A_68, %dma_wait3A_69] : memref<51200x32xf32, #tpu.memory_space<vmem_shared>> -> memref<51200x32xf32, #tpu.memory_space<vmem_shared>>
        tpu.wait_indirect_dma semaphore(%arg14 : memref<!tpu.dma_semaphore, #tpu.memory_space<semaphore_mem>>) src(%dma_wait3A_70 : memref<51200x32xf32, #tpu.memory_space<vmem_shared>>) dst(%arg12 : memref<128x32xf32, #tpu.memory_space<vmem>>)
        %mul3A_71 = arith.constant 8 : i32
        %mul3A_72 = arith.muli %add3A_34, %mul3A_71 : i32
        %add3A_73 = arith.addi %mul3A_72, %add3A_60 : i32
        %mul3A_74 = arith.constant 128 : i32
        %mul3A_75 = arith.muli %add3A_73, %mul3A_74 : i32
        %add3A_76 = arith.addi %add3A_24, %mul3A_75 : i32
        "tpu.region"() ({
          %run_scoped3A = tpu.sem_alloc : memref<!tpu.dma_semaphore, #tpu.memory_space<semaphore_mem>>
          %dma_start3A_77 = arith.constant 0 : i32
          %dma_start3A_78 = tpu.memref_slice %arg7[%add3A_76, %dma_start3A_77] : memref<102400x32xf32, #tpu.memory_space<hbm>> -> memref<128x32xf32, #tpu.memory_space<hbm>>
          %dma_start3A_79 = arith.constant 0 : i32
          %dma_start3A_80 = tpu.memref_slice %arg7[%add3A_76, %dma_start3A_79] : memref<102400x32xf32, #tpu.memory_space<hbm>> -> memref<128x32xf32, #tpu.memory_space<hbm>>
          tpu.enqueue_dma source(%arg12 : memref<128x32xf32, #tpu.memory_space<vmem>>) target(%dma_start3A_80 : memref<128x32xf32, #tpu.memory_space<hbm>>) target_semaphore(%run_scoped3A : memref<!tpu.dma_semaphore, #tpu.memory_space<semaphore_mem>>)
          %dma_wait3A_81 = arith.constant 0 : i32
          %dma_wait3A_82 = tpu.memref_slice %arg7[%add3A_76, %dma_wait3A_81] : memref<102400x32xf32, #tpu.memory_space<hbm>> -> memref<128x32xf32, #tpu.memory_space<hbm>>
          %dma_wait3A_83 = arith.constant 0 : i32
          %dma_wait3A_84 = tpu.memref_slice %arg7[%add3A_76, %dma_wait3A_83] : memref<102400x32xf32, #tpu.memory_space<hbm>> -> memref<128x32xf32, #tpu.memory_space<hbm>>
          tpu.wait_dma2 semaphore(%run_scoped3A : memref<!tpu.dma_semaphore, #tpu.memory_space<semaphore_mem>>) src(%arg12 : memref<128x32xf32, #tpu.memory_space<vmem>>) dst(%dma_wait3A_84 : memref<128x32xf32, #tpu.memory_space<hbm>>)
          tpu.yield
        }) : () -> ()
      }
    }
    %scan3A_29 = arith.constant 4 : i32
    return
  }
}

#map = affine_map<(d0, d1) -> (0, 0)>
module attributes {stable_mosaic.version = 14 : i64} {
  func.func @sc_agg(%arg0: i32, %arg1: i32, %arg2: memref<50000x128xf32, #tpu.memory_space<hbm>>, %arg3: memref<1204224x128xf32, #tpu.memory_space<hbm>>, %arg4: memref<6272x128xi32, #tpu.memory_space<hbm>>, %arg5: memref<6272x128xi32, #tpu.memory_space<hbm>>, %arg6: memref<512x128xi32, #tpu.memory_space<hbm>>, %arg7: memref<102400x32xf32, #tpu.memory_space<hbm>>, %arg8: memref<8x128xi32, #tpu.memory_space<vmem>>, %arg9: memref<8x128xi32, #tpu.memory_space<vmem>>, %arg10: memref<32x128xf32, #tpu.memory_space<vmem>>, %arg11: memref<32x128xf32, #tpu.memory_space<vmem>>, %arg12: memref<128x32xf32, #tpu.memory_space<vmem>>, %arg13: memref<51200x32xf32, #tpu.memory_space<vmem_shared>>, %arg14: memref<!tpu.dma_semaphore, #tpu.memory_space<semaphore_mem>>) attributes {dimension_semantics = [#tpu.dimension_semantics<core_parallel>, #tpu.dimension_semantics<subcore_parallel>], iteration_bounds = array<i64: 2, 16>, scalar_prefetch = 0 : i64, scratch_operands = 7 : i64, tpu.core_type = #tpu.core_type<sc_vector_subcore>, window_params = [{transform_indices = #map}, {transform_indices = #map}, {transform_indices = #map}, {transform_indices = #map}, {transform_indices = #map}, {transform_indices = #map}]} {
    %mul3A = arith.constant 3200 : i32
    %mul3A_0 = arith.muli %arg1, %mul3A : i32
    %scan3A = arith.constant 0 : i32
    %scan3A_1 = arith.constant 128 : i32
    %scan3A_2 = arith.addi %scan3A, %scan3A_1 : i32
    %scan3A_3 = arith.constant 1 : i32
    scf.for %scan3A_30 = %scan3A to %scan3A_2 step %scan3A_3  : i32 {
      %mul3A_31 = arith.constant 1 : i32
      %mul3A_32 = arith.muli %scan3A_30, %mul3A_31 : i32
      %add3A_33 = arith.constant 0 : i32
      %add3A_34 = arith.addi %add3A_33, %mul3A_32 : i32
      %broadcast_in_dim3A = arith.constant 0.000000e+00 : f32
      %broadcast_in_dim3A_35 = vector.broadcast %broadcast_in_dim3A : f32 to vector<16xf32>
      %swap3A = arith.index_cast %add3A_34 : i32 to index
      %swap3A_36 = arith.constant 0 : index
      %swap3A_37 = tpu.vector_load %arg12[%swap3A, %swap3A_36] {strides = array<i32>} : memref<128x32xf32, #tpu.memory_space<vmem>>, vector<1x16xf32>,
      %swap3A_38 = vector.shape_cast %swap3A_37 : vector<1x16xf32> to vector<16xf32>
      %swap3A_39 = vector.shape_cast %broadcast_in_dim3A_35 : vector<16xf32> to vector<1x16xf32>
      tpu.vector_store %arg12[%swap3A, %swap3A_36], %swap3A_39 {strides = array<i32>} : memref<128x32xf32, #tpu.memory_space<vmem>>, vector<1x16xf32>,
      %broadcast_in_dim3A_40 = arith.constant 0.000000e+00 : f32
      %broadcast_in_dim3A_41 = vector.broadcast %broadcast_in_dim3A_40 : f32 to vector<16xf32>
      %swap3A_42 = arith.index_cast %add3A_34 : i32 to index
      %swap3A_43 = arith.constant 16 : index
      %swap3A_44 = tpu.vector_load %arg12[%swap3A_42, %swap3A_43] {strides = array<i32>} : memref<128x32xf32, #tpu.memory_space<vmem>>, vector<1x16xf32>,
      %swap3A_45 = vector.shape_cast %swap3A_44 : vector<1x16xf32> to vector<16xf32>
      %swap3A_46 = vector.shape_cast %broadcast_in_dim3A_41 : vector<16xf32> to vector<1x16xf32>
      tpu.vector_store %arg12[%swap3A_42, %swap3A_43], %swap3A_46 {strides = array<i32>} : memref<128x32xf32, #tpu.memory_space<vmem>>, vector<1x16xf32>,
    }
    %scan3A_4 = arith.constant 128 : i32
    %scan3A_5 = arith.constant 0 : i32
    %scan3A_6 = arith.constant 4 : i32
    %scan3A_7 = arith.addi %scan3A_5, %scan3A_6 : i32
    %scan3A_8 = arith.constant 1 : i32
    scf.for %scan3A_30 = %scan3A_5 to %scan3A_7 step %scan3A_8  : i32 {
      %mul3A_31 = arith.constant 1 : i32
      %mul3A_32 = arith.muli %scan3A_30, %mul3A_31 : i32
      %add3A_33 = arith.constant 0 : i32
      %add3A_34 = arith.addi %add3A_33, %mul3A_32 : i32
      %mul3A_35 = arith.constant 32 : i32
      %mul3A_36 = arith.muli %arg1, %mul3A_35 : i32
      %mul3A_37 = arith.constant 8 : i32
      %mul3A_38 = arith.muli %add3A_34, %mul3A_37 : i32
      %add3A_39 = arith.addi %mul3A_36, %mul3A_38 : i32
      "tpu.region"() ({
        %run_scoped3A = tpu.sem_alloc : memref<!tpu.dma_semaphore, #tpu.memory_space<semaphore_mem>>
        %dma_start3A = arith.constant 0 : i32
        %dma_start3A_45 = tpu.memref_slice %arg6[%add3A_39, %dma_start3A] : memref<512x128xi32, #tpu.memory_space<hbm>> -> memref<8x128xi32, #tpu.memory_space<hbm>>
        %dma_start3A_46 = arith.constant 0 : i32
        %dma_start3A_47 = tpu.memref_slice %arg6[%add3A_39, %dma_start3A_46] : memref<512x128xi32, #tpu.memory_space<hbm>> -> memref<8x128xi32, #tpu.memory_space<hbm>>
        tpu.enqueue_dma source(%dma_start3A_47 : memref<8x128xi32, #tpu.memory_space<hbm>>) target(%arg9 : memref<8x128xi32, #tpu.memory_space<vmem>>) target_semaphore(%run_scoped3A : memref<!tpu.dma_semaphore, #tpu.memory_space<semaphore_mem>>)
        %dma_wait3A = arith.constant 0 : i32
        %dma_wait3A_48 = tpu.memref_slice %arg6[%add3A_39, %dma_wait3A] : memref<512x128xi32, #tpu.memory_space<hbm>> -> memref<8x128xi32, #tpu.memory_space<hbm>>
        %dma_wait3A_49 = arith.constant 0 : i32
        %dma_wait3A_50 = tpu.memref_slice %arg6[%add3A_39, %dma_wait3A_49] : memref<512x128xi32, #tpu.memory_space<hbm>> -> memref<8x128xi32, #tpu.memory_space<hbm>>
        tpu.wait_dma2 semaphore(%run_scoped3A : memref<!tpu.dma_semaphore, #tpu.memory_space<semaphore_mem>>) src(%dma_wait3A_50 : memref<8x128xi32, #tpu.memory_space<hbm>>) dst(%arg9 : memref<8x128xi32, #tpu.memory_space<vmem>>)
        tpu.yield
      }) : () -> ()
      %scan3A_40 = arith.constant 0 : i32
      %scan3A_41 = arith.constant 8 : i32
      %scan3A_42 = arith.addi %scan3A_40, %scan3A_41 : i32
      %scan3A_43 = arith.constant 1 : i32
      scf.for %scan3A_45 = %scan3A_40 to %scan3A_42 step %scan3A_43  : i32 {
        %mul3A_46 = arith.constant 1 : i32
        %mul3A_47 = arith.muli %scan3A_45, %mul3A_46 : i32
        %add3A_48 = arith.constant 0 : i32
        %add3A_49 = arith.addi %add3A_48, %mul3A_47 : i32
        "tpu.region"() ({
          %run_scoped3A = tpu.sem_alloc : memref<!tpu.dma_semaphore, #tpu.memory_space<semaphore_mem>>
          %dma_start3A = arith.constant 0 : i32
          %dma_start3A_50 = tpu.memref_slice %arg9[%add3A_49, %dma_start3A] : memref<8x128xi32, #tpu.memory_space<vmem>> -> memref<1x128xi32, #tpu.memory_space<vmem>>
          %dma_start3A_51 = tpu.memref_squeeze %dma_start3A_50 : memref<1x128xi32, #tpu.memory_space<vmem>> -> memref<128xi32, #tpu.memory_space<vmem>>
          %dma_start3A_52 = arith.constant 0 : i32
          %dma_start3A_53 = arith.constant 0 : i32
          %dma_start3A_54 = tpu.memref_slice %arg13[%dma_start3A_52, %dma_start3A_53] : memref<51200x32xf32, #tpu.memory_space<vmem_shared>> -> memref<51200x32xf32, #tpu.memory_space<vmem_shared>>
          tpu.enqueue_indirect_dma source(%arg12 : memref<128x32xf32, #tpu.memory_space<vmem>>) target(%dma_start3A_54 : memref<51200x32xf32, #tpu.memory_space<vmem_shared>>) offsets(%dma_start3A_51 : memref<128xi32, #tpu.memory_space<vmem>>) semaphore(%run_scoped3A : memref<!tpu.dma_semaphore, #tpu.memory_space<semaphore_mem>>)
          %dma_wait3A = arith.constant 0 : i32
          %dma_wait3A_55 = tpu.memref_slice %arg9[%add3A_49, %dma_wait3A] : memref<8x128xi32, #tpu.memory_space<vmem>> -> memref<1x128xi32, #tpu.memory_space<vmem>>
          %dma_wait3A_56 = tpu.memref_squeeze %dma_wait3A_55 : memref<1x128xi32, #tpu.memory_space<vmem>> -> memref<128xi32, #tpu.memory_space<vmem>>
          %dma_wait3A_57 = arith.constant 0 : i32
          %dma_wait3A_58 = arith.constant 0 : i32
          %dma_wait3A_59 = tpu.memref_slice %arg13[%dma_wait3A_57, %dma_wait3A_58] : memref<51200x32xf32, #tpu.memory_space<vmem_shared>> -> memref<51200x32xf32, #tpu.memory_space<vmem_shared>>
          tpu.wait_indirect_dma semaphore(%run_scoped3A : memref<!tpu.dma_semaphore, #tpu.memory_space<semaphore_mem>>) src(%arg12 : memref<128x32xf32, #tpu.memory_space<vmem>>) dst(%dma_wait3A_59 : memref<51200x32xf32, #tpu.memory_space<vmem_shared>>)
          tpu.yield
        }) : () -> ()
      }
      %scan3A_44 = arith.constant 8 : i32
    }
    %scan3A_9 = arith.constant 4 : i32
    %barrier3A = arith.constant 0 : index
    tpu.barrier barrier_id(%barrier3A)
    %add3A = arith.constant 4 : i32
    %add3A_10 = arith.addi %add3A, %arg0 : i32
    %mul3A_11 = arith.constant 200704 : i32
    %mul3A_12 = arith.muli %add3A_10, %mul3A_11 : i32
    %mul3A_13 = arith.constant 12544 : i32
    %mul3A_14 = arith.muli %arg1, %mul3A_13 : i32
    %add3A_15 = arith.addi %mul3A_12, %mul3A_14 : i32
    %scan3A_16 = arith.constant 0 : i32
    %scan3A_17 = arith.constant 49 : i32
    %scan3A_18 = arith.addi %scan3A_16, %scan3A_17 : i32
    %scan3A_19 = arith.constant 1 : i32
    scf.for %scan3A_30 = %scan3A_16 to %scan3A_18 step %scan3A_19  : i32 {
      %mul3A_31 = arith.constant 1 : i32
      %mul3A_32 = arith.muli %scan3A_30, %mul3A_31 : i32
      %add3A_33 = arith.constant 0 : i32
      %add3A_34 = arith.addi %add3A_33, %mul3A_32 : i32
      %mul3A_35 = arith.constant 392 : i32
      %mul3A_36 = arith.muli %arg1, %mul3A_35 : i32
      %mul3A_37 = arith.constant 8 : i32
      %mul3A_38 = arith.muli %add3A_34, %mul3A_37 : i32
      %add3A_39 = arith.addi %mul3A_36, %mul3A_38 : i32
      "tpu.region"() ({
        %run_scoped3A = tpu.sem_alloc : memref<!tpu.dma_semaphore, #tpu.memory_space<semaphore_mem>>
        %dma_start3A = arith.constant 0 : i32
        %dma_start3A_45 = tpu.memref_slice %arg4[%add3A_39, %dma_start3A] : memref<6272x128xi32, #tpu.memory_space<hbm>> -> memref<8x128xi32, #tpu.memory_space<hbm>>
        %dma_start3A_46 = arith.constant 0 : i32
        %dma_start3A_47 = tpu.memref_slice %arg4[%add3A_39, %dma_start3A_46] : memref<6272x128xi32, #tpu.memory_space<hbm>> -> memref<8x128xi32, #tpu.memory_space<hbm>>
        tpu.enqueue_dma source(%dma_start3A_47 : memref<8x128xi32, #tpu.memory_space<hbm>>) target(%arg8 : memref<8x128xi32, #tpu.memory_space<vmem>>) target_semaphore(%run_scoped3A : memref<!tpu.dma_semaphore, #tpu.memory_space<semaphore_mem>>)
        %dma_wait3A = arith.constant 0 : i32
        %dma_wait3A_48 = tpu.memref_slice %arg4[%add3A_39, %dma_wait3A] : memref<6272x128xi32, #tpu.memory_space<hbm>> -> memref<8x128xi32, #tpu.memory_space<hbm>>
        %dma_wait3A_49 = arith.constant 0 : i32
        %dma_wait3A_50 = tpu.memref_slice %arg4[%add3A_39, %dma_wait3A_49] : memref<6272x128xi32, #tpu.memory_space<hbm>> -> memref<8x128xi32, #tpu.memory_space<hbm>>
        tpu.wait_dma2 semaphore(%run_scoped3A : memref<!tpu.dma_semaphore, #tpu.memory_space<semaphore_mem>>) src(%dma_wait3A_50 : memref<8x128xi32, #tpu.memory_space<hbm>>) dst(%arg8 : memref<8x128xi32, #tpu.memory_space<vmem>>)
        tpu.yield
      }) : () -> ()
      "tpu.region"() ({
        %run_scoped3A = tpu.sem_alloc : memref<!tpu.dma_semaphore, #tpu.memory_space<semaphore_mem>>
        %dma_start3A = arith.constant 0 : i32
        %dma_start3A_45 = tpu.memref_slice %arg5[%add3A_39, %dma_start3A] : memref<6272x128xi32, #tpu.memory_space<hbm>> -> memref<8x128xi32, #tpu.memory_space<hbm>>
        %dma_start3A_46 = arith.constant 0 : i32
        %dma_start3A_47 = tpu.memref_slice %arg5[%add3A_39, %dma_start3A_46] : memref<6272x128xi32, #tpu.memory_space<hbm>> -> memref<8x128xi32, #tpu.memory_space<hbm>>
        tpu.enqueue_dma source(%dma_start3A_47 : memref<8x128xi32, #tpu.memory_space<hbm>>) target(%arg9 : memref<8x128xi32, #tpu.memory_space<vmem>>) target_semaphore(%run_scoped3A : memref<!tpu.dma_semaphore, #tpu.memory_space<semaphore_mem>>)
        %dma_wait3A = arith.constant 0 : i32
        %dma_wait3A_48 = tpu.memref_slice %arg5[%add3A_39, %dma_wait3A] : memref<6272x128xi32, #tpu.memory_space<hbm>> -> memref<8x128xi32, #tpu.memory_space<hbm>>
        %dma_wait3A_49 = arith.constant 0 : i32
        %dma_wait3A_50 = tpu.memref_slice %arg5[%add3A_39, %dma_wait3A_49] : memref<6272x128xi32, #tpu.memory_space<hbm>> -> memref<8x128xi32, #tpu.memory_space<hbm>>
        tpu.wait_dma2 semaphore(%run_scoped3A : memref<!tpu.dma_semaphore, #tpu.memory_space<semaphore_mem>>) src(%dma_wait3A_50 : memref<8x128xi32, #tpu.memory_space<hbm>>) dst(%arg9 : memref<8x128xi32, #tpu.memory_space<vmem>>)
        tpu.yield
      }) : () -> ()
      %scan3A_40 = arith.constant 0 : i32
      %scan3A_41 = arith.constant 8 : i32
      %scan3A_42 = arith.addi %scan3A_40, %scan3A_41 : i32
      %scan3A_43 = arith.constant 1 : i32
      scf.for %scan3A_45 = %scan3A_40 to %scan3A_42 step %scan3A_43  : i32 {
        %mul3A_46 = arith.constant 1 : i32
        %mul3A_47 = arith.muli %scan3A_45, %mul3A_46 : i32
        %add3A_48 = arith.constant 0 : i32
        %add3A_49 = arith.addi %add3A_48, %mul3A_47 : i32
        %mul3A_50 = arith.constant 8 : i32
        %mul3A_51 = arith.muli %add3A_34, %mul3A_50 : i32
        %add3A_52 = arith.addi %mul3A_51, %add3A_49 : i32
        %mul3A_53 = arith.constant 32 : i32
        %mul3A_54 = arith.muli %add3A_52, %mul3A_53 : i32
        %add3A_55 = arith.addi %add3A_15, %mul3A_54 : i32
        "tpu.region"() ({
          %run_scoped3A = tpu.sem_alloc : memref<!tpu.dma_semaphore, #tpu.memory_space<semaphore_mem>>
          %dma_start3A_151 = arith.constant 0 : i32
          %dma_start3A_152 = tpu.memref_slice %arg3[%add3A_55, %dma_start3A_151] : memref<1204224x128xf32, #tpu.memory_space<hbm>> -> memref<32x128xf32, #tpu.memory_space<hbm>>
          %dma_start3A_153 = arith.constant 0 : i32
          %dma_start3A_154 = tpu.memref_slice %arg3[%add3A_55, %dma_start3A_153] : memref<1204224x128xf32, #tpu.memory_space<hbm>> -> memref<32x128xf32, #tpu.memory_space<hbm>>
          tpu.enqueue_dma source(%dma_start3A_154 : memref<32x128xf32, #tpu.memory_space<hbm>>) target(%arg11 : memref<32x128xf32, #tpu.memory_space<vmem>>) target_semaphore(%run_scoped3A : memref<!tpu.dma_semaphore, #tpu.memory_space<semaphore_mem>>)
          %dma_wait3A_155 = arith.constant 0 : i32
          %dma_wait3A_156 = tpu.memref_slice %arg3[%add3A_55, %dma_wait3A_155] : memref<1204224x128xf32, #tpu.memory_space<hbm>> -> memref<32x128xf32, #tpu.memory_space<hbm>>
          %dma_wait3A_157 = arith.constant 0 : i32
          %dma_wait3A_158 = tpu.memref_slice %arg3[%add3A_55, %dma_wait3A_157] : memref<1204224x128xf32, #tpu.memory_space<hbm>> -> memref<32x128xf32, #tpu.memory_space<hbm>>
          tpu.wait_dma2 semaphore(%run_scoped3A : memref<!tpu.dma_semaphore, #tpu.memory_space<semaphore_mem>>) src(%dma_wait3A_158 : memref<32x128xf32, #tpu.memory_space<hbm>>) dst(%arg11 : memref<32x128xf32, #tpu.memory_space<vmem>>)
          tpu.yield
        }) : () -> ()
        %dma_start3A = arith.constant 0 : i32
        %dma_start3A_56 = tpu.memref_slice %arg8[%add3A_49, %dma_start3A] : memref<8x128xi32, #tpu.memory_space<vmem>> -> memref<1x32xi32, #tpu.memory_space<vmem>>
        %dma_start3A_57 = tpu.memref_squeeze %dma_start3A_56 : memref<1x32xi32, #tpu.memory_space<vmem>> -> memref<32xi32, #tpu.memory_space<vmem>>
        %dma_start3A_58 = arith.constant 0 : i32
        %dma_start3A_59 = arith.constant 0 : i32
        %dma_start3A_60 = tpu.memref_slice %arg2[%dma_start3A_58, %dma_start3A_59] : memref<50000x128xf32, #tpu.memory_space<hbm>> -> memref<50000x128xf32, #tpu.memory_space<hbm>>
        tpu.enqueue_indirect_dma source(%dma_start3A_60 : memref<50000x128xf32, #tpu.memory_space<hbm>>) target(%arg10 : memref<32x128xf32, #tpu.memory_space<vmem>>) offsets(%dma_start3A_57 : memref<32xi32, #tpu.memory_space<vmem>>) semaphore(%arg14 : memref<!tpu.dma_semaphore, #tpu.memory_space<semaphore_mem>>)
        %dma_wait3A = arith.constant 0 : i32
        %dma_wait3A_61 = tpu.memref_slice %arg8[%add3A_49, %dma_wait3A] : memref<8x128xi32, #tpu.memory_space<vmem>> -> memref<1x32xi32, #tpu.memory_space<vmem>>
        %dma_wait3A_62 = tpu.memref_squeeze %dma_wait3A_61 : memref<1x32xi32, #tpu.memory_space<vmem>> -> memref<32xi32, #tpu.memory_space<vmem>>
        %dma_wait3A_63 = arith.constant 0 : i32
        %dma_wait3A_64 = arith.constant 0 : i32
        %dma_wait3A_65 = tpu.memref_slice %arg2[%dma_wait3A_63, %dma_wait3A_64] : memref<50000x128xf32, #tpu.memory_space<hbm>> -> memref<50000x128xf32, #tpu.memory_space<hbm>>
        tpu.wait_indirect_dma semaphore(%arg14 : memref<!tpu.dma_semaphore, #tpu.memory_space<semaphore_mem>>) src(%dma_wait3A_65 : memref<50000x128xf32, #tpu.memory_space<hbm>>) dst(%arg10 : memref<32x128xf32, #tpu.memory_space<vmem>>)
        %eq3A = arith.constant 0 : i32
        %eq3A_66 = arith.cmpi eq, %arg0, %eq3A : i32
        %convert_element_type3A = arith.extui %eq3A_66 : i1 to i32
        %cond3A = arith.constant 0 : i32
        %cond3A_67 = arith.cmpi ne, %convert_element_type3A, %cond3A : i32
        scf.if %cond3A_67 {
          %scan3A_151 = arith.constant 0 : i32
          %scan3A_152 = arith.constant 32 : i32
          %scan3A_153 = arith.addi %scan3A_151, %scan3A_152 : i32
          %scan3A_154 = arith.constant 1 : i32
          scf.for %scan3A_156 = %scan3A_151 to %scan3A_153 step %scan3A_154  : i32 {
            %mul3A_157 = arith.constant 1 : i32
            %mul3A_158 = arith.muli %scan3A_156, %mul3A_157 : i32
            %add3A_159 = arith.constant 0 : i32
            %add3A_160 = arith.addi %add3A_159, %mul3A_158 : i32
            %add3A_161 = arith.constant 0 : i32
            %add3A_162 = arith.addi %add3A_161, %add3A_160 : i32
            %jit3A = arith.constant 4 : i32
            %div3A = arith.divsi %add3A_160, %jit3A : i32
            %sign3A = arith.constant 0 : i32
            %sign3A_163 = arith.cmpi sgt, %add3A_160, %sign3A : i32
            %sign3A_164 = arith.extui %sign3A_163 : i1 to i32
            %sign3A_165 = arith.constant 0 : i32
            %sign3A_166 = arith.cmpi slt, %add3A_160, %sign3A_165 : i32
            %sign3A_167 = arith.extui %sign3A_166 : i1 to i32
            %sign3A_168 = arith.subi %sign3A_164, %sign3A_167 : i32
            %sign3A_169 = arith.constant 0 : i32
            %sign3A_170 = arith.cmpi sgt, %jit3A, %sign3A_169 : i32
            %sign3A_171 = arith.extui %sign3A_170 : i1 to i32
            %sign3A_172 = arith.constant 0 : i32
            %sign3A_173 = arith.cmpi slt, %jit3A, %sign3A_172 : i32
            %sign3A_174 = arith.extui %sign3A_173 : i1 to i32
            %sign3A_175 = arith.subi %sign3A_171, %sign3A_174 : i32
            %ne3A = arith.cmpi ne, %sign3A_168, %sign3A_175 : i32
            %rem3A = arith.remsi %add3A_160, %jit3A : i32
            %ne3A_176 = arith.constant 0 : i32
            %ne3A_177 = arith.cmpi ne, %rem3A, %ne3A_176 : i32
            %and3A = arith.andi %ne3A, %ne3A_177 : i1
            %sub3A = arith.constant 1 : i32
            %sub3A_178 = arith.subi %div3A, %sub3A : i32
            %select_n3A = arith.select %and3A, %sub3A_178, %div3A : i32
            %add3A_179 = arith.constant 0 : i32
            %add3A_180 = arith.addi %add3A_179, %select_n3A : i32
            %jit3A_181 = arith.constant 4 : i32
            %eq3A_182 = arith.constant 0 : i32
            %eq3A_183 = arith.cmpi eq, %jit3A_181, %eq3A_182 : i32
            %jit3A_184 = arith.constant 1 : i32
            %select_n3A_185 = arith.select %eq3A_183, %jit3A_184, %jit3A_181 : i32
            %rem3A_186 = arith.remsi %add3A_160, %select_n3A_185 : i32
            %ne3A_187 = arith.constant 0 : i32
            %ne3A_188 = arith.cmpi ne, %rem3A_186, %ne3A_187 : i32
            %lt3A = arith.constant 0 : i32
            %lt3A_189 = arith.cmpi slt, %rem3A_186, %lt3A : i32
            %lt3A_190 = arith.constant 0 : i32
            %lt3A_191 = arith.cmpi slt, %select_n3A_185, %lt3A_190 : i32
            %ne3A_192 = arith.xori %lt3A_189, %lt3A_191 : i1
            %and3A_193 = arith.andi %ne3A_192, %ne3A_188 : i1
            %add3A_194 = arith.addi %rem3A_186, %select_n3A_185 : i32
            %select_n3A_195 = arith.select %and3A_193, %add3A_194, %rem3A_186 : i32
            %mul3A_196 = arith.constant 32 : i32
            %mul3A_197 = arith.muli %select_n3A_195, %mul3A_196 : i32
            %get3A = arith.index_cast %add3A_160 : i32 to index
            %get3A_198 = arith.constant 0 : index
            %get3A_199 = tpu.vector_load %arg10[%get3A, %get3A_198] {strides = array<i32>} : memref<32x128xf32, #tpu.memory_space<vmem>>, vector<1x16xf32>,
            %get3A_200 = vector.shape_cast %get3A_199 : vector<1x16xf32> to vector<16xf32>
            %get3A_201 = arith.index_cast %add3A_180 : i32 to index
            %get3A_202 = arith.index_cast %mul3A_197 : i32 to index
            %get3A_203 = tpu.vector_load %arg11[%get3A_201, %get3A_202] {strides = array<i32>} : memref<32x128xf32, #tpu.memory_space<vmem>>, vector<1x16xf32>,
            %get3A_204 = vector.shape_cast %get3A_203 : vector<1x16xf32> to vector<16xf32>
            %mul3A_205 = arith.mulf %get3A_200, %get3A_204 : vector<16xf32>
            %swap3A = arith.index_cast %add3A_162 : i32 to index
            %swap3A_206 = arith.constant 0 : index
            %swap3A_207 = tpu.vector_load %arg12[%swap3A, %swap3A_206] {strides = array<i32>} : memref<128x32xf32, #tpu.memory_space<vmem>>, vector<1x16xf32>,
            %swap3A_208 = vector.shape_cast %swap3A_207 : vector<1x16xf32> to vector<16xf32>
            %swap3A_209 = vector.shape_cast %mul3A_205 : vector<16xf32> to vector<1x16xf32>
            tpu.vector_store %arg12[%swap3A, %swap3A_206], %swap3A_209 {strides = array<i32>} : memref<128x32xf32, #tpu.memory_space<vmem>>, vector<1x16xf32>,
            %get3A_210 = arith.index_cast %add3A_160 : i32 to index
            %get3A_211 = arith.constant 16 : index
            %get3A_212 = tpu.vector_load %arg10[%get3A_210, %get3A_211] {strides = array<i32>} : memref<32x128xf32, #tpu.memory_space<vmem>>, vector<1x16xf32>,
            %get3A_213 = vector.shape_cast %get3A_212 : vector<1x16xf32> to vector<16xf32>
            %add3A_214 = arith.constant 16 : i32
            %add3A_215 = arith.addi %mul3A_197, %add3A_214 : i32
            %get3A_216 = arith.index_cast %add3A_180 : i32 to index
            %get3A_217 = arith.index_cast %add3A_215 : i32 to index
            %get3A_218 = tpu.vector_load %arg11[%get3A_216, %get3A_217] {strides = array<i32>} : memref<32x128xf32, #tpu.memory_space<vmem>>, vector<1x16xf32>,
            %get3A_219 = vector.shape_cast %get3A_218 : vector<1x16xf32> to vector<16xf32>
            %mul3A_220 = arith.mulf %get3A_213, %get3A_219 : vector<16xf32>
            %swap3A_221 = arith.index_cast %add3A_162 : i32 to index
            %swap3A_222 = arith.constant 16 : index
            %swap3A_223 = tpu.vector_load %arg12[%swap3A_221, %swap3A_222] {strides = array<i32>} : memref<128x32xf32, #tpu.memory_space<vmem>>, vector<1x16xf32>,
            %swap3A_224 = vector.shape_cast %swap3A_223 : vector<1x16xf32> to vector<16xf32>
            %swap3A_225 = vector.shape_cast %mul3A_220 : vector<16xf32> to vector<1x16xf32>
            tpu.vector_store %arg12[%swap3A_221, %swap3A_222], %swap3A_225 {strides = array<i32>} : memref<128x32xf32, #tpu.memory_space<vmem>>, vector<1x16xf32>,
          }
          %scan3A_155 = arith.constant 32 : i32
        } else {
        }
        %eq3A_68 = arith.constant 1 : i32
        %eq3A_69 = arith.cmpi eq, %arg0, %eq3A_68 : i32
        %convert_element_type3A_70 = arith.extui %eq3A_69 : i1 to i32
        %cond3A_71 = arith.constant 0 : i32
        %cond3A_72 = arith.cmpi ne, %convert_element_type3A_70, %cond3A_71 : i32
        scf.if %cond3A_72 {
          %scan3A_151 = arith.constant 0 : i32
          %scan3A_152 = arith.constant 32 : i32
          %scan3A_153 = arith.addi %scan3A_151, %scan3A_152 : i32
          %scan3A_154 = arith.constant 1 : i32
          scf.for %scan3A_156 = %scan3A_151 to %scan3A_153 step %scan3A_154  : i32 {
            %mul3A_157 = arith.constant 1 : i32
            %mul3A_158 = arith.muli %scan3A_156, %mul3A_157 : i32
            %add3A_159 = arith.constant 0 : i32
            %add3A_160 = arith.addi %add3A_159, %mul3A_158 : i32
            %add3A_161 = arith.constant 0 : i32
            %add3A_162 = arith.addi %add3A_161, %add3A_160 : i32
            %jit3A = arith.constant 4 : i32
            %div3A = arith.divsi %add3A_160, %jit3A : i32
            %sign3A = arith.constant 0 : i32
            %sign3A_163 = arith.cmpi sgt, %add3A_160, %sign3A : i32
            %sign3A_164 = arith.extui %sign3A_163 : i1 to i32
            %sign3A_165 = arith.constant 0 : i32
            %sign3A_166 = arith.cmpi slt, %add3A_160, %sign3A_165 : i32
            %sign3A_167 = arith.extui %sign3A_166 : i1 to i32
            %sign3A_168 = arith.subi %sign3A_164, %sign3A_167 : i32
            %sign3A_169 = arith.constant 0 : i32
            %sign3A_170 = arith.cmpi sgt, %jit3A, %sign3A_169 : i32
            %sign3A_171 = arith.extui %sign3A_170 : i1 to i32
            %sign3A_172 = arith.constant 0 : i32
            %sign3A_173 = arith.cmpi slt, %jit3A, %sign3A_172 : i32
            %sign3A_174 = arith.extui %sign3A_173 : i1 to i32
            %sign3A_175 = arith.subi %sign3A_171, %sign3A_174 : i32
            %ne3A = arith.cmpi ne, %sign3A_168, %sign3A_175 : i32
            %rem3A = arith.remsi %add3A_160, %jit3A : i32
            %ne3A_176 = arith.constant 0 : i32
            %ne3A_177 = arith.cmpi ne, %rem3A, %ne3A_176 : i32
            %and3A = arith.andi %ne3A, %ne3A_177 : i1
            %sub3A = arith.constant 1 : i32
            %sub3A_178 = arith.subi %div3A, %sub3A : i32
            %select_n3A = arith.select %and3A, %sub3A_178, %div3A : i32
            %add3A_179 = arith.constant 0 : i32
            %add3A_180 = arith.addi %add3A_179, %select_n3A : i32
            %jit3A_181 = arith.constant 4 : i32
            %eq3A_182 = arith.constant 0 : i32
            %eq3A_183 = arith.cmpi eq, %jit3A_181, %eq3A_182 : i32
            %jit3A_184 = arith.constant 1 : i32
            %select_n3A_185 = arith.select %eq3A_183, %jit3A_184, %jit3A_181 : i32
            %rem3A_186 = arith.remsi %add3A_160, %select_n3A_185 : i32
            %ne3A_187 = arith.constant 0 : i32
            %ne3A_188 = arith.cmpi ne, %rem3A_186, %ne3A_187 : i32
            %lt3A = arith.constant 0 : i32
            %lt3A_189 = arith.cmpi slt, %rem3A_186, %lt3A : i32
            %lt3A_190 = arith.constant 0 : i32
            %lt3A_191 = arith.cmpi slt, %select_n3A_185, %lt3A_190 : i32
            %ne3A_192 = arith.xori %lt3A_189, %lt3A_191 : i1
            %and3A_193 = arith.andi %ne3A_192, %ne3A_188 : i1
            %add3A_194 = arith.addi %rem3A_186, %select_n3A_185 : i32
            %select_n3A_195 = arith.select %and3A_193, %add3A_194, %rem3A_186 : i32
            %mul3A_196 = arith.constant 32 : i32
            %mul3A_197 = arith.muli %select_n3A_195, %mul3A_196 : i32
            %get3A = arith.index_cast %add3A_160 : i32 to index
            %get3A_198 = arith.constant 32 : index
            %get3A_199 = tpu.vector_load %arg10[%get3A, %get3A_198] {strides = array<i32>} : memref<32x128xf32, #tpu.memory_space<vmem>>, vector<1x16xf32>,
            %get3A_200 = vector.shape_cast %get3A_199 : vector<1x16xf32> to vector<16xf32>
            %get3A_201 = arith.index_cast %add3A_180 : i32 to index
            %get3A_202 = arith.index_cast %mul3A_197 : i32 to index
            %get3A_203 = tpu.vector_load %arg11[%get3A_201, %get3A_202] {strides = array<i32>} : memref<32x128xf32, #tpu.memory_space<vmem>>, vector<1x16xf32>,
            %get3A_204 = vector.shape_cast %get3A_203 : vector<1x16xf32> to vector<16xf32>
            %mul3A_205 = arith.mulf %get3A_200, %get3A_204 : vector<16xf32>
            %swap3A = arith.index_cast %add3A_162 : i32 to index
            %swap3A_206 = arith.constant 0 : index
            %swap3A_207 = tpu.vector_load %arg12[%swap3A, %swap3A_206] {strides = array<i32>} : memref<128x32xf32, #tpu.memory_space<vmem>>, vector<1x16xf32>,
            %swap3A_208 = vector.shape_cast %swap3A_207 : vector<1x16xf32> to vector<16xf32>
            %swap3A_209 = vector.shape_cast %mul3A_205 : vector<16xf32> to vector<1x16xf32>
            tpu.vector_store %arg12[%swap3A, %swap3A_206], %swap3A_209 {strides = array<i32>} : memref<128x32xf32, #tpu.memory_space<vmem>>, vector<1x16xf32>,
            %get3A_210 = arith.index_cast %add3A_160 : i32 to index
            %get3A_211 = arith.constant 48 : index
            %get3A_212 = tpu.vector_load %arg10[%get3A_210, %get3A_211] {strides = array<i32>} : memref<32x128xf32, #tpu.memory_space<vmem>>, vector<1x16xf32>,
            %get3A_213 = vector.shape_cast %get3A_212 : vector<1x16xf32> to vector<16xf32>
            %add3A_214 = arith.constant 16 : i32
            %add3A_215 = arith.addi %mul3A_197, %add3A_214 : i32
            %get3A_216 = arith.index_cast %add3A_180 : i32 to index
            %get3A_217 = arith.index_cast %add3A_215 : i32 to index
            %get3A_218 = tpu.vector_load %arg11[%get3A_216, %get3A_217] {strides = array<i32>} : memref<32x128xf32, #tpu.memory_space<vmem>>, vector<1x16xf32>,
            %get3A_219 = vector.shape_cast %get3A_218 : vector<1x16xf32> to vector<16xf32>
            %mul3A_220 = arith.mulf %get3A_213, %get3A_219 : vector<16xf32>
            %swap3A_221 = arith.index_cast %add3A_162 : i32 to index
            %swap3A_222 = arith.constant 16 : index
            %swap3A_223 = tpu.vector_load %arg12[%swap3A_221, %swap3A_222] {strides = array<i32>} : memref<128x32xf32, #tpu.memory_space<vmem>>, vector<1x16xf32>,
            %swap3A_224 = vector.shape_cast %swap3A_223 : vector<1x16xf32> to vector<16xf32>
            %swap3A_225 = vector.shape_cast %mul3A_220 : vector<16xf32> to vector<1x16xf32>
            tpu.vector_store %arg12[%swap3A_221, %swap3A_222], %swap3A_225 {strides = array<i32>} : memref<128x32xf32, #tpu.memory_space<vmem>>, vector<1x16xf32>,
          }
          %scan3A_155 = arith.constant 32 : i32
        } else {
        }
        %dma_start3A_73 = arith.constant 32 : i32
        %dma_start3A_74 = tpu.memref_slice %arg8[%add3A_49, %dma_start3A_73] : memref<8x128xi32, #tpu.memory_space<vmem>> -> memref<1x32xi32, #tpu.memory_space<vmem>>
        %dma_start3A_75 = tpu.memref_squeeze %dma_start3A_74 : memref<1x32xi32, #tpu.memory_space<vmem>> -> memref<32xi32, #tpu.memory_space<vmem>>
        %dma_start3A_76 = arith.constant 0 : i32
        %dma_start3A_77 = arith.constant 0 : i32
        %dma_start3A_78 = tpu.memref_slice %arg2[%dma_start3A_76, %dma_start3A_77] : memref<50000x128xf32, #tpu.memory_space<hbm>> -> memref<50000x128xf32, #tpu.memory_space<hbm>>
        tpu.enqueue_indirect_dma source(%dma_start3A_78 : memref<50000x128xf32, #tpu.memory_space<hbm>>) target(%arg10 : memref<32x128xf32, #tpu.memory_space<vmem>>) offsets(%dma_start3A_75 : memref<32xi32, #tpu.memory_space<vmem>>) semaphore(%arg14 : memref<!tpu.dma_semaphore, #tpu.memory_space<semaphore_mem>>)
        %dma_wait3A_79 = arith.constant 32 : i32
        %dma_wait3A_80 = tpu.memref_slice %arg8[%add3A_49, %dma_wait3A_79] : memref<8x128xi32, #tpu.memory_space<vmem>> -> memref<1x32xi32, #tpu.memory_space<vmem>>
        %dma_wait3A_81 = tpu.memref_squeeze %dma_wait3A_80 : memref<1x32xi32, #tpu.memory_space<vmem>> -> memref<32xi32, #tpu.memory_space<vmem>>
        %dma_wait3A_82 = arith.constant 0 : i32
        %dma_wait3A_83 = arith.constant 0 : i32
        %dma_wait3A_84 = tpu.memref_slice %arg2[%dma_wait3A_82, %dma_wait3A_83] : memref<50000x128xf32, #tpu.memory_space<hbm>> -> memref<50000x128xf32, #tpu.memory_space<hbm>>
        tpu.wait_indirect_dma semaphore(%arg14 : memref<!tpu.dma_semaphore, #tpu.memory_space<semaphore_mem>>) src(%dma_wait3A_84 : memref<50000x128xf32, #tpu.memory_space<hbm>>) dst(%arg10 : memref<32x128xf32, #tpu.memory_space<vmem>>)
        %eq3A_85 = arith.constant 0 : i32
        %eq3A_86 = arith.cmpi eq, %arg0, %eq3A_85 : i32
        %convert_element_type3A_87 = arith.extui %eq3A_86 : i1 to i32
        %cond3A_88 = arith.constant 0 : i32
        %cond3A_89 = arith.cmpi ne, %convert_element_type3A_87, %cond3A_88 : i32
        scf.if %cond3A_89 {
          %scan3A_151 = arith.constant 0 : i32
          %scan3A_152 = arith.constant 32 : i32
          %scan3A_153 = arith.addi %scan3A_151, %scan3A_152 : i32
          %scan3A_154 = arith.constant 1 : i32
          scf.for %scan3A_156 = %scan3A_151 to %scan3A_153 step %scan3A_154  : i32 {
            %mul3A_157 = arith.constant 1 : i32
            %mul3A_158 = arith.muli %scan3A_156, %mul3A_157 : i32
            %add3A_159 = arith.constant 0 : i32
            %add3A_160 = arith.addi %add3A_159, %mul3A_158 : i32
            %add3A_161 = arith.constant 32 : i32
            %add3A_162 = arith.addi %add3A_161, %add3A_160 : i32
            %jit3A = arith.constant 4 : i32
            %div3A = arith.divsi %add3A_160, %jit3A : i32
            %sign3A = arith.constant 0 : i32
            %sign3A_163 = arith.cmpi sgt, %add3A_160, %sign3A : i32
            %sign3A_164 = arith.extui %sign3A_163 : i1 to i32
            %sign3A_165 = arith.constant 0 : i32
            %sign3A_166 = arith.cmpi slt, %add3A_160, %sign3A_165 : i32
            %sign3A_167 = arith.extui %sign3A_166 : i1 to i32
            %sign3A_168 = arith.subi %sign3A_164, %sign3A_167 : i32
            %sign3A_169 = arith.constant 0 : i32
            %sign3A_170 = arith.cmpi sgt, %jit3A, %sign3A_169 : i32
            %sign3A_171 = arith.extui %sign3A_170 : i1 to i32
            %sign3A_172 = arith.constant 0 : i32
            %sign3A_173 = arith.cmpi slt, %jit3A, %sign3A_172 : i32
            %sign3A_174 = arith.extui %sign3A_173 : i1 to i32
            %sign3A_175 = arith.subi %sign3A_171, %sign3A_174 : i32
            %ne3A = arith.cmpi ne, %sign3A_168, %sign3A_175 : i32
            %rem3A = arith.remsi %add3A_160, %jit3A : i32
            %ne3A_176 = arith.constant 0 : i32
            %ne3A_177 = arith.cmpi ne, %rem3A, %ne3A_176 : i32
            %and3A = arith.andi %ne3A, %ne3A_177 : i1
            %sub3A = arith.constant 1 : i32
            %sub3A_178 = arith.subi %div3A, %sub3A : i32
            %select_n3A = arith.select %and3A, %sub3A_178, %div3A : i32
            %add3A_179 = arith.constant 8 : i32
            %add3A_180 = arith.addi %add3A_179, %select_n3A : i32
            %jit3A_181 = arith.constant 4 : i32
            %eq3A_182 = arith.constant 0 : i32
            %eq3A_183 = arith.cmpi eq, %jit3A_181, %eq3A_182 : i32
            %jit3A_184 = arith.constant 1 : i32
            %select_n3A_185 = arith.select %eq3A_183, %jit3A_184, %jit3A_181 : i32
            %rem3A_186 = arith.remsi %add3A_160, %select_n3A_185 : i32
            %ne3A_187 = arith.constant 0 : i32
            %ne3A_188 = arith.cmpi ne, %rem3A_186, %ne3A_187 : i32
            %lt3A = arith.constant 0 : i32
            %lt3A_189 = arith.cmpi slt, %rem3A_186, %lt3A : i32
            %lt3A_190 = arith.constant 0 : i32
            %lt3A_191 = arith.cmpi slt, %select_n3A_185, %lt3A_190 : i32
            %ne3A_192 = arith.xori %lt3A_189, %lt3A_191 : i1
            %and3A_193 = arith.andi %ne3A_192, %ne3A_188 : i1
            %add3A_194 = arith.addi %rem3A_186, %select_n3A_185 : i32
            %select_n3A_195 = arith.select %and3A_193, %add3A_194, %rem3A_186 : i32
            %mul3A_196 = arith.constant 32 : i32
            %mul3A_197 = arith.muli %select_n3A_195, %mul3A_196 : i32
            %get3A = arith.index_cast %add3A_160 : i32 to index
            %get3A_198 = arith.constant 0 : index
            %get3A_199 = tpu.vector_load %arg10[%get3A, %get3A_198] {strides = array<i32>} : memref<32x128xf32, #tpu.memory_space<vmem>>, vector<1x16xf32>,
            %get3A_200 = vector.shape_cast %get3A_199 : vector<1x16xf32> to vector<16xf32>
            %get3A_201 = arith.index_cast %add3A_180 : i32 to index
            %get3A_202 = arith.index_cast %mul3A_197 : i32 to index
            %get3A_203 = tpu.vector_load %arg11[%get3A_201, %get3A_202] {strides = array<i32>} : memref<32x128xf32, #tpu.memory_space<vmem>>, vector<1x16xf32>,
            %get3A_204 = vector.shape_cast %get3A_203 : vector<1x16xf32> to vector<16xf32>
            %mul3A_205 = arith.mulf %get3A_200, %get3A_204 : vector<16xf32>
            %swap3A = arith.index_cast %add3A_162 : i32 to index
            %swap3A_206 = arith.constant 0 : index
            %swap3A_207 = tpu.vector_load %arg12[%swap3A, %swap3A_206] {strides = array<i32>} : memref<128x32xf32, #tpu.memory_space<vmem>>, vector<1x16xf32>,
            %swap3A_208 = vector.shape_cast %swap3A_207 : vector<1x16xf32> to vector<16xf32>
            %swap3A_209 = vector.shape_cast %mul3A_205 : vector<16xf32> to vector<1x16xf32>
            tpu.vector_store %arg12[%swap3A, %swap3A_206], %swap3A_209 {strides = array<i32>} : memref<128x32xf32, #tpu.memory_space<vmem>>, vector<1x16xf32>,
            %get3A_210 = arith.index_cast %add3A_160 : i32 to index
            %get3A_211 = arith.constant 16 : index
            %get3A_212 = tpu.vector_load %arg10[%get3A_210, %get3A_211] {strides = array<i32>} : memref<32x128xf32, #tpu.memory_space<vmem>>, vector<1x16xf32>,
            %get3A_213 = vector.shape_cast %get3A_212 : vector<1x16xf32> to vector<16xf32>
            %add3A_214 = arith.constant 16 : i32
            %add3A_215 = arith.addi %mul3A_197, %add3A_214 : i32
            %get3A_216 = arith.index_cast %add3A_180 : i32 to index
            %get3A_217 = arith.index_cast %add3A_215 : i32 to index
            %get3A_218 = tpu.vector_load %arg11[%get3A_216, %get3A_217] {strides = array<i32>} : memref<32x128xf32, #tpu.memory_space<vmem>>, vector<1x16xf32>,
            %get3A_219 = vector.shape_cast %get3A_218 : vector<1x16xf32> to vector<16xf32>
            %mul3A_220 = arith.mulf %get3A_213, %get3A_219 : vector<16xf32>
            %swap3A_221 = arith.index_cast %add3A_162 : i32 to index
            %swap3A_222 = arith.constant 16 : index
            %swap3A_223 = tpu.vector_load %arg12[%swap3A_221, %swap3A_222] {strides = array<i32>} : memref<128x32xf32, #tpu.memory_space<vmem>>, vector<1x16xf32>,
            %swap3A_224 = vector.shape_cast %swap3A_223 : vector<1x16xf32> to vector<16xf32>
            %swap3A_225 = vector.shape_cast %mul3A_220 : vector<16xf32> to vector<1x16xf32>
            tpu.vector_store %arg12[%swap3A_221, %swap3A_222], %swap3A_225 {strides = array<i32>} : memref<128x32xf32, #tpu.memory_space<vmem>>, vector<1x16xf32>,
          }
          %scan3A_155 = arith.constant 32 : i32
        } else {
        }
        %eq3A_90 = arith.constant 1 : i32
        %eq3A_91 = arith.cmpi eq, %arg0, %eq3A_90 : i32
        %convert_element_type3A_92 = arith.extui %eq3A_91 : i1 to i32
        %cond3A_93 = arith.constant 0 : i32
        %cond3A_94 = arith.cmpi ne, %convert_element_type3A_92, %cond3A_93 : i32
        scf.if %cond3A_94 {
          %scan3A_151 = arith.constant 0 : i32
          %scan3A_152 = arith.constant 32 : i32
          %scan3A_153 = arith.addi %scan3A_151, %scan3A_152 : i32
          %scan3A_154 = arith.constant 1 : i32
          scf.for %scan3A_156 = %scan3A_151 to %scan3A_153 step %scan3A_154  : i32 {
            %mul3A_157 = arith.constant 1 : i32
            %mul3A_158 = arith.muli %scan3A_156, %mul3A_157 : i32
            %add3A_159 = arith.constant 0 : i32
            %add3A_160 = arith.addi %add3A_159, %mul3A_158 : i32
            %add3A_161 = arith.constant 32 : i32
            %add3A_162 = arith.addi %add3A_161, %add3A_160 : i32
            %jit3A = arith.constant 4 : i32
            %div3A = arith.divsi %add3A_160, %jit3A : i32
            %sign3A = arith.constant 0 : i32
            %sign3A_163 = arith.cmpi sgt, %add3A_160, %sign3A : i32
            %sign3A_164 = arith.extui %sign3A_163 : i1 to i32
            %sign3A_165 = arith.constant 0 : i32
            %sign3A_166 = arith.cmpi slt, %add3A_160, %sign3A_165 : i32
            %sign3A_167 = arith.extui %sign3A_166 : i1 to i32
            %sign3A_168 = arith.subi %sign3A_164, %sign3A_167 : i32
            %sign3A_169 = arith.constant 0 : i32
            %sign3A_170 = arith.cmpi sgt, %jit3A, %sign3A_169 : i32
            %sign3A_171 = arith.extui %sign3A_170 : i1 to i32
            %sign3A_172 = arith.constant 0 : i32
            %sign3A_173 = arith.cmpi slt, %jit3A, %sign3A_172 : i32
            %sign3A_174 = arith.extui %sign3A_173 : i1 to i32
            %sign3A_175 = arith.subi %sign3A_171, %sign3A_174 : i32
            %ne3A = arith.cmpi ne, %sign3A_168, %sign3A_175 : i32
            %rem3A = arith.remsi %add3A_160, %jit3A : i32
            %ne3A_176 = arith.constant 0 : i32
            %ne3A_177 = arith.cmpi ne, %rem3A, %ne3A_176 : i32
            %and3A = arith.andi %ne3A, %ne3A_177 : i1
            %sub3A = arith.constant 1 : i32
            %sub3A_178 = arith.subi %div3A, %sub3A : i32
            %select_n3A = arith.select %and3A, %sub3A_178, %div3A : i32
            %add3A_179 = arith.constant 8 : i32
            %add3A_180 = arith.addi %add3A_179, %select_n3A : i32
            %jit3A_181 = arith.constant 4 : i32
            %eq3A_182 = arith.constant 0 : i32
            %eq3A_183 = arith.cmpi eq, %jit3A_181, %eq3A_182 : i32
            %jit3A_184 = arith.constant 1 : i32
            %select_n3A_185 = arith.select %eq3A_183, %jit3A_184, %jit3A_181 : i32
            %rem3A_186 = arith.remsi %add3A_160, %select_n3A_185 : i32
            %ne3A_187 = arith.constant 0 : i32
            %ne3A_188 = arith.cmpi ne, %rem3A_186, %ne3A_187 : i32
            %lt3A = arith.constant 0 : i32
            %lt3A_189 = arith.cmpi slt, %rem3A_186, %lt3A : i32
            %lt3A_190 = arith.constant 0 : i32
            %lt3A_191 = arith.cmpi slt, %select_n3A_185, %lt3A_190 : i32
            %ne3A_192 = arith.xori %lt3A_189, %lt3A_191 : i1
            %and3A_193 = arith.andi %ne3A_192, %ne3A_188 : i1
            %add3A_194 = arith.addi %rem3A_186, %select_n3A_185 : i32
            %select_n3A_195 = arith.select %and3A_193, %add3A_194, %rem3A_186 : i32
            %mul3A_196 = arith.constant 32 : i32
            %mul3A_197 = arith.muli %select_n3A_195, %mul3A_196 : i32
            %get3A = arith.index_cast %add3A_160 : i32 to index
            %get3A_198 = arith.constant 32 : index
            %get3A_199 = tpu.vector_load %arg10[%get3A, %get3A_198] {strides = array<i32>} : memref<32x128xf32, #tpu.memory_space<vmem>>, vector<1x16xf32>,
            %get3A_200 = vector.shape_cast %get3A_199 : vector<1x16xf32> to vector<16xf32>
            %get3A_201 = arith.index_cast %add3A_180 : i32 to index
            %get3A_202 = arith.index_cast %mul3A_197 : i32 to index
            %get3A_203 = tpu.vector_load %arg11[%get3A_201, %get3A_202] {strides = array<i32>} : memref<32x128xf32, #tpu.memory_space<vmem>>, vector<1x16xf32>,
            %get3A_204 = vector.shape_cast %get3A_203 : vector<1x16xf32> to vector<16xf32>
            %mul3A_205 = arith.mulf %get3A_200, %get3A_204 : vector<16xf32>
            %swap3A = arith.index_cast %add3A_162 : i32 to index
            %swap3A_206 = arith.constant 0 : index
            %swap3A_207 = tpu.vector_load %arg12[%swap3A, %swap3A_206] {strides = array<i32>} : memref<128x32xf32, #tpu.memory_space<vmem>>, vector<1x16xf32>,
            %swap3A_208 = vector.shape_cast %swap3A_207 : vector<1x16xf32> to vector<16xf32>
            %swap3A_209 = vector.shape_cast %mul3A_205 : vector<16xf32> to vector<1x16xf32>
            tpu.vector_store %arg12[%swap3A, %swap3A_206], %swap3A_209 {strides = array<i32>} : memref<128x32xf32, #tpu.memory_space<vmem>>, vector<1x16xf32>,
            %get3A_210 = arith.index_cast %add3A_160 : i32 to index
            %get3A_211 = arith.constant 48 : index
            %get3A_212 = tpu.vector_load %arg10[%get3A_210, %get3A_211] {strides = array<i32>} : memref<32x128xf32, #tpu.memory_space<vmem>>, vector<1x16xf32>,
            %get3A_213 = vector.shape_cast %get3A_212 : vector<1x16xf32> to vector<16xf32>
            %add3A_214 = arith.constant 16 : i32
            %add3A_215 = arith.addi %mul3A_197, %add3A_214 : i32
            %get3A_216 = arith.index_cast %add3A_180 : i32 to index
            %get3A_217 = arith.index_cast %add3A_215 : i32 to index
            %get3A_218 = tpu.vector_load %arg11[%get3A_216, %get3A_217] {strides = array<i32>} : memref<32x128xf32, #tpu.memory_space<vmem>>, vector<1x16xf32>,
            %get3A_219 = vector.shape_cast %get3A_218 : vector<1x16xf32> to vector<16xf32>
            %mul3A_220 = arith.mulf %get3A_213, %get3A_219 : vector<16xf32>
            %swap3A_221 = arith.index_cast %add3A_162 : i32 to index
            %swap3A_222 = arith.constant 16 : index
            %swap3A_223 = tpu.vector_load %arg12[%swap3A_221, %swap3A_222] {strides = array<i32>} : memref<128x32xf32, #tpu.memory_space<vmem>>, vector<1x16xf32>,
            %swap3A_224 = vector.shape_cast %swap3A_223 : vector<1x16xf32> to vector<16xf32>
            %swap3A_225 = vector.shape_cast %mul3A_220 : vector<16xf32> to vector<1x16xf32>
            tpu.vector_store %arg12[%swap3A_221, %swap3A_222], %swap3A_225 {strides = array<i32>} : memref<128x32xf32, #tpu.memory_space<vmem>>, vector<1x16xf32>,
          }
          %scan3A_155 = arith.constant 32 : i32
        } else {
        }
        %dma_start3A_95 = arith.constant 64 : i32
        %dma_start3A_96 = tpu.memref_slice %arg8[%add3A_49, %dma_start3A_95] : memref<8x128xi32, #tpu.memory_space<vmem>> -> memref<1x32xi32, #tpu.memory_space<vmem>>
        %dma_start3A_97 = tpu.memref_squeeze %dma_start3A_96 : memref<1x32xi32, #tpu.memory_space<vmem>> -> memref<32xi32, #tpu.memory_space<vmem>>
        %dma_start3A_98 = arith.constant 0 : i32
        %dma_start3A_99 = arith.constant 0 : i32
        %dma_start3A_100 = tpu.memref_slice %arg2[%dma_start3A_98, %dma_start3A_99] : memref<50000x128xf32, #tpu.memory_space<hbm>> -> memref<50000x128xf32, #tpu.memory_space<hbm>>
        tpu.enqueue_indirect_dma source(%dma_start3A_100 : memref<50000x128xf32, #tpu.memory_space<hbm>>) target(%arg10 : memref<32x128xf32, #tpu.memory_space<vmem>>) offsets(%dma_start3A_97 : memref<32xi32, #tpu.memory_space<vmem>>) semaphore(%arg14 : memref<!tpu.dma_semaphore, #tpu.memory_space<semaphore_mem>>)
        %dma_wait3A_101 = arith.constant 64 : i32
        %dma_wait3A_102 = tpu.memref_slice %arg8[%add3A_49, %dma_wait3A_101] : memref<8x128xi32, #tpu.memory_space<vmem>> -> memref<1x32xi32, #tpu.memory_space<vmem>>
        %dma_wait3A_103 = tpu.memref_squeeze %dma_wait3A_102 : memref<1x32xi32, #tpu.memory_space<vmem>> -> memref<32xi32, #tpu.memory_space<vmem>>
        %dma_wait3A_104 = arith.constant 0 : i32
        %dma_wait3A_105 = arith.constant 0 : i32
        %dma_wait3A_106 = tpu.memref_slice %arg2[%dma_wait3A_104, %dma_wait3A_105] : memref<50000x128xf32, #tpu.memory_space<hbm>> -> memref<50000x128xf32, #tpu.memory_space<hbm>>
        tpu.wait_indirect_dma semaphore(%arg14 : memref<!tpu.dma_semaphore, #tpu.memory_space<semaphore_mem>>) src(%dma_wait3A_106 : memref<50000x128xf32, #tpu.memory_space<hbm>>) dst(%arg10 : memref<32x128xf32, #tpu.memory_space<vmem>>)
        %eq3A_107 = arith.constant 0 : i32
        %eq3A_108 = arith.cmpi eq, %arg0, %eq3A_107 : i32
        %convert_element_type3A_109 = arith.extui %eq3A_108 : i1 to i32
        %cond3A_110 = arith.constant 0 : i32
        %cond3A_111 = arith.cmpi ne, %convert_element_type3A_109, %cond3A_110 : i32
        scf.if %cond3A_111 {
          %scan3A_151 = arith.constant 0 : i32
          %scan3A_152 = arith.constant 32 : i32
          %scan3A_153 = arith.addi %scan3A_151, %scan3A_152 : i32
          %scan3A_154 = arith.constant 1 : i32
          scf.for %scan3A_156 = %scan3A_151 to %scan3A_153 step %scan3A_154  : i32 {
            %mul3A_157 = arith.constant 1 : i32
            %mul3A_158 = arith.muli %scan3A_156, %mul3A_157 : i32
            %add3A_159 = arith.constant 0 : i32
            %add3A_160 = arith.addi %add3A_159, %mul3A_158 : i32
            %add3A_161 = arith.constant 64 : i32
            %add3A_162 = arith.addi %add3A_161, %add3A_160 : i32
            %jit3A = arith.constant 4 : i32
            %div3A = arith.divsi %add3A_160, %jit3A : i32
            %sign3A = arith.constant 0 : i32
            %sign3A_163 = arith.cmpi sgt, %add3A_160, %sign3A : i32
            %sign3A_164 = arith.extui %sign3A_163 : i1 to i32
            %sign3A_165 = arith.constant 0 : i32
            %sign3A_166 = arith.cmpi slt, %add3A_160, %sign3A_165 : i32
            %sign3A_167 = arith.extui %sign3A_166 : i1 to i32
            %sign3A_168 = arith.subi %sign3A_164, %sign3A_167 : i32
            %sign3A_169 = arith.constant 0 : i32
            %sign3A_170 = arith.cmpi sgt, %jit3A, %sign3A_169 : i32
            %sign3A_171 = arith.extui %sign3A_170 : i1 to i32
            %sign3A_172 = arith.constant 0 : i32
            %sign3A_173 = arith.cmpi slt, %jit3A, %sign3A_172 : i32
            %sign3A_174 = arith.extui %sign3A_173 : i1 to i32
            %sign3A_175 = arith.subi %sign3A_171, %sign3A_174 : i32
            %ne3A = arith.cmpi ne, %sign3A_168, %sign3A_175 : i32
            %rem3A = arith.remsi %add3A_160, %jit3A : i32
            %ne3A_176 = arith.constant 0 : i32
            %ne3A_177 = arith.cmpi ne, %rem3A, %ne3A_176 : i32
            %and3A = arith.andi %ne3A, %ne3A_177 : i1
            %sub3A = arith.constant 1 : i32
            %sub3A_178 = arith.subi %div3A, %sub3A : i32
            %select_n3A = arith.select %and3A, %sub3A_178, %div3A : i32
            %add3A_179 = arith.constant 16 : i32
            %add3A_180 = arith.addi %add3A_179, %select_n3A : i32
            %jit3A_181 = arith.constant 4 : i32
            %eq3A_182 = arith.constant 0 : i32
            %eq3A_183 = arith.cmpi eq, %jit3A_181, %eq3A_182 : i32
            %jit3A_184 = arith.constant 1 : i32
            %select_n3A_185 = arith.select %eq3A_183, %jit3A_184, %jit3A_181 : i32
            %rem3A_186 = arith.remsi %add3A_160, %select_n3A_185 : i32
            %ne3A_187 = arith.constant 0 : i32
            %ne3A_188 = arith.cmpi ne, %rem3A_186, %ne3A_187 : i32
            %lt3A = arith.constant 0 : i32
            %lt3A_189 = arith.cmpi slt, %rem3A_186, %lt3A : i32
            %lt3A_190 = arith.constant 0 : i32
            %lt3A_191 = arith.cmpi slt, %select_n3A_185, %lt3A_190 : i32
            %ne3A_192 = arith.xori %lt3A_189, %lt3A_191 : i1
            %and3A_193 = arith.andi %ne3A_192, %ne3A_188 : i1
            %add3A_194 = arith.addi %rem3A_186, %select_n3A_185 : i32
            %select_n3A_195 = arith.select %and3A_193, %add3A_194, %rem3A_186 : i32
            %mul3A_196 = arith.constant 32 : i32
            %mul3A_197 = arith.muli %select_n3A_195, %mul3A_196 : i32
            %get3A = arith.index_cast %add3A_160 : i32 to index
            %get3A_198 = arith.constant 0 : index
            %get3A_199 = tpu.vector_load %arg10[%get3A, %get3A_198] {strides = array<i32>} : memref<32x128xf32, #tpu.memory_space<vmem>>, vector<1x16xf32>,
            %get3A_200 = vector.shape_cast %get3A_199 : vector<1x16xf32> to vector<16xf32>
            %get3A_201 = arith.index_cast %add3A_180 : i32 to index
            %get3A_202 = arith.index_cast %mul3A_197 : i32 to index
            %get3A_203 = tpu.vector_load %arg11[%get3A_201, %get3A_202] {strides = array<i32>} : memref<32x128xf32, #tpu.memory_space<vmem>>, vector<1x16xf32>,
            %get3A_204 = vector.shape_cast %get3A_203 : vector<1x16xf32> to vector<16xf32>
            %mul3A_205 = arith.mulf %get3A_200, %get3A_204 : vector<16xf32>
            %swap3A = arith.index_cast %add3A_162 : i32 to index
            %swap3A_206 = arith.constant 0 : index
            %swap3A_207 = tpu.vector_load %arg12[%swap3A, %swap3A_206] {strides = array<i32>} : memref<128x32xf32, #tpu.memory_space<vmem>>, vector<1x16xf32>,
            %swap3A_208 = vector.shape_cast %swap3A_207 : vector<1x16xf32> to vector<16xf32>
            %swap3A_209 = vector.shape_cast %mul3A_205 : vector<16xf32> to vector<1x16xf32>
            tpu.vector_store %arg12[%swap3A, %swap3A_206], %swap3A_209 {strides = array<i32>} : memref<128x32xf32, #tpu.memory_space<vmem>>, vector<1x16xf32>,
            %get3A_210 = arith.index_cast %add3A_160 : i32 to index
            %get3A_211 = arith.constant 16 : index
            %get3A_212 = tpu.vector_load %arg10[%get3A_210, %get3A_211] {strides = array<i32>} : memref<32x128xf32, #tpu.memory_space<vmem>>, vector<1x16xf32>,
            %get3A_213 = vector.shape_cast %get3A_212 : vector<1x16xf32> to vector<16xf32>
            %add3A_214 = arith.constant 16 : i32
            %add3A_215 = arith.addi %mul3A_197, %add3A_214 : i32
            %get3A_216 = arith.index_cast %add3A_180 : i32 to index
            %get3A_217 = arith.index_cast %add3A_215 : i32 to index
            %get3A_218 = tpu.vector_load %arg11[%get3A_216, %get3A_217] {strides = array<i32>} : memref<32x128xf32, #tpu.memory_space<vmem>>, vector<1x16xf32>,
            %get3A_219 = vector.shape_cast %get3A_218 : vector<1x16xf32> to vector<16xf32>
            %mul3A_220 = arith.mulf %get3A_213, %get3A_219 : vector<16xf32>
            %swap3A_221 = arith.index_cast %add3A_162 : i32 to index
            %swap3A_222 = arith.constant 16 : index
            %swap3A_223 = tpu.vector_load %arg12[%swap3A_221, %swap3A_222] {strides = array<i32>} : memref<128x32xf32, #tpu.memory_space<vmem>>, vector<1x16xf32>,
            %swap3A_224 = vector.shape_cast %swap3A_223 : vector<1x16xf32> to vector<16xf32>
            %swap3A_225 = vector.shape_cast %mul3A_220 : vector<16xf32> to vector<1x16xf32>
            tpu.vector_store %arg12[%swap3A_221, %swap3A_222], %swap3A_225 {strides = array<i32>} : memref<128x32xf32, #tpu.memory_space<vmem>>, vector<1x16xf32>,
          }
          %scan3A_155 = arith.constant 32 : i32
        } else {
        }
        %eq3A_112 = arith.constant 1 : i32
        %eq3A_113 = arith.cmpi eq, %arg0, %eq3A_112 : i32
        %convert_element_type3A_114 = arith.extui %eq3A_113 : i1 to i32
        %cond3A_115 = arith.constant 0 : i32
        %cond3A_116 = arith.cmpi ne, %convert_element_type3A_114, %cond3A_115 : i32
        scf.if %cond3A_116 {
          %scan3A_151 = arith.constant 0 : i32
          %scan3A_152 = arith.constant 32 : i32
          %scan3A_153 = arith.addi %scan3A_151, %scan3A_152 : i32
          %scan3A_154 = arith.constant 1 : i32
          scf.for %scan3A_156 = %scan3A_151 to %scan3A_153 step %scan3A_154  : i32 {
            %mul3A_157 = arith.constant 1 : i32
            %mul3A_158 = arith.muli %scan3A_156, %mul3A_157 : i32
            %add3A_159 = arith.constant 0 : i32
            %add3A_160 = arith.addi %add3A_159, %mul3A_158 : i32
            %add3A_161 = arith.constant 64 : i32
            %add3A_162 = arith.addi %add3A_161, %add3A_160 : i32
            %jit3A = arith.constant 4 : i32
            %div3A = arith.divsi %add3A_160, %jit3A : i32
            %sign3A = arith.constant 0 : i32
            %sign3A_163 = arith.cmpi sgt, %add3A_160, %sign3A : i32
            %sign3A_164 = arith.extui %sign3A_163 : i1 to i32
            %sign3A_165 = arith.constant 0 : i32
            %sign3A_166 = arith.cmpi slt, %add3A_160, %sign3A_165 : i32
            %sign3A_167 = arith.extui %sign3A_166 : i1 to i32
            %sign3A_168 = arith.subi %sign3A_164, %sign3A_167 : i32
            %sign3A_169 = arith.constant 0 : i32
            %sign3A_170 = arith.cmpi sgt, %jit3A, %sign3A_169 : i32
            %sign3A_171 = arith.extui %sign3A_170 : i1 to i32
            %sign3A_172 = arith.constant 0 : i32
            %sign3A_173 = arith.cmpi slt, %jit3A, %sign3A_172 : i32
            %sign3A_174 = arith.extui %sign3A_173 : i1 to i32
            %sign3A_175 = arith.subi %sign3A_171, %sign3A_174 : i32
            %ne3A = arith.cmpi ne, %sign3A_168, %sign3A_175 : i32
            %rem3A = arith.remsi %add3A_160, %jit3A : i32
            %ne3A_176 = arith.constant 0 : i32
            %ne3A_177 = arith.cmpi ne, %rem3A, %ne3A_176 : i32
            %and3A = arith.andi %ne3A, %ne3A_177 : i1
            %sub3A = arith.constant 1 : i32
            %sub3A_178 = arith.subi %div3A, %sub3A : i32
            %select_n3A = arith.select %and3A, %sub3A_178, %div3A : i32
            %add3A_179 = arith.constant 16 : i32
            %add3A_180 = arith.addi %add3A_179, %select_n3A : i32
            %jit3A_181 = arith.constant 4 : i32
            %eq3A_182 = arith.constant 0 : i32
            %eq3A_183 = arith.cmpi eq, %jit3A_181, %eq3A_182 : i32
            %jit3A_184 = arith.constant 1 : i32
            %select_n3A_185 = arith.select %eq3A_183, %jit3A_184, %jit3A_181 : i32
            %rem3A_186 = arith.remsi %add3A_160, %select_n3A_185 : i32
            %ne3A_187 = arith.constant 0 : i32
            %ne3A_188 = arith.cmpi ne, %rem3A_186, %ne3A_187 : i32
            %lt3A = arith.constant 0 : i32
            %lt3A_189 = arith.cmpi slt, %rem3A_186, %lt3A : i32
            %lt3A_190 = arith.constant 0 : i32
            %lt3A_191 = arith.cmpi slt, %select_n3A_185, %lt3A_190 : i32
            %ne3A_192 = arith.xori %lt3A_189, %lt3A_191 : i1
            %and3A_193 = arith.andi %ne3A_192, %ne3A_188 : i1
            %add3A_194 = arith.addi %rem3A_186, %select_n3A_185 : i32
            %select_n3A_195 = arith.select %and3A_193, %add3A_194, %rem3A_186 : i32
            %mul3A_196 = arith.constant 32 : i32
            %mul3A_197 = arith.muli %select_n3A_195, %mul3A_196 : i32
            %get3A = arith.index_cast %add3A_160 : i32 to index
            %get3A_198 = arith.constant 32 : index
            %get3A_199 = tpu.vector_load %arg10[%get3A, %get3A_198] {strides = array<i32>} : memref<32x128xf32, #tpu.memory_space<vmem>>, vector<1x16xf32>,
            %get3A_200 = vector.shape_cast %get3A_199 : vector<1x16xf32> to vector<16xf32>
            %get3A_201 = arith.index_cast %add3A_180 : i32 to index
            %get3A_202 = arith.index_cast %mul3A_197 : i32 to index
            %get3A_203 = tpu.vector_load %arg11[%get3A_201, %get3A_202] {strides = array<i32>} : memref<32x128xf32, #tpu.memory_space<vmem>>, vector<1x16xf32>,
            %get3A_204 = vector.shape_cast %get3A_203 : vector<1x16xf32> to vector<16xf32>
            %mul3A_205 = arith.mulf %get3A_200, %get3A_204 : vector<16xf32>
            %swap3A = arith.index_cast %add3A_162 : i32 to index
            %swap3A_206 = arith.constant 0 : index
            %swap3A_207 = tpu.vector_load %arg12[%swap3A, %swap3A_206] {strides = array<i32>} : memref<128x32xf32, #tpu.memory_space<vmem>>, vector<1x16xf32>,
            %swap3A_208 = vector.shape_cast %swap3A_207 : vector<1x16xf32> to vector<16xf32>
            %swap3A_209 = vector.shape_cast %mul3A_205 : vector<16xf32> to vector<1x16xf32>
            tpu.vector_store %arg12[%swap3A, %swap3A_206], %swap3A_209 {strides = array<i32>} : memref<128x32xf32, #tpu.memory_space<vmem>>, vector<1x16xf32>,
            %get3A_210 = arith.index_cast %add3A_160 : i32 to index
            %get3A_211 = arith.constant 48 : index
            %get3A_212 = tpu.vector_load %arg10[%get3A_210, %get3A_211] {strides = array<i32>} : memref<32x128xf32, #tpu.memory_space<vmem>>, vector<1x16xf32>,
            %get3A_213 = vector.shape_cast %get3A_212 : vector<1x16xf32> to vector<16xf32>
            %add3A_214 = arith.constant 16 : i32
            %add3A_215 = arith.addi %mul3A_197, %add3A_214 : i32
            %get3A_216 = arith.index_cast %add3A_180 : i32 to index
            %get3A_217 = arith.index_cast %add3A_215 : i32 to index
            %get3A_218 = tpu.vector_load %arg11[%get3A_216, %get3A_217] {strides = array<i32>} : memref<32x128xf32, #tpu.memory_space<vmem>>, vector<1x16xf32>,
            %get3A_219 = vector.shape_cast %get3A_218 : vector<1x16xf32> to vector<16xf32>
            %mul3A_220 = arith.mulf %get3A_213, %get3A_219 : vector<16xf32>
            %swap3A_221 = arith.index_cast %add3A_162 : i32 to index
            %swap3A_222 = arith.constant 16 : index
            %swap3A_223 = tpu.vector_load %arg12[%swap3A_221, %swap3A_222] {strides = array<i32>} : memref<128x32xf32, #tpu.memory_space<vmem>>, vector<1x16xf32>,
            %swap3A_224 = vector.shape_cast %swap3A_223 : vector<1x16xf32> to vector<16xf32>
            %swap3A_225 = vector.shape_cast %mul3A_220 : vector<16xf32> to vector<1x16xf32>
            tpu.vector_store %arg12[%swap3A_221, %swap3A_222], %swap3A_225 {strides = array<i32>} : memref<128x32xf32, #tpu.memory_space<vmem>>, vector<1x16xf32>,
          }
          %scan3A_155 = arith.constant 32 : i32
        } else {
        }
        %dma_start3A_117 = arith.constant 96 : i32
        %dma_start3A_118 = tpu.memref_slice %arg8[%add3A_49, %dma_start3A_117] : memref<8x128xi32, #tpu.memory_space<vmem>> -> memref<1x32xi32, #tpu.memory_space<vmem>>
        %dma_start3A_119 = tpu.memref_squeeze %dma_start3A_118 : memref<1x32xi32, #tpu.memory_space<vmem>> -> memref<32xi32, #tpu.memory_space<vmem>>
        %dma_start3A_120 = arith.constant 0 : i32
        %dma_start3A_121 = arith.constant 0 : i32
        %dma_start3A_122 = tpu.memref_slice %arg2[%dma_start3A_120, %dma_start3A_121] : memref<50000x128xf32, #tpu.memory_space<hbm>> -> memref<50000x128xf32, #tpu.memory_space<hbm>>
        tpu.enqueue_indirect_dma source(%dma_start3A_122 : memref<50000x128xf32, #tpu.memory_space<hbm>>) target(%arg10 : memref<32x128xf32, #tpu.memory_space<vmem>>) offsets(%dma_start3A_119 : memref<32xi32, #tpu.memory_space<vmem>>) semaphore(%arg14 : memref<!tpu.dma_semaphore, #tpu.memory_space<semaphore_mem>>)
        %dma_wait3A_123 = arith.constant 96 : i32
        %dma_wait3A_124 = tpu.memref_slice %arg8[%add3A_49, %dma_wait3A_123] : memref<8x128xi32, #tpu.memory_space<vmem>> -> memref<1x32xi32, #tpu.memory_space<vmem>>
        %dma_wait3A_125 = tpu.memref_squeeze %dma_wait3A_124 : memref<1x32xi32, #tpu.memory_space<vmem>> -> memref<32xi32, #tpu.memory_space<vmem>>
        %dma_wait3A_126 = arith.constant 0 : i32
        %dma_wait3A_127 = arith.constant 0 : i32
        %dma_wait3A_128 = tpu.memref_slice %arg2[%dma_wait3A_126, %dma_wait3A_127] : memref<50000x128xf32, #tpu.memory_space<hbm>> -> memref<50000x128xf32, #tpu.memory_space<hbm>>
        tpu.wait_indirect_dma semaphore(%arg14 : memref<!tpu.dma_semaphore, #tpu.memory_space<semaphore_mem>>) src(%dma_wait3A_128 : memref<50000x128xf32, #tpu.memory_space<hbm>>) dst(%arg10 : memref<32x128xf32, #tpu.memory_space<vmem>>)
        %eq3A_129 = arith.constant 0 : i32
        %eq3A_130 = arith.cmpi eq, %arg0, %eq3A_129 : i32
        %convert_element_type3A_131 = arith.extui %eq3A_130 : i1 to i32
        %cond3A_132 = arith.constant 0 : i32
        %cond3A_133 = arith.cmpi ne, %convert_element_type3A_131, %cond3A_132 : i32
        scf.if %cond3A_133 {
          %scan3A_151 = arith.constant 0 : i32
          %scan3A_152 = arith.constant 32 : i32
          %scan3A_153 = arith.addi %scan3A_151, %scan3A_152 : i32
          %scan3A_154 = arith.constant 1 : i32
          scf.for %scan3A_156 = %scan3A_151 to %scan3A_153 step %scan3A_154  : i32 {
            %mul3A_157 = arith.constant 1 : i32
            %mul3A_158 = arith.muli %scan3A_156, %mul3A_157 : i32
            %add3A_159 = arith.constant 0 : i32
            %add3A_160 = arith.addi %add3A_159, %mul3A_158 : i32
            %add3A_161 = arith.constant 96 : i32
            %add3A_162 = arith.addi %add3A_161, %add3A_160 : i32
            %jit3A = arith.constant 4 : i32
            %div3A = arith.divsi %add3A_160, %jit3A : i32
            %sign3A = arith.constant 0 : i32
            %sign3A_163 = arith.cmpi sgt, %add3A_160, %sign3A : i32
            %sign3A_164 = arith.extui %sign3A_163 : i1 to i32
            %sign3A_165 = arith.constant 0 : i32
            %sign3A_166 = arith.cmpi slt, %add3A_160, %sign3A_165 : i32
            %sign3A_167 = arith.extui %sign3A_166 : i1 to i32
            %sign3A_168 = arith.subi %sign3A_164, %sign3A_167 : i32
            %sign3A_169 = arith.constant 0 : i32
            %sign3A_170 = arith.cmpi sgt, %jit3A, %sign3A_169 : i32
            %sign3A_171 = arith.extui %sign3A_170 : i1 to i32
            %sign3A_172 = arith.constant 0 : i32
            %sign3A_173 = arith.cmpi slt, %jit3A, %sign3A_172 : i32
            %sign3A_174 = arith.extui %sign3A_173 : i1 to i32
            %sign3A_175 = arith.subi %sign3A_171, %sign3A_174 : i32
            %ne3A = arith.cmpi ne, %sign3A_168, %sign3A_175 : i32
            %rem3A = arith.remsi %add3A_160, %jit3A : i32
            %ne3A_176 = arith.constant 0 : i32
            %ne3A_177 = arith.cmpi ne, %rem3A, %ne3A_176 : i32
            %and3A = arith.andi %ne3A, %ne3A_177 : i1
            %sub3A = arith.constant 1 : i32
            %sub3A_178 = arith.subi %div3A, %sub3A : i32
            %select_n3A = arith.select %and3A, %sub3A_178, %div3A : i32
            %add3A_179 = arith.constant 24 : i32
            %add3A_180 = arith.addi %add3A_179, %select_n3A : i32
            %jit3A_181 = arith.constant 4 : i32
            %eq3A_182 = arith.constant 0 : i32
            %eq3A_183 = arith.cmpi eq, %jit3A_181, %eq3A_182 : i32
            %jit3A_184 = arith.constant 1 : i32
            %select_n3A_185 = arith.select %eq3A_183, %jit3A_184, %jit3A_181 : i32
            %rem3A_186 = arith.remsi %add3A_160, %select_n3A_185 : i32
            %ne3A_187 = arith.constant 0 : i32
            %ne3A_188 = arith.cmpi ne, %rem3A_186, %ne3A_187 : i32
            %lt3A = arith.constant 0 : i32
            %lt3A_189 = arith.cmpi slt, %rem3A_186, %lt3A : i32
            %lt3A_190 = arith.constant 0 : i32
            %lt3A_191 = arith.cmpi slt, %select_n3A_185, %lt3A_190 : i32
            %ne3A_192 = arith.xori %lt3A_189, %lt3A_191 : i1
            %and3A_193 = arith.andi %ne3A_192, %ne3A_188 : i1
            %add3A_194 = arith.addi %rem3A_186, %select_n3A_185 : i32
            %select_n3A_195 = arith.select %and3A_193, %add3A_194, %rem3A_186 : i32
            %mul3A_196 = arith.constant 32 : i32
            %mul3A_197 = arith.muli %select_n3A_195, %mul3A_196 : i32
            %get3A = arith.index_cast %add3A_160 : i32 to index
            %get3A_198 = arith.constant 0 : index
            %get3A_199 = tpu.vector_load %arg10[%get3A, %get3A_198] {strides = array<i32>} : memref<32x128xf32, #tpu.memory_space<vmem>>, vector<1x16xf32>,
            %get3A_200 = vector.shape_cast %get3A_199 : vector<1x16xf32> to vector<16xf32>
            %get3A_201 = arith.index_cast %add3A_180 : i32 to index
            %get3A_202 = arith.index_cast %mul3A_197 : i32 to index
            %get3A_203 = tpu.vector_load %arg11[%get3A_201, %get3A_202] {strides = array<i32>} : memref<32x128xf32, #tpu.memory_space<vmem>>, vector<1x16xf32>,
            %get3A_204 = vector.shape_cast %get3A_203 : vector<1x16xf32> to vector<16xf32>
            %mul3A_205 = arith.mulf %get3A_200, %get3A_204 : vector<16xf32>
            %swap3A = arith.index_cast %add3A_162 : i32 to index
            %swap3A_206 = arith.constant 0 : index
            %swap3A_207 = tpu.vector_load %arg12[%swap3A, %swap3A_206] {strides = array<i32>} : memref<128x32xf32, #tpu.memory_space<vmem>>, vector<1x16xf32>,
            %swap3A_208 = vector.shape_cast %swap3A_207 : vector<1x16xf32> to vector<16xf32>
            %swap3A_209 = vector.shape_cast %mul3A_205 : vector<16xf32> to vector<1x16xf32>
            tpu.vector_store %arg12[%swap3A, %swap3A_206], %swap3A_209 {strides = array<i32>} : memref<128x32xf32, #tpu.memory_space<vmem>>, vector<1x16xf32>,
            %get3A_210 = arith.index_cast %add3A_160 : i32 to index
            %get3A_211 = arith.constant 16 : index
            %get3A_212 = tpu.vector_load %arg10[%get3A_210, %get3A_211] {strides = array<i32>} : memref<32x128xf32, #tpu.memory_space<vmem>>, vector<1x16xf32>,
            %get3A_213 = vector.shape_cast %get3A_212 : vector<1x16xf32> to vector<16xf32>
            %add3A_214 = arith.constant 16 : i32
            %add3A_215 = arith.addi %mul3A_197, %add3A_214 : i32
            %get3A_216 = arith.index_cast %add3A_180 : i32 to index
            %get3A_217 = arith.index_cast %add3A_215 : i32 to index
            %get3A_218 = tpu.vector_load %arg11[%get3A_216, %get3A_217] {strides = array<i32>} : memref<32x128xf32, #tpu.memory_space<vmem>>, vector<1x16xf32>,
            %get3A_219 = vector.shape_cast %get3A_218 : vector<1x16xf32> to vector<16xf32>
            %mul3A_220 = arith.mulf %get3A_213, %get3A_219 : vector<16xf32>
            %swap3A_221 = arith.index_cast %add3A_162 : i32 to index
            %swap3A_222 = arith.constant 16 : index
            %swap3A_223 = tpu.vector_load %arg12[%swap3A_221, %swap3A_222] {strides = array<i32>} : memref<128x32xf32, #tpu.memory_space<vmem>>, vector<1x16xf32>,
            %swap3A_224 = vector.shape_cast %swap3A_223 : vector<1x16xf32> to vector<16xf32>
            %swap3A_225 = vector.shape_cast %mul3A_220 : vector<16xf32> to vector<1x16xf32>
            tpu.vector_store %arg12[%swap3A_221, %swap3A_222], %swap3A_225 {strides = array<i32>} : memref<128x32xf32, #tpu.memory_space<vmem>>, vector<1x16xf32>,
          }
          %scan3A_155 = arith.constant 32 : i32
        } else {
        }
        %eq3A_134 = arith.constant 1 : i32
        %eq3A_135 = arith.cmpi eq, %arg0, %eq3A_134 : i32
        %convert_element_type3A_136 = arith.extui %eq3A_135 : i1 to i32
        %cond3A_137 = arith.constant 0 : i32
        %cond3A_138 = arith.cmpi ne, %convert_element_type3A_136, %cond3A_137 : i32
        scf.if %cond3A_138 {
          %scan3A_151 = arith.constant 0 : i32
          %scan3A_152 = arith.constant 32 : i32
          %scan3A_153 = arith.addi %scan3A_151, %scan3A_152 : i32
          %scan3A_154 = arith.constant 1 : i32
          scf.for %scan3A_156 = %scan3A_151 to %scan3A_153 step %scan3A_154  : i32 {
            %mul3A_157 = arith.constant 1 : i32
            %mul3A_158 = arith.muli %scan3A_156, %mul3A_157 : i32
            %add3A_159 = arith.constant 0 : i32
            %add3A_160 = arith.addi %add3A_159, %mul3A_158 : i32
            %add3A_161 = arith.constant 96 : i32
            %add3A_162 = arith.addi %add3A_161, %add3A_160 : i32
            %jit3A = arith.constant 4 : i32
            %div3A = arith.divsi %add3A_160, %jit3A : i32
            %sign3A = arith.constant 0 : i32
            %sign3A_163 = arith.cmpi sgt, %add3A_160, %sign3A : i32
            %sign3A_164 = arith.extui %sign3A_163 : i1 to i32
            %sign3A_165 = arith.constant 0 : i32
            %sign3A_166 = arith.cmpi slt, %add3A_160, %sign3A_165 : i32
            %sign3A_167 = arith.extui %sign3A_166 : i1 to i32
            %sign3A_168 = arith.subi %sign3A_164, %sign3A_167 : i32
            %sign3A_169 = arith.constant 0 : i32
            %sign3A_170 = arith.cmpi sgt, %jit3A, %sign3A_169 : i32
            %sign3A_171 = arith.extui %sign3A_170 : i1 to i32
            %sign3A_172 = arith.constant 0 : i32
            %sign3A_173 = arith.cmpi slt, %jit3A, %sign3A_172 : i32
            %sign3A_174 = arith.extui %sign3A_173 : i1 to i32
            %sign3A_175 = arith.subi %sign3A_171, %sign3A_174 : i32
            %ne3A = arith.cmpi ne, %sign3A_168, %sign3A_175 : i32
            %rem3A = arith.remsi %add3A_160, %jit3A : i32
            %ne3A_176 = arith.constant 0 : i32
            %ne3A_177 = arith.cmpi ne, %rem3A, %ne3A_176 : i32
            %and3A = arith.andi %ne3A, %ne3A_177 : i1
            %sub3A = arith.constant 1 : i32
            %sub3A_178 = arith.subi %div3A, %sub3A : i32
            %select_n3A = arith.select %and3A, %sub3A_178, %div3A : i32
            %add3A_179 = arith.constant 24 : i32
            %add3A_180 = arith.addi %add3A_179, %select_n3A : i32
            %jit3A_181 = arith.constant 4 : i32
            %eq3A_182 = arith.constant 0 : i32
            %eq3A_183 = arith.cmpi eq, %jit3A_181, %eq3A_182 : i32
            %jit3A_184 = arith.constant 1 : i32
            %select_n3A_185 = arith.select %eq3A_183, %jit3A_184, %jit3A_181 : i32
            %rem3A_186 = arith.remsi %add3A_160, %select_n3A_185 : i32
            %ne3A_187 = arith.constant 0 : i32
            %ne3A_188 = arith.cmpi ne, %rem3A_186, %ne3A_187 : i32
            %lt3A = arith.constant 0 : i32
            %lt3A_189 = arith.cmpi slt, %rem3A_186, %lt3A : i32
            %lt3A_190 = arith.constant 0 : i32
            %lt3A_191 = arith.cmpi slt, %select_n3A_185, %lt3A_190 : i32
            %ne3A_192 = arith.xori %lt3A_189, %lt3A_191 : i1
            %and3A_193 = arith.andi %ne3A_192, %ne3A_188 : i1
            %add3A_194 = arith.addi %rem3A_186, %select_n3A_185 : i32
            %select_n3A_195 = arith.select %and3A_193, %add3A_194, %rem3A_186 : i32
            %mul3A_196 = arith.constant 32 : i32
            %mul3A_197 = arith.muli %select_n3A_195, %mul3A_196 : i32
            %get3A = arith.index_cast %add3A_160 : i32 to index
            %get3A_198 = arith.constant 32 : index
            %get3A_199 = tpu.vector_load %arg10[%get3A, %get3A_198] {strides = array<i32>} : memref<32x128xf32, #tpu.memory_space<vmem>>, vector<1x16xf32>,
            %get3A_200 = vector.shape_cast %get3A_199 : vector<1x16xf32> to vector<16xf32>
            %get3A_201 = arith.index_cast %add3A_180 : i32 to index
            %get3A_202 = arith.index_cast %mul3A_197 : i32 to index
            %get3A_203 = tpu.vector_load %arg11[%get3A_201, %get3A_202] {strides = array<i32>} : memref<32x128xf32, #tpu.memory_space<vmem>>, vector<1x16xf32>,
            %get3A_204 = vector.shape_cast %get3A_203 : vector<1x16xf32> to vector<16xf32>
            %mul3A_205 = arith.mulf %get3A_200, %get3A_204 : vector<16xf32>
            %swap3A = arith.index_cast %add3A_162 : i32 to index
            %swap3A_206 = arith.constant 0 : index
            %swap3A_207 = tpu.vector_load %arg12[%swap3A, %swap3A_206] {strides = array<i32>} : memref<128x32xf32, #tpu.memory_space<vmem>>, vector<1x16xf32>,
            %swap3A_208 = vector.shape_cast %swap3A_207 : vector<1x16xf32> to vector<16xf32>
            %swap3A_209 = vector.shape_cast %mul3A_205 : vector<16xf32> to vector<1x16xf32>
            tpu.vector_store %arg12[%swap3A, %swap3A_206], %swap3A_209 {strides = array<i32>} : memref<128x32xf32, #tpu.memory_space<vmem>>, vector<1x16xf32>,
            %get3A_210 = arith.index_cast %add3A_160 : i32 to index
            %get3A_211 = arith.constant 48 : index
            %get3A_212 = tpu.vector_load %arg10[%get3A_210, %get3A_211] {strides = array<i32>} : memref<32x128xf32, #tpu.memory_space<vmem>>, vector<1x16xf32>,
            %get3A_213 = vector.shape_cast %get3A_212 : vector<1x16xf32> to vector<16xf32>
            %add3A_214 = arith.constant 16 : i32
            %add3A_215 = arith.addi %mul3A_197, %add3A_214 : i32
            %get3A_216 = arith.index_cast %add3A_180 : i32 to index
            %get3A_217 = arith.index_cast %add3A_215 : i32 to index
            %get3A_218 = tpu.vector_load %arg11[%get3A_216, %get3A_217] {strides = array<i32>} : memref<32x128xf32, #tpu.memory_space<vmem>>, vector<1x16xf32>,
            %get3A_219 = vector.shape_cast %get3A_218 : vector<1x16xf32> to vector<16xf32>
            %mul3A_220 = arith.mulf %get3A_213, %get3A_219 : vector<16xf32>
            %swap3A_221 = arith.index_cast %add3A_162 : i32 to index
            %swap3A_222 = arith.constant 16 : index
            %swap3A_223 = tpu.vector_load %arg12[%swap3A_221, %swap3A_222] {strides = array<i32>} : memref<128x32xf32, #tpu.memory_space<vmem>>, vector<1x16xf32>,
            %swap3A_224 = vector.shape_cast %swap3A_223 : vector<1x16xf32> to vector<16xf32>
            %swap3A_225 = vector.shape_cast %mul3A_220 : vector<16xf32> to vector<1x16xf32>
            tpu.vector_store %arg12[%swap3A_221, %swap3A_222], %swap3A_225 {strides = array<i32>} : memref<128x32xf32, #tpu.memory_space<vmem>>, vector<1x16xf32>,
          }
          %scan3A_155 = arith.constant 32 : i32
        } else {
        }
        %dma_start3A_139 = arith.constant 0 : i32
        %dma_start3A_140 = tpu.memref_slice %arg9[%add3A_49, %dma_start3A_139] : memref<8x128xi32, #tpu.memory_space<vmem>> -> memref<1x128xi32, #tpu.memory_space<vmem>>
        %dma_start3A_141 = tpu.memref_squeeze %dma_start3A_140 : memref<1x128xi32, #tpu.memory_space<vmem>> -> memref<128xi32, #tpu.memory_space<vmem>>
        %dma_start3A_142 = arith.constant 0 : i32
        %dma_start3A_143 = arith.constant 0 : i32
        %dma_start3A_144 = tpu.memref_slice %arg13[%dma_start3A_142, %dma_start3A_143] : memref<51200x32xf32, #tpu.memory_space<vmem_shared>> -> memref<51200x32xf32, #tpu.memory_space<vmem_shared>>
        tpu.enqueue_indirect_dma source(%arg12 : memref<128x32xf32, #tpu.memory_space<vmem>>) target(%dma_start3A_144 : memref<51200x32xf32, #tpu.memory_space<vmem_shared>>) offsets(%dma_start3A_141 : memref<128xi32, #tpu.memory_space<vmem>>) semaphore(%arg14 : memref<!tpu.dma_semaphore, #tpu.memory_space<semaphore_mem>>) {add = true}
        %dma_wait3A_145 = arith.constant 0 : i32
        %dma_wait3A_146 = tpu.memref_slice %arg9[%add3A_49, %dma_wait3A_145] : memref<8x128xi32, #tpu.memory_space<vmem>> -> memref<1x128xi32, #tpu.memory_space<vmem>>
        %dma_wait3A_147 = tpu.memref_squeeze %dma_wait3A_146 : memref<1x128xi32, #tpu.memory_space<vmem>> -> memref<128xi32, #tpu.memory_space<vmem>>
        %dma_wait3A_148 = arith.constant 0 : i32
        %dma_wait3A_149 = arith.constant 0 : i32
        %dma_wait3A_150 = tpu.memref_slice %arg13[%dma_wait3A_148, %dma_wait3A_149] : memref<51200x32xf32, #tpu.memory_space<vmem_shared>> -> memref<51200x32xf32, #tpu.memory_space<vmem_shared>>
        tpu.wait_indirect_dma semaphore(%arg14 : memref<!tpu.dma_semaphore, #tpu.memory_space<semaphore_mem>>) src(%arg12 : memref<128x32xf32, #tpu.memory_space<vmem>>) dst(%dma_wait3A_150 : memref<51200x32xf32, #tpu.memory_space<vmem_shared>>)
      }
      %scan3A_44 = arith.constant 8 : i32
    }
    %scan3A_20 = arith.constant 49 : i32
    %barrier3A_21 = arith.constant 0 : index
    tpu.barrier barrier_id(%barrier3A_21)
    %mul3A_22 = arith.constant 51200 : i32
    %mul3A_23 = arith.muli %arg0, %mul3A_22 : i32
    %add3A_24 = arith.addi %mul3A_23, %mul3A_0 : i32
    %scan3A_25 = arith.constant 0 : i32
    %scan3A_26 = arith.constant 4 : i32
    %scan3A_27 = arith.addi %scan3A_25, %scan3A_26 : i32
    %scan3A_28 = arith.constant 1 : i32
    scf.for %scan3A_30 = %scan3A_25 to %scan3A_27 step %scan3A_28  : i32 {
      %mul3A_31 = arith.constant 1 : i32
      %mul3A_32 = arith.muli %scan3A_30, %mul3A_31 : i32
      %add3A_33 = arith.constant 0 : i32
      %add3A_34 = arith.addi %add3A_33, %mul3A_32 : i32
      %mul3A_35 = arith.constant 32 : i32
      %mul3A_36 = arith.muli %arg1, %mul3A_35 : i32
      %mul3A_37 = arith.constant 8 : i32
      %mul3A_38 = arith.muli %add3A_34, %mul3A_37 : i32
      %add3A_39 = arith.addi %mul3A_36, %mul3A_38 : i32
      "tpu.region"() ({
        %run_scoped3A = tpu.sem_alloc : memref<!tpu.dma_semaphore, #tpu.memory_space<semaphore_mem>>
        %dma_start3A = arith.constant 0 : i32
        %dma_start3A_58 = tpu.memref_slice %arg6[%add3A_39, %dma_start3A] : memref<512x128xi32, #tpu.memory_space<hbm>> -> memref<8x128xi32, #tpu.memory_space<hbm>>
        %dma_start3A_59 = arith.constant 0 : i32
        %dma_start3A_60 = tpu.memref_slice %arg6[%add3A_39, %dma_start3A_59] : memref<512x128xi32, #tpu.memory_space<hbm>> -> memref<8x128xi32, #tpu.memory_space<hbm>>
        tpu.enqueue_dma source(%dma_start3A_60 : memref<8x128xi32, #tpu.memory_space<hbm>>) target(%arg9 : memref<8x128xi32, #tpu.memory_space<vmem>>) target_semaphore(%run_scoped3A : memref<!tpu.dma_semaphore, #tpu.memory_space<semaphore_mem>>)
        %dma_wait3A = arith.constant 0 : i32
        %dma_wait3A_61 = tpu.memref_slice %arg6[%add3A_39, %dma_wait3A] : memref<512x128xi32, #tpu.memory_space<hbm>> -> memref<8x128xi32, #tpu.memory_space<hbm>>
        %dma_wait3A_62 = arith.constant 0 : i32
        %dma_wait3A_63 = tpu.memref_slice %arg6[%add3A_39, %dma_wait3A_62] : memref<512x128xi32, #tpu.memory_space<hbm>> -> memref<8x128xi32, #tpu.memory_space<hbm>>
        tpu.wait_dma2 semaphore(%run_scoped3A : memref<!tpu.dma_semaphore, #tpu.memory_space<semaphore_mem>>) src(%dma_wait3A_63 : memref<8x128xi32, #tpu.memory_space<hbm>>) dst(%arg9 : memref<8x128xi32, #tpu.memory_space<vmem>>)
        tpu.yield
      }) : () -> ()
      %eq3A = arith.constant 3 : i32
      %eq3A_40 = arith.cmpi eq, %add3A_34, %eq3A : i32
      %jit3A = arith.constant 1 : i32
      %jit3A_41 = arith.constant 8 : i32
      %select_n3A = arith.select %eq3A_40, %jit3A, %jit3A_41 : i32
      %sub3A = arith.constant 0 : i32
      %sub3A_42 = arith.subi %select_n3A, %sub3A : i32
      %sub3A_43 = arith.constant 1 : i32
      %sub3A_44 = arith.constant 1 : i32
      %sub3A_45 = arith.subi %sub3A_43, %sub3A_44 : i32
      %add3A_46 = arith.addi %sub3A_42, %sub3A_45 : i32
      %div3A = arith.constant 1 : i32
      %div3A_47 = arith.divsi %add3A_46, %div3A : i32
      %while3A = arith.constant 1 : i32
      %while3A_48 = arith.constant 0 : i32
      %while3A_49 = arith.constant 0 : i32
      %while3A_50 = arith.subi %div3A_47, %while3A_49 : i32
      %while3A_51 = arith.addi %while3A_49, %while3A_50 : i32
      %while3A_52 = arith.constant 1 : i32
      %while3A_53 = arith.divsi %while3A_50, %while3A_52 : i32
      %while3A_54 = arith.muli %while3A_53, %while3A_52 : i32
      %while3A_55 = arith.addi %while3A_49, %while3A_54 : i32
      %while3A_56 = arith.constant 1 : i32
      scf.for %while3A_58 = %while3A_49 to %while3A_55 step %while3A_56  : i32 {
        %mul3A_59 = arith.muli %while3A_58, %while3A : i32
        %add3A_60 = arith.addi %while3A_48, %mul3A_59 : i32
        %dma_start3A = arith.constant 0 : i32
        %dma_start3A_61 = tpu.memref_slice %arg9[%add3A_60, %dma_start3A] : memref<8x128xi32, #tpu.memory_space<vmem>> -> memref<1x128xi32, #tpu.memory_space<vmem>>
        %dma_start3A_62 = tpu.memref_squeeze %dma_start3A_61 : memref<1x128xi32, #tpu.memory_space<vmem>> -> memref<128xi32, #tpu.memory_space<vmem>>
        %dma_start3A_63 = arith.constant 0 : i32
        %dma_start3A_64 = arith.constant 0 : i32
        %dma_start3A_65 = tpu.memref_slice %arg13[%dma_start3A_63, %dma_start3A_64] : memref<51200x32xf32, #tpu.memory_space<vmem_shared>> -> memref<51200x32xf32, #tpu.memory_space<vmem_shared>>
        tpu.enqueue_indirect_dma source(%dma_start3A_65 : memref<51200x32xf32, #tpu.memory_space<vmem_shared>>) target(%arg12 : memref<128x32xf32, #tpu.memory_space<vmem>>) offsets(%dma_start3A_62 : memref<128xi32, #tpu.memory_space<vmem>>) semaphore(%arg14 : memref<!tpu.dma_semaphore, #tpu.memory_space<semaphore_mem>>)
        %dma_wait3A = arith.constant 0 : i32
        %dma_wait3A_66 = tpu.memref_slice %arg9[%add3A_60, %dma_wait3A] : memref<8x128xi32, #tpu.memory_space<vmem>> -> memref<1x128xi32, #tpu.memory_space<vmem>>
        %dma_wait3A_67 = tpu.memref_squeeze %dma_wait3A_66 : memref<1x128xi32, #tpu.memory_space<vmem>> -> memref<128xi32, #tpu.memory_space<vmem>>
        %dma_wait3A_68 = arith.constant 0 : i32
        %dma_wait3A_69 = arith.constant 0 : i32
        %dma_wait3A_70 = tpu.memref_slice %arg13[%dma_wait3A_68, %dma_wait3A_69] : memref<51200x32xf32, #tpu.memory_space<vmem_shared>> -> memref<51200x32xf32, #tpu.memory_space<vmem_shared>>
        tpu.wait_indirect_dma semaphore(%arg14 : memref<!tpu.dma_semaphore, #tpu.memory_space<semaphore_mem>>) src(%dma_wait3A_70 : memref<51200x32xf32, #tpu.memory_space<vmem_shared>>) dst(%arg12 : memref<128x32xf32, #tpu.memory_space<vmem>>)
        %mul3A_71 = arith.constant 8 : i32
        %mul3A_72 = arith.muli %add3A_34, %mul3A_71 : i32
        %add3A_73 = arith.addi %mul3A_72, %add3A_60 : i32
        %mul3A_74 = arith.constant 128 : i32
        %mul3A_75 = arith.muli %add3A_73, %mul3A_74 : i32
        %add3A_76 = arith.addi %add3A_24, %mul3A_75 : i32
        "tpu.region"() ({
          %run_scoped3A = tpu.sem_alloc : memref<!tpu.dma_semaphore, #tpu.memory_space<semaphore_mem>>
          %dma_start3A_77 = arith.constant 0 : i32
          %dma_start3A_78 = tpu.memref_slice %arg7[%add3A_76, %dma_start3A_77] : memref<102400x32xf32, #tpu.memory_space<hbm>> -> memref<128x32xf32, #tpu.memory_space<hbm>>
          %dma_start3A_79 = arith.constant 0 : i32
          %dma_start3A_80 = tpu.memref_slice %arg7[%add3A_76, %dma_start3A_79] : memref<102400x32xf32, #tpu.memory_space<hbm>> -> memref<128x32xf32, #tpu.memory_space<hbm>>
          tpu.enqueue_dma source(%arg12 : memref<128x32xf32, #tpu.memory_space<vmem>>) target(%dma_start3A_80 : memref<128x32xf32, #tpu.memory_space<hbm>>) target_semaphore(%run_scoped3A : memref<!tpu.dma_semaphore, #tpu.memory_space<semaphore_mem>>)
          %dma_wait3A_81 = arith.constant 0 : i32
          %dma_wait3A_82 = tpu.memref_slice %arg7[%add3A_76, %dma_wait3A_81] : memref<102400x32xf32, #tpu.memory_space<hbm>> -> memref<128x32xf32, #tpu.memory_space<hbm>>
          %dma_wait3A_83 = arith.constant 0 : i32
          %dma_wait3A_84 = tpu.memref_slice %arg7[%add3A_76, %dma_wait3A_83] : memref<102400x32xf32, #tpu.memory_space<hbm>> -> memref<128x32xf32, #tpu.memory_space<hbm>>
          tpu.wait_dma2 semaphore(%run_scoped3A : memref<!tpu.dma_semaphore, #tpu.memory_space<semaphore_mem>>) src(%arg12 : memref<128x32xf32, #tpu.memory_space<vmem>>) dst(%dma_wait3A_84 : memref<128x32xf32, #tpu.memory_space<hbm>>)
          tpu.yield
        }) : () -> ()
      }
      %while3A_57 = arith.constant 1 : i32
      scf.for %while3A_58 = %while3A_55 to %while3A_51 step %while3A_57  : i32 {
        %mul3A_59 = arith.muli %while3A_58, %while3A : i32
        %add3A_60 = arith.addi %while3A_48, %mul3A_59 : i32
        %dma_start3A = arith.constant 0 : i32
        %dma_start3A_61 = tpu.memref_slice %arg9[%add3A_60, %dma_start3A] : memref<8x128xi32, #tpu.memory_space<vmem>> -> memref<1x128xi32, #tpu.memory_space<vmem>>
        %dma_start3A_62 = tpu.memref_squeeze %dma_start3A_61 : memref<1x128xi32, #tpu.memory_space<vmem>> -> memref<128xi32, #tpu.memory_space<vmem>>
        %dma_start3A_63 = arith.constant 0 : i32
        %dma_start3A_64 = arith.constant 0 : i32
        %dma_start3A_65 = tpu.memref_slice %arg13[%dma_start3A_63, %dma_start3A_64] : memref<51200x32xf32, #tpu.memory_space<vmem_shared>> -> memref<51200x32xf32, #tpu.memory_space<vmem_shared>>
        tpu.enqueue_indirect_dma source(%dma_start3A_65 : memref<51200x32xf32, #tpu.memory_space<vmem_shared>>) target(%arg12 : memref<128x32xf32, #tpu.memory_space<vmem>>) offsets(%dma_start3A_62 : memref<128xi32, #tpu.memory_space<vmem>>) semaphore(%arg14 : memref<!tpu.dma_semaphore, #tpu.memory_space<semaphore_mem>>)
        %dma_wait3A = arith.constant 0 : i32
        %dma_wait3A_66 = tpu.memref_slice %arg9[%add3A_60, %dma_wait3A] : memref<8x128xi32, #tpu.memory_space<vmem>> -> memref<1x128xi32, #tpu.memory_space<vmem>>
        %dma_wait3A_67 = tpu.memref_squeeze %dma_wait3A_66 : memref<1x128xi32, #tpu.memory_space<vmem>> -> memref<128xi32, #tpu.memory_space<vmem>>
        %dma_wait3A_68 = arith.constant 0 : i32
        %dma_wait3A_69 = arith.constant 0 : i32
        %dma_wait3A_70 = tpu.memref_slice %arg13[%dma_wait3A_68, %dma_wait3A_69] : memref<51200x32xf32, #tpu.memory_space<vmem_shared>> -> memref<51200x32xf32, #tpu.memory_space<vmem_shared>>
        tpu.wait_indirect_dma semaphore(%arg14 : memref<!tpu.dma_semaphore, #tpu.memory_space<semaphore_mem>>) src(%dma_wait3A_70 : memref<51200x32xf32, #tpu.memory_space<vmem_shared>>) dst(%arg12 : memref<128x32xf32, #tpu.memory_space<vmem>>)
        %mul3A_71 = arith.constant 8 : i32
        %mul3A_72 = arith.muli %add3A_34, %mul3A_71 : i32
        %add3A_73 = arith.addi %mul3A_72, %add3A_60 : i32
        %mul3A_74 = arith.constant 128 : i32
        %mul3A_75 = arith.muli %add3A_73, %mul3A_74 : i32
        %add3A_76 = arith.addi %add3A_24, %mul3A_75 : i32
        "tpu.region"() ({
          %run_scoped3A = tpu.sem_alloc : memref<!tpu.dma_semaphore, #tpu.memory_space<semaphore_mem>>
          %dma_start3A_77 = arith.constant 0 : i32
          %dma_start3A_78 = tpu.memref_slice %arg7[%add3A_76, %dma_start3A_77] : memref<102400x32xf32, #tpu.memory_space<hbm>> -> memref<128x32xf32, #tpu.memory_space<hbm>>
          %dma_start3A_79 = arith.constant 0 : i32
          %dma_start3A_80 = tpu.memref_slice %arg7[%add3A_76, %dma_start3A_79] : memref<102400x32xf32, #tpu.memory_space<hbm>> -> memref<128x32xf32, #tpu.memory_space<hbm>>
          tpu.enqueue_dma source(%arg12 : memref<128x32xf32, #tpu.memory_space<vmem>>) target(%dma_start3A_80 : memref<128x32xf32, #tpu.memory_space<hbm>>) target_semaphore(%run_scoped3A : memref<!tpu.dma_semaphore, #tpu.memory_space<semaphore_mem>>)
          %dma_wait3A_81 = arith.constant 0 : i32
          %dma_wait3A_82 = tpu.memref_slice %arg7[%add3A_76, %dma_wait3A_81] : memref<102400x32xf32, #tpu.memory_space<hbm>> -> memref<128x32xf32, #tpu.memory_space<hbm>>
          %dma_wait3A_83 = arith.constant 0 : i32
          %dma_wait3A_84 = tpu.memref_slice %arg7[%add3A_76, %dma_wait3A_83] : memref<102400x32xf32, #tpu.memory_space<hbm>> -> memref<128x32xf32, #tpu.memory_space<hbm>>
          tpu.wait_dma2 semaphore(%run_scoped3A : memref<!tpu.dma_semaphore, #tpu.memory_space<semaphore_mem>>) src(%arg12 : memref<128x32xf32, #tpu.memory_space<vmem>>) dst(%dma_wait3A_84 : memref<128x32xf32, #tpu.memory_space<hbm>>)
          tpu.yield
        }) : () -> ()
      }
    }
    %scan3A_29 = arith.constant 4 : i32
    return
  }
}

module attributes {stable_mosaic.version = 14 : i64} {
  func.func @_emb_body(%arg0: i32, %arg1: memref<2000x1xi32, #tpu.memory_space<vmem>>, %arg2: memref<128x64xf32, #tpu.memory_space<vmem>>, %arg3: memref<1x64x64xf32, #tpu.memory_space<vmem>>, %arg4: memref<2000x64xf32, #tpu.memory_space<vmem>>, %arg5: memref<2000x128xf32, #tpu.memory_space<vmem>>) attributes {dimension_semantics = [#tpu.dimension_semantics<arbitrary>], iteration_bounds = array<i64: 25>, scalar_prefetch = 0 : i64, scratch_operands = 0 : i64, tpu.core_type = #tpu.core_type<tc>, window_params = [{transform_indices = @transform_0, window_bounds = array<i64: 2000, 1>}, {pipeline_mode = #tpu.pipeline_mode<synchronous>, transform_indices = @transform_1, window_bounds = array<i64: 128, 64>}, {transform_indices = @transform_2, window_bounds = array<i64: 1, 64, 64>}, {transform_indices = @transform_3, window_bounds = array<i64: 2000, 64>}, {transform_indices = @transform_4, window_bounds = array<i64: 2000, 128>}]} {
    %get3A = arith.constant 0 : index
    %get3A_0 = arith.constant 0 : index
    %get3A_1 = vector.load %arg1[%get3A, %get3A_0] : memref<2000x1xi32, #tpu.memory_space<vmem>>, vector<2000x1xi32>
    %iota3A = tpu.iota {dimensions = array<i32: 1>} : vector<2000x128xi32>
    %eq3A = vector.broadcast %get3A_1 : vector<2000x1xi32> to vector<2000x128xi32>
    %eq3A_2 = arith.cmpi eq, %eq3A, %iota3A : vector<2000x128xi32>
    %convert_element_type3A = arith.extui %eq3A_2 : vector<2000x128xi1> to vector<2000x128xi32>
    %convert_element_type3A_3 = arith.sitofp %convert_element_type3A : vector<2000x128xi32> to vector<2000x128xf32>
    %get3A_4 = arith.constant 0 : index
    %get3A_5 = arith.constant 0 : index
    %get3A_6 = vector.load %arg2[%get3A_4, %get3A_5] : memref<128x64xf32, #tpu.memory_space<vmem>>, vector<128x64xf32>
    %dot_general3A = arith.constant dense<0.000000e+00> : vector<2000x64xf32>
    %dot_general3A_7 = tpu.matmul %convert_element_type3A_3, %get3A_6, %dot_general3A {dimension_numbers = #tpu.dot_dimension_numbers<[1], [0], [0], [1], [0, 0, 1, 1], [], []>, transpose_lhs_hint = false} : vector<2000x128xf32>, vector<128x64xf32>, vector<2000x64xf32> -> vector<2000x64xf32>
    %swap3A = arith.constant 0 : index
    %swap3A_8 = arith.constant 0 : index
    %swap3A_9 = vector.load %arg4[%swap3A, %swap3A_8] : memref<2000x64xf32, #tpu.memory_space<vmem>>, vector<2000x64xf32>
    tpu.vector_store %arg4[%swap3A, %swap3A_8], %dot_general3A_7 {strides = array<i32>} : memref<2000x64xf32, #tpu.memory_space<vmem>>, vector<2000x64xf32>,
    %get3A_10 = arith.constant 0 : index
    %get3A_11 = arith.constant 0 : index
    %get3A_12 = arith.constant 0 : index
    %get3A_13 = vector.load %arg3[%get3A_10, %get3A_11, %get3A_12] : memref<1x64x64xf32, #tpu.memory_space<vmem>>, vector<1x64x64xf32>
    %get3A_14 = vector.shape_cast %get3A_13 : vector<1x64x64xf32> to vector<64x64xf32>
    %dot_general3A_15 = arith.constant dense<0.000000e+00> : vector<2000x64xf32>
    %dot_general3A_16 = tpu.matmul %dot_general3A_7, %get3A_14, %dot_general3A_15 {dimension_numbers = #tpu.dot_dimension_numbers<[1], [0], [0], [1], [0, 0, 1, 1], [], []>, transpose_lhs_hint = false} : vector<2000x64xf32>, vector<64x64xf32>, vector<2000x64xf32> -> vector<2000x64xf32>
    %broadcast_in_dim3A = arith.constant 0.000000e+00 : f32
    %broadcast_in_dim3A_17 = vector.broadcast %broadcast_in_dim3A : f32 to vector<2000x64xf32>
    %concatenate3A = tpu.concatenate %dot_general3A_16, %broadcast_in_dim3A_17 in 1 : vector<2000x64xf32>, vector<2000x64xf32> -> vector<2000x128xf32>
    %swap3A_18 = arith.constant 0 : index
    %swap3A_19 = arith.constant 0 : index
    %swap3A_20 = vector.load %arg5[%swap3A_18, %swap3A_19] : memref<2000x128xf32, #tpu.memory_space<vmem>>, vector<2000x128xf32>
    tpu.vector_store %arg5[%swap3A_18, %swap3A_19], %concatenate3A {strides = array<i32>} : memref<2000x128xf32, #tpu.memory_space<vmem>>, vector<2000x128xf32>,
    return
  }
  func.func @transform_0(%arg0: i32) -> (i32, i32) {
    %c0_i32 = arith.constant 0 : i32
    %c0_i32_0 = arith.constant 0 : i32
    return %arg0, %c0_i32 : i32, i32
  }
  func.func @transform_1(%arg0: i32) -> (i32, i32) {
    %c0_i32 = arith.constant 0 : i32
    %c0_i32_0 = arith.constant 0 : i32
    %c0_i32_1 = arith.constant 0 : i32
    return %c0_i32, %c0_i32_0 : i32, i32
  }
  func.func @transform_2(%arg0: i32) -> (i32, i32, i32) {
    %c0_i32 = arith.constant 0 : i32
    %c0_i32_0 = arith.constant 0 : i32
    %c0_i32_1 = arith.constant 0 : i32
    %c0_i32_2 = arith.constant 0 : i32
    return %c0_i32, %c0_i32_0, %c0_i32_1 : i32, i32, i32
  }
  func.func @transform_3(%arg0: i32) -> (i32, i32) {
    %c0_i32 = arith.constant 0 : i32
    %c0_i32_0 = arith.constant 0 : i32
    return %arg0, %c0_i32 : i32, i32
  }
  func.func @transform_4(%arg0: i32) -> (i32, i32) {
    %c0_i32 = arith.constant 0 : i32
    %c0_i32_0 = arith.constant 0 : i32
    return %arg0, %c0_i32 : i32, i32
  }
}

module attributes {stable_mosaic.version = 14 : i64} {
  func.func @_edge_body(%arg0: i32, %arg1: i32, %arg2: memref<1x512x1xf32, #tpu.memory_space<vmem>>, %arg3: memref<1x512x1xf32, #tpu.memory_space<vmem>>, %arg4: memref<1x512x1xf32, #tpu.memory_space<vmem>>, %arg5: memref<1x512x1xf32, #tpu.memory_space<vmem>>, %arg6: memref<1x64x64xf32, #tpu.memory_space<vmem>>, %arg7: memref<1x1x64xf32, #tpu.memory_space<vmem>>, %arg8: memref<1x64x64xf32, #tpu.memory_space<vmem>>, %arg9: memref<1x1x64xf32, #tpu.memory_space<vmem>>, %arg10: memref<1x2x512x128xf32, #tpu.memory_space<vmem>>) attributes {dimension_semantics = [#tpu.dimension_semantics<arbitrary>, #tpu.dimension_semantics<arbitrary>], iteration_bounds = array<i64: 3, 392>, scalar_prefetch = 0 : i64, scratch_operands = 0 : i64, tpu.core_type = #tpu.core_type<tc>, window_params = [{transform_indices = @transform_0, window_bounds = array<i64: 1, 512, 1>}, {transform_indices = @transform_1, window_bounds = array<i64: 1, 512, 1>}, {transform_indices = @transform_2, window_bounds = array<i64: 1, 512, 1>}, {transform_indices = @transform_3, window_bounds = array<i64: 1, 512, 1>}, {transform_indices = @transform_4, window_bounds = array<i64: 1, 64, 64>}, {transform_indices = @transform_5, window_bounds = array<i64: 1, 1, 64>}, {transform_indices = @transform_6, window_bounds = array<i64: 1, 64, 64>}, {transform_indices = @transform_7, window_bounds = array<i64: 1, 1, 64>}, {transform_indices = @transform_8, window_bounds = array<i64: 1, 2, 512, 128>}]} {
    %iota3A = tpu.iota {dimensions = array<i32: 1>} : vector<1x64xi32>
    %convert_element_type3A = arith.sitofp %iota3A : vector<1x64xi32> to vector<1x64xf32>
    %mul3A = arith.constant 0.079365082 : f32
    %mul3A_0 = vector.broadcast %mul3A : f32 to vector<1x64xf32>
    %mul3A_1 = arith.mulf %convert_element_type3A, %mul3A_0 : vector<1x64xf32>
    %get3A = arith.constant 0 : index
    %get3A_2 = arith.constant 0 : index
    %get3A_3 = arith.constant 0 : index
    %get3A_4 = vector.load %arg2[%get3A, %get3A_2, %get3A_3] : memref<1x512x1xf32, #tpu.memory_space<vmem>>, vector<1x512x1xf32>
    %get3A_5 = vector.shape_cast %get3A_4 : vector<1x512x1xf32> to vector<512x1xf32>
    %sub3A = vector.broadcast %get3A_5 : vector<512x1xf32> to vector<512x64xf32>
    %sub3A_6 = vector.broadcast %mul3A_1 : vector<1x64xf32> to vector<512x64xf32>
    %sub3A_7 = arith.subf %sub3A, %sub3A_6 : vector<512x64xf32>
    %integer_pow3A = arith.mulf %sub3A_7, %sub3A_7 : vector<512x64xf32>
    %mul3A_8 = arith.constant -7.938000e+01 : f32
    %mul3A_9 = vector.broadcast %mul3A_8 : f32 to vector<512x64xf32>
    %mul3A_10 = arith.mulf %mul3A_9, %integer_pow3A : vector<512x64xf32>
    %exp3A = math.exp %mul3A_10 : vector<512x64xf32>
    %get3A_11 = arith.constant 0 : index
    %get3A_12 = arith.constant 0 : index
    %get3A_13 = arith.constant 0 : index
    %get3A_14 = vector.load %arg6[%get3A_11, %get3A_12, %get3A_13] : memref<1x64x64xf32, #tpu.memory_space<vmem>>, vector<1x64x64xf32>
    %get3A_15 = vector.shape_cast %get3A_14 : vector<1x64x64xf32> to vector<64x64xf32>
    %dot_general3A = arith.constant dense<0.000000e+00> : vector<512x64xf32>
    %dot_general3A_16 = tpu.matmul %exp3A, %get3A_15, %dot_general3A {dimension_numbers = #tpu.dot_dimension_numbers<[1], [0], [0], [1], [0, 0, 1, 1], [], []>, transpose_lhs_hint = false} : vector<512x64xf32>, vector<64x64xf32>, vector<512x64xf32> -> vector<512x64xf32>
    %get3A_17 = arith.constant 0 : index
    %get3A_18 = arith.constant 0 : index
    %get3A_19 = arith.constant 0 : index
    %get3A_20 = vector.load %arg7[%get3A_17, %get3A_18, %get3A_19] : memref<1x1x64xf32, #tpu.memory_space<vmem>>, vector<1x1x64xf32>
    %get3A_21 = vector.shape_cast %get3A_20 : vector<1x1x64xf32> to vector<1x64xf32>
    %add3A = vector.broadcast %get3A_21 : vector<1x64xf32> to vector<512x64xf32>
    %add3A_22 = arith.addf %dot_general3A_16, %add3A : vector<512x64xf32>
    %max3A = arith.constant 0.000000e+00 : f32
    %max3A_23 = vector.broadcast %max3A : f32 to vector<512x64xf32>
    %max3A_24 = arith.maximumf %add3A_22, %max3A_23 : vector<512x64xf32>
    %abs3A = math.absf %add3A_22 : vector<512x64xf32>
    %neg3A = arith.constant 0.000000e+00 : f32
    %neg3A_25 = vector.broadcast %neg3A : f32 to vector<512x64xf32>
    %neg3A_26 = arith.subf %neg3A_25, %abs3A : vector<512x64xf32>
    %exp3A_27 = math.exp %neg3A_26 : vector<512x64xf32>
    %log1p3A = math.log1p %exp3A_27 : vector<512x64xf32>
    %add3A_28 = arith.addf %max3A_24, %log1p3A : vector<512x64xf32>
    %sub3A_29 = arith.constant 0.693147182 : f32
    %sub3A_30 = vector.broadcast %sub3A_29 : f32 to vector<512x64xf32>
    %sub3A_31 = arith.subf %add3A_28, %sub3A_30 : vector<512x64xf32>
    %get3A_32 = arith.constant 0 : index
    %get3A_33 = arith.constant 0 : index
    %get3A_34 = arith.constant 0 : index
    %get3A_35 = vector.load %arg8[%get3A_32, %get3A_33, %get3A_34] : memref<1x64x64xf32, #tpu.memory_space<vmem>>, vector<1x64x64xf32>
    %get3A_36 = vector.shape_cast %get3A_35 : vector<1x64x64xf32> to vector<64x64xf32>
    %dot_general3A_37 = arith.constant dense<0.000000e+00> : vector<512x64xf32>
    %dot_general3A_38 = tpu.matmul %sub3A_31, %get3A_36, %dot_general3A_37 {dimension_numbers = #tpu.dot_dimension_numbers<[1], [0], [0], [1], [0, 0, 1, 1], [], []>, transpose_lhs_hint = false} : vector<512x64xf32>, vector<64x64xf32>, vector<512x64xf32> -> vector<512x64xf32>
    %get3A_39 = arith.constant 0 : index
    %get3A_40 = arith.constant 0 : index
    %get3A_41 = arith.constant 0 : index
    %get3A_42 = vector.load %arg9[%get3A_39, %get3A_40, %get3A_41] : memref<1x1x64xf32, #tpu.memory_space<vmem>>, vector<1x1x64xf32>
    %get3A_43 = vector.shape_cast %get3A_42 : vector<1x1x64xf32> to vector<1x64xf32>
    %add3A_44 = vector.broadcast %get3A_43 : vector<1x64xf32> to vector<512x64xf32>
    %add3A_45 = arith.addf %dot_general3A_38, %add3A_44 : vector<512x64xf32>
    %mul3A_46 = arith.constant 0.628318548 : f32
    %mul3A_47 = vector.broadcast %mul3A_46 : f32 to vector<512x1xf32>
    %mul3A_48 = arith.mulf %get3A_5, %mul3A_47 : vector<512x1xf32>
    %cos3A = math.cos %mul3A_48 : vector<512x1xf32>
    %add3A_49 = arith.constant 1.000000e+00 : f32
    %add3A_50 = vector.broadcast %add3A_49 : f32 to vector<512x1xf32>
    %add3A_51 = arith.addf %cos3A, %add3A_50 : vector<512x1xf32>
    %mul3A_52 = arith.constant 5.000000e-01 : f32
    %mul3A_53 = vector.broadcast %mul3A_52 : f32 to vector<512x1xf32>
    %mul3A_54 = arith.mulf %mul3A_53, %add3A_51 : vector<512x1xf32>
    %mul3A_55 = vector.broadcast %mul3A_54 : vector<512x1xf32> to vector<512x64xf32>
    %mul3A_56 = arith.mulf %add3A_45, %mul3A_55 : vector<512x64xf32>
    %slice3A = vector.extract_strided_slice %mul3A_56 {offsets = [0, 0], sizes = [512, 32], strides = [1, 1]} : vector<512x64xf32> to vector<512x32xf32>
    %slice3A_57 = vector.extract_strided_slice %mul3A_56 {offsets = [0, 32], sizes = [512, 32], strides = [1, 1]} : vector<512x64xf32> to vector<512x32xf32>
    %get3A_58 = arith.constant 0 : index
    %get3A_59 = arith.constant 0 : index
    %get3A_60 = arith.constant 0 : index
    %get3A_61 = vector.load %arg3[%get3A_58, %get3A_59, %get3A_60] : memref<1x512x1xf32, #tpu.memory_space<vmem>>, vector<1x512x1xf32>
    %get3A_62 = vector.shape_cast %get3A_61 : vector<1x512x1xf32> to vector<512x1xf32>
    %sub3A_63 = vector.broadcast %get3A_62 : vector<512x1xf32> to vector<512x64xf32>
    %sub3A_64 = vector.broadcast %mul3A_1 : vector<1x64xf32> to vector<512x64xf32>
    %sub3A_65 = arith.subf %sub3A_63, %sub3A_64 : vector<512x64xf32>
    %integer_pow3A_66 = arith.mulf %sub3A_65, %sub3A_65 : vector<512x64xf32>
    %mul3A_67 = arith.constant -7.938000e+01 : f32
    %mul3A_68 = vector.broadcast %mul3A_67 : f32 to vector<512x64xf32>
    %mul3A_69 = arith.mulf %mul3A_68, %integer_pow3A_66 : vector<512x64xf32>
    %exp3A_70 = math.exp %mul3A_69 : vector<512x64xf32>
    %get3A_71 = arith.constant 0 : index
    %get3A_72 = arith.constant 0 : index
    %get3A_73 = arith.constant 0 : index
    %get3A_74 = vector.load %arg6[%get3A_71, %get3A_72, %get3A_73] : memref<1x64x64xf32, #tpu.memory_space<vmem>>, vector<1x64x64xf32>
    %get3A_75 = vector.shape_cast %get3A_74 : vector<1x64x64xf32> to vector<64x64xf32>
    %dot_general3A_76 = arith.constant dense<0.000000e+00> : vector<512x64xf32>
    %dot_general3A_77 = tpu.matmul %exp3A_70, %get3A_75, %dot_general3A_76 {dimension_numbers = #tpu.dot_dimension_numbers<[1], [0], [0], [1], [0, 0, 1, 1], [], []>, transpose_lhs_hint = false} : vector<512x64xf32>, vector<64x64xf32>, vector<512x64xf32> -> vector<512x64xf32>
    %get3A_78 = arith.constant 0 : index
    %get3A_79 = arith.constant 0 : index
    %get3A_80 = arith.constant 0 : index
    %get3A_81 = vector.load %arg7[%get3A_78, %get3A_79, %get3A_80] : memref<1x1x64xf32, #tpu.memory_space<vmem>>, vector<1x1x64xf32>
    %get3A_82 = vector.shape_cast %get3A_81 : vector<1x1x64xf32> to vector<1x64xf32>
    %add3A_83 = vector.broadcast %get3A_82 : vector<1x64xf32> to vector<512x64xf32>
    %add3A_84 = arith.addf %dot_general3A_77, %add3A_83 : vector<512x64xf32>
    %max3A_85 = arith.constant 0.000000e+00 : f32
    %max3A_86 = vector.broadcast %max3A_85 : f32 to vector<512x64xf32>
    %max3A_87 = arith.maximumf %add3A_84, %max3A_86 : vector<512x64xf32>
    %abs3A_88 = math.absf %add3A_84 : vector<512x64xf32>
    %neg3A_89 = arith.constant 0.000000e+00 : f32
    %neg3A_90 = vector.broadcast %neg3A_89 : f32 to vector<512x64xf32>
    %neg3A_91 = arith.subf %neg3A_90, %abs3A_88 : vector<512x64xf32>
    %exp3A_92 = math.exp %neg3A_91 : vector<512x64xf32>
    %log1p3A_93 = math.log1p %exp3A_92 : vector<512x64xf32>
    %add3A_94 = arith.addf %max3A_87, %log1p3A_93 : vector<512x64xf32>
    %sub3A_95 = arith.constant 0.693147182 : f32
    %sub3A_96 = vector.broadcast %sub3A_95 : f32 to vector<512x64xf32>
    %sub3A_97 = arith.subf %add3A_94, %sub3A_96 : vector<512x64xf32>
    %get3A_98 = arith.constant 0 : index
    %get3A_99 = arith.constant 0 : index
    %get3A_100 = arith.constant 0 : index
    %get3A_101 = vector.load %arg8[%get3A_98, %get3A_99, %get3A_100] : memref<1x64x64xf32, #tpu.memory_space<vmem>>, vector<1x64x64xf32>
    %get3A_102 = vector.shape_cast %get3A_101 : vector<1x64x64xf32> to vector<64x64xf32>
    %dot_general3A_103 = arith.constant dense<0.000000e+00> : vector<512x64xf32>
    %dot_general3A_104 = tpu.matmul %sub3A_97, %get3A_102, %dot_general3A_103 {dimension_numbers = #tpu.dot_dimension_numbers<[1], [0], [0], [1], [0, 0, 1, 1], [], []>, transpose_lhs_hint = false} : vector<512x64xf32>, vector<64x64xf32>, vector<512x64xf32> -> vector<512x64xf32>
    %get3A_105 = arith.constant 0 : index
    %get3A_106 = arith.constant 0 : index
    %get3A_107 = arith.constant 0 : index
    %get3A_108 = vector.load %arg9[%get3A_105, %get3A_106, %get3A_107] : memref<1x1x64xf32, #tpu.memory_space<vmem>>, vector<1x1x64xf32>
    %get3A_109 = vector.shape_cast %get3A_108 : vector<1x1x64xf32> to vector<1x64xf32>
    %add3A_110 = vector.broadcast %get3A_109 : vector<1x64xf32> to vector<512x64xf32>
    %add3A_111 = arith.addf %dot_general3A_104, %add3A_110 : vector<512x64xf32>
    %mul3A_112 = arith.constant 0.628318548 : f32
    %mul3A_113 = vector.broadcast %mul3A_112 : f32 to vector<512x1xf32>
    %mul3A_114 = arith.mulf %get3A_62, %mul3A_113 : vector<512x1xf32>
    %cos3A_115 = math.cos %mul3A_114 : vector<512x1xf32>
    %add3A_116 = arith.constant 1.000000e+00 : f32
    %add3A_117 = vector.broadcast %add3A_116 : f32 to vector<512x1xf32>
    %add3A_118 = arith.addf %cos3A_115, %add3A_117 : vector<512x1xf32>
    %mul3A_119 = arith.constant 5.000000e-01 : f32
    %mul3A_120 = vector.broadcast %mul3A_119 : f32 to vector<512x1xf32>
    %mul3A_121 = arith.mulf %mul3A_120, %add3A_118 : vector<512x1xf32>
    %mul3A_122 = vector.broadcast %mul3A_121 : vector<512x1xf32> to vector<512x64xf32>
    %mul3A_123 = arith.mulf %add3A_111, %mul3A_122 : vector<512x64xf32>
    %slice3A_124 = vector.extract_strided_slice %mul3A_123 {offsets = [0, 0], sizes = [512, 32], strides = [1, 1]} : vector<512x64xf32> to vector<512x32xf32>
    %slice3A_125 = vector.extract_strided_slice %mul3A_123 {offsets = [0, 32], sizes = [512, 32], strides = [1, 1]} : vector<512x64xf32> to vector<512x32xf32>
    %get3A_126 = arith.constant 0 : index
    %get3A_127 = arith.constant 0 : index
    %get3A_128 = arith.constant 0 : index
    %get3A_129 = vector.load %arg4[%get3A_126, %get3A_127, %get3A_128] : memref<1x512x1xf32, #tpu.memory_space<vmem>>, vector<1x512x1xf32>
    %get3A_130 = vector.shape_cast %get3A_129 : vector<1x512x1xf32> to vector<512x1xf32>
    %sub3A_131 = vector.broadcast %get3A_130 : vector<512x1xf32> to vector<512x64xf32>
    %sub3A_132 = vector.broadcast %mul3A_1 : vector<1x64xf32> to vector<512x64xf32>
    %sub3A_133 = arith.subf %sub3A_131, %sub3A_132 : vector<512x64xf32>
    %integer_pow3A_134 = arith.mulf %sub3A_133, %sub3A_133 : vector<512x64xf32>
    %mul3A_135 = arith.constant -7.938000e+01 : f32
    %mul3A_136 = vector.broadcast %mul3A_135 : f32 to vector<512x64xf32>
    %mul3A_137 = arith.mulf %mul3A_136, %integer_pow3A_134 : vector<512x64xf32>
    %exp3A_138 = math.exp %mul3A_137 : vector<512x64xf32>
    %get3A_139 = arith.constant 0 : index
    %get3A_140 = arith.constant 0 : index
    %get3A_141 = arith.constant 0 : index
    %get3A_142 = vector.load %arg6[%get3A_139, %get3A_140, %get3A_141] : memref<1x64x64xf32, #tpu.memory_space<vmem>>, vector<1x64x64xf32>
    %get3A_143 = vector.shape_cast %get3A_142 : vector<1x64x64xf32> to vector<64x64xf32>
    %dot_general3A_144 = arith.constant dense<0.000000e+00> : vector<512x64xf32>
    %dot_general3A_145 = tpu.matmul %exp3A_138, %get3A_143, %dot_general3A_144 {dimension_numbers = #tpu.dot_dimension_numbers<[1], [0], [0], [1], [0, 0, 1, 1], [], []>, transpose_lhs_hint = false} : vector<512x64xf32>, vector<64x64xf32>, vector<512x64xf32> -> vector<512x64xf32>
    %get3A_146 = arith.constant 0 : index
    %get3A_147 = arith.constant 0 : index
    %get3A_148 = arith.constant 0 : index
    %get3A_149 = vector.load %arg7[%get3A_146, %get3A_147, %get3A_148] : memref<1x1x64xf32, #tpu.memory_space<vmem>>, vector<1x1x64xf32>
    %get3A_150 = vector.shape_cast %get3A_149 : vector<1x1x64xf32> to vector<1x64xf32>
    %add3A_151 = vector.broadcast %get3A_150 : vector<1x64xf32> to vector<512x64xf32>
    %add3A_152 = arith.addf %dot_general3A_145, %add3A_151 : vector<512x64xf32>
    %max3A_153 = arith.constant 0.000000e+00 : f32
    %max3A_154 = vector.broadcast %max3A_153 : f32 to vector<512x64xf32>
    %max3A_155 = arith.maximumf %add3A_152, %max3A_154 : vector<512x64xf32>
    %abs3A_156 = math.absf %add3A_152 : vector<512x64xf32>
    %neg3A_157 = arith.constant 0.000000e+00 : f32
    %neg3A_158 = vector.broadcast %neg3A_157 : f32 to vector<512x64xf32>
    %neg3A_159 = arith.subf %neg3A_158, %abs3A_156 : vector<512x64xf32>
    %exp3A_160 = math.exp %neg3A_159 : vector<512x64xf32>
    %log1p3A_161 = math.log1p %exp3A_160 : vector<512x64xf32>
    %add3A_162 = arith.addf %max3A_155, %log1p3A_161 : vector<512x64xf32>
    %sub3A_163 = arith.constant 0.693147182 : f32
    %sub3A_164 = vector.broadcast %sub3A_163 : f32 to vector<512x64xf32>
    %sub3A_165 = arith.subf %add3A_162, %sub3A_164 : vector<512x64xf32>
    %get3A_166 = arith.constant 0 : index
    %get3A_167 = arith.constant 0 : index
    %get3A_168 = arith.constant 0 : index
    %get3A_169 = vector.load %arg8[%get3A_166, %get3A_167, %get3A_168] : memref<1x64x64xf32, #tpu.memory_space<vmem>>, vector<1x64x64xf32>
    %get3A_170 = vector.shape_cast %get3A_169 : vector<1x64x64xf32> to vector<64x64xf32>
    %dot_general3A_171 = arith.constant dense<0.000000e+00> : vector<512x64xf32>
    %dot_general3A_172 = tpu.matmul %sub3A_165, %get3A_170, %dot_general3A_171 {dimension_numbers = #tpu.dot_dimension_numbers<[1], [0], [0], [1], [0, 0, 1, 1], [], []>, transpose_lhs_hint = false} : vector<512x64xf32>, vector<64x64xf32>, vector<512x64xf32> -> vector<512x64xf32>
    %get3A_173 = arith.constant 0 : index
    %get3A_174 = arith.constant 0 : index
    %get3A_175 = arith.constant 0 : index
    %get3A_176 = vector.load %arg9[%get3A_173, %get3A_174, %get3A_175] : memref<1x1x64xf32, #tpu.memory_space<vmem>>, vector<1x1x64xf32>
    %get3A_177 = vector.shape_cast %get3A_176 : vector<1x1x64xf32> to vector<1x64xf32>
    %add3A_178 = vector.broadcast %get3A_177 : vector<1x64xf32> to vector<512x64xf32>
    %add3A_179 = arith.addf %dot_general3A_172, %add3A_178 : vector<512x64xf32>
    %mul3A_180 = arith.constant 0.628318548 : f32
    %mul3A_181 = vector.broadcast %mul3A_180 : f32 to vector<512x1xf32>
    %mul3A_182 = arith.mulf %get3A_130, %mul3A_181 : vector<512x1xf32>
    %cos3A_183 = math.cos %mul3A_182 : vector<512x1xf32>
    %add3A_184 = arith.constant 1.000000e+00 : f32
    %add3A_185 = vector.broadcast %add3A_184 : f32 to vector<512x1xf32>
    %add3A_186 = arith.addf %cos3A_183, %add3A_185 : vector<512x1xf32>
    %mul3A_187 = arith.constant 5.000000e-01 : f32
    %mul3A_188 = vector.broadcast %mul3A_187 : f32 to vector<512x1xf32>
    %mul3A_189 = arith.mulf %mul3A_188, %add3A_186 : vector<512x1xf32>
    %mul3A_190 = vector.broadcast %mul3A_189 : vector<512x1xf32> to vector<512x64xf32>
    %mul3A_191 = arith.mulf %add3A_179, %mul3A_190 : vector<512x64xf32>
    %slice3A_192 = vector.extract_strided_slice %mul3A_191 {offsets = [0, 0], sizes = [512, 32], strides = [1, 1]} : vector<512x64xf32> to vector<512x32xf32>
    %slice3A_193 = vector.extract_strided_slice %mul3A_191 {offsets = [0, 32], sizes = [512, 32], strides = [1, 1]} : vector<512x64xf32> to vector<512x32xf32>
    %get3A_194 = arith.constant 0 : index
    %get3A_195 = arith.constant 0 : index
    %get3A_196 = arith.constant 0 : index
    %get3A_197 = vector.load %arg5[%get3A_194, %get3A_195, %get3A_196] : memref<1x512x1xf32, #tpu.memory_space<vmem>>, vector<1x512x1xf32>
    %get3A_198 = vector.shape_cast %get3A_197 : vector<1x512x1xf32> to vector<512x1xf32>
    %sub3A_199 = vector.broadcast %get3A_198 : vector<512x1xf32> to vector<512x64xf32>
    %sub3A_200 = vector.broadcast %mul3A_1 : vector<1x64xf32> to vector<512x64xf32>
    %sub3A_201 = arith.subf %sub3A_199, %sub3A_200 : vector<512x64xf32>
    %integer_pow3A_202 = arith.mulf %sub3A_201, %sub3A_201 : vector<512x64xf32>
    %mul3A_203 = arith.constant -7.938000e+01 : f32
    %mul3A_204 = vector.broadcast %mul3A_203 : f32 to vector<512x64xf32>
    %mul3A_205 = arith.mulf %mul3A_204, %integer_pow3A_202 : vector<512x64xf32>
    %exp3A_206 = math.exp %mul3A_205 : vector<512x64xf32>
    %get3A_207 = arith.constant 0 : index
    %get3A_208 = arith.constant 0 : index
    %get3A_209 = arith.constant 0 : index
    %get3A_210 = vector.load %arg6[%get3A_207, %get3A_208, %get3A_209] : memref<1x64x64xf32, #tpu.memory_space<vmem>>, vector<1x64x64xf32>
    %get3A_211 = vector.shape_cast %get3A_210 : vector<1x64x64xf32> to vector<64x64xf32>
    %dot_general3A_212 = arith.constant dense<0.000000e+00> : vector<512x64xf32>
    %dot_general3A_213 = tpu.matmul %exp3A_206, %get3A_211, %dot_general3A_212 {dimension_numbers = #tpu.dot_dimension_numbers<[1], [0], [0], [1], [0, 0, 1, 1], [], []>, transpose_lhs_hint = false} : vector<512x64xf32>, vector<64x64xf32>, vector<512x64xf32> -> vector<512x64xf32>
    %get3A_214 = arith.constant 0 : index
    %get3A_215 = arith.constant 0 : index
    %get3A_216 = arith.constant 0 : index
    %get3A_217 = vector.load %arg7[%get3A_214, %get3A_215, %get3A_216] : memref<1x1x64xf32, #tpu.memory_space<vmem>>, vector<1x1x64xf32>
    %get3A_218 = vector.shape_cast %get3A_217 : vector<1x1x64xf32> to vector<1x64xf32>
    %add3A_219 = vector.broadcast %get3A_218 : vector<1x64xf32> to vector<512x64xf32>
    %add3A_220 = arith.addf %dot_general3A_213, %add3A_219 : vector<512x64xf32>
    %max3A_221 = arith.constant 0.000000e+00 : f32
    %max3A_222 = vector.broadcast %max3A_221 : f32 to vector<512x64xf32>
    %max3A_223 = arith.maximumf %add3A_220, %max3A_222 : vector<512x64xf32>
    %abs3A_224 = math.absf %add3A_220 : vector<512x64xf32>
    %neg3A_225 = arith.constant 0.000000e+00 : f32
    %neg3A_226 = vector.broadcast %neg3A_225 : f32 to vector<512x64xf32>
    %neg3A_227 = arith.subf %neg3A_226, %abs3A_224 : vector<512x64xf32>
    %exp3A_228 = math.exp %neg3A_227 : vector<512x64xf32>
    %log1p3A_229 = math.log1p %exp3A_228 : vector<512x64xf32>
    %add3A_230 = arith.addf %max3A_223, %log1p3A_229 : vector<512x64xf32>
    %sub3A_231 = arith.constant 0.693147182 : f32
    %sub3A_232 = vector.broadcast %sub3A_231 : f32 to vector<512x64xf32>
    %sub3A_233 = arith.subf %add3A_230, %sub3A_232 : vector<512x64xf32>
    %get3A_234 = arith.constant 0 : index
    %get3A_235 = arith.constant 0 : index
    %get3A_236 = arith.constant 0 : index
    %get3A_237 = vector.load %arg8[%get3A_234, %get3A_235, %get3A_236] : memref<1x64x64xf32, #tpu.memory_space<vmem>>, vector<1x64x64xf32>
    %get3A_238 = vector.shape_cast %get3A_237 : vector<1x64x64xf32> to vector<64x64xf32>
    %dot_general3A_239 = arith.constant dense<0.000000e+00> : vector<512x64xf32>
    %dot_general3A_240 = tpu.matmul %sub3A_233, %get3A_238, %dot_general3A_239 {dimension_numbers = #tpu.dot_dimension_numbers<[1], [0], [0], [1], [0, 0, 1, 1], [], []>, transpose_lhs_hint = false} : vector<512x64xf32>, vector<64x64xf32>, vector<512x64xf32> -> vector<512x64xf32>
    %get3A_241 = arith.constant 0 : index
    %get3A_242 = arith.constant 0 : index
    %get3A_243 = arith.constant 0 : index
    %get3A_244 = vector.load %arg9[%get3A_241, %get3A_242, %get3A_243] : memref<1x1x64xf32, #tpu.memory_space<vmem>>, vector<1x1x64xf32>
    %get3A_245 = vector.shape_cast %get3A_244 : vector<1x1x64xf32> to vector<1x64xf32>
    %add3A_246 = vector.broadcast %get3A_245 : vector<1x64xf32> to vector<512x64xf32>
    %add3A_247 = arith.addf %dot_general3A_240, %add3A_246 : vector<512x64xf32>
    %mul3A_248 = arith.constant 0.628318548 : f32
    %mul3A_249 = vector.broadcast %mul3A_248 : f32 to vector<512x1xf32>
    %mul3A_250 = arith.mulf %get3A_198, %mul3A_249 : vector<512x1xf32>
    %cos3A_251 = math.cos %mul3A_250 : vector<512x1xf32>
    %add3A_252 = arith.constant 1.000000e+00 : f32
    %add3A_253 = vector.broadcast %add3A_252 : f32 to vector<512x1xf32>
    %add3A_254 = arith.addf %cos3A_251, %add3A_253 : vector<512x1xf32>
    %mul3A_255 = arith.constant 5.000000e-01 : f32
    %mul3A_256 = vector.broadcast %mul3A_255 : f32 to vector<512x1xf32>
    %mul3A_257 = arith.mulf %mul3A_256, %add3A_254 : vector<512x1xf32>
    %mul3A_258 = vector.broadcast %mul3A_257 : vector<512x1xf32> to vector<512x64xf32>
    %mul3A_259 = arith.mulf %add3A_247, %mul3A_258 : vector<512x64xf32>
    %slice3A_260 = vector.extract_strided_slice %mul3A_259 {offsets = [0, 0], sizes = [512, 32], strides = [1, 1]} : vector<512x64xf32> to vector<512x32xf32>
    %slice3A_261 = vector.extract_strided_slice %mul3A_259 {offsets = [0, 32], sizes = [512, 32], strides = [1, 1]} : vector<512x64xf32> to vector<512x32xf32>
    %concatenate3A = tpu.concatenate %slice3A, %slice3A_124, %slice3A_192, %slice3A_260 in 1 : vector<512x32xf32>, vector<512x32xf32>, vector<512x32xf32>, vector<512x32xf32> -> vector<512x128xf32>
    %swap3A = arith.constant 0 : index
    %swap3A_262 = arith.constant 0 : index
    %swap3A_263 = arith.constant 0 : index
    %swap3A_264 = arith.constant 0 : index
    %swap3A_265 = vector.load %arg10[%swap3A, %swap3A_262, %swap3A_263, %swap3A_264] : memref<1x2x512x128xf32, #tpu.memory_space<vmem>>, vector<1x1x512x128xf32>
    %swap3A_266 = vector.shape_cast %swap3A_265 : vector<1x1x512x128xf32> to vector<512x128xf32>
    %swap3A_267 = vector.shape_cast %concatenate3A : vector<512x128xf32> to vector<1x1x512x128xf32>
    tpu.vector_store %arg10[%swap3A, %swap3A_262, %swap3A_263, %swap3A_264], %swap3A_267 {strides = array<i32>} : memref<1x2x512x128xf32, #tpu.memory_space<vmem>>, vector<1x1x512x128xf32>,
    %concatenate3A_268 = tpu.concatenate %slice3A_57, %slice3A_125, %slice3A_193, %slice3A_261 in 1 : vector<512x32xf32>, vector<512x32xf32>, vector<512x32xf32>, vector<512x32xf32> -> vector<512x128xf32>
    %swap3A_269 = arith.constant 0 : index
    %swap3A_270 = arith.constant 1 : index
    %swap3A_271 = arith.constant 0 : index
    %swap3A_272 = arith.constant 0 : index
    %swap3A_273 = vector.load %arg10[%swap3A_269, %swap3A_270, %swap3A_271, %swap3A_272] : memref<1x2x512x128xf32, #tpu.memory_space<vmem>>, vector<1x1x512x128xf32>
    %swap3A_274 = vector.shape_cast %swap3A_273 : vector<1x1x512x128xf32> to vector<512x128xf32>
    %swap3A_275 = vector.shape_cast %concatenate3A_268 : vector<512x128xf32> to vector<1x1x512x128xf32>
    tpu.vector_store %arg10[%swap3A_269, %swap3A_270, %swap3A_271, %swap3A_272], %swap3A_275 {strides = array<i32>} : memref<1x2x512x128xf32, #tpu.memory_space<vmem>>, vector<1x1x512x128xf32>,
    return
  }
  func.func @transform_0(%arg0: i32, %arg1: i32) -> (i32, i32, i32) {
    %c0_i32 = arith.constant 0 : i32
    %c0_i32_0 = arith.constant 0 : i32
    %c0_i32_1 = arith.constant 0 : i32
    return %c0_i32, %arg1, %c0_i32_0 : i32, i32, i32
  }
  func.func @transform_1(%arg0: i32, %arg1: i32) -> (i32, i32, i32) {
    %c1_i32 = arith.constant 1 : i32
    %c0_i32 = arith.constant 0 : i32
    %c0_i32_0 = arith.constant 0 : i32
    return %c1_i32, %arg1, %c0_i32 : i32, i32, i32
  }
  func.func @transform_2(%arg0: i32, %arg1: i32) -> (i32, i32, i32) {
    %c2_i32 = arith.constant 2 : i32
    %c0_i32 = arith.constant 0 : i32
    %c0_i32_0 = arith.constant 0 : i32
    return %c2_i32, %arg1, %c0_i32 : i32, i32, i32
  }
  func.func @transform_3(%arg0: i32, %arg1: i32) -> (i32, i32, i32) {
    %c3_i32 = arith.constant 3 : i32
    %c0_i32 = arith.constant 0 : i32
    %c0_i32_0 = arith.constant 0 : i32
    return %c3_i32, %arg1, %c0_i32 : i32, i32, i32
  }
  func.func @transform_4(%arg0: i32, %arg1: i32) -> (i32, i32, i32) {
    %c0_i32 = arith.constant 0 : i32
    %c0_i32_0 = arith.constant 0 : i32
    %c0_i32_1 = arith.constant 0 : i32
    return %arg0, %c0_i32, %c0_i32_0 : i32, i32, i32
  }
  func.func @transform_5(%arg0: i32, %arg1: i32) -> (i32, i32, i32) {
    %c0_i32 = arith.constant 0 : i32
    %c0_i32_0 = arith.constant 0 : i32
    %c0_i32_1 = arith.constant 0 : i32
    return %arg0, %c0_i32, %c0_i32_0 : i32, i32, i32
  }
  func.func @transform_6(%arg0: i32, %arg1: i32) -> (i32, i32, i32) {
    %c0_i32 = arith.constant 0 : i32
    %c0_i32_0 = arith.constant 0 : i32
    %c0_i32_1 = arith.constant 0 : i32
    return %arg0, %c0_i32, %c0_i32_0 : i32, i32, i32
  }
  func.func @transform_7(%arg0: i32, %arg1: i32) -> (i32, i32, i32) {
    %c0_i32 = arith.constant 0 : i32
    %c0_i32_0 = arith.constant 0 : i32
    %c0_i32_1 = arith.constant 0 : i32
    return %arg0, %c0_i32, %c0_i32_0 : i32, i32, i32
  }
  func.func @transform_8(%arg0: i32, %arg1: i32) -> (i32, i32, i32, i32) {
    %c0_i32 = arith.constant 0 : i32
    %c0_i32_0 = arith.constant 0 : i32
    %c0_i32_1 = arith.constant 0 : i32
    return %arg0, %c0_i32, %arg1, %c0_i32_0 : i32, i32, i32, i32
  }
}

module attributes {stable_mosaic.version = 14 : i64} {
  func.func @_node_body(%arg0: i32, %arg1: memref<400x64xf32, #tpu.memory_space<vmem>>, %arg2: memref<400x32xf32, #tpu.memory_space<vmem>>, %arg3: memref<400x32xf32, #tpu.memory_space<vmem>>, %arg4: memref<1x64x64xf32, #tpu.memory_space<vmem>>, %arg5: memref<1x1x64xf32, #tpu.memory_space<vmem>>, %arg6: memref<1x64x64xf32, #tpu.memory_space<vmem>>, %arg7: memref<1x1x64xf32, #tpu.memory_space<vmem>>, %arg8: memref<1x64x64xf32, #tpu.memory_space<vmem>>, %arg9: memref<400x64xf32, #tpu.memory_space<vmem>>, %arg10: memref<400x128xf32, #tpu.memory_space<vmem>>) attributes {dimension_semantics = [#tpu.dimension_semantics<arbitrary>], iteration_bounds = array<i64: 125>, scalar_prefetch = 0 : i64, scratch_operands = 0 : i64, tpu.core_type = #tpu.core_type<tc>, window_params = [{transform_indices = @transform_0, window_bounds = array<i64: 400, 64>}, {transform_indices = @transform_1, window_bounds = array<i64: 400, 32>}, {transform_indices = @transform_2, window_bounds = array<i64: 400, 32>}, {transform_indices = @transform_3, window_bounds = array<i64: 1, 64, 64>}, {transform_indices = @transform_4, window_bounds = array<i64: 1, 1, 64>}, {transform_indices = @transform_5, window_bounds = array<i64: 1, 64, 64>}, {transform_indices = @transform_6, window_bounds = array<i64: 1, 1, 64>}, {transform_indices = @transform_7, window_bounds = array<i64: 1, 64, 64>}, {transform_indices = @transform_8, window_bounds = array<i64: 400, 64>}, {transform_indices = @transform_9, window_bounds = array<i64: 400, 128>}]} {
    %get3A = arith.constant 0 : index
    %get3A_0 = arith.constant 0 : index
    %get3A_1 = arith.constant 0 : index
    %get3A_2 = vector.load %arg4[%get3A, %get3A_0, %get3A_1] : memref<1x64x64xf32, #tpu.memory_space<vmem>>, vector<1x64x64xf32>
    %get3A_3 = vector.shape_cast %get3A_2 : vector<1x64x64xf32> to vector<64x64xf32>
    %get3A_4 = arith.constant 0 : index
    %get3A_5 = arith.constant 0 : index
    %get3A_6 = vector.load %arg2[%get3A_4, %get3A_5] : memref<400x32xf32, #tpu.memory_space<vmem>>, vector<400x32xf32>
    %slice3A = vector.extract_strided_slice %get3A_3 {offsets = [0, 0], sizes = [32, 64], strides = [1, 1]} : vector<64x64xf32> to vector<32x64xf32>
    %dot_general3A = arith.constant dense<0.000000e+00> : vector<400x64xf32>
    %dot_general3A_7 = tpu.matmul %get3A_6, %slice3A, %dot_general3A {dimension_numbers = #tpu.dot_dimension_numbers<[1], [0], [0], [1], [0, 0, 1, 1], [], []>, transpose_lhs_hint = false} : vector<400x32xf32>, vector<32x64xf32>, vector<400x64xf32> -> vector<400x64xf32>
    %get3A_8 = arith.constant 0 : index
    %get3A_9 = arith.constant 0 : index
    %get3A_10 = vector.load %arg3[%get3A_8, %get3A_9] : memref<400x32xf32, #tpu.memory_space<vmem>>, vector<400x32xf32>
    %slice3A_11 = vector.extract_strided_slice %get3A_3 {offsets = [32, 0], sizes = [32, 64], strides = [1, 1]} : vector<64x64xf32> to vector<32x64xf32>
    %dot_general3A_12 = arith.constant dense<0.000000e+00> : vector<400x64xf32>
    %dot_general3A_13 = tpu.matmul %get3A_10, %slice3A_11, %dot_general3A_12 {dimension_numbers = #tpu.dot_dimension_numbers<[1], [0], [0], [1], [0, 0, 1, 1], [], []>, transpose_lhs_hint = false} : vector<400x32xf32>, vector<32x64xf32>, vector<400x64xf32> -> vector<400x64xf32>
    %add3A = arith.addf %dot_general3A_7, %dot_general3A_13 : vector<400x64xf32>
    %get3A_14 = arith.constant 0 : index
    %get3A_15 = arith.constant 0 : index
    %get3A_16 = arith.constant 0 : index
    %get3A_17 = vector.load %arg5[%get3A_14, %get3A_15, %get3A_16] : memref<1x1x64xf32, #tpu.memory_space<vmem>>, vector<1x1x64xf32>
    %get3A_18 = vector.shape_cast %get3A_17 : vector<1x1x64xf32> to vector<1x64xf32>
    %add3A_19 = vector.broadcast %get3A_18 : vector<1x64xf32> to vector<400x64xf32>
    %add3A_20 = arith.addf %add3A, %add3A_19 : vector<400x64xf32>
    %max3A = arith.constant 0.000000e+00 : f32
    %max3A_21 = vector.broadcast %max3A : f32 to vector<400x64xf32>
    %max3A_22 = arith.maximumf %add3A_20, %max3A_21 : vector<400x64xf32>
    %abs3A = math.absf %add3A_20 : vector<400x64xf32>
    %neg3A = arith.constant 0.000000e+00 : f32
    %neg3A_23 = vector.broadcast %neg3A : f32 to vector<400x64xf32>
    %neg3A_24 = arith.subf %neg3A_23, %abs3A : vector<400x64xf32>
    %exp3A = math.exp %neg3A_24 : vector<400x64xf32>
    %log1p3A = math.log1p %exp3A : vector<400x64xf32>
    %add3A_25 = arith.addf %max3A_22, %log1p3A : vector<400x64xf32>
    %sub3A = arith.constant 0.693147182 : f32
    %sub3A_26 = vector.broadcast %sub3A : f32 to vector<400x64xf32>
    %sub3A_27 = arith.subf %add3A_25, %sub3A_26 : vector<400x64xf32>
    %get3A_28 = arith.constant 0 : index
    %get3A_29 = arith.constant 0 : index
    %get3A_30 = arith.constant 0 : index
    %get3A_31 = vector.load %arg6[%get3A_28, %get3A_29, %get3A_30] : memref<1x64x64xf32, #tpu.memory_space<vmem>>, vector<1x64x64xf32>
    %get3A_32 = vector.shape_cast %get3A_31 : vector<1x64x64xf32> to vector<64x64xf32>
    %dot_general3A_33 = arith.constant dense<0.000000e+00> : vector<400x64xf32>
    %dot_general3A_34 = tpu.matmul %sub3A_27, %get3A_32, %dot_general3A_33 {dimension_numbers = #tpu.dot_dimension_numbers<[1], [0], [0], [1], [0, 0, 1, 1], [], []>, transpose_lhs_hint = false} : vector<400x64xf32>, vector<64x64xf32>, vector<400x64xf32> -> vector<400x64xf32>
    %get3A_35 = arith.constant 0 : index
    %get3A_36 = arith.constant 0 : index
    %get3A_37 = arith.constant 0 : index
    %get3A_38 = vector.load %arg7[%get3A_35, %get3A_36, %get3A_37] : memref<1x1x64xf32, #tpu.memory_space<vmem>>, vector<1x1x64xf32>
    %get3A_39 = vector.shape_cast %get3A_38 : vector<1x1x64xf32> to vector<1x64xf32>
    %add3A_40 = vector.broadcast %get3A_39 : vector<1x64xf32> to vector<400x64xf32>
    %add3A_41 = arith.addf %dot_general3A_34, %add3A_40 : vector<400x64xf32>
    %get3A_42 = arith.constant 0 : index
    %get3A_43 = arith.constant 0 : index
    %get3A_44 = vector.load %arg1[%get3A_42, %get3A_43] : memref<400x64xf32, #tpu.memory_space<vmem>>, vector<400x64xf32>
    %add3A_45 = arith.addf %get3A_44, %add3A_41 : vector<400x64xf32>
    %swap3A = arith.constant 0 : index
    %swap3A_46 = arith.constant 0 : index
    %swap3A_47 = vector.load %arg9[%swap3A, %swap3A_46] : memref<400x64xf32, #tpu.memory_space<vmem>>, vector<400x64xf32>
    tpu.vector_store %arg9[%swap3A, %swap3A_46], %add3A_45 {strides = array<i32>} : memref<400x64xf32, #tpu.memory_space<vmem>>, vector<400x64xf32>,
    %get3A_48 = arith.constant 0 : index
    %get3A_49 = arith.constant 0 : index
    %get3A_50 = arith.constant 0 : index
    %get3A_51 = vector.load %arg8[%get3A_48, %get3A_49, %get3A_50] : memref<1x64x64xf32, #tpu.memory_space<vmem>>, vector<1x64x64xf32>
    %get3A_52 = vector.shape_cast %get3A_51 : vector<1x64x64xf32> to vector<64x64xf32>
    %dot_general3A_53 = arith.constant dense<0.000000e+00> : vector<400x64xf32>
    %dot_general3A_54 = tpu.matmul %add3A_45, %get3A_52, %dot_general3A_53 {dimension_numbers = #tpu.dot_dimension_numbers<[1], [0], [0], [1], [0, 0, 1, 1], [], []>, transpose_lhs_hint = false} : vector<400x64xf32>, vector<64x64xf32>, vector<400x64xf32> -> vector<400x64xf32>
    %broadcast_in_dim3A = arith.constant 0.000000e+00 : f32
    %broadcast_in_dim3A_55 = vector.broadcast %broadcast_in_dim3A : f32 to vector<400x64xf32>
    %concatenate3A = tpu.concatenate %dot_general3A_54, %broadcast_in_dim3A_55 in 1 : vector<400x64xf32>, vector<400x64xf32> -> vector<400x128xf32>
    %swap3A_56 = arith.constant 0 : index
    %swap3A_57 = arith.constant 0 : index
    %swap3A_58 = vector.load %arg10[%swap3A_56, %swap3A_57] : memref<400x128xf32, #tpu.memory_space<vmem>>, vector<400x128xf32>
    tpu.vector_store %arg10[%swap3A_56, %swap3A_57], %concatenate3A {strides = array<i32>} : memref<400x128xf32, #tpu.memory_space<vmem>>, vector<400x128xf32>,
    return
  }
  func.func @transform_0(%arg0: i32) -> (i32, i32) {
    %c0_i32 = arith.constant 0 : i32
    %c0_i32_0 = arith.constant 0 : i32
    return %arg0, %c0_i32 : i32, i32
  }
  func.func @transform_1(%arg0: i32) -> (i32, i32) {
    %c0_i32 = arith.constant 0 : i32
    %c0_i32_0 = arith.constant 0 : i32
    return %arg0, %c0_i32 : i32, i32
  }
  func.func @transform_2(%arg0: i32) -> (i32, i32) {
    %add3A = arith.constant 128 : i32
    %add3A_0 = arith.addi %arg0, %add3A : i32
    %c0_i32 = arith.constant 0 : i32
    %c0_i32_1 = arith.constant 0 : i32
    return %add3A_0, %c0_i32 : i32, i32
  }
  func.func @transform_3(%arg0: i32) -> (i32, i32, i32) {
    %c0_i32 = arith.constant 0 : i32
    %c0_i32_0 = arith.constant 0 : i32
    %c0_i32_1 = arith.constant 0 : i32
    %c0_i32_2 = arith.constant 0 : i32
    return %c0_i32, %c0_i32_0, %c0_i32_1 : i32, i32, i32
  }
  func.func @transform_4(%arg0: i32) -> (i32, i32, i32) {
    %c0_i32 = arith.constant 0 : i32
    %c0_i32_0 = arith.constant 0 : i32
    %c0_i32_1 = arith.constant 0 : i32
    %c0_i32_2 = arith.constant 0 : i32
    return %c0_i32, %c0_i32_0, %c0_i32_1 : i32, i32, i32
  }
  func.func @transform_5(%arg0: i32) -> (i32, i32, i32) {
    %c0_i32 = arith.constant 0 : i32
    %c0_i32_0 = arith.constant 0 : i32
    %c0_i32_1 = arith.constant 0 : i32
    %c0_i32_2 = arith.constant 0 : i32
    return %c0_i32, %c0_i32_0, %c0_i32_1 : i32, i32, i32
  }
  func.func @transform_6(%arg0: i32) -> (i32, i32, i32) {
    %c0_i32 = arith.constant 0 : i32
    %c0_i32_0 = arith.constant 0 : i32
    %c0_i32_1 = arith.constant 0 : i32
    %c0_i32_2 = arith.constant 0 : i32
    return %c0_i32, %c0_i32_0, %c0_i32_1 : i32, i32, i32
  }
  func.func @transform_7(%arg0: i32) -> (i32, i32, i32) {
    %c1_i32 = arith.constant 1 : i32
    %c0_i32 = arith.constant 0 : i32
    %c0_i32_0 = arith.constant 0 : i32
    %c0_i32_1 = arith.constant 0 : i32
    return %c1_i32, %c0_i32, %c0_i32_0 : i32, i32, i32
  }
  func.func @transform_8(%arg0: i32) -> (i32, i32) {
    %c0_i32 = arith.constant 0 : i32
    %c0_i32_0 = arith.constant 0 : i32
    return %arg0, %c0_i32 : i32, i32
  }
  func.func @transform_9(%arg0: i32) -> (i32, i32) {
    %c0_i32 = arith.constant 0 : i32
    %c0_i32_0 = arith.constant 0 : i32
    return %arg0, %c0_i32 : i32, i32
  }
}

module attributes {stable_mosaic.version = 14 : i64} {
  func.func @_node_body(%arg0: i32, %arg1: memref<400x64xf32, #tpu.memory_space<vmem>>, %arg2: memref<400x32xf32, #tpu.memory_space<vmem>>, %arg3: memref<400x32xf32, #tpu.memory_space<vmem>>, %arg4: memref<1x64x64xf32, #tpu.memory_space<vmem>>, %arg5: memref<1x1x64xf32, #tpu.memory_space<vmem>>, %arg6: memref<1x64x64xf32, #tpu.memory_space<vmem>>, %arg7: memref<1x1x64xf32, #tpu.memory_space<vmem>>, %arg8: memref<1x64x64xf32, #tpu.memory_space<vmem>>, %arg9: memref<400x64xf32, #tpu.memory_space<vmem>>, %arg10: memref<400x128xf32, #tpu.memory_space<vmem>>) attributes {dimension_semantics = [#tpu.dimension_semantics<arbitrary>], iteration_bounds = array<i64: 125>, scalar_prefetch = 0 : i64, scratch_operands = 0 : i64, tpu.core_type = #tpu.core_type<tc>, window_params = [{transform_indices = @transform_0, window_bounds = array<i64: 400, 64>}, {transform_indices = @transform_1, window_bounds = array<i64: 400, 32>}, {transform_indices = @transform_2, window_bounds = array<i64: 400, 32>}, {transform_indices = @transform_3, window_bounds = array<i64: 1, 64, 64>}, {transform_indices = @transform_4, window_bounds = array<i64: 1, 1, 64>}, {transform_indices = @transform_5, window_bounds = array<i64: 1, 64, 64>}, {transform_indices = @transform_6, window_bounds = array<i64: 1, 1, 64>}, {transform_indices = @transform_7, window_bounds = array<i64: 1, 64, 64>}, {transform_indices = @transform_8, window_bounds = array<i64: 400, 64>}, {transform_indices = @transform_9, window_bounds = array<i64: 400, 128>}]} {
    %get3A = arith.constant 0 : index
    %get3A_0 = arith.constant 0 : index
    %get3A_1 = arith.constant 0 : index
    %get3A_2 = vector.load %arg4[%get3A, %get3A_0, %get3A_1] : memref<1x64x64xf32, #tpu.memory_space<vmem>>, vector<1x64x64xf32>
    %get3A_3 = vector.shape_cast %get3A_2 : vector<1x64x64xf32> to vector<64x64xf32>
    %get3A_4 = arith.constant 0 : index
    %get3A_5 = arith.constant 0 : index
    %get3A_6 = vector.load %arg2[%get3A_4, %get3A_5] : memref<400x32xf32, #tpu.memory_space<vmem>>, vector<400x32xf32>
    %slice3A = vector.extract_strided_slice %get3A_3 {offsets = [0, 0], sizes = [32, 64], strides = [1, 1]} : vector<64x64xf32> to vector<32x64xf32>
    %dot_general3A = arith.constant dense<0.000000e+00> : vector<400x64xf32>
    %dot_general3A_7 = tpu.matmul %get3A_6, %slice3A, %dot_general3A {dimension_numbers = #tpu.dot_dimension_numbers<[1], [0], [0], [1], [0, 0, 1, 1], [], []>, transpose_lhs_hint = false} : vector<400x32xf32>, vector<32x64xf32>, vector<400x64xf32> -> vector<400x64xf32>
    %get3A_8 = arith.constant 0 : index
    %get3A_9 = arith.constant 0 : index
    %get3A_10 = vector.load %arg3[%get3A_8, %get3A_9] : memref<400x32xf32, #tpu.memory_space<vmem>>, vector<400x32xf32>
    %slice3A_11 = vector.extract_strided_slice %get3A_3 {offsets = [32, 0], sizes = [32, 64], strides = [1, 1]} : vector<64x64xf32> to vector<32x64xf32>
    %dot_general3A_12 = arith.constant dense<0.000000e+00> : vector<400x64xf32>
    %dot_general3A_13 = tpu.matmul %get3A_10, %slice3A_11, %dot_general3A_12 {dimension_numbers = #tpu.dot_dimension_numbers<[1], [0], [0], [1], [0, 0, 1, 1], [], []>, transpose_lhs_hint = false} : vector<400x32xf32>, vector<32x64xf32>, vector<400x64xf32> -> vector<400x64xf32>
    %add3A = arith.addf %dot_general3A_7, %dot_general3A_13 : vector<400x64xf32>
    %get3A_14 = arith.constant 0 : index
    %get3A_15 = arith.constant 0 : index
    %get3A_16 = arith.constant 0 : index
    %get3A_17 = vector.load %arg5[%get3A_14, %get3A_15, %get3A_16] : memref<1x1x64xf32, #tpu.memory_space<vmem>>, vector<1x1x64xf32>
    %get3A_18 = vector.shape_cast %get3A_17 : vector<1x1x64xf32> to vector<1x64xf32>
    %add3A_19 = vector.broadcast %get3A_18 : vector<1x64xf32> to vector<400x64xf32>
    %add3A_20 = arith.addf %add3A, %add3A_19 : vector<400x64xf32>
    %max3A = arith.constant 0.000000e+00 : f32
    %max3A_21 = vector.broadcast %max3A : f32 to vector<400x64xf32>
    %max3A_22 = arith.maximumf %add3A_20, %max3A_21 : vector<400x64xf32>
    %abs3A = math.absf %add3A_20 : vector<400x64xf32>
    %neg3A = arith.constant 0.000000e+00 : f32
    %neg3A_23 = vector.broadcast %neg3A : f32 to vector<400x64xf32>
    %neg3A_24 = arith.subf %neg3A_23, %abs3A : vector<400x64xf32>
    %exp3A = math.exp %neg3A_24 : vector<400x64xf32>
    %log1p3A = math.log1p %exp3A : vector<400x64xf32>
    %add3A_25 = arith.addf %max3A_22, %log1p3A : vector<400x64xf32>
    %sub3A = arith.constant 0.693147182 : f32
    %sub3A_26 = vector.broadcast %sub3A : f32 to vector<400x64xf32>
    %sub3A_27 = arith.subf %add3A_25, %sub3A_26 : vector<400x64xf32>
    %get3A_28 = arith.constant 0 : index
    %get3A_29 = arith.constant 0 : index
    %get3A_30 = arith.constant 0 : index
    %get3A_31 = vector.load %arg6[%get3A_28, %get3A_29, %get3A_30] : memref<1x64x64xf32, #tpu.memory_space<vmem>>, vector<1x64x64xf32>
    %get3A_32 = vector.shape_cast %get3A_31 : vector<1x64x64xf32> to vector<64x64xf32>
    %dot_general3A_33 = arith.constant dense<0.000000e+00> : vector<400x64xf32>
    %dot_general3A_34 = tpu.matmul %sub3A_27, %get3A_32, %dot_general3A_33 {dimension_numbers = #tpu.dot_dimension_numbers<[1], [0], [0], [1], [0, 0, 1, 1], [], []>, transpose_lhs_hint = false} : vector<400x64xf32>, vector<64x64xf32>, vector<400x64xf32> -> vector<400x64xf32>
    %get3A_35 = arith.constant 0 : index
    %get3A_36 = arith.constant 0 : index
    %get3A_37 = arith.constant 0 : index
    %get3A_38 = vector.load %arg7[%get3A_35, %get3A_36, %get3A_37] : memref<1x1x64xf32, #tpu.memory_space<vmem>>, vector<1x1x64xf32>
    %get3A_39 = vector.shape_cast %get3A_38 : vector<1x1x64xf32> to vector<1x64xf32>
    %add3A_40 = vector.broadcast %get3A_39 : vector<1x64xf32> to vector<400x64xf32>
    %add3A_41 = arith.addf %dot_general3A_34, %add3A_40 : vector<400x64xf32>
    %get3A_42 = arith.constant 0 : index
    %get3A_43 = arith.constant 0 : index
    %get3A_44 = vector.load %arg1[%get3A_42, %get3A_43] : memref<400x64xf32, #tpu.memory_space<vmem>>, vector<400x64xf32>
    %add3A_45 = arith.addf %get3A_44, %add3A_41 : vector<400x64xf32>
    %swap3A = arith.constant 0 : index
    %swap3A_46 = arith.constant 0 : index
    %swap3A_47 = vector.load %arg9[%swap3A, %swap3A_46] : memref<400x64xf32, #tpu.memory_space<vmem>>, vector<400x64xf32>
    tpu.vector_store %arg9[%swap3A, %swap3A_46], %add3A_45 {strides = array<i32>} : memref<400x64xf32, #tpu.memory_space<vmem>>, vector<400x64xf32>,
    %get3A_48 = arith.constant 0 : index
    %get3A_49 = arith.constant 0 : index
    %get3A_50 = arith.constant 0 : index
    %get3A_51 = vector.load %arg8[%get3A_48, %get3A_49, %get3A_50] : memref<1x64x64xf32, #tpu.memory_space<vmem>>, vector<1x64x64xf32>
    %get3A_52 = vector.shape_cast %get3A_51 : vector<1x64x64xf32> to vector<64x64xf32>
    %dot_general3A_53 = arith.constant dense<0.000000e+00> : vector<400x64xf32>
    %dot_general3A_54 = tpu.matmul %add3A_45, %get3A_52, %dot_general3A_53 {dimension_numbers = #tpu.dot_dimension_numbers<[1], [0], [0], [1], [0, 0, 1, 1], [], []>, transpose_lhs_hint = false} : vector<400x64xf32>, vector<64x64xf32>, vector<400x64xf32> -> vector<400x64xf32>
    %broadcast_in_dim3A = arith.constant 0.000000e+00 : f32
    %broadcast_in_dim3A_55 = vector.broadcast %broadcast_in_dim3A : f32 to vector<400x64xf32>
    %concatenate3A = tpu.concatenate %dot_general3A_54, %broadcast_in_dim3A_55 in 1 : vector<400x64xf32>, vector<400x64xf32> -> vector<400x128xf32>
    %swap3A_56 = arith.constant 0 : index
    %swap3A_57 = arith.constant 0 : index
    %swap3A_58 = vector.load %arg10[%swap3A_56, %swap3A_57] : memref<400x128xf32, #tpu.memory_space<vmem>>, vector<400x128xf32>
    tpu.vector_store %arg10[%swap3A_56, %swap3A_57], %concatenate3A {strides = array<i32>} : memref<400x128xf32, #tpu.memory_space<vmem>>, vector<400x128xf32>,
    return
  }
  func.func @transform_0(%arg0: i32) -> (i32, i32) {
    %c0_i32 = arith.constant 0 : i32
    %c0_i32_0 = arith.constant 0 : i32
    return %arg0, %c0_i32 : i32, i32
  }
  func.func @transform_1(%arg0: i32) -> (i32, i32) {
    %c0_i32 = arith.constant 0 : i32
    %c0_i32_0 = arith.constant 0 : i32
    return %arg0, %c0_i32 : i32, i32
  }
  func.func @transform_2(%arg0: i32) -> (i32, i32) {
    %add3A = arith.constant 128 : i32
    %add3A_0 = arith.addi %arg0, %add3A : i32
    %c0_i32 = arith.constant 0 : i32
    %c0_i32_1 = arith.constant 0 : i32
    return %add3A_0, %c0_i32 : i32, i32
  }
  func.func @transform_3(%arg0: i32) -> (i32, i32, i32) {
    %c1_i32 = arith.constant 1 : i32
    %c0_i32 = arith.constant 0 : i32
    %c0_i32_0 = arith.constant 0 : i32
    %c0_i32_1 = arith.constant 0 : i32
    return %c1_i32, %c0_i32, %c0_i32_0 : i32, i32, i32
  }
  func.func @transform_4(%arg0: i32) -> (i32, i32, i32) {
    %c1_i32 = arith.constant 1 : i32
    %c0_i32 = arith.constant 0 : i32
    %c0_i32_0 = arith.constant 0 : i32
    %c0_i32_1 = arith.constant 0 : i32
    return %c1_i32, %c0_i32, %c0_i32_0 : i32, i32, i32
  }
  func.func @transform_5(%arg0: i32) -> (i32, i32, i32) {
    %c1_i32 = arith.constant 1 : i32
    %c0_i32 = arith.constant 0 : i32
    %c0_i32_0 = arith.constant 0 : i32
    %c0_i32_1 = arith.constant 0 : i32
    return %c1_i32, %c0_i32, %c0_i32_0 : i32, i32, i32
  }
  func.func @transform_6(%arg0: i32) -> (i32, i32, i32) {
    %c1_i32 = arith.constant 1 : i32
    %c0_i32 = arith.constant 0 : i32
    %c0_i32_0 = arith.constant 0 : i32
    %c0_i32_1 = arith.constant 0 : i32
    return %c1_i32, %c0_i32, %c0_i32_0 : i32, i32, i32
  }
  func.func @transform_7(%arg0: i32) -> (i32, i32, i32) {
    %c2_i32 = arith.constant 2 : i32
    %c0_i32 = arith.constant 0 : i32
    %c0_i32_0 = arith.constant 0 : i32
    %c0_i32_1 = arith.constant 0 : i32
    return %c2_i32, %c0_i32, %c0_i32_0 : i32, i32, i32
  }
  func.func @transform_8(%arg0: i32) -> (i32, i32) {
    %c0_i32 = arith.constant 0 : i32
    %c0_i32_0 = arith.constant 0 : i32
    return %arg0, %c0_i32 : i32, i32
  }
  func.func @transform_9(%arg0: i32) -> (i32, i32) {
    %c0_i32 = arith.constant 0 : i32
    %c0_i32_0 = arith.constant 0 : i32
    return %arg0, %c0_i32 : i32, i32
  }
}

module attributes {stable_mosaic.version = 14 : i64} {
  func.func @_final_body(%arg0: i32, %arg1: memref<400x64xf32, #tpu.memory_space<vmem>>, %arg2: memref<400x32xf32, #tpu.memory_space<vmem>>, %arg3: memref<400x32xf32, #tpu.memory_space<vmem>>, %arg4: memref<1x64x64xf32, #tpu.memory_space<vmem>>, %arg5: memref<1x1x64xf32, #tpu.memory_space<vmem>>, %arg6: memref<1x64x64xf32, #tpu.memory_space<vmem>>, %arg7: memref<1x1x64xf32, #tpu.memory_space<vmem>>, %arg8: memref<64x32xf32, #tpu.memory_space<vmem>>, %arg9: memref<1x32xf32, #tpu.memory_space<vmem>>, %arg10: memref<1x32xf32, #tpu.memory_space<vmem>>, %arg11: memref<1x1xf32, #tpu.memory_space<vmem>>, %arg12: memref<400x1xi32, #tpu.memory_space<vmem>>, %arg13: memref<1x64xf32, #tpu.memory_space<vmem>>) attributes {dimension_semantics = [#tpu.dimension_semantics<arbitrary>], iteration_bounds = array<i64: 125>, scalar_prefetch = 0 : i64, scratch_operands = 0 : i64, tpu.core_type = #tpu.core_type<tc>, window_params = [{transform_indices = @transform_0, window_bounds = array<i64: 400, 64>}, {transform_indices = @transform_1, window_bounds = array<i64: 400, 32>}, {transform_indices = @transform_2, window_bounds = array<i64: 400, 32>}, {transform_indices = @transform_3, window_bounds = array<i64: 1, 64, 64>}, {transform_indices = @transform_4, window_bounds = array<i64: 1, 1, 64>}, {transform_indices = @transform_5, window_bounds = array<i64: 1, 64, 64>}, {transform_indices = @transform_6, window_bounds = array<i64: 1, 1, 64>}, {pipeline_mode = #tpu.pipeline_mode<synchronous>, transform_indices = @transform_7, window_bounds = array<i64: 64, 32>}, {pipeline_mode = #tpu.pipeline_mode<synchronous>, transform_indices = @transform_8, window_bounds = array<i64: 1, 32>}, {pipeline_mode = #tpu.pipeline_mode<synchronous>, transform_indices = @transform_9, window_bounds = array<i64: 1, 32>}, {pipeline_mode = #tpu.pipeline_mode<synchronous>, transform_indices = @transform_10, window_bounds = array<i64: 1, 1>}, {transform_indices = @transform_11, window_bounds = array<i64: 400, 1>}, {pipeline_mode = #tpu.pipeline_mode<synchronous>, transform_indices = @transform_12, window_bounds = array<i64: 1, 64>}]} {
    %get3A = arith.constant 0 : index
    %get3A_0 = arith.constant 0 : index
    %get3A_1 = arith.constant 0 : index
    %get3A_2 = vector.load %arg4[%get3A, %get3A_0, %get3A_1] : memref<1x64x64xf32, #tpu.memory_space<vmem>>, vector<1x64x64xf32>
    %get3A_3 = vector.shape_cast %get3A_2 : vector<1x64x64xf32> to vector<64x64xf32>
    %get3A_4 = arith.constant 0 : index
    %get3A_5 = arith.constant 0 : index
    %get3A_6 = vector.load %arg2[%get3A_4, %get3A_5] : memref<400x32xf32, #tpu.memory_space<vmem>>, vector<400x32xf32>
    %slice3A = vector.extract_strided_slice %get3A_3 {offsets = [0, 0], sizes = [32, 64], strides = [1, 1]} : vector<64x64xf32> to vector<32x64xf32>
    %dot_general3A = arith.constant dense<0.000000e+00> : vector<400x64xf32>
    %dot_general3A_7 = tpu.matmul %get3A_6, %slice3A, %dot_general3A {dimension_numbers = #tpu.dot_dimension_numbers<[1], [0], [0], [1], [0, 0, 1, 1], [], []>, transpose_lhs_hint = false} : vector<400x32xf32>, vector<32x64xf32>, vector<400x64xf32> -> vector<400x64xf32>
    %get3A_8 = arith.constant 0 : index
    %get3A_9 = arith.constant 0 : index
    %get3A_10 = vector.load %arg3[%get3A_8, %get3A_9] : memref<400x32xf32, #tpu.memory_space<vmem>>, vector<400x32xf32>
    %slice3A_11 = vector.extract_strided_slice %get3A_3 {offsets = [32, 0], sizes = [32, 64], strides = [1, 1]} : vector<64x64xf32> to vector<32x64xf32>
    %dot_general3A_12 = arith.constant dense<0.000000e+00> : vector<400x64xf32>
    %dot_general3A_13 = tpu.matmul %get3A_10, %slice3A_11, %dot_general3A_12 {dimension_numbers = #tpu.dot_dimension_numbers<[1], [0], [0], [1], [0, 0, 1, 1], [], []>, transpose_lhs_hint = false} : vector<400x32xf32>, vector<32x64xf32>, vector<400x64xf32> -> vector<400x64xf32>
    %add3A = arith.addf %dot_general3A_7, %dot_general3A_13 : vector<400x64xf32>
    %get3A_14 = arith.constant 0 : index
    %get3A_15 = arith.constant 0 : index
    %get3A_16 = arith.constant 0 : index
    %get3A_17 = vector.load %arg5[%get3A_14, %get3A_15, %get3A_16] : memref<1x1x64xf32, #tpu.memory_space<vmem>>, vector<1x1x64xf32>
    %get3A_18 = vector.shape_cast %get3A_17 : vector<1x1x64xf32> to vector<1x64xf32>
    %add3A_19 = vector.broadcast %get3A_18 : vector<1x64xf32> to vector<400x64xf32>
    %add3A_20 = arith.addf %add3A, %add3A_19 : vector<400x64xf32>
    %max3A = arith.constant 0.000000e+00 : f32
    %max3A_21 = vector.broadcast %max3A : f32 to vector<400x64xf32>
    %max3A_22 = arith.maximumf %add3A_20, %max3A_21 : vector<400x64xf32>
    %abs3A = math.absf %add3A_20 : vector<400x64xf32>
    %neg3A = arith.constant 0.000000e+00 : f32
    %neg3A_23 = vector.broadcast %neg3A : f32 to vector<400x64xf32>
    %neg3A_24 = arith.subf %neg3A_23, %abs3A : vector<400x64xf32>
    %exp3A = math.exp %neg3A_24 : vector<400x64xf32>
    %log1p3A = math.log1p %exp3A : vector<400x64xf32>
    %add3A_25 = arith.addf %max3A_22, %log1p3A : vector<400x64xf32>
    %sub3A = arith.constant 0.693147182 : f32
    %sub3A_26 = vector.broadcast %sub3A : f32 to vector<400x64xf32>
    %sub3A_27 = arith.subf %add3A_25, %sub3A_26 : vector<400x64xf32>
    %get3A_28 = arith.constant 0 : index
    %get3A_29 = arith.constant 0 : index
    %get3A_30 = arith.constant 0 : index
    %get3A_31 = vector.load %arg6[%get3A_28, %get3A_29, %get3A_30] : memref<1x64x64xf32, #tpu.memory_space<vmem>>, vector<1x64x64xf32>
    %get3A_32 = vector.shape_cast %get3A_31 : vector<1x64x64xf32> to vector<64x64xf32>
    %dot_general3A_33 = arith.constant dense<0.000000e+00> : vector<400x64xf32>
    %dot_general3A_34 = tpu.matmul %sub3A_27, %get3A_32, %dot_general3A_33 {dimension_numbers = #tpu.dot_dimension_numbers<[1], [0], [0], [1], [0, 0, 1, 1], [], []>, transpose_lhs_hint = false} : vector<400x64xf32>, vector<64x64xf32>, vector<400x64xf32> -> vector<400x64xf32>
    %get3A_35 = arith.constant 0 : index
    %get3A_36 = arith.constant 0 : index
    %get3A_37 = arith.constant 0 : index
    %get3A_38 = vector.load %arg7[%get3A_35, %get3A_36, %get3A_37] : memref<1x1x64xf32, #tpu.memory_space<vmem>>, vector<1x1x64xf32>
    %get3A_39 = vector.shape_cast %get3A_38 : vector<1x1x64xf32> to vector<1x64xf32>
    %add3A_40 = vector.broadcast %get3A_39 : vector<1x64xf32> to vector<400x64xf32>
    %add3A_41 = arith.addf %dot_general3A_34, %add3A_40 : vector<400x64xf32>
    %get3A_42 = arith.constant 0 : index
    %get3A_43 = arith.constant 0 : index
    %get3A_44 = vector.load %arg1[%get3A_42, %get3A_43] : memref<400x64xf32, #tpu.memory_space<vmem>>, vector<400x64xf32>
    %add3A_45 = arith.addf %get3A_44, %add3A_41 : vector<400x64xf32>
    %get3A_46 = arith.constant 0 : index
    %get3A_47 = arith.constant 0 : index
    %get3A_48 = vector.load %arg8[%get3A_46, %get3A_47] : memref<64x32xf32, #tpu.memory_space<vmem>>, vector<64x32xf32>
    %dot_general3A_49 = arith.constant dense<0.000000e+00> : vector<400x32xf32>
    %dot_general3A_50 = tpu.matmul %add3A_45, %get3A_48, %dot_general3A_49 {dimension_numbers = #tpu.dot_dimension_numbers<[1], [0], [0], [1], [0, 0, 1, 1], [], []>, transpose_lhs_hint = false} : vector<400x64xf32>, vector<64x32xf32>, vector<400x32xf32> -> vector<400x32xf32>
    %get3A_51 = arith.constant 0 : index
    %get3A_52 = arith.constant 0 : index
    %get3A_53 = vector.load %arg9[%get3A_51, %get3A_52] : memref<1x32xf32, #tpu.memory_space<vmem>>, vector<1x32xf32>
    %add3A_54 = vector.broadcast %get3A_53 : vector<1x32xf32> to vector<400x32xf32>
    %add3A_55 = arith.addf %dot_general3A_50, %add3A_54 : vector<400x32xf32>
    %max3A_56 = arith.constant 0.000000e+00 : f32
    %max3A_57 = vector.broadcast %max3A_56 : f32 to vector<400x32xf32>
    %max3A_58 = arith.maximumf %add3A_55, %max3A_57 : vector<400x32xf32>
    %abs3A_59 = math.absf %add3A_55 : vector<400x32xf32>
    %neg3A_60 = arith.constant 0.000000e+00 : f32
    %neg3A_61 = vector.broadcast %neg3A_60 : f32 to vector<400x32xf32>
    %neg3A_62 = arith.subf %neg3A_61, %abs3A_59 : vector<400x32xf32>
    %exp3A_63 = math.exp %neg3A_62 : vector<400x32xf32>
    %log1p3A_64 = math.log1p %exp3A_63 : vector<400x32xf32>
    %add3A_65 = arith.addf %max3A_58, %log1p3A_64 : vector<400x32xf32>
    %sub3A_66 = arith.constant 0.693147182 : f32
    %sub3A_67 = vector.broadcast %sub3A_66 : f32 to vector<400x32xf32>
    %sub3A_68 = arith.subf %add3A_65, %sub3A_67 : vector<400x32xf32>
    %get3A_69 = arith.constant 0 : index
    %get3A_70 = arith.constant 0 : index
    %get3A_71 = vector.load %arg10[%get3A_69, %get3A_70] : memref<1x32xf32, #tpu.memory_space<vmem>>, vector<1x32xf32>
    %mul3A = vector.broadcast %get3A_71 : vector<1x32xf32> to vector<400x32xf32>
    %mul3A_72 = arith.mulf %sub3A_68, %mul3A : vector<400x32xf32>
    %reduce_sum3A = arith.constant dense<0.000000e+00> : vector<400xf32>
    %reduce_sum3A_73 = vector.multi_reduction <add>, %mul3A_72, %reduce_sum3A [1] : vector<400x32xf32> to vector<400xf32>
    %broadcast_in_dim3A = vector.shape_cast %reduce_sum3A_73 : vector<400xf32> to vector<400x1xf32>
    %get3A_74 = arith.constant 0 : index
    %get3A_75 = arith.constant 0 : index
    %get3A_76 = vector.load %arg11[%get3A_74, %get3A_75] : memref<1x1xf32, #tpu.memory_space<vmem>>, vector<1x1xf32>
    %add3A_77 = vector.broadcast %get3A_76 : vector<1x1xf32> to vector<400x1xf32>
    %add3A_78 = arith.addf %broadcast_in_dim3A, %add3A_77 : vector<400x1xf32>
    %get3A_79 = arith.constant 0 : index
    %get3A_80 = arith.constant 0 : index
    %get3A_81 = vector.load %arg12[%get3A_79, %get3A_80] : memref<400x1xi32, #tpu.memory_space<vmem>>, vector<400x1xi32>
    %iota3A = tpu.iota {dimensions = array<i32: 1>} : vector<400x64xi32>
    %eq3A = vector.broadcast %get3A_81 : vector<400x1xi32> to vector<400x64xi32>
    %eq3A_82 = arith.cmpi eq, %eq3A, %iota3A : vector<400x64xi32>
    %convert_element_type3A = arith.extui %eq3A_82 : vector<400x64xi1> to vector<400x64xi32>
    %convert_element_type3A_83 = arith.sitofp %convert_element_type3A : vector<400x64xi32> to vector<400x64xf32>
    %mul3A_84 = vector.broadcast %add3A_78 : vector<400x1xf32> to vector<400x64xf32>
    %mul3A_85 = arith.mulf %convert_element_type3A_83, %mul3A_84 : vector<400x64xf32>
    %reduce_sum3A_86 = arith.constant dense<0.000000e+00> : vector<64xf32>
    %reduce_sum3A_87 = vector.multi_reduction <add>, %mul3A_85, %reduce_sum3A_86 [0] : vector<400x64xf32> to vector<64xf32>
    %broadcast_in_dim3A_88 = vector.shape_cast %reduce_sum3A_87 : vector<64xf32> to vector<1x64xf32>
    %eq3A_89 = arith.constant 0 : i32
    %eq3A_90 = arith.cmpi eq, %arg0, %eq3A_89 : i32
    %convert_element_type3A_91 = arith.extui %eq3A_90 : i1 to i32
    %cond3A = arith.constant 0 : i32
    %cond3A_92 = arith.cmpi ne, %convert_element_type3A_91, %cond3A : i32
    scf.if %cond3A_92 {
      %broadcast_in_dim3A_99 = arith.constant 0.000000e+00 : f32
      %broadcast_in_dim3A_100 = vector.broadcast %broadcast_in_dim3A_99 : f32 to vector<1x64xf32>
      %swap3A_101 = arith.constant 0 : index
      %swap3A_102 = arith.constant 0 : index
      %swap3A_103 = vector.load %arg13[%swap3A_101, %swap3A_102] : memref<1x64xf32, #tpu.memory_space<vmem>>, vector<1x64xf32>
      tpu.vector_store %arg13[%swap3A_101, %swap3A_102], %broadcast_in_dim3A_100 {strides = array<i32>} : memref<1x64xf32, #tpu.memory_space<vmem>>, vector<1x64xf32>,
    } else {
    }
    %get3A_93 = arith.constant 0 : index
    %get3A_94 = arith.constant 0 : index
    %get3A_95 = vector.load %arg13[%get3A_93, %get3A_94] : memref<1x64xf32, #tpu.memory_space<vmem>>, vector<1x64xf32>
    %add3A_96 = arith.addf %get3A_95, %broadcast_in_dim3A_88 : vector<1x64xf32>
    %swap3A = arith.constant 0 : index
    %swap3A_97 = arith.constant 0 : index
    %swap3A_98 = vector.load %arg13[%swap3A, %swap3A_97] : memref<1x64xf32, #tpu.memory_space<vmem>>, vector<1x64xf32>
    tpu.vector_store %arg13[%swap3A, %swap3A_97], %add3A_96 {strides = array<i32>} : memref<1x64xf32, #tpu.memory_space<vmem>>, vector<1x64xf32>,
    return
  }
  func.func @transform_0(%arg0: i32) -> (i32, i32) {
    %c0_i32 = arith.constant 0 : i32
    %c0_i32_0 = arith.constant 0 : i32
    return %arg0, %c0_i32 : i32, i32
  }
  func.func @transform_1(%arg0: i32) -> (i32, i32) {
    %c0_i32 = arith.constant 0 : i32
    %c0_i32_0 = arith.constant 0 : i32
    return %arg0, %c0_i32 : i32, i32
  }
  func.func @transform_2(%arg0: i32) -> (i32, i32) {
    %add3A = arith.constant 128 : i32
    %add3A_0 = arith.addi %arg0, %add3A : i32
    %c0_i32 = arith.constant 0 : i32
    %c0_i32_1 = arith.constant 0 : i32
    return %add3A_0, %c0_i32 : i32, i32
  }
  func.func @transform_3(%arg0: i32) -> (i32, i32, i32) {
    %c2_i32 = arith.constant 2 : i32
    %c0_i32 = arith.constant 0 : i32
    %c0_i32_0 = arith.constant 0 : i32
    %c0_i32_1 = arith.constant 0 : i32
    return %c2_i32, %c0_i32, %c0_i32_0 : i32, i32, i32
  }
  func.func @transform_4(%arg0: i32) -> (i32, i32, i32) {
    %c2_i32 = arith.constant 2 : i32
    %c0_i32 = arith.constant 0 : i32
    %c0_i32_0 = arith.constant 0 : i32
    %c0_i32_1 = arith.constant 0 : i32
    return %c2_i32, %c0_i32, %c0_i32_0 : i32, i32, i32
  }
  func.func @transform_5(%arg0: i32) -> (i32, i32, i32) {
    %c2_i32 = arith.constant 2 : i32
    %c0_i32 = arith.constant 0 : i32
    %c0_i32_0 = arith.constant 0 : i32
    %c0_i32_1 = arith.constant 0 : i32
    return %c2_i32, %c0_i32, %c0_i32_0 : i32, i32, i32
  }
  func.func @transform_6(%arg0: i32) -> (i32, i32, i32) {
    %c2_i32 = arith.constant 2 : i32
    %c0_i32 = arith.constant 0 : i32
    %c0_i32_0 = arith.constant 0 : i32
    %c0_i32_1 = arith.constant 0 : i32
    return %c2_i32, %c0_i32, %c0_i32_0 : i32, i32, i32
  }
  func.func @transform_7(%arg0: i32) -> (i32, i32) {
    %c0_i32 = arith.constant 0 : i32
    %c0_i32_0 = arith.constant 0 : i32
    %c0_i32_1 = arith.constant 0 : i32
    return %c0_i32, %c0_i32_0 : i32, i32
  }
  func.func @transform_8(%arg0: i32) -> (i32, i32) {
    %c0_i32 = arith.constant 0 : i32
    %c0_i32_0 = arith.constant 0 : i32
    %c0_i32_1 = arith.constant 0 : i32
    return %c0_i32, %c0_i32_0 : i32, i32
  }
  func.func @transform_9(%arg0: i32) -> (i32, i32) {
    %c0_i32 = arith.constant 0 : i32
    %c0_i32_0 = arith.constant 0 : i32
    %c0_i32_1 = arith.constant 0 : i32
    return %c0_i32, %c0_i32_0 : i32, i32
  }
  func.func @transform_10(%arg0: i32) -> (i32, i32) {
    %c0_i32 = arith.constant 0 : i32
    %c0_i32_0 = arith.constant 0 : i32
    %c0_i32_1 = arith.constant 0 : i32
    return %c0_i32, %c0_i32_0 : i32, i32
  }
  func.func @transform_11(%arg0: i32) -> (i32, i32) {
    %c0_i32 = arith.constant 0 : i32
    %c0_i32_0 = arith.constant 0 : i32
    return %arg0, %c0_i32 : i32, i32
  }
  func.func @transform_12(%arg0: i32) -> (i32, i32) {
    %c0_i32 = arith.constant 0 : i32
    %c0_i32_0 = arith.constant 0 : i32
    %c0_i32_1 = arith.constant 0 : i32
    return %c0_i32, %c0_i32_0 : i32, i32
  }
}

</mosaic_0001>

<sc_bundles>
// kernel: kernel.10.cloned.1.call-start
scs
__scs_entry_jumppad:
0x0: {  	(pc) =	sbr.rel $0x88, $3  }
0x1: {  	(tag) =	ssettag $0x0;
	lr =	simm.s32 $0x1  }
0x2: {  	[smem:$0x3F8F] =	sst lr;
	_ =	strace $0xD0000000  }
0x3: {  	_ = 	snop  }
0x4: {  	_ = 	snop  }
0x5: {  	_ = 	snop  }
0x6: {  	_ = 	snop  }
0x7: {  	_ = 	snop  }
__scs_overlays_trampoline_lowered:
0x8: {  	[smem:$0x3F9E] =	sst s0  }
0x9: {  	[smem:$0x3F9F] =	sst s1  }
0xa: {  	[smem:$0x3FA0] =	sst s2  }
0xb: {  	[smem:$0x3FA1] =	sst s3  }
0xc: {  	[smem:$0x3FA2] =	sst s4  }
0xd: {  	[smem:$0x3FA3] =	sst s5  }
0xe: {  	[smem:$0x3FA4] =	sst s6  }
0xf: {  	[smem:$0x3FA5] =	sst s7  }
0x10: {  	[smem:$0x3FA6] =	sst s8  }
0x11: {  	[smem:$0x3FA7] =	sst s9;
	s0 =	simm.s32 @!p0 $0x0  }
0x12: {  	s1 =	sld [smem:$0x3F8D];
	s0 =	simm.s32 @p0 $0x1  }
0x13: {  	[smem:$0x3FA8] =	sst s0;
	s0 =	simm.s32 @!p1 $0x0  }
0x14: {  	s2 =	sld [smem:$0x3F8C];
	s0 =	simm.s32 @p1 $0x1  }
0x15: {  	[smem:$0x3FA9] =	sst s0;
	s0 =	simm.s32 @!p2 $0x0  }
0x16: {  	s3 =	sld [smem:$0x3FDB];
	s0 =	simm.s32 @p2 $0x1  }
0x17: {  	s4 =	simm.s32 $0x1BF5;
	[smem:$0x3FAB] =	sst s0  }
0x18: {  	s0 =	sld [smem:$0x3F8E];
	_ =	swait.ge [sflag:s4], $0x0  }
0x19: {  	s7 =	sld [smem:$0x3F8F]  }
0x1a: {  	s8 =	sadd.s32 $0xFFFFE003, lr  }
0x1b: {  	s9 =	sadd.s32 $0xFFFFFEF7, lr;
	s5 =	simm.s32 $0xFFFFFFFF;
	p2 =	slt.u32 s8, $0xFFFFF086  }
0x1c: {  	p1 =	slt.u32 s9, $0xF7A;
	s5 =	simm.s32 @!p2 $0x0  }
0x1d: {  	s5 =	simm.s32 @p1 $0x1;
	p0 =	seq.s32 s7, s2  }
0x1e: {  	s7 =	smul.u32 @!p0 $0xF7A, s2;
	p2 =	seq.s32 @!p0 s5, $0x0  }
0x1f: {  	s9 =	smul.u32 $0xF7A, s1;
	s8 =	simm.s32 @!p0 $0x1BF5;
	p2 =	por !p2, p0  }
0x20: {  	[sflag:s8] =	ssyncset.s32 @!p0 $0xFFFFF086;
	s6 =	sadd.s32 @!p0 s3, s7;
	s7 =	simm.s32 @!p0 $0x108  }
0x21: {  	s3 =	sadd.s32 s3, s9;
	s6 =	sadd.s32 @!p0 $0x88, s6;
	s7 =	simm.s32 @p2 $0x1082  }
0x22: {  	[simem:s7], [sflag:s8] =	dma.local @!p0 [hbm:s6], $0xF7A  }
0x23: {  	s9 =	sor.u32 $0xD0000000, s2;
	s6 =	simm.s32 $0x108;
	_ =	swait.ge @!p0 [sflag:s8], $0x0  }
0x24: {  	s3 =	sadd.s32 $0x88, s3;
	s6 =	simm.s32 @!p1 $0x1082;
	[sflag:s4] =	ssyncset.s32 $0xFFFFF086  }
0x25: {  	[simem:s6], [sflag:s4] =	dma.local [hbm:s3], $0xF7A  }
0x26: {  	[smem:$0x3F8F] =	sst s1;
	(tag) =	ssettag s2;
	_ =	strace s9  }
0x27: {  	s1 =	sld [smem:$0x3F9F]  }
0x28: {  	s2 =	sld [smem:$0x3FA0]  }
0x29: {  	s4 =	sld [smem:$0x3FA2]  }
0x2a: {  	p0 =	seq.s32 s5, $0x0;
	s5 =	sld [smem:$0x3FA3]  }
0x2b: {  	s6 =	sld [smem:$0x3FA4]  }
0x2c: {  	s7 =	sld [smem:$0x3FA5]  }
0x2d: {  	s3 =	simm.s32 $0x108;
	s8 =	sld [smem:$0x3FA6]  }
0x2e: {  	s3 =	simm.s32 @!p0 $0x1082;
	s9 =	sld [smem:$0x3FA7]  }
0x2f: {  	lr =	sadd.s32 s0, s3;
	s0 =	sld [smem:$0x3F9E]  }
0x30: {  	s3 =	sld [smem:$0x3FA1]  }
0x31: {  	[smem:$0x3FAA] =	sst s10  }
0x32: {  	s10 =	sld [smem:$0x3FA8];
	_ =	sdelay $0x3  }
0x33: {  	p0 =	seq.s32 s10, $0x1;
	s10 =	sld [smem:$0x3FAA];
	_ =	sdelay $0x3  }
0x34: {  	[smem:$0x3FAA] =	sst s10  }
0x35: {  	s10 =	sld [smem:$0x3FA9];
	_ =	sdelay $0x3  }
0x36: {  	p1 =	seq.s32 s10, $0x1;
	s10 =	sld [smem:$0x3FAA];
	_ =	sdelay $0x3  }
0x37: {  	[smem:$0x3FAA] =	sst s10  }
0x38: {  	s10 =	sld [smem:$0x3FAB]  }
0x39: {  	_ = 	snop;
	(pc) =	sbr.ind lr, $3  }
0x3a: {  	_ = 	snop  }
0x3b: {  	_ = 	snop  }
0x3c: {  	p2 =	seq.s32 s10, $0x1;
	s10 =	sld [smem:$0x3FAA]  }
0x3d: {  	_ =	shalt  }
0x3e: {  	_ =	shalt  }
0x3f: {  	_ =	shalt  }
0x40: {  	_ =	shalt  }
0x41: {  	_ =	shalt  }
0x42: {  	_ =	shalt  }
0x43: {  	_ =	shalt  }
0x44: {  	_ =	shalt  }
0x45: {  	_ =	shalt  }
0x46: {  	_ =	shalt  }
0x47: {  	_ =	shalt  }
0x48: {  	_ =	shalt  }
0x49: {  	_ =	shalt  }
0x4a: {  	_ =	shalt  }
0x4b: {  	_ =	shalt  }
0x4c: {  	_ =	shalt  }
0x4d: {  	_ =	shalt  }
0x4e: {  	_ =	shalt  }
0x4f: {  	_ =	shalt  }
0x50: {  	_ =	shalt  }
0x51: {  	_ =	shalt  }
0x52: {  	_ =	shalt  }
0x53: {  	_ =	shalt  }
0x54: {  	_ =	shalt  }
0x55: {  	_ =	shalt  }
0x56: {  	_ =	shalt  }
0x57: {  	_ =	shalt  }
0x58: {  	_ =	shalt  }
0x59: {  	_ =	shalt  }
0x5a: {  	_ =	shalt  }
0x5b: {  	_ =	shalt  }
0x5c: {  	_ =	shalt  }
0x5d: {  	_ =	shalt  }
0x5e: {  	_ =	shalt  }
0x5f: {  	_ =	shalt  }
0x60: {  	_ =	shalt  }
0x61: {  	_ =	shalt  }
0x62: {  	_ =	shalt  }
0x63: {  	_ =	shalt  }
0x64: {  	_ =	shalt  }
0x65: {  	_ =	shalt  }
0x66: {  	_ =	shalt  }
0x67: {  	_ =	shalt  }
0x68: {  	_ =	shalt  }
0x69: {  	_ =	shalt  }
0x6a: {  	_ =	shalt  }
0x6b: {  	_ =	shalt  }
0x6c: {  	_ =	shalt  }
0x6d: {  	_ =	shalt  }
0x6e: {  	_ =	shalt  }
0x6f: {  	_ =	shalt  }
0x70: {  	_ =	shalt  }
0x71: {  	_ =	shalt  }
0x72: {  	_ =	shalt  }
0x73: {  	_ =	shalt  }
0x74: {  	_ =	shalt  }
0x75: {  	_ =	shalt  }
0x76: {  	_ =	shalt  }
0x77: {  	_ =	shalt  }
0x78: {  	_ =	shalt  }
0x79: {  	_ =	shalt  }
0x7a: {  	_ =	shalt  }
0x7b: {  	_ =	shalt  }
0x7c: {  	_ =	shalt  }
0x7d: {  	_ =	shalt  }
0x7e: {  	_ =	shalt  }
0x7f: {  	_ =	shalt  }
0x80: {  	_ =	shalt  }
0x81: {  	_ =	shalt  }
0x82: {  	_ =	shalt  }
0x83: {  	_ =	shalt  }
0x84: {  	_ =	shalt  }
0x85: {  	_ =	shalt  }
0x86: {  	_ =	shalt  }
0x87: {  	_ =	shalt  }
.Lfunc_end0:
.L_simem_size_0:
called_computation_lowered:
.L_overlay_start_0:
0x88: {  	s2 =	sld [smem:$0x3FD9]  }
0x89: {  	s3 =	sld [smem:$0x3FFE];
	_ =	sdelay $0x1  }
0x8a: {  	s1 =	srdreg.scid  }
0x8b: {  	s0 =	sand.u32 $0x1, s1  }
0x8c: {  	s16 =	sshll.u32 s0, $0xA;
	s2 =	sadd.s32 s3, s2  }
0x8d: {  	s2 =	sadd.s32 s2, s16  }
0x8e: {  	[smem:$0x3FB6] =	sst s2  }
0x8f: {  	_ = 	snop  }
0x90: {  	(tm) =	ssettm $0x1  }
0x91: {  	s17 =	sld [smem:$0x3FFB];
	_ =	sdelay $0x3  }
0x92: {  	_ =	strace s17  }
0x93: {  	s2 =	sld [smem:$0x3FFC];
	_ =	sdelay $0x3  }
0x94: {  	_ =	strace s2  }
0x95: {  	s2 =	sld [smem:$0x3FFD];
	_ =	sdelay $0x3  }
0x96: {  	_ =	strace s2  }
0x97: {  	_ =	strace $0x8FFFFFFF  }
0x98: {  	s18 =	sld [smem:$0x3FDB];
	_ =	sdelay $0x1  }
0x99: {  	s19 =	simm.s32 $_scs_section_size  }
0x9a: {  	s4 =	simm.s32 $_size__tile_overlayer_lowered;
	s5 =	simm.s32 $_tile_overlayer_lowered  }
0x9b: {  	s22 =	simm.s32 $0x1BFF;
	s21 =	sshll.u32 s5, $0x1;
	s2 =	sadd.s32 s19, s18  }
0x9c: {  	s6 =	simm.s32 $0x0;
	s20 =	sshll.u32 s4, $0x1;
	s4 =	sadd.s32 s21, s2  }
0x9d: {  	[timem:s6], [sflag:s22] =	dma.local [hbm:s4], s20  }
0x9e: {  	_ =	swait.ge [sflag:s22], s20  }
0x9f: {  	s3 =	ssub.s32 $0x0, s20;
	[sflag:s22] =	ssyncset.done $0x0  }
0xa0: {  	[sflag:s22] =	ssyncadd.s32 s3;
	_ =	sdelay $0x1  }
0xa1: {  	s23 =	simm.s32 $0x1B8B  }
0xa2: {  	_ =	swait.ge [sflag:s23], $0x1  }
0xa3: {  	[sflag:s23] =	ssyncset.done $0x0  }
0xa4: {  	s25 =	simm.s32 $0x1B8E;
	s24 =	sld [smem:$0x3FFE];
	[sflag:s23] =	ssyncadd.s32 $0xFFFFFFFF  }
0xa5: {  	s26 =	simm.s32 $execute0_lowered;
	[smem:$0x3FD2] =	sst s25  }
0xa6: {  	s4 =	sshll.u32 s26, $0x1;
	_ =	strace $0x80000046;
	[dreg:$0x1] =	wrdreg $0xFFFFFFFF  }
0xa7: {  	s28 =	simm.s32 $_size_execute0_lowered;
	s2 =	sadd.s32 s2, s4;
	[dreg:$0x0] =	wrdreg $0x0  }
0xa8: {  	s4 =	sshll.u32 s28, $0x1;
	[dreg:$0x2] =	wrdreg s2  }
0xa9: {  	[dreg:$0x3] =	wrdreg s4  }
0xaa: {  	[dreg:$0x4] =	wrdreg $0xC0  }
0xab: {  	_ =	task [dreg:s6], $0x5FFFF  }
0xac: {  	[dreg:$0x1] =	wrdreg $0xFFFFFFFF  }
0xad: {  	[dreg:$0x0] =	wrdreg $0x60  }
0xae: {  	[dreg:$0x2] =	wrdreg s24  }
0xaf: {  	[dreg:$0x3] =	wrdreg $0x68000  }
0xb0: {  	[dreg:$0x4] =	wrdreg $0x9  }
0xb1: {  	_ =	task.clear_ibuf [dreg:s6], $0x5FFFF;
	_ =	strace $0x90000046  }
0xb2: {  	s29 =	simm.s32 $0x9;
	_ =	strace $0x80000048  }
0xb3: {  	_ =	swait.ge [sflag:s29], $0x1  }
0xb4: {  	[sflag:s29] =	ssyncadd.s32 $0xFFFFFFFF  }
0xb5: {  	_ =	strace $0x90000048  }
0xb6: {  	_ =	sfence  }
0xb7: {  	s30 =	sld [smem:$0x0];
	_ =	sdelay $0x2  }
0xb8: {  	s31 =	sshll.u32 s1, $0xD;
	s1 =	sshrl.u32 s1, $0x2  }
0xb9: {  	s3 =	sand.u32 $0x4000, s31;
	s1 =	sadd.s32 s1, s30  }
0xba: {  	s0 =	sor.u32 s3, s0;
	s1 =	sshll.u32 s1, $0x11  }
0xbb: {  	s0 =	sor.u32 s1, s0  }
0xbc: {  	s0 =	sadd.s32 $0x8F2B, s0  }
0xbd: {  	[sflag:s0] =	ssyncadd.remote.s32 $0x1  }
0xbe: {  	_ =	sfence.sel $0xFFFF  }
0xbf: {  	[dreg:$0x0] =	wrdreg $0xFFFFFFFF;
	(pc) =	sbr.abs _section_cstart, $3  }
0xc0: {  	[dreg:$0x1] =	wrdreg $0xFFFFFFFF  }
0xc1: {  	_ =	task.clear_ibuf [dreg:s6], $0x2FFFF;
	_ =	strace $0x9FFFFFFF  }
0xc2: {  	(tm) =	ssettm $0x7FFFFFFF  }
0xc3: {  	_ =	shalt  }
tec
execute0_lowered:
.L_overlay_start_1:
0x0: {  	(tag) =	ssettag $0x1  }
0x1: {  	s0 =	srdreg.scid  }
0x2: {  	s1 =	rddreg [dreg:$0x0];
	s10 =	stileid.u32  }
0x3: {  	s2 =	rddreg [dreg:$0x1];
	s5 =	smul.u32 $0x31000, s10  }
0x4: {  	s3 =	simm.s32 $0x0;
	s0 =	sand.u32 $0x1, s0;
	s6 =	smul.u32 $0xC80, s10  }
0x5: {  	[smem:$0x7FF] =	sst s3;
	s9 =	sshll.u32 s10, $0x9;
	s4 =	smul.u32 $0x310000, s0  }
0x6: {  	s7 =	smul.u32 $0xC800, s0;
	_ =	strace $0x80000047;
	s9 =	sadd.s32 s9, s1  }
0x7: {  	s11 =	sadd.s32 $0x35200, s9;
	s14 =	sadd.s32 $0x35280, s9;
	s15 =	sadd.s32 $0x35300, s9  }
0x8: {  	s16 =	sadd.s32 $0x35380, s9;
	s5 =	sadd.s32 s5, s4;
	[dreg:$0x3] =	wrdreg s11  }
0x9: {  	s4 =	sadd.s32 $0xFA800, s1;
	s7 =	sadd.s32 s6, s7;
	[dreg:$0x4] =	wrdreg s14  }
0xa: {  	s6 =	sadd.s32 $0x4000, s1;
	[dreg:$0x5] =	wrdreg s15;
	s7 =	sshll.u32 s7, $0x4  }
0xb: {  	s8 =	sadd.s32 s5, s1;
	s5 =	sadd.s32 $0x1C800, s1;
	s1 =	sadd.s32 s7, s1  }
0xc: {  	[dreg:$0x6] =	wrdreg s16;
	s7 =	sadd.s32 $0x281400, s1  }
0xd: {  	s26 =	sadd.s32 $0x281C00, s1;
	[dreg:$0x7] =	wrdreg s7  }
0xe: {  	s9 =	sadd.s32 $0x282400, s1;
	[dreg:$0x8] =	wrdreg s26  }
0xf: {  	s12 =	sadd.s32 $0x282C00, s1;
	[dreg:$0x9] =	wrdreg s9  }
0x10: {  	s13 =	sadd.s32 $0x283400, s1;
	[dreg:$0xa] =	wrdreg s12  }
0x11: {  	s17 =	sadd.s32 $0x283C00, s1;
	[dreg:$0xb] =	wrdreg s13  }
0x12: {  	s18 =	sadd.s32 $0x284400, s1;
	[dreg:$0xc] =	wrdreg s17  }
0x13: {  	s19 =	sadd.s32 $0x284C00, s1;
	[dreg:$0xd] =	wrdreg s18  }
0x14: {  	s20 =	sadd.s32 $0x285400, s1;
	[dreg:$0xe] =	wrdreg s19  }
0x15: {  	s21 =	sadd.s32 $0x285C00, s1;
	[dreg:$0xf] =	wrdreg s20  }
0x16: {  	s22 =	sadd.s32 $0x286400, s1;
	[dreg:$0x10] =	wrdreg s21  }
0x17: {  	s23 =	sadd.s32 $0x286C00, s1;
	[dreg:$0x11] =	wrdreg s22  }
0x18: {  	s24 =	sadd.s32 $0x287400, s1;
	[dreg:$0x12] =	wrdreg s23  }
0x19: {  	s25 =	sadd.s32 $0x287C00, s1;
	[dreg:$0x13] =	wrdreg s24  }
0x1a: {  	s28 =	simm.s32 $0x700;
	[dreg:$0x14] =	wrdreg s25;
	s12 =	sadd.s32 $0x288400, s1  }
0x1b: {  	s29 =	simm.s32 $0x780;
	s13 =	sadd.s32 $0x288C00, s1;
	[dreg:$0x15] =	wrdreg s12  }
0x1c: {  	s30 =	simm.s32 $0x1800;
	s18 =	sadd.s32 $0x289C00, s1;
	[dreg:$0x16] =	wrdreg s13  }
0x1d: {  	s31 =	simm.s32 $0x20;
	s19 =	sadd.s32 $0x28A400, s1;
	[dreg:$0x18] =	wrdreg s18  }
0x1e: {  	p0 =	sne.s32 s0, $0x0;
	s20 =	sadd.s32 $0x28AC00, s1;
	[dreg:$0x19] =	wrdreg s19  }
0x1f: {  	s8 =	sadd.s32 $0xF85200, s8;
	s21 =	sadd.s32 $0x28B400, s1;
	[dreg:$0x1a] =	wrdreg s20  }
0x20: {  	s26 =	ssub.s32 $0x2, s0;
	s22 =	sadd.s32 $0x28BC00, s1;
	[dreg:$0x1b] =	wrdreg s21  }
0x21: {  	s24 =	sadd.s32 $0x28C400, s1;
	s25 =	sadd.s32 $0x28CC00, s1;
	[dreg:$0x1c] =	wrdreg s22  }
0x22: {  	s0 =	simm.s32 $0x1;
	s17 =	sshrl.u32 s26, $0x1;
	[dreg:$0x1e] =	wrdreg s24  }
0x23: {  	s12 =	sadd.s32 $0x289400, s1;
	[dreg:$0x1f] =	wrdreg s25;
	s18 =	simm.s32 $0x400  }
0x24: {  	s19 =	simm.s32 $0x2;
	s20 =	simm.s32 $0x80;
	s21 =	simm.s32 $0x2800  }
.Ltmp0:
0x25: {  	s22 =	simm.s32 $0x480;
	s24 =	simm.s32 $0x580;
	(pc) =	sbr.rel .LBB2_1-.Ltmp0, $4  }
0x26: {  	s25 =	simm.s32 $0x600;
	s13 =	simm.s32 $0x0;
	[dreg:$0x17] =	wrdreg s12  }
0x27: {  	s7 =	ssub.s32 s26, s17;
	s26 =	sadd.s32 $0x28D400, s1;
	s17 =	smul.u32 $0x188, s10  }
0x28: {  	s1 =	simm.s32 $0x800;
	s23 =	smax.u32 s7, $0x1;
	[smem:$0x7FD] =	sst s26  }
0x29: {  	v0 =	vimm.f32 $0.0e+00;
	s12 =	simm.s32 $0x0;
	s26 =	simm.s32 $0x680;
	[dreg:$0x1d] =	wrdreg s23  }
.LBB2_26:
0x2a: {  	[bflag:$0x0] =	sbarrier.arrive $0xFFFF  }
0x2b: {  	s11 =	rddreg [dreg:$0x3]  }
0x2c: {  	[tilespmem:s18], [sflag:$0x2] =	stream.linear.gather [hbm4b:s11+s3], $0x400, $0x38;
	[tilespmem:$0x1F800] =	vst v63  }
0x2d: {  	_ =	swait.ge [sflag:s19], $0x400  }
0x2e: {  	[sflag:s19] =	ssyncset.done $0x0  }
0x2f: {  	[sflag:s19] =	ssyncadd.s32 $0xFFFFFC00  }
0x30: {  	[tilespmem:s21], [sflag:$0x1] =	stream.indirect.gather [spmem:s2], $0x20, s18, s20, $0xb8;
	[tilespmem:$0x1F800] =	vst v63  }
0x31: {  	_ =	swait.ge [sflag:s0], $0x1000  }
0x32: {  	[sflag:s0] =	ssyncset.done $0x0  }
0x33: {  	s7 =	rddreg [dreg:$0x7];
	[sflag:s0] =	ssyncadd.s32 $0xFFFFF000  }
0x34: {  	[hbm4b:s7+s3] =	stream.linear.scatter [tilespmem:s21], [sflag:$0x2], $0x4000, $0x38;
	[tilespmem:$0x1F800] =	vst v63  }
0x35: {  	_ =	swait.ge [sflag:s19], $0x4000  }
0x36: {  	[sflag:s19] =	ssyncset.done $0x0  }
0x37: {  	s22 =	simm.s32 $0x480;
	[sflag:s19] =	ssyncadd.s32 $0xFFFFC000  }
0x38: {  	[tilespmem:s21], [sflag:$0x1] =	stream.indirect.gather [spmem:s2], $0x20, s22, s20, $0xb8;
	[tilespmem:$0x1F800] =	vst v63  }
0x39: {  	_ =	swait.ge [sflag:s0], $0x1000  }
0x3a: {  	[sflag:s0] =	ssyncset.done $0x0  }
0x3b: {  	s16 =	rddreg [dreg:$0x8];
	[sflag:s0] =	ssyncadd.s32 $0xFFFFF000  }
0x3c: {  	[hbm4b:s16+s3] =	stream.linear.scatter [tilespmem:s21], [sflag:$0x2], $0x4000, $0x38;
	[tilespmem:$0x1F800] =	vst v63  }
0x3d: {  	_ =	swait.ge [sflag:s19], $0x4000  }
0x3e: {  	[sflag:s19] =	ssyncset.done $0x0  }
0x3f: {  	s9 =	simm.s32 $0x500;
	[sflag:s19] =	ssyncadd.s32 $0xFFFFC000  }
0x40: {  	[tilespmem:s21], [sflag:$0x1] =	stream.indirect.gather [spmem:s2], $0x20, s9, s20, $0xb8;
	[tilespmem:$0x1F800] =	vst v63  }
0x41: {  	_ =	swait.ge [sflag:s0], $0x1000  }
0x42: {  	[sflag:s0] =	ssyncset.done $0x0  }
0x43: {  	s23 =	rddreg [dreg:$0x9];
	[sflag:s0] =	ssyncadd.s32 $0xFFFFF000  }
0x44: {  	[hbm4b:s23+s3] =	stream.linear.scatter [tilespmem:s21], [sflag:$0x2], $0x4000, $0x38;
	[tilespmem:$0x1F800] =	vst v63  }
0x45: {  	_ =	swait.ge [sflag:s19], $0x4000  }
0x46: {  	[sflag:s19] =	ssyncset.done $0x0  }
0x47: {  	[sflag:s19] =	ssyncadd.s32 $0xFFFFC000  }
0x48: {  	[tilespmem:s21], [sflag:$0x1] =	stream.indirect.gather [spmem:s2], $0x20, s24, s20, $0xb8;
	[tilespmem:$0x1F800] =	vst v63  }
0x49: {  	_ =	swait.ge [sflag:s0], $0x1000  }
0x4a: {  	[sflag:s0] =	ssyncset.done $0x0  }
0x4b: {  	s10 =	rddreg [dreg:$0xa];
	[sflag:s0] =	ssyncadd.s32 $0xFFFFF000  }
0x4c: {  	[hbm4b:s10+s3] =	stream.linear.scatter [tilespmem:s21], [sflag:$0x2], $0x4000, $0x38;
	[tilespmem:$0x1F800] =	vst v63  }
0x4d: {  	_ =	swait.ge [sflag:s19], $0x4000  }
0x4e: {  	[sflag:s19] =	ssyncset.done $0x0  }
0x4f: {  	[sflag:s19] =	ssyncadd.s32 $0xFFFFC000  }
0x50: {  	[tilespmem:s21], [sflag:$0x1] =	stream.indirect.gather [spmem:s2], $0x20, s25, s20, $0xb8;
	[tilespmem:$0x1F800] =	vst v63  }
0x51: {  	_ =	swait.ge [sflag:s0], $0x1000  }
0x52: {  	[sflag:s0] =	ssyncset.done $0x0  }
0x53: {  	s14 =	rddreg [dreg:$0xb];
	[sflag:s0] =	ssyncadd.s32 $0xFFFFF000  }
0x54: {  	[hbm4b:s14+s3] =	stream.linear.scatter [tilespmem:s21], [sflag:$0x2], $0x4000, $0x38;
	[tilespmem:$0x1F800] =	vst v63  }
0x55: {  	_ =	swait.ge [sflag:s19], $0x4000  }
0x56: {  	[sflag:s19] =	ssyncset.done $0x0  }
0x57: {  	[sflag:s19] =	ssyncadd.s32 $0xFFFFC000  }
0x58: {  	[tilespmem:s21], [sflag:$0x1] =	stream.indirect.gather [spmem:s2], $0x20, s26, s20, $0xb8;
	[tilespmem:$0x1F800] =	vst v63  }
0x59: {  	_ =	swait.ge [sflag:s0], $0x1000  }
0x5a: {  	[sflag:s0] =	ssyncset.done $0x0  }
0x5b: {  	s15 =	rddreg [dreg:$0xc];
	[sflag:s0] =	ssyncadd.s32 $0xFFFFF000  }
0x5c: {  	[hbm4b:s15+s3] =	stream.linear.scatter [tilespmem:s21], [sflag:$0x2], $0x4000, $0x38;
	[tilespmem:$0x1F800] =	vst v63  }
0x5d: {  	_ =	swait.ge [sflag:s19], $0x4000  }
0x5e: {  	[sflag:s19] =	ssyncset.done $0x0  }
0x5f: {  	[sflag:s19] =	ssyncadd.s32 $0xFFFFC000  }
0x60: {  	[tilespmem:s21], [sflag:$0x1] =	stream.indirect.gather [spmem:s2], $0x20, s28, s20, $0xb8;
	[tilespmem:$0x1F800] =	vst v63  }
0x61: {  	_ =	swait.ge [sflag:s0], $0x1000  }
0x62: {  	[sflag:s0] =	ssyncset.done $0x0  }
0x63: {  	s16 =	rddreg [dreg:$0xd];
	[sflag:s0] =	ssyncadd.s32 $0xFFFFF000  }
0x64: {  	[hbm4b:s16+s3] =	stream.linear.scatter [tilespmem:s21], [sflag:$0x2], $0x4000, $0x38;
	[tilespmem:$0x1F800] =	vst v63  }
0x65: {  	_ =	swait.ge [sflag:s19], $0x4000  }
0x66: {  	[sflag:s19] =	ssyncset.done $0x0  }
0x67: {  	[sflag:s19] =	ssyncadd.s32 $0xFFFFC000  }
0x68: {  	[tilespmem:s21], [sflag:$0x1] =	stream.indirect.gather [spmem:s2], $0x20, s29, s20, $0xb8;
	[tilespmem:$0x1F800] =	vst v63  }
0x69: {  	_ =	swait.ge [sflag:s0], $0x1000  }
0x6a: {  	[sflag:s0] =	ssyncset.done $0x0  }
0x6b: {  	s23 =	rddreg [dreg:$0xe];
	[sflag:s0] =	ssyncadd.s32 $0xFFFFF000  }
0x6c: {  	[hbm4b:s23+s3] =	stream.linear.scatter [tilespmem:s21], [sflag:$0x2], $0x4000, $0x38;
	[tilespmem:$0x1F800] =	vst v63  }
0x6d: {  	_ =	swait.ge [sflag:s19], $0x4000  }
0x6e: {  	[sflag:s19] =	ssyncset.done $0x0  }
0x6f: {  	s14 =	rddreg [dreg:$0x4];
	[sflag:s19] =	ssyncadd.s32 $0xFFFFC000  }
0x70: {  	[tilespmem:s18], [sflag:$0x2] =	stream.linear.gather [hbm4b:s14+s3], $0x400, $0x38;
	[tilespmem:$0x1F800] =	vst v63  }
0x71: {  	_ =	swait.ge [sflag:s19], $0x400  }
0x72: {  	[sflag:s19] =	ssyncset.done $0x0  }
0x73: {  	[sflag:s19] =	ssyncadd.s32 $0xFFFFFC00  }
0x74: {  	[tilespmem:s21], [sflag:$0x1] =	stream.indirect.gather [spmem:s2], $0x20, s18, s20, $0xb8;
	[tilespmem:$0x1F800] =	vst v63  }
0x75: {  	_ =	swait.ge [sflag:s0], $0x1000  }
0x76: {  	[sflag:s0] =	ssyncset.done $0x0  }
0x77: {  	s10 =	rddreg [dreg:$0xf];
	[sflag:s0] =	ssyncadd.s32 $0xFFFFF000  }
0x78: {  	[hbm4b:s10+s3] =	stream.linear.scatter [tilespmem:s21], [sflag:$0x2], $0x4000, $0x38;
	[tilespmem:$0x1F800] =	vst v63  }
0x79: {  	_ =	swait.ge [sflag:s19], $0x4000  }
0x7a: {  	[sflag:s19] =	ssyncset.done $0x0  }
0x7b: {  	[sflag:s19] =	ssyncadd.s32 $0xFFFFC000  }
0x7c: {  	[tilespmem:s21], [sflag:$0x1] =	stream.indirect.gather [spmem:s2], $0x20, s22, s20, $0xb8;
	[tilespmem:$0x1F800] =	vst v63  }
0x7d: {  	_ =	swait.ge [sflag:s0], $0x1000  }
0x7e: {  	[sflag:s0] =	ssyncset.done $0x0  }
0x7f: {  	s15 =	rddreg [dreg:$0x10];
	[sflag:s0] =	ssyncadd.s32 $0xFFFFF000  }
0x80: {  	[hbm4b:s15+s3] =	stream.linear.scatter [tilespmem:s21], [sflag:$0x2], $0x4000, $0x38;
	[tilespmem:$0x1F800] =	vst v63  }
0x81: {  	_ =	swait.ge [sflag:s19], $0x4000  }
0x82: {  	[sflag:s19] =	ssyncset.done $0x0  }
0x83: {  	[sflag:s19] =	ssyncadd.s32 $0xFFFFC000  }
0x84: {  	[tilespmem:s21], [sflag:$0x1] =	stream.indirect.gather [spmem:s2], $0x20, s9, s20, $0xb8;
	[tilespmem:$0x1F800] =	vst v63  }
0x85: {  	_ =	swait.ge [sflag:s0], $0x1000  }
0x86: {  	[sflag:s0] =	ssyncset.done $0x0  }
0x87: {  	s16 =	rddreg [dreg:$0x11];
	[sflag:s0] =	ssyncadd.s32 $0xFFFFF000  }
0x88: {  	[hbm4b:s16+s3] =	stream.linear.scatter [tilespmem:s21], [sflag:$0x2], $0x4000, $0x38;
	[tilespmem:$0x1F800] =	vst v63  }
0x89: {  	_ =	swait.ge [sflag:s19], $0x4000  }
0x8a: {  	[sflag:s19] =	ssyncset.done $0x0  }
0x8b: {  	[sflag:s19] =	ssyncadd.s32 $0xFFFFC000  }
0x8c: {  	[tilespmem:s21], [sflag:$0x1] =	stream.indirect.gather [spmem:s2], $0x20, s24, s20, $0xb8;
	[tilespmem:$0x1F800] =	vst v63  }
0x8d: {  	_ =	swait.ge [sflag:s0], $0x1000  }
0x8e: {  	[sflag:s0] =	ssyncset.done $0x0  }
0x8f: {  	s23 =	rddreg [dreg:$0x12];
	[sflag:s0] =	ssyncadd.s32 $0xFFFFF000  }
0x90: {  	[hbm4b:s23+s3] =	stream.linear.scatter [tilespmem:s21], [sflag:$0x2], $0x4000, $0x38;
	[tilespmem:$0x1F800] =	vst v63  }
0x91: {  	_ =	swait.ge [sflag:s19], $0x4000  }
0x92: {  	[sflag:s19] =	ssyncset.done $0x0  }
0x93: {  	[sflag:s19] =	ssyncadd.s32 $0xFFFFC000  }
0x94: {  	[tilespmem:s21], [sflag:$0x1] =	stream.indirect.gather [spmem:s2], $0x20, s25, s20, $0xb8;
	[tilespmem:$0x1F800] =	vst v63  }
0x95: {  	_ =	swait.ge [sflag:s0], $0x1000  }
0x96: {  	[sflag:s0] =	ssyncset.done $0x0  }
0x97: {  	s10 =	rddreg [dreg:$0x13];
	[sflag:s0] =	ssyncadd.s32 $0xFFFFF000  }
0x98: {  	[hbm4b:s10+s3] =	stream.linear.scatter [tilespmem:s21], [sflag:$0x2], $0x4000, $0x38;
	[tilespmem:$0x1F800] =	vst v63  }
0x99: {  	_ =	swait.ge [sflag:s19], $0x4000  }
0x9a: {  	[sflag:s19] =	ssyncset.done $0x0  }
0x9b: {  	[sflag:s19] =	ssyncadd.s32 $0xFFFFC000  }
0x9c: {  	[tilespmem:s21], [sflag:$0x1] =	stream.indirect.gather [spmem:s2], $0x20, s26, s20, $0xb8;
	[tilespmem:$0x1F800] =	vst v63  }
0x9d: {  	_ =	swait.ge [sflag:s0], $0x1000  }
0x9e: {  	[sflag:s0] =	ssyncset.done $0x0  }
0x9f: {  	s15 =	rddreg [dreg:$0x14];
	[sflag:s0] =	ssyncadd.s32 $0xFFFFF000  }
0xa0: {  	[hbm4b:s15+s3] =	stream.linear.scatter [tilespmem:s21], [sflag:$0x2], $0x4000, $0x38;
	[tilespmem:$0x1F800] =	vst v63  }
0xa1: {  	_ =	swait.ge [sflag:s19], $0x4000  }
0xa2: {  	[sflag:s19] =	ssyncset.done $0x0  }
0xa3: {  	[sflag:s19] =	ssyncadd.s32 $0xFFFFC000  }
0xa4: {  	[tilespmem:s21], [sflag:$0x1] =	stream.indirect.gather [spmem:s2], $0x20, s28, s20, $0xb8;
	[tilespmem:$0x1F800] =	vst v63  }
0xa5: {  	_ =	swait.ge [sflag:s0], $0x1000  }
0xa6: {  	[sflag:s0] =	ssyncset.done $0x0  }
0xa7: {  	s16 =	rddreg [dreg:$0x15];
	[sflag:s0] =	ssyncadd.s32 $0xFFFFF000  }
0xa8: {  	[hbm4b:s16+s3] =	stream.linear.scatter [tilespmem:s21], [sflag:$0x2], $0x4000, $0x38;
	[tilespmem:$0x1F800] =	vst v63  }
0xa9: {  	_ =	swait.ge [sflag:s19], $0x4000  }
0xaa: {  	[sflag:s19] =	ssyncset.done $0x0  }
0xab: {  	[sflag:s19] =	ssyncadd.s32 $0xFFFFC000  }
0xac: {  	[tilespmem:s21], [sflag:$0x1] =	stream.indirect.gather [spmem:s2], $0x20, s29, s20, $0xb8;
	[tilespmem:$0x1F800] =	vst v63  }
0xad: {  	_ =	swait.ge [sflag:s0], $0x1000  }
0xae: {  	[sflag:s0] =	ssyncset.done $0x0  }
0xaf: {  	s23 =	rddreg [dreg:$0x16];
	[sflag:s0] =	ssyncadd.s32 $0xFFFFF000  }
0xb0: {  	[hbm4b:s23+s3] =	stream.linear.scatter [tilespmem:s21], [sflag:$0x2], $0x4000, $0x38;
	[tilespmem:$0x1F800] =	vst v63  }
0xb1: {  	_ =	swait.ge [sflag:s19], $0x4000  }
0xb2: {  	[sflag:s19] =	ssyncset.done $0x0  }
0xb3: {  	s15 =	rddreg [dreg:$0x5];
	[sflag:s19] =	ssyncadd.s32 $0xFFFFC000  }
0xb4: {  	[tilespmem:s18], [sflag:$0x2] =	stream.linear.gather [hbm4b:s15+s3], $0x400, $0x38;
	[tilespmem:$0x1F800] =	vst v63  }
0xb5: {  	_ =	swait.ge [sflag:s19], $0x400  }
0xb6: {  	[sflag:s19] =	ssyncset.done $0x0  }
0xb7: {  	[sflag:s19] =	ssyncadd.s32 $0xFFFFFC00  }
0xb8: {  	[tilespmem:s21], [sflag:$0x1] =	stream.indirect.gather [spmem:s2], $0x20, s18, s20, $0xb8;
	[tilespmem:$0x1F800] =	vst v63  }
0xb9: {  	_ =	swait.ge [sflag:s0], $0x1000  }
0xba: {  	[sflag:s0] =	ssyncset.done $0x0  }
0xbb: {  	s10 =	rddreg [dreg:$0x17];
	[sflag:s0] =	ssyncadd.s32 $0xFFFFF000  }
0xbc: {  	[hbm4b:s10+s3] =	stream.linear.scatter [tilespmem:s21], [sflag:$0x2], $0x4000, $0x38;
	[tilespmem:$0x1F800] =	vst v63  }
0xbd: {  	_ =	swait.ge [sflag:s19], $0x4000  }
0xbe: {  	[sflag:s19] =	ssyncset.done $0x0  }
0xbf: {  	[sflag:s19] =	ssyncadd.s32 $0xFFFFC000  }
0xc0: {  	[tilespmem:s21], [sflag:$0x1] =	stream.indirect.gather [spmem:s2], $0x20, s22, s20, $0xb8;
	[tilespmem:$0x1F800] =	vst v63  }
0xc1: {  	_ =	swait.ge [sflag:s0], $0x1000  }
0xc2: {  	[sflag:s0] =	ssyncset.done $0x0  }
0xc3: {  	s16 =	rddreg [dreg:$0x18];
	[sflag:s0] =	ssyncadd.s32 $0xFFFFF000  }
0xc4: {  	[hbm4b:s16+s3] =	stream.linear.scatter [tilespmem:s21], [sflag:$0x2], $0x4000, $0x38;
	[tilespmem:$0x1F800] =	vst v63  }
0xc5: {  	_ =	swait.ge [sflag:s19], $0x4000  }
0xc6: {  	[sflag:s19] =	ssyncset.done $0x0  }
0xc7: {  	[sflag:s19] =	ssyncadd.s32 $0xFFFFC000  }
0xc8: {  	[tilespmem:s21], [sflag:$0x1] =	stream.indirect.gather [spmem:s2], $0x20, s9, s20, $0xb8;
	[tilespmem:$0x1F800] =	vst v63  }
0xc9: {  	_ =	swait.ge [sflag:s0], $0x1000  }
0xca: {  	[sflag:s0] =	ssyncset.done $0x0  }
0xcb: {  	s23 =	rddreg [dreg:$0x19];
	[sflag:s0] =	ssyncadd.s32 $0xFFFFF000  }
0xcc: {  	[hbm4b:s23+s3] =	stream.linear.scatter [tilespmem:s21], [sflag:$0x2], $0x4000, $0x38;
	[tilespmem:$0x1F800] =	vst v63  }
0xcd: {  	_ =	swait.ge [sflag:s19], $0x4000  }
0xce: {  	[sflag:s19] =	ssyncset.done $0x0  }
0xcf: {  	[sflag:s19] =	ssyncadd.s32 $0xFFFFC000  }
0xd0: {  	[tilespmem:s21], [sflag:$0x1] =	stream.indirect.gather [spmem:s2], $0x20, s24, s20, $0xb8;
	[tilespmem:$0x1F800] =	vst v63  }
0xd1: {  	_ =	swait.ge [sflag:s0], $0x1000  }
0xd2: {  	[sflag:s0] =	ssyncset.done $0x0  }
0xd3: {  	s9 =	rddreg [dreg:$0x1a];
	[sflag:s0] =	ssyncadd.s32 $0xFFFFF000  }
0xd4: {  	[hbm4b:s9+s3] =	stream.linear.scatter [tilespmem:s21], [sflag:$0x2], $0x4000, $0x38;
	[tilespmem:$0x1F800] =	vst v63  }
0xd5: {  	_ =	swait.ge [sflag:s19], $0x4000  }
0xd6: {  	[sflag:s19] =	ssyncset.done $0x0  }
0xd7: {  	[sflag:s19] =	ssyncadd.s32 $0xFFFFC000  }
0xd8: {  	[tilespmem:s21], [sflag:$0x1] =	stream.indirect.gather [spmem:s2], $0x20, s25, s20, $0xb8;
	[tilespmem:$0x1F800] =	vst v63  }
0xd9: {  	_ =	swait.ge [sflag:s0], $0x1000  }
0xda: {  	[sflag:s0] =	ssyncset.done $0x0  }
0xdb: {  	s10 =	rddreg [dreg:$0x1b];
	[sflag:s0] =	ssyncadd.s32 $0xFFFFF000  }
0xdc: {  	[hbm4b:s10+s3] =	stream.linear.scatter [tilespmem:s21], [sflag:$0x2], $0x4000, $0x38;
	[tilespmem:$0x1F800] =	vst v63  }
0xdd: {  	_ =	swait.ge [sflag:s19], $0x4000  }
0xde: {  	[sflag:s19] =	ssyncset.done $0x0  }
0xdf: {  	[sflag:s19] =	ssyncadd.s32 $0xFFFFC000  }
0xe0: {  	[tilespmem:s21], [sflag:$0x1] =	stream.indirect.gather [spmem:s2], $0x20, s26, s20, $0xb8;
	[tilespmem:$0x1F800] =	vst v63  }
0xe1: {  	_ =	swait.ge [sflag:s0], $0x1000  }
0xe2: {  	[sflag:s0] =	ssyncset.done $0x0  }
0xe3: {  	s16 =	rddreg [dreg:$0x1c];
	[sflag:s0] =	ssyncadd.s32 $0xFFFFF000  }
0xe4: {  	[hbm4b:s16+s3] =	stream.linear.scatter [tilespmem:s21], [sflag:$0x2], $0x4000, $0x38;
	[tilespmem:$0x1F800] =	vst v63  }
0xe5: {  	_ =	swait.ge [sflag:s19], $0x4000  }
0xe6: {  	[sflag:s19] =	ssyncset.done $0x0  }
0xe7: {  	[sflag:s19] =	ssyncadd.s32 $0xFFFFC000  }
0xe8: {  	[tilespmem:s21], [sflag:$0x1] =	stream.indirect.gather [spmem:s2], $0x20, s28, s20, $0xb8;
	[tilespmem:$0x1F800] =	vst v63  }
0xe9: {  	_ =	swait.ge [sflag:s0], $0x1000  }
0xea: {  	[sflag:s0] =	ssyncset.done $0x0  }
0xeb: {  	s23 =	rddreg [dreg:$0x1e];
	[sflag:s0] =	ssyncadd.s32 $0xFFFFF000  }
0xec: {  	[hbm4b:s23+s3] =	stream.linear.scatter [tilespmem:s21], [sflag:$0x2], $0x4000, $0x38;
	[tilespmem:$0x1F800] =	vst v63  }
0xed: {  	_ =	swait.ge [sflag:s19], $0x4000  }
0xee: {  	[sflag:s19] =	ssyncset.done $0x0  }
0xef: {  	[sflag:s19] =	ssyncadd.s32 $0xFFFFC000  }
0xf0: {  	[tilespmem:s21], [sflag:$0x1] =	stream.indirect.gather [spmem:s2], $0x20, s29, s20, $0xb8;
	[tilespmem:$0x1F800] =	vst v63  }
0xf1: {  	_ =	swait.ge [sflag:s0], $0x1000  }
0xf2: {  	[sflag:s0] =	ssyncset.done $0x0  }
0xf3: {  	s9 =	rddreg [dreg:$0x1f];
	[sflag:s0] =	ssyncadd.s32 $0xFFFFF000  }
0xf4: {  	[hbm4b:s9+s3] =	stream.linear.scatter [tilespmem:s21], [sflag:$0x2], $0x4000, $0x38;
	[tilespmem:$0x1F800] =	vst v63  }
0xf5: {  	_ =	swait.ge [sflag:s19], $0x4000  }
0xf6: {  	[sflag:s19] =	ssyncset.done $0x0  }
0xf7: {  	s16 =	rddreg [dreg:$0x6];
	[sflag:s19] =	ssyncadd.s32 $0xFFFFC000  }
0xf8: {  	[tilespmem:s18], [sflag:$0x2] =	stream.linear.gather [hbm4b:s16+s3], $0x400, $0x38;
	[tilespmem:$0x1F800] =	vst v63  }
0xf9: {  	_ =	swait.ge [sflag:s19], $0x400  }
0xfa: {  	[sflag:s19] =	ssyncset.done $0x0  }
0xfb: {  	[sflag:s19] =	ssyncadd.s32 $0xFFFFFC00  }
0xfc: {  	[tilespmem:s21], [sflag:$0x1] =	stream.indirect.gather [spmem:s2], $0x20, s18, s20, $0xb8;
	[tilespmem:$0x1F800] =	vst v63  }
0xfd: {  	_ =	swait.ge [sflag:s0], $0x1000  }
0xfe: {  	s10 =	sld [smem:$0x7FD]  }
0xff: {  	[sflag:s0] =	ssyncset.done $0x0  }
0x100: {  	[sflag:s0] =	ssyncadd.s32 $0xFFFFF000  }
0x101: {  	[hbm4b:s10+s3] =	stream.linear.scatter [tilespmem:s21], [sflag:$0x2], $0x4000, $0x38;
	[tilespmem:$0x1F800] =	vst v63  }
0x102: {  	_ =	swait.ge [sflag:s19], $0x4000  }
0x103: {  	s12 =	sadd.s32 $0x1, s12;
	s23 =	rddreg [dreg:$0x1d]  }
0x104: {  	p1 =	sne.s32 s12, s23  }
.Ltmp1:
0x105: {  	_ = 	snop;
	(pc) =	sbr.rel @!p1 .LBB2_27-.Ltmp1, $3  }
0x106: {  	_ =	sdelay $0x1  }
0x107: {  	[sflag:s19] =	ssyncset.done $0x0  }
0x108: {  	[sflag:s19] =	ssyncadd.s32 $0xFFFFC000  }
.LBB2_1:
0x109: {  	s7 =	simm.s32 $0x200;
	s9 =	simm.s32 $0x0  }
.LBB2_2:
0x10a: {  	p1 =	sne.s32 s7, $0xFE00;
	[tilespmem:s9+$0x2800] =	vst v0;
	s10 =	smov.u32 s7;
	s7 =	sadd.s32 $0x200, s7  }
.Ltmp2:
0x10b: {  	[tilespmem:s9+$0x2810] =	vst v0;
	(pc) =	sbr.rel @p1 .LBB2_2-.Ltmp2, $2  }
0x10c: {  	_ =	sdelay $0x2  }
0x10d: {  	s9 =	sshra.s32 s10, $0x2  }
0x10e: {  	[tilespmem:s9+$0x2800] =	vst v0  }
0x10f: {  	[tilespmem:s9+$0x2810] =	vst v0  }
0x110: {  	[tilespmem:s18], [sflag:$0x2] =	stream.linear.gather [hbm4b:s11+s13], $0x400, $0x38;
	[tilespmem:$0x1F800] =	vst v63  }
0x111: {  	_ =	swait.ge [sflag:s19], $0x400  }
0x112: {  	[sflag:s19] =	ssyncset.done $0x0  }
0x113: {  	[sflag:s19] =	ssyncadd.s32 $0xFFFFFC00  }
0x114: {  	[spmem:s2] =	stream.indirect.scatter [tilespmem:s21], [sflag:$0x2], $0x20, s18, s20, $0xb8;
	[tilespmem:$0x1F800] =	vst v63  }
0x115: {  	_ =	swait.ge [sflag:s19], $0x1000  }
0x116: {  	[sflag:s19] =	ssyncset.done $0x0  }
0x117: {  	[sflag:s19] =	ssyncadd.s32 $0xFFFFF000  }
0x118: {  	[spmem:s2] =	stream.indirect.scatter [tilespmem:s21], [sflag:$0x2], $0x20, s22, s20, $0xb8;
	[tilespmem:$0x1F800] =	vst v63  }
0x119: {  	_ =	swait.ge [sflag:s19], $0x1000  }
0x11a: {  	[sflag:s19] =	ssyncset.done $0x0  }
0x11b: {  	s7 =	simm.s32 $0x500;
	[sflag:s19] =	ssyncadd.s32 $0xFFFFF000  }
0x11c: {  	[spmem:s2] =	stream.indirect.scatter [tilespmem:s21], [sflag:$0x2], $0x20, s7, s20, $0xb8;
	[tilespmem:$0x1F800] =	vst v63  }
0x11d: {  	_ =	swait.ge [sflag:s19], $0x1000  }
0x11e: {  	[sflag:s19] =	ssyncset.done $0x0  }
0x11f: {  	[sflag:s19] =	ssyncadd.s32 $0xFFFFF000  }
0x120: {  	[spmem:s2] =	stream.indirect.scatter [tilespmem:s21], [sflag:$0x2], $0x20, s24, s20, $0xb8;
	[tilespmem:$0x1F800] =	vst v63  }
0x121: {  	_ =	swait.ge [sflag:s19], $0x1000  }
0x122: {  	[sflag:s19] =	ssyncset.done $0x0  }
0x123: {  	[sflag:s19] =	ssyncadd.s32 $0xFFFFF000  }
0x124: {  	[spmem:s2] =	stream.indirect.scatter [tilespmem:s21], [sflag:$0x2], $0x20, s25, s20, $0xb8;
	[tilespmem:$0x1F800] =	vst v63  }
0x125: {  	_ =	swait.ge [sflag:s19], $0x1000  }
0x126: {  	[sflag:s19] =	ssyncset.done $0x0  }
0x127: {  	[sflag:s19] =	ssyncadd.s32 $0xFFFFF000  }
0x128: {  	[spmem:s2] =	stream.indirect.scatter [tilespmem:s21], [sflag:$0x2], $0x20, s26, s20, $0xb8;
	[tilespmem:$0x1F800] =	vst v63  }
0x129: {  	_ =	swait.ge [sflag:s19], $0x1000  }
0x12a: {  	[sflag:s19] =	ssyncset.done $0x0  }
0x12b: {  	[sflag:s19] =	ssyncadd.s32 $0xFFFFF000  }
0x12c: {  	[spmem:s2] =	stream.indirect.scatter [tilespmem:s21], [sflag:$0x2], $0x20, s28, s20, $0xb8;
	[tilespmem:$0x1F800] =	vst v63  }
0x12d: {  	_ =	swait.ge [sflag:s19], $0x1000  }
0x12e: {  	[sflag:s19] =	ssyncset.done $0x0  }
0x12f: {  	[sflag:s19] =	ssyncadd.s32 $0xFFFFF000  }
0x130: {  	[spmem:s2] =	stream.indirect.scatter [tilespmem:s21], [sflag:$0x2], $0x20, s29, s20, $0xb8;
	[tilespmem:$0x1F800] =	vst v63  }
0x131: {  	_ =	swait.ge [sflag:s19], $0x1000  }
0x132: {  	[sflag:s19] =	ssyncset.done $0x0  }
0x133: {  	[sflag:s19] =	ssyncadd.s32 $0xFFFFF000  }
0x134: {  	[tilespmem:s18], [sflag:$0x2] =	stream.linear.gather [hbm4b:s14+s13], $0x400, $0x38;
	[tilespmem:$0x1F800] =	vst v63  }
0x135: {  	_ =	swait.ge [sflag:s19], $0x400  }
0x136: {  	[sflag:s19] =	ssyncset.done $0x0  }
0x137: {  	[sflag:s19] =	ssyncadd.s32 $0xFFFFFC00  }
0x138: {  	[spmem:s2] =	stream.indirect.scatter [tilespmem:s21], [sflag:$0x2], $0x20, s18, s20, $0xb8;
	[tilespmem:$0x1F800] =	vst v63  }
0x139: {  	_ =	swait.ge [sflag:s19], $0x1000  }
0x13a: {  	[sflag:s19] =	ssyncset.done $0x0  }
0x13b: {  	[sflag:s19] =	ssyncadd.s32 $0xFFFFF000  }
0x13c: {  	[spmem:s2] =	stream.indirect.scatter [tilespmem:s21], [sflag:$0x2], $0x20, s22, s20, $0xb8;
	[tilespmem:$0x1F800] =	vst v63  }
0x13d: {  	_ =	swait.ge [sflag:s19], $0x1000  }
0x13e: {  	[sflag:s19] =	ssyncset.done $0x0  }
0x13f: {  	[sflag:s19] =	ssyncadd.s32 $0xFFFFF000  }
0x140: {  	[spmem:s2] =	stream.indirect.scatter [tilespmem:s21], [sflag:$0x2], $0x20, s7, s20, $0xb8;
	[tilespmem:$0x1F800] =	vst v63  }
0x141: {  	_ =	swait.ge [sflag:s19], $0x1000  }
0x142: {  	[sflag:s19] =	ssyncset.done $0x0  }
0x143: {  	[sflag:s19] =	ssyncadd.s32 $0xFFFFF000  }
0x144: {  	[spmem:s2] =	stream.indirect.scatter [tilespmem:s21], [sflag:$0x2], $0x20, s24, s20, $0xb8;
	[tilespmem:$0x1F800] =	vst v63  }
0x145: {  	_ =	swait.ge [sflag:s19], $0x1000  }
0x146: {  	[sflag:s19] =	ssyncset.done $0x0  }
0x147: {  	[sflag:s19] =	ssyncadd.s32 $0xFFFFF000  }
0x148: {  	[spmem:s2] =	stream.indirect.scatter [tilespmem:s21], [sflag:$0x2], $0x20, s25, s20, $0xb8;
	[tilespmem:$0x1F800] =	vst v63  }
0x149: {  	_ =	swait.ge [sflag:s19], $0x1000  }
0x14a: {  	[sflag:s19] =	ssyncset.done $0x0  }
0x14b: {  	[sflag:s19] =	ssyncadd.s32 $0xFFFFF000  }
0x14c: {  	[spmem:s2] =	stream.indirect.scatter [tilespmem:s21], [sflag:$0x2], $0x20, s26, s20, $0xb8;
	[tilespmem:$0x1F800] =	vst v63  }
0x14d: {  	_ =	swait.ge [sflag:s19], $0x1000  }
0x14e: {  	[sflag:s19] =	ssyncset.done $0x0  }
0x14f: {  	[sflag:s19] =	ssyncadd.s32 $0xFFFFF000  }
0x150: {  	[spmem:s2] =	stream.indirect.scatter [tilespmem:s21], [sflag:$0x2], $0x20, s28, s20, $0xb8;
	[tilespmem:$0x1F800] =	vst v63  }
0x151: {  	_ =	swait.ge [sflag:s19], $0x1000  }
0x152: {  	[sflag:s19] =	ssyncset.done $0x0  }
0x153: {  	[sflag:s19] =	ssyncadd.s32 $0xFFFFF000  }
0x154: {  	[spmem:s2] =	stream.indirect.scatter [tilespmem:s21], [sflag:$0x2], $0x20, s29, s20, $0xb8;
	[tilespmem:$0x1F800] =	vst v63  }
0x155: {  	_ =	swait.ge [sflag:s19], $0x1000  }
0x156: {  	[sflag:s19] =	ssyncset.done $0x0  }
0x157: {  	[sflag:s19] =	ssyncadd.s32 $0xFFFFF000  }
0x158: {  	[tilespmem:s18], [sflag:$0x2] =	stream.linear.gather [hbm4b:s15+s13], $0x400, $0x38;
	[tilespmem:$0x1F800] =	vst v63  }
0x159: {  	_ =	swait.ge [sflag:s19], $0x400  }
0x15a: {  	[sflag:s19] =	ssyncset.done $0x0  }
0x15b: {  	[sflag:s19] =	ssyncadd.s32 $0xFFFFFC00  }
0x15c: {  	[spmem:s2] =	stream.indirect.scatter [tilespmem:s21], [sflag:$0x2], $0x20, s18, s20, $0xb8;
	[tilespmem:$0x1F800] =	vst v63  }
0x15d: {  	_ =	swait.ge [sflag:s19], $0x1000  }
0x15e: {  	[sflag:s19] =	ssyncset.done $0x0  }
0x15f: {  	[sflag:s19] =	ssyncadd.s32 $0xFFFFF000  }
0x160: {  	[spmem:s2] =	stream.indirect.scatter [tilespmem:s21], [sflag:$0x2], $0x20, s22, s20, $0xb8;
	[tilespmem:$0x1F800] =	vst v63  }
0x161: {  	_ =	swait.ge [sflag:s19], $0x1000  }
0x162: {  	[sflag:s19] =	ssyncset.done $0x0  }
0x163: {  	[sflag:s19] =	ssyncadd.s32 $0xFFFFF000  }
0x164: {  	[spmem:s2] =	stream.indirect.scatter [tilespmem:s21], [sflag:$0x2], $0x20, s7, s20, $0xb8;
	[tilespmem:$0x1F800] =	vst v63  }
0x165: {  	_ =	swait.ge [sflag:s19], $0x1000  }
0x166: {  	[sflag:s19] =	ssyncset.done $0x0  }
0x167: {  	[sflag:s19] =	ssyncadd.s32 $0xFFFFF000  }
0x168: {  	[spmem:s2] =	stream.indirect.scatter [tilespmem:s21], [sflag:$0x2], $0x20, s24, s20, $0xb8;
	[tilespmem:$0x1F800] =	vst v63  }
0x169: {  	_ =	swait.ge [sflag:s19], $0x1000  }
0x16a: {  	[sflag:s19] =	ssyncset.done $0x0  }
0x16b: {  	[sflag:s19] =	ssyncadd.s32 $0xFFFFF000  }
0x16c: {  	[spmem:s2] =	stream.indirect.scatter [tilespmem:s21], [sflag:$0x2], $0x20, s25, s20, $0xb8;
	[tilespmem:$0x1F800] =	vst v63  }
0x16d: {  	_ =	swait.ge [sflag:s19], $0x1000  }
0x16e: {  	[sflag:s19] =	ssyncset.done $0x0  }
0x16f: {  	[sflag:s19] =	ssyncadd.s32 $0xFFFFF000  }
0x170: {  	[spmem:s2] =	stream.indirect.scatter [tilespmem:s21], [sflag:$0x2], $0x20, s26, s20, $0xb8;
	[tilespmem:$0x1F800] =	vst v63  }
0x171: {  	_ =	swait.ge [sflag:s19], $0x1000  }
0x172: {  	[sflag:s19] =	ssyncset.done $0x0  }
0x173: {  	[sflag:s19] =	ssyncadd.s32 $0xFFFFF000  }
0x174: {  	[spmem:s2] =	stream.indirect.scatter [tilespmem:s21], [sflag:$0x2], $0x20, s28, s20, $0xb8;
	[tilespmem:$0x1F800] =	vst v63  }
0x175: {  	_ =	swait.ge [sflag:s19], $0x1000  }
0x176: {  	[sflag:s19] =	ssyncset.done $0x0  }
0x177: {  	[sflag:s19] =	ssyncadd.s32 $0xFFFFF000  }
0x178: {  	[spmem:s2] =	stream.indirect.scatter [tilespmem:s21], [sflag:$0x2], $0x20, s29, s20, $0xb8;
	[tilespmem:$0x1F800] =	vst v63  }
0x179: {  	_ =	swait.ge [sflag:s19], $0x1000  }
0x17a: {  	[sflag:s19] =	ssyncset.done $0x0  }
0x17b: {  	[sflag:s19] =	ssyncadd.s32 $0xFFFFF000  }
0x17c: {  	[tilespmem:s18], [sflag:$0x2] =	stream.linear.gather [hbm4b:s16+s13], $0x400, $0x38;
	[tilespmem:$0x1F800] =	vst v63  }
0x17d: {  	_ =	swait.ge [sflag:s19], $0x400  }
0x17e: {  	[sflag:s19] =	ssyncset.done $0x0  }
0x17f: {  	[sflag:s19] =	ssyncadd.s32 $0xFFFFFC00  }
0x180: {  	[spmem:s2] =	stream.indirect.scatter [tilespmem:s21], [sflag:$0x2], $0x20, s18, s20, $0xb8;
	[tilespmem:$0x1F800] =	vst v63  }
0x181: {  	_ =	swait.ge [sflag:s19], $0x1000  }
0x182: {  	[sflag:s19] =	ssyncset.done $0x0  }
0x183: {  	[sflag:s19] =	ssyncadd.s32 $0xFFFFF000  }
0x184: {  	[spmem:s2] =	stream.indirect.scatter [tilespmem:s21], [sflag:$0x2], $0x20, s22, s20, $0xb8;
	[tilespmem:$0x1F800] =	vst v63  }
0x185: {  	_ =	swait.ge [sflag:s19], $0x1000  }
0x186: {  	[sflag:s19] =	ssyncset.done $0x0  }
0x187: {  	[sflag:s19] =	ssyncadd.s32 $0xFFFFF000  }
0x188: {  	[spmem:s2] =	stream.indirect.scatter [tilespmem:s21], [sflag:$0x2], $0x20, s7, s20, $0xb8;
	[tilespmem:$0x1F800] =	vst v63  }
0x189: {  	_ =	swait.ge [sflag:s19], $0x1000  }
0x18a: {  	[sflag:s19] =	ssyncset.done $0x0  }
0x18b: {  	[sflag:s19] =	ssyncadd.s32 $0xFFFFF000  }
0x18c: {  	[spmem:s2] =	stream.indirect.scatter [tilespmem:s21], [sflag:$0x2], $0x20, s24, s20, $0xb8;
	[tilespmem:$0x1F800] =	vst v63  }
0x18d: {  	_ =	swait.ge [sflag:s19], $0x1000  }
0x18e: {  	[sflag:s19] =	ssyncset.done $0x0  }
0x18f: {  	[sflag:s19] =	ssyncadd.s32 $0xFFFFF000  }
0x190: {  	[spmem:s2] =	stream.indirect.scatter [tilespmem:s21], [sflag:$0x2], $0x20, s25, s20, $0xb8;
	[tilespmem:$0x1F800] =	vst v63  }
0x191: {  	_ =	swait.ge [sflag:s19], $0x1000  }
0x192: {  	[sflag:s19] =	ssyncset.done $0x0  }
0x193: {  	[sflag:s19] =	ssyncadd.s32 $0xFFFFF000  }
0x194: {  	[spmem:s2] =	stream.indirect.scatter [tilespmem:s21], [sflag:$0x2], $0x20, s26, s20, $0xb8;
	[tilespmem:$0x1F800] =	vst v63  }
0x195: {  	_ =	swait.ge [sflag:s19], $0x1000  }
0x196: {  	[sflag:s19] =	ssyncset.done $0x0  }
0x197: {  	[sflag:s19] =	ssyncadd.s32 $0xFFFFF000  }
0x198: {  	[spmem:s2] =	stream.indirect.scatter [tilespmem:s21], [sflag:$0x2], $0x20, s28, s20, $0xb8;
	[tilespmem:$0x1F800] =	vst v63  }
0x199: {  	_ =	swait.ge [sflag:s19], $0x1000  }
0x19a: {  	[sflag:s19] =	ssyncset.done $0x0  }
0x19b: {  	[sflag:s19] =	ssyncadd.s32 $0xFFFFF000  }
0x19c: {  	[spmem:s2] =	stream.indirect.scatter [tilespmem:s21], [sflag:$0x2], $0x20, s29, s20, $0xb8;
	[tilespmem:$0x1F800] =	vst v63  }
.Ltmp3:
0x19d: {  	_ =	swait.ge [sflag:s19], $0x1000;
	(pc) =	sbr.rel .LBB2_4-.Ltmp3, $4  }
0x19e: {  	[sflag:s19] =	ssyncset.done $0x0  }
0x19f: {  	[sflag:s19] =	ssyncadd.s32 $0xFFFFF000  }
0x1a0: {  	[bflag:$0x0] =	sbarrier.arrive $0xFFFF  }
0x1a1: {  	s14 =	simm.s32 $0x0  }
.LBB2_25:
0x1a2: {  	s14 =	sadd.s32 $0x1, s14  }
0x1a3: {  	p1 =	sne.s32 s14, $0x31  }
.Ltmp4:
0x1a4: {  	_ = 	snop;
	(pc) =	sbr.rel @!p1 .LBB2_26-.Ltmp4, $1  }
0x1a5: {  	_ =	sdelay $0x3  }
.LBB2_4:
0x1a6: {  	s15 =	sshll.u32 s14, $0x3  }
0x1a7: {  	s7 =	sadd.s32 s17, s15  }
0x1a8: {  	s7 =	sshll.u32 s7, $0x4  }
0x1a9: {  	s9 =	sadd.s32 s5, s7  }
0x1aa: {  	[tilespmem:s13], [sflag:$0x2] =	stream.linear.gather [hbm4b:s9+s13], $0x400, $0x38;
	[tilespmem:$0x1F800] =	vst v63  }
0x1ab: {  	_ =	swait.ge [sflag:s19], $0x400  }
0x1ac: {  	[sflag:s19] =	ssyncset.done $0x0  }
.Ltmp5:
0x1ad: {  	s7 =	sadd.s32 s6, s7;
	[sflag:s19] =	ssyncadd.s32 $0xFFFFFC00;
	(pc) =	sbr.rel .LBB2_5-.Ltmp5, $4  }
0x1ae: {  	[tilespmem:s18], [sflag:$0x2] =	stream.linear.gather [hbm4b:s7+s13], $0x400, $0x38;
	[tilespmem:$0x1F800] =	vst v63  }
0x1af: {  	_ =	swait.ge [sflag:s19], $0x400  }
0x1b0: {  	[sflag:s19] =	ssyncset.done $0x0  }
0x1b1: {  	s16 =	simm.s32 $0x0;
	[sflag:s19] =	ssyncadd.s32 $0xFFFFFC00  }
.LBB2_23:
0x1b2: {  	[tilespmem:s22+$0x0] =	vst v1  }
.LBB2_24:
0x1b3: {  	s16 =	sadd.s32 $0x1, s16  }
0x1b4: {  	p1 =	sne.s32 s16, $0x8  }
.Ltmp6:
0x1b5: {  	s7 =	sadd.s32 $0x400, s7;
	(pc) =	sbr.rel @!p1 .LBB2_25-.Ltmp6, $4  }
0x1b6: {  	[spmem:s2] =	stream.indirect.scatter.add.f32 [tilespmem:s21], [sflag:$0x1], $0x20, s7, s20, $0xb8;
	[tilespmem:$0x1F800] =	vst v63  }
0x1b7: {  	_ =	swait.ge [sflag:s0], $0x1000  }
0x1b8: {  	[sflag:s0] =	ssyncset.done $0x0  }
0x1b9: {  	[sflag:s0] =	ssyncadd.s32 $0xFFFFF000  }
.LBB2_5:
0x1ba: {  	s7 =	sadd.s32 s15, s16  }
0x1bb: {  	s7 =	sshll.u32 s7, $0x9  }
0x1bc: {  	s22 =	simm.s32 $0x0;
	s7 =	sadd.s32 s7, s8  }
0x1bd: {  	[tilespmem:s30], [sflag:$0x2] =	stream.linear.gather [hbm4b:s7+s22], $0x1000, $0x38;
	[tilespmem:$0x1F800] =	vst v63  }
0x1be: {  	_ =	swait.ge [sflag:s19], $0x1000  }
0x1bf: {  	[sflag:s19] =	ssyncset.done $0x0  }
.Ltmp7:
0x1c0: {  	s7 =	sshll.u32 s16, $0x7;
	[sflag:s19] =	ssyncadd.s32 $0xFFFFF000;
	(pc) =	sbr.rel @p0 .LBB2_15-.Ltmp7, $4  }
0x1c1: {  	[tilespmem:s1], [sflag:$0x1] =	stream.indirect.gather [hbm4b:s4+s31], $0x80, s7, s31, $0xb8;
	[tilespmem:$0x1F800] =	vst v63  }
0x1c2: {  	_ =	swait.ge [sflag:s0], $0x1000  }
0x1c3: {  	s10 =	simm.s32 $0x830;
	[sflag:s0] =	ssyncset.done $0x0  }
0x1c4: {  	s11 =	simm.s32 $0x810;
	s9 =	simm.s32 $0x2810;
	[sflag:s0] =	ssyncadd.s32 $0xFFFFF000  }
0x1c5: {  	v1 =	vld [tilespmem:s11+$0xFFFFFFF0];
	s10 =	sand.u32 $0x3E0, s22  }
0x1c6: {  	v2 =	vld [tilespmem:s10+$0x1800];
	_ =	sdelay $0x4  }
0x1c7: {  	v1 =	vmul.f32 v2, v1;
	_ =	sdelay $0x1  }
0x1c8: {  	[tilespmem:s9+$0xFFFFFFF0] =	vst v1  }
0x1c9: {  	v1 =	vld [tilespmem:s11+$0x0]  }
0x1ca: {  	v2 =	vld [tilespmem:s10+$0x1810];
	_ =	sdelay $0x4  }
0x1cb: {  	s22 =	simm.s32 $0x2810;
	s10 =	simm.s32 $0x20;
	v1 =	vmul.f32 v2, v1  }
.LBB2_7:
0x1cc: {  	p1 =	seq.s32 s10, $0x3E0;
	s11 =	sadd.s32 $0x80, s11;
	s9 =	sadd.s32 $0x80, s9  }
0x1cd: {  	s23 =	smov.u32 s10;
	s10 =	sadd.s32 $0x20, s10;
	[tilespmem:s22+$0x0] =	vst v1;
	s22 =	smov.u32 s9  }
0x1ce: {  	s23 =	sand.u32 $0x3E0, s23;
	v1 =	vld [tilespmem:s11+$0xFFFFFFF0]  }
0x1cf: {  	v2 =	vld [tilespmem:s23+$0x1800];
	_ =	sdelay $0x4  }
0x1d0: {  	v1 =	vmul.f32 v2, v1;
	_ =	sdelay $0x1  }
0x1d1: {  	[tilespmem:s9+$0xFFFFFFF0] =	vst v1  }
0x1d2: {  	v1 =	vld [tilespmem:s11+$0x0]  }
0x1d3: {  	v2 =	vld [tilespmem:s23+$0x1810]  }
.Ltmp8:
0x1d4: {  	(pc) =	sbr.rel @!p1 .LBB2_7-.Ltmp8, $2  }
0x1d5: {  	_ =	sdelay $0x2  }
0x1d6: {  	v1 =	vmul.f32 v2, v1  }
0x1d7: {  	_ = 	snop  }
0x1d8: {  	s9 =	sadd.s32 $0x20, s7;
	[tilespmem:s22+$0x0] =	vst v1  }
0x1d9: {  	[tilespmem:s1], [sflag:$0x1] =	stream.indirect.gather [hbm4b:s4+s31], $0x80, s9, s31, $0xb8;
	[tilespmem:$0x1F800] =	vst v63  }
0x1da: {  	_ =	swait.ge [sflag:s0], $0x1000  }
0x1db: {  	[sflag:s0] =	ssyncset.done $0x0  }
0x1dc: {  	s10 =	simm.s32 $0x0;
	s9 =	simm.s32 $0x810;
	[sflag:s0] =	ssyncadd.s32 $0xFFFFF000  }
0x1dd: {  	s11 =	sand.u32 $0x3E0, s10;
	v1 =	vld [tilespmem:s9+$0xFFFFFFF0]  }
0x1de: {  	v2 =	vld [tilespmem:s11+$0x1C00];
	_ =	sdelay $0x4  }
0x1df: {  	v1 =	vmul.f32 v2, v1  }
0x1e0: {  	s10 =	simm.s32 $0x3810  }
0x1e1: {  	[tilespmem:s10+$0xFFFFFFF0] =	vst v1  }
0x1e2: {  	v1 =	vld [tilespmem:s9+$0x0]  }
0x1e3: {  	v2 =	vld [tilespmem:s11+$0x1C10];
	_ =	sdelay $0x4  }
0x1e4: {  	s22 =	simm.s32 $0x3810;
	s11 =	simm.s32 $0x20;
	v1 =	vmul.f32 v2, v1  }
.LBB2_9:
0x1e5: {  	p1 =	seq.s32 s11, $0x3E0;
	s10 =	sadd.s32 $0x80, s10;
	s9 =	sadd.s32 $0x80, s9  }
0x1e6: {  	s23 =	smov.u32 s11;
	s11 =	sadd.s32 $0x20, s11;
	[tilespmem:s22+$0x0] =	vst v1;
	s22 =	smov.u32 s10  }
0x1e7: {  	s23 =	sand.u32 $0x3E0, s23;
	v1 =	vld [tilespmem:s9+$0xFFFFFFF0]  }
0x1e8: {  	v2 =	vld [tilespmem:s23+$0x1C00];
	_ =	sdelay $0x4  }
0x1e9: {  	v1 =	vmul.f32 v2, v1;
	_ =	sdelay $0x1  }
0x1ea: {  	[tilespmem:s10+$0xFFFFFFF0] =	vst v1  }
0x1eb: {  	v1 =	vld [tilespmem:s9+$0x0]  }
0x1ec: {  	v2 =	vld [tilespmem:s23+$0x1C10]  }
.Ltmp9:
0x1ed: {  	(pc) =	sbr.rel @!p1 .LBB2_9-.Ltmp9, $2  }
0x1ee: {  	_ =	sdelay $0x2  }
0x1ef: {  	v1 =	vmul.f32 v2, v1  }
0x1f0: {  	_ = 	snop  }
0x1f1: {  	s9 =	sadd.s32 $0x40, s7;
	[tilespmem:s22+$0x0] =	vst v1  }
0x1f2: {  	[tilespmem:s1], [sflag:$0x1] =	stream.indirect.gather [hbm4b:s4+s31], $0x80, s9, s31, $0xb8;
	[tilespmem:$0x1F800] =	vst v63  }
0x1f3: {  	_ =	swait.ge [sflag:s0], $0x1000  }
0x1f4: {  	[sflag:s0] =	ssyncset.done $0x0  }
0x1f5: {  	s10 =	simm.s32 $0x0;
	s9 =	simm.s32 $0x810;
	[sflag:s0] =	ssyncadd.s32 $0xFFFFF000  }
0x1f6: {  	s11 =	sand.u32 $0x3E0, s10;
	v1 =	vld [tilespmem:s9+$0xFFFFFFF0]  }
0x1f7: {  	v2 =	vld [tilespmem:s11+$0x2000];
	_ =	sdelay $0x4  }
0x1f8: {  	v1 =	vmul.f32 v2, v1  }
0x1f9: {  	s10 =	simm.s32 $0x4810  }
0x1fa: {  	[tilespmem:s10+$0xFFFFFFF0] =	vst v1  }
0x1fb: {  	v1 =	vld [tilespmem:s9+$0x0]  }
0x1fc: {  	v2 =	vld [tilespmem:s11+$0x2010];
	_ =	sdelay $0x4  }
0x1fd: {  	s22 =	simm.s32 $0x4810;
	s11 =	simm.s32 $0x20;
	v1 =	vmul.f32 v2, v1  }
.LBB2_11:
0x1fe: {  	p1 =	seq.s32 s11, $0x3E0;
	s10 =	sadd.s32 $0x80, s10;
	s9 =	sadd.s32 $0x80, s9  }
0x1ff: {  	s23 =	smov.u32 s11;
	s11 =	sadd.s32 $0x20, s11;
	[tilespmem:s22+$0x0] =	vst v1;
	s22 =	smov.u32 s10  }
0x200: {  	s23 =	sand.u32 $0x3E0, s23;
	v1 =	vld [tilespmem:s9+$0xFFFFFFF0]  }
0x201: {  	v2 =	vld [tilespmem:s23+$0x2000];
	_ =	sdelay $0x4  }
0x202: {  	v1 =	vmul.f32 v2, v1;
	_ =	sdelay $0x1  }
0x203: {  	[tilespmem:s10+$0xFFFFFFF0] =	vst v1  }
0x204: {  	v1 =	vld [tilespmem:s9+$0x0]  }
0x205: {  	v2 =	vld [tilespmem:s23+$0x2010]  }
.Ltmp10:
0x206: {  	(pc) =	sbr.rel @!p1 .LBB2_11-.Ltmp10, $2  }
0x207: {  	_ =	sdelay $0x2  }
0x208: {  	v1 =	vmul.f32 v2, v1  }
0x209: {  	_ = 	snop  }
0x20a: {  	s9 =	sadd.s32 $0x60, s7;
	[tilespmem:s22+$0x0] =	vst v1  }
0x20b: {  	[tilespmem:s1], [sflag:$0x1] =	stream.indirect.gather [hbm4b:s4+s31], $0x80, s9, s31, $0xb8;
	[tilespmem:$0x1F800] =	vst v63  }
0x20c: {  	_ =	swait.ge [sflag:s0], $0x1000  }
0x20d: {  	[sflag:s0] =	ssyncset.done $0x0  }
0x20e: {  	s10 =	simm.s32 $0x0;
	s9 =	simm.s32 $0x810;
	[sflag:s0] =	ssyncadd.s32 $0xFFFFF000  }
0x20f: {  	s11 =	sand.u32 $0x3E0, s10;
	v1 =	vld [tilespmem:s9+$0xFFFFFFF0]  }
0x210: {  	v2 =	vld [tilespmem:s11+$0x2400];
	_ =	sdelay $0x4  }
0x211: {  	v1 =	vmul.f32 v2, v1  }
0x212: {  	s10 =	simm.s32 $0x5810  }
0x213: {  	[tilespmem:s10+$0xFFFFFFF0] =	vst v1  }
0x214: {  	v1 =	vld [tilespmem:s9+$0x0]  }
0x215: {  	v2 =	vld [tilespmem:s11+$0x2410];
	_ =	sdelay $0x4  }
0x216: {  	s22 =	simm.s32 $0x5810;
	s11 =	simm.s32 $0x20;
	v1 =	vmul.f32 v2, v1  }
.LBB2_13:
0x217: {  	p1 =	seq.s32 s11, $0x3E0;
	s10 =	sadd.s32 $0x80, s10;
	s9 =	sadd.s32 $0x80, s9  }
0x218: {  	s23 =	smov.u32 s11;
	s11 =	sadd.s32 $0x20, s11;
	[tilespmem:s22+$0x0] =	vst v1;
	s22 =	smov.u32 s10  }
0x219: {  	s23 =	sand.u32 $0x3E0, s23;
	v1 =	vld [tilespmem:s9+$0xFFFFFFF0]  }
0x21a: {  	v2 =	vld [tilespmem:s23+$0x2400];
	_ =	sdelay $0x4  }
0x21b: {  	v1 =	vmul.f32 v2, v1;
	_ =	sdelay $0x1  }
0x21c: {  	[tilespmem:s10+$0xFFFFFFF0] =	vst v1  }
0x21d: {  	v1 =	vld [tilespmem:s9+$0x0]  }
0x21e: {  	v2 =	vld [tilespmem:s23+$0x2410]  }
.Ltmp11:
0x21f: {  	(pc) =	sbr.rel @!p1 .LBB2_13-.Ltmp11, $2  }
0x220: {  	_ =	sdelay $0x2  }
0x221: {  	v1 =	vmul.f32 v2, v1  }
.Ltmp12:
0x222: {  	(pc) =	sbr.rel .LBB2_24-.Ltmp12, $2  }
0x223: {  	_ =	sdelay $0x2  }
0x224: {  	[tilespmem:s22+$0x0] =	vst v1  }
.LBB2_15:
0x225: {  	v1 =	vld [tilespmem:s10+$0xFFFFFFF0];
	s11 =	sand.u32 $0x3E0, s22  }
0x226: {  	v2 =	vld [tilespmem:s11+$0x1800];
	_ =	sdelay $0x4  }
0x227: {  	v1 =	vmul.f32 v2, v1;
	_ =	sdelay $0x1  }
0x228: {  	[tilespmem:s9+$0xFFFFFFF0] =	vst v1  }
0x229: {  	v1 =	vld [tilespmem:s10+$0x0]  }
0x22a: {  	v2 =	vld [tilespmem:s11+$0x1810];
	_ =	sdelay $0x4  }
0x22b: {  	s22 =	simm.s32 $0x2810;
	s11 =	simm.s32 $0x20;
	v1 =	vmul.f32 v2, v1  }
.LBB2_16:
0x22c: {  	p1 =	seq.s32 s11, $0x3E0;
	s10 =	sadd.s32 $0x80, s10;
	s9 =	sadd.s32 $0x80, s9  }
0x22d: {  	s23 =	smov.u32 s11;
	s11 =	sadd.s32 $0x20, s11;
	[tilespmem:s22+$0x0] =	vst v1;
	s22 =	smov.u32 s9  }
0x22e: {  	s23 =	sand.u32 $0x3E0, s23;
	v1 =	vld [tilespmem:s10+$0xFFFFFFF0]  }
0x22f: {  	v2 =	vld [tilespmem:s23+$0x1800];
	_ =	sdelay $0x4  }
0x230: {  	v1 =	vmul.f32 v2, v1;
	_ =	sdelay $0x1  }
0x231: {  	[tilespmem:s9+$0xFFFFFFF0] =	vst v1  }
0x232: {  	v1 =	vld [tilespmem:s10+$0x0]  }
0x233: {  	v2 =	vld [tilespmem:s23+$0x1810]  }
.Ltmp13:
0x234: {  	(pc) =	sbr.rel @!p1 .LBB2_16-.Ltmp13, $2  }
0x235: {  	_ =	sdelay $0x2  }
0x236: {  	v1 =	vmul.f32 v2, v1  }
0x237: {  	_ = 	snop  }
0x238: {  	s9 =	sadd.s32 $0x20, s7;
	[tilespmem:s22+$0x0] =	vst v1  }
0x239: {  	[tilespmem:s1], [sflag:$0x1] =	stream.indirect.gather [hbm4b:s4+s31], $0x80, s9, s31, $0xb8;
	[tilespmem:$0x1F800] =	vst v63  }
0x23a: {  	_ =	swait.ge [sflag:s0], $0x1000  }
0x23b: {  	[sflag:s0] =	ssyncset.done $0x0  }
0x23c: {  	s10 =	simm.s32 $0x0;
	s9 =	simm.s32 $0x830;
	[sflag:s0] =	ssyncadd.s32 $0xFFFFF000  }
0x23d: {  	s11 =	sand.u32 $0x3E0, s10;
	v1 =	vld [tilespmem:s9+$0xFFFFFFF0]  }
0x23e: {  	v2 =	vld [tilespmem:s11+$0x1C00];
	_ =	sdelay $0x4  }
0x23f: {  	v1 =	vmul.f32 v2, v1  }
0x240: {  	s10 =	simm.s32 $0x3810  }
0x241: {  	[tilespmem:s10+$0xFFFFFFF0] =	vst v1  }
0x242: {  	v1 =	vld [tilespmem:s9+$0x0]  }
0x243: {  	v2 =	vld [tilespmem:s11+$0x1C10];
	_ =	sdelay $0x4  }
0x244: {  	s22 =	simm.s32 $0x3810;
	s11 =	simm.s32 $0x20;
	v1 =	vmul.f32 v2, v1  }
.LBB2_18:
0x245: {  	p1 =	seq.s32 s11, $0x3E0;
	s10 =	sadd.s32 $0x80, s10;
	s9 =	sadd.s32 $0x80, s9  }
0x246: {  	s23 =	smov.u32 s11;
	s11 =	sadd.s32 $0x20, s11;
	[tilespmem:s22+$0x0] =	vst v1;
	s22 =	smov.u32 s10  }
0x247: {  	s23 =	sand.u32 $0x3E0, s23;
	v1 =	vld [tilespmem:s9+$0xFFFFFFF0]  }
0x248: {  	v2 =	vld [tilespmem:s23+$0x1C00];
	_ =	sdelay $0x4  }
0x249: {  	v1 =	vmul.f32 v2, v1;
	_ =	sdelay $0x1  }
0x24a: {  	[tilespmem:s10+$0xFFFFFFF0] =	vst v1  }
0x24b: {  	v1 =	vld [tilespmem:s9+$0x0]  }
0x24c: {  	v2 =	vld [tilespmem:s23+$0x1C10]  }
.Ltmp14:
0x24d: {  	(pc) =	sbr.rel @!p1 .LBB2_18-.Ltmp14, $2  }
0x24e: {  	_ =	sdelay $0x2  }
0x24f: {  	v1 =	vmul.f32 v2, v1  }
0x250: {  	_ = 	snop  }
0x251: {  	s9 =	sadd.s32 $0x40, s7;
	[tilespmem:s22+$0x0] =	vst v1  }
0x252: {  	[tilespmem:s1], [sflag:$0x1] =	stream.indirect.gather [hbm4b:s4+s31], $0x80, s9, s31, $0xb8;
	[tilespmem:$0x1F800] =	vst v63  }
0x253: {  	_ =	swait.ge [sflag:s0], $0x1000  }
0x254: {  	[sflag:s0] =	ssyncset.done $0x0  }
0x255: {  	s10 =	simm.s32 $0x0;
	s9 =	simm.s32 $0x830;
	[sflag:s0] =	ssyncadd.s32 $0xFFFFF000  }
0x256: {  	s11 =	sand.u32 $0x3E0, s10;
	v1 =	vld [tilespmem:s9+$0xFFFFFFF0]  }
0x257: {  	v2 =	vld [tilespmem:s11+$0x2000];
	_ =	sdelay $0x4  }
0x258: {  	v1 =	vmul.f32 v2, v1  }
0x259: {  	s10 =	simm.s32 $0x4810  }
0x25a: {  	[tilespmem:s10+$0xFFFFFFF0] =	vst v1  }
0x25b: {  	v1 =	vld [tilespmem:s9+$0x0]  }
0x25c: {  	v2 =	vld [tilespmem:s11+$0x2010];
	_ =	sdelay $0x4  }
0x25d: {  	s22 =	simm.s32 $0x4810;
	s11 =	simm.s32 $0x20;
	v1 =	vmul.f32 v2, v1  }
.LBB2_20:
0x25e: {  	p1 =	seq.s32 s11, $0x3E0;
	s10 =	sadd.s32 $0x80, s10;
	s9 =	sadd.s32 $0x80, s9  }
0x25f: {  	s23 =	smov.u32 s11;
	s11 =	sadd.s32 $0x20, s11;
	[tilespmem:s22+$0x0] =	vst v1;
	s22 =	smov.u32 s10  }
0x260: {  	s23 =	sand.u32 $0x3E0, s23;
	v1 =	vld [tilespmem:s9+$0xFFFFFFF0]  }
0x261: {  	v2 =	vld [tilespmem:s23+$0x2000];
	_ =	sdelay $0x4  }
0x262: {  	v1 =	vmul.f32 v2, v1;
	_ =	sdelay $0x1  }
0x263: {  	[tilespmem:s10+$0xFFFFFFF0] =	vst v1  }
0x264: {  	v1 =	vld [tilespmem:s9+$0x0]  }
0x265: {  	v2 =	vld [tilespmem:s23+$0x2010]  }
.Ltmp15:
0x266: {  	(pc) =	sbr.rel @!p1 .LBB2_20-.Ltmp15, $2  }
0x267: {  	_ =	sdelay $0x2  }
0x268: {  	v1 =	vmul.f32 v2, v1  }
0x269: {  	_ = 	snop  }
0x26a: {  	s9 =	sadd.s32 $0x60, s7;
	[tilespmem:s22+$0x0] =	vst v1  }
0x26b: {  	[tilespmem:s1], [sflag:$0x1] =	stream.indirect.gather [hbm4b:s4+s31], $0x80, s9, s31, $0xb8;
	[tilespmem:$0x1F800] =	vst v63  }
0x26c: {  	_ =	swait.ge [sflag:s0], $0x1000  }
0x26d: {  	[sflag:s0] =	ssyncset.done $0x0  }
0x26e: {  	s10 =	simm.s32 $0x0;
	s9 =	simm.s32 $0x830;
	[sflag:s0] =	ssyncadd.s32 $0xFFFFF000  }
0x26f: {  	s11 =	sand.u32 $0x3E0, s10;
	v1 =	vld [tilespmem:s9+$0xFFFFFFF0]  }
0x270: {  	v2 =	vld [tilespmem:s11+$0x2400];
	_ =	sdelay $0x4  }
0x271: {  	v1 =	vmul.f32 v2, v1  }
0x272: {  	s10 =	simm.s32 $0x5810  }
0x273: {  	[tilespmem:s10+$0xFFFFFFF0] =	vst v1  }
0x274: {  	v1 =	vld [tilespmem:s9+$0x0]  }
0x275: {  	v2 =	vld [tilespmem:s11+$0x2410];
	_ =	sdelay $0x4  }
0x276: {  	s22 =	simm.s32 $0x5810;
	s11 =	simm.s32 $0x20;
	v1 =	vmul.f32 v2, v1  }
.LBB2_22:
0x277: {  	p1 =	sne.s32 s11, $0x3E0;
	s10 =	sadd.s32 $0x80, s10;
	s9 =	sadd.s32 $0x80, s9  }
0x278: {  	s23 =	smov.u32 s11;
	s11 =	sadd.s32 $0x20, s11;
	[tilespmem:s22+$0x0] =	vst v1;
	s22 =	smov.u32 s10  }
0x279: {  	s23 =	sand.u32 $0x3E0, s23;
	v1 =	vld [tilespmem:s9+$0xFFFFFFF0]  }
0x27a: {  	v2 =	vld [tilespmem:s23+$0x2400];
	_ =	sdelay $0x4  }
0x27b: {  	v1 =	vmul.f32 v2, v1;
	_ =	sdelay $0x1  }
0x27c: {  	[tilespmem:s10+$0xFFFFFFF0] =	vst v1  }
0x27d: {  	v1 =	vld [tilespmem:s9+$0x0]  }
0x27e: {  	v2 =	vld [tilespmem:s23+$0x2410]  }
.Ltmp16:
0x27f: {  	(pc) =	sbr.rel @p1 .LBB2_22-.Ltmp16, $2  }
0x280: {  	_ =	sdelay $0x2  }
0x281: {  	v1 =	vmul.f32 v2, v1  }
.Ltmp17:
0x282: {  	_ = 	snop;
	(pc) =	sbr.rel .LBB2_23-.Ltmp17, $1  }
0x283: {  	_ =	sdelay $0x3  }
.LBB2_27:
0x284: {  	_ =	sfence.sel $0x180000  }
0x285: {  	[bflag:$0x0] =	sbarrier.arrive $0xFFFF  }
0x286: {  	_ =	strace $0x90000047  }
0x287: {  	s0 =	stileid.u32;
	[bflag:$0x2] =	sbarrier.arrive $0xFFFF  }
0x288: {  	p0 =	sne.s32 s0, $0x0;
	s0 =	rddreg [dreg:$0x2]  }
0x289: {  	s0 =	sadd.s32 @!p0 $0x100000, s0  }
0x28a: {  	[sflag:s0] =	ssyncadd.tile.s32 @!p0 $0x1;
	_ =	shalt  }
.Lfunc_end2:
_tile_overlayer_lowered:
.L_overlay_start_2:
0x28b: {  	(tag) =	ssettag $0x2  }
0x28c: {  	s0 =	rddreg [dreg:$0x0];
	s2 =	stileid.u32  }
0x28d: {  	s1 =	rddreg [dreg:$0x1];
	p0 =	sne.s32 s2, $0x0  }
0x28e: {  	s3 =	rddreg [dreg:$0x2];
	[bflag:$0x3] =	sbarrier.arrive $0xFFFF;
	s2 =	simm.s32 @!p0 $0x1C02  }
0x28f: {  	[timem:s3], [sflag:s2] =	dma.local @!p0 [hbm:s0], s1  }
0x290: {  	s0 =	simm.s32 @!p0 $0x2  }
0x291: {  	_ =	swait.ge @!p0 [sflag:s0], s1  }
0x292: {  	s1 =	ssub.s32 @!p0 $0x0, s1;
	[sflag:s0] =	ssyncset.done @!p0 $0x0  }
0x293: {  	[sflag:s0] =	ssyncadd.s32 @!p0 s1  }
0x294: {  	[bflag:$0x3] =	sbarrier.arrive $0xFFFF  }
0x295: {  	_ =	shalt  }

// kernel: kernel.13.cloned.1.call-start
scs
__scs_entry_jumppad:
0x0: {  	(pc) =	sbr.rel $0x88, $3  }
0x1: {  	(tag) =	ssettag $0x0;
	lr =	simm.s32 $0x1  }
0x2: {  	[smem:$0x3F8F] =	sst lr;
	_ =	strace $0xD0000000  }
0x3: {  	_ = 	snop  }
0x4: {  	_ = 	snop  }
0x5: {  	_ = 	snop  }
0x6: {  	_ = 	snop  }
0x7: {  	_ = 	snop  }
__scs_overlays_trampoline_lowered:
0x8: {  	[smem:$0x3F9E] =	sst s0  }
0x9: {  	[smem:$0x3F9F] =	sst s1  }
0xa: {  	[smem:$0x3FA0] =	sst s2  }
0xb: {  	[smem:$0x3FA1] =	sst s3  }
0xc: {  	[smem:$0x3FA2] =	sst s4  }
0xd: {  	[smem:$0x3FA3] =	sst s5  }
0xe: {  	[smem:$0x3FA4] =	sst s6  }
0xf: {  	[smem:$0x3FA5] =	sst s7  }
0x10: {  	[smem:$0x3FA6] =	sst s8  }
0x11: {  	[smem:$0x3FA7] =	sst s9;
	s0 =	simm.s32 @!p0 $0x0  }
0x12: {  	s1 =	sld [smem:$0x3F8D];
	s0 =	simm.s32 @p0 $0x1  }
0x13: {  	[smem:$0x3FA8] =	sst s0;
	s0 =	simm.s32 @!p1 $0x0  }
0x14: {  	s2 =	sld [smem:$0x3F8C];
	s0 =	simm.s32 @p1 $0x1  }
0x15: {  	[smem:$0x3FA9] =	sst s0;
	s0 =	simm.s32 @!p2 $0x0  }
0x16: {  	s3 =	sld [smem:$0x3FDB];
	s0 =	simm.s32 @p2 $0x1  }
0x17: {  	s4 =	simm.s32 $0x1BF5;
	[smem:$0x3FAB] =	sst s0  }
0x18: {  	s0 =	sld [smem:$0x3F8E];
	_ =	swait.ge [sflag:s4], $0x0  }
0x19: {  	s7 =	sld [smem:$0x3F8F]  }
0x1a: {  	s8 =	sadd.s32 $0xFFFFE003, lr  }
0x1b: {  	s9 =	sadd.s32 $0xFFFFFEF7, lr;
	s5 =	simm.s32 $0xFFFFFFFF;
	p2 =	slt.u32 s8, $0xFFFFF086  }
0x1c: {  	p1 =	slt.u32 s9, $0xF7A;
	s5 =	simm.s32 @!p2 $0x0  }
0x1d: {  	s5 =	simm.s32 @p1 $0x1;
	p0 =	seq.s32 s7, s2  }
0x1e: {  	s7 =	smul.u32 @!p0 $0xF7A, s2;
	p2 =	seq.s32 @!p0 s5, $0x0  }
0x1f: {  	s9 =	smul.u32 $0xF7A, s1;
	s8 =	simm.s32 @!p0 $0x1BF5;
	p2 =	por !p2, p0  }
0x20: {  	[sflag:s8] =	ssyncset.s32 @!p0 $0xFFFFF086;
	s6 =	sadd.s32 @!p0 s3, s7;
	s7 =	simm.s32 @!p0 $0x108  }
0x21: {  	s3 =	sadd.s32 s3, s9;
	s6 =	sadd.s32 @!p0 $0x88, s6;
	s7 =	simm.s32 @p2 $0x1082  }
0x22: {  	[simem:s7], [sflag:s8] =	dma.local @!p0 [hbm:s6], $0xF7A  }
0x23: {  	s9 =	sor.u32 $0xD0000000, s2;
	s6 =	simm.s32 $0x108;
	_ =	swait.ge @!p0 [sflag:s8], $0x0  }
0x24: {  	s3 =	sadd.s32 $0x88, s3;
	s6 =	simm.s32 @!p1 $0x1082;
	[sflag:s4] =	ssyncset.s32 $0xFFFFF086  }
0x25: {  	[simem:s6], [sflag:s4] =	dma.local [hbm:s3], $0xF7A  }
0x26: {  	[smem:$0x3F8F] =	sst s1;
	(tag) =	ssettag s2;
	_ =	strace s9  }
0x27: {  	s1 =	sld [smem:$0x3F9F]  }
0x28: {  	s2 =	sld [smem:$0x3FA0]  }
0x29: {  	s4 =	sld [smem:$0x3FA2]  }
0x2a: {  	p0 =	seq.s32 s5, $0x0;
	s5 =	sld [smem:$0x3FA3]  }
0x2b: {  	s6 =	sld [smem:$0x3FA4]  }
0x2c: {  	s7 =	sld [smem:$0x3FA5]  }
0x2d: {  	s3 =	simm.s32 $0x108;
	s8 =	sld [smem:$0x3FA6]  }
0x2e: {  	s3 =	simm.s32 @!p0 $0x1082;
	s9 =	sld [smem:$0x3FA7]  }
0x2f: {  	lr =	sadd.s32 s0, s3;
	s0 =	sld [smem:$0x3F9E]  }
0x30: {  	s3 =	sld [smem:$0x3FA1]  }
0x31: {  	[smem:$0x3FAA] =	sst s10  }
0x32: {  	s10 =	sld [smem:$0x3FA8];
	_ =	sdelay $0x3  }
0x33: {  	p0 =	seq.s32 s10, $0x1;
	s10 =	sld [smem:$0x3FAA];
	_ =	sdelay $0x3  }
0x34: {  	[smem:$0x3FAA] =	sst s10  }
0x35: {  	s10 =	sld [smem:$0x3FA9];
	_ =	sdelay $0x3  }
0x36: {  	p1 =	seq.s32 s10, $0x1;
	s10 =	sld [smem:$0x3FAA];
	_ =	sdelay $0x3  }
0x37: {  	[smem:$0x3FAA] =	sst s10  }
0x38: {  	s10 =	sld [smem:$0x3FAB]  }
0x39: {  	_ = 	snop;
	(pc) =	sbr.ind lr, $3  }
0x3a: {  	_ = 	snop  }
0x3b: {  	_ = 	snop  }
0x3c: {  	p2 =	seq.s32 s10, $0x1;
	s10 =	sld [smem:$0x3FAA]  }
0x3d: {  	_ =	shalt  }
0x3e: {  	_ =	shalt  }
0x3f: {  	_ =	shalt  }
0x40: {  	_ =	shalt  }
0x41: {  	_ =	shalt  }
0x42: {  	_ =	shalt  }
0x43: {  	_ =	shalt  }
0x44: {  	_ =	shalt  }
0x45: {  	_ =	shalt  }
0x46: {  	_ =	shalt  }
0x47: {  	_ =	shalt  }
0x48: {  	_ =	shalt  }
0x49: {  	_ =	shalt  }
0x4a: {  	_ =	shalt  }
0x4b: {  	_ =	shalt  }
0x4c: {  	_ =	shalt  }
0x4d: {  	_ =	shalt  }
0x4e: {  	_ =	shalt  }
0x4f: {  	_ =	shalt  }
0x50: {  	_ =	shalt  }
0x51: {  	_ =	shalt  }
0x52: {  	_ =	shalt  }
0x53: {  	_ =	shalt  }
0x54: {  	_ =	shalt  }
0x55: {  	_ =	shalt  }
0x56: {  	_ =	shalt  }
0x57: {  	_ =	shalt  }
0x58: {  	_ =	shalt  }
0x59: {  	_ =	shalt  }
0x5a: {  	_ =	shalt  }
0x5b: {  	_ =	shalt  }
0x5c: {  	_ =	shalt  }
0x5d: {  	_ =	shalt  }
0x5e: {  	_ =	shalt  }
0x5f: {  	_ =	shalt  }
0x60: {  	_ =	shalt  }
0x61: {  	_ =	shalt  }
0x62: {  	_ =	shalt  }
0x63: {  	_ =	shalt  }
0x64: {  	_ =	shalt  }
0x65: {  	_ =	shalt  }
0x66: {  	_ =	shalt  }
0x67: {  	_ =	shalt  }
0x68: {  	_ =	shalt  }
0x69: {  	_ =	shalt  }
0x6a: {  	_ =	shalt  }
0x6b: {  	_ =	shalt  }
0x6c: {  	_ =	shalt  }
0x6d: {  	_ =	shalt  }
0x6e: {  	_ =	shalt  }
0x6f: {  	_ =	shalt  }
0x70: {  	_ =	shalt  }
0x71: {  	_ =	shalt  }
0x72: {  	_ =	shalt  }
0x73: {  	_ =	shalt  }
0x74: {  	_ =	shalt  }
0x75: {  	_ =	shalt  }
0x76: {  	_ =	shalt  }
0x77: {  	_ =	shalt  }
0x78: {  	_ =	shalt  }
0x79: {  	_ =	shalt  }
0x7a: {  	_ =	shalt  }
0x7b: {  	_ =	shalt  }
0x7c: {  	_ =	shalt  }
0x7d: {  	_ =	shalt  }
0x7e: {  	_ =	shalt  }
0x7f: {  	_ =	shalt  }
0x80: {  	_ =	shalt  }
0x81: {  	_ =	shalt  }
0x82: {  	_ =	shalt  }
0x83: {  	_ =	shalt  }
0x84: {  	_ =	shalt  }
0x85: {  	_ =	shalt  }
0x86: {  	_ =	shalt  }
0x87: {  	_ =	shalt  }
.Lfunc_end0:
.L_simem_size_0:
called_computation.1_lowered:
.L_overlay_start_0:
0x88: {  	s2 =	sld [smem:$0x3FD9]  }
0x89: {  	s3 =	sld [smem:$0x3FFE];
	_ =	sdelay $0x1  }
0x8a: {  	s1 =	srdreg.scid  }
0x8b: {  	s0 =	sand.u32 $0x1, s1  }
0x8c: {  	s16 =	sshll.u32 s0, $0xA;
	s2 =	sadd.s32 s3, s2  }
0x8d: {  	s2 =	sadd.s32 s2, s16  }
0x8e: {  	[smem:$0x3FB6] =	sst s2  }
0x8f: {  	_ = 	snop  }
0x90: {  	(tm) =	ssettm $0x1  }
0x91: {  	s17 =	sld [smem:$0x3FFB];
	_ =	sdelay $0x3  }
0x92: {  	_ =	strace s17  }
0x93: {  	s2 =	sld [smem:$0x3FFC];
	_ =	sdelay $0x3  }
0x94: {  	_ =	strace s2  }
0x95: {  	s2 =	sld [smem:$0x3FFD];
	_ =	sdelay $0x3  }
0x96: {  	_ =	strace s2  }
0x97: {  	_ =	strace $0x8FFFFFFF  }
0x98: {  	s18 =	sld [smem:$0x3FDB];
	_ =	sdelay $0x1  }
0x99: {  	s19 =	simm.s32 $_scs_section_size  }
0x9a: {  	s4 =	simm.s32 $_size__tile_overlayer_lowered;
	s5 =	simm.s32 $_tile_overlayer_lowered  }
0x9b: {  	s22 =	simm.s32 $0x1BFF;
	s21 =	sshll.u32 s5, $0x1;
	s2 =	sadd.s32 s19, s18  }
0x9c: {  	s6 =	simm.s32 $0x0;
	s20 =	sshll.u32 s4, $0x1;
	s4 =	sadd.s32 s21, s2  }
0x9d: {  	[timem:s6], [sflag:s22] =	dma.local [hbm:s4], s20  }
0x9e: {  	_ =	swait.ge [sflag:s22], s20  }
0x9f: {  	s3 =	ssub.s32 $0x0, s20;
	[sflag:s22] =	ssyncset.done $0x0  }
0xa0: {  	[sflag:s22] =	ssyncadd.s32 s3;
	_ =	sdelay $0x1  }
0xa1: {  	s23 =	simm.s32 $0x1B8B  }
0xa2: {  	_ =	swait.ge [sflag:s23], $0x1  }
0xa3: {  	[sflag:s23] =	ssyncset.done $0x0  }
0xa4: {  	s25 =	simm.s32 $0x1B8E;
	s24 =	sld [smem:$0x3FFE];
	[sflag:s23] =	ssyncadd.s32 $0xFFFFFFFF  }
0xa5: {  	s26 =	simm.s32 $execute0_lowered;
	[smem:$0x3FD2] =	sst s25  }
0xa6: {  	s4 =	sshll.u32 s26, $0x1;
	_ =	strace $0x80000049;
	[dreg:$0x1] =	wrdreg $0xFFFFFFFF  }
0xa7: {  	s28 =	simm.s32 $_size_execute0_lowered;
	s2 =	sadd.s32 s2, s4;
	[dreg:$0x0] =	wrdreg $0x0  }
0xa8: {  	s4 =	sshll.u32 s28, $0x1;
	[dreg:$0x2] =	wrdreg s2  }
0xa9: {  	[dreg:$0x3] =	wrdreg s4  }
0xaa: {  	[dreg:$0x4] =	wrdreg $0xC0  }
0xab: {  	_ =	task [dreg:s6], $0x5FFFF  }
0xac: {  	[dreg:$0x1] =	wrdreg $0xFFFFFFFF  }
0xad: {  	[dreg:$0x0] =	wrdreg $0x60  }
0xae: {  	[dreg:$0x2] =	wrdreg s24  }
0xaf: {  	[dreg:$0x3] =	wrdreg $0x68000  }
0xb0: {  	[dreg:$0x4] =	wrdreg $0x9  }
0xb1: {  	_ =	task.clear_ibuf [dreg:s6], $0x5FFFF;
	_ =	strace $0x90000049  }
0xb2: {  	s29 =	simm.s32 $0x9;
	_ =	strace $0x8000004B  }
0xb3: {  	_ =	swait.ge [sflag:s29], $0x1  }
0xb4: {  	[sflag:s29] =	ssyncadd.s32 $0xFFFFFFFF  }
0xb5: {  	_ =	strace $0x9000004B  }
0xb6: {  	_ =	sfence  }
0xb7: {  	s30 =	sld [smem:$0x0];
	_ =	sdelay $0x2  }
0xb8: {  	s31 =	sshll.u32 s1, $0xD;
	s1 =	sshrl.u32 s1, $0x2  }
0xb9: {  	s3 =	sand.u32 $0x4000, s31;
	s1 =	sadd.s32 s1, s30  }
0xba: {  	s0 =	sor.u32 s3, s0;
	s1 =	sshll.u32 s1, $0x11  }
0xbb: {  	s0 =	sor.u32 s1, s0  }
0xbc: {  	s0 =	sadd.s32 $0x8F2B, s0  }
0xbd: {  	[sflag:s0] =	ssyncadd.remote.s32 $0x1  }
0xbe: {  	_ =	sfence.sel $0xFFFF  }
0xbf: {  	[dreg:$0x0] =	wrdreg $0xFFFFFFFF;
	(pc) =	sbr.abs _section_cstart, $3  }
0xc0: {  	[dreg:$0x1] =	wrdreg $0xFFFFFFFF  }
0xc1: {  	_ =	task.clear_ibuf [dreg:s6], $0x2FFFF;
	_ =	strace $0x9FFFFFFF  }
0xc2: {  	(tm) =	ssettm $0x7FFFFFFF  }
0xc3: {  	_ =	shalt  }
tec
execute0_lowered:
.L_overlay_start_1:
0x0: {  	(tag) =	ssettag $0x1  }
0x1: {  	s0 =	rddreg [dreg:$0x0]  }
0x2: {  	s11 =	stileid.u32;
	s1 =	srdreg.scid  }
0x3: {  	s2 =	rddreg [dreg:$0x1];
	s3 =	simm.s32 $0x0;
	s7 =	smul.u32 $0xC80, s11  }
0x4: {  	s1 =	sand.u32 $0x1, s1;
	[smem:$0x7FF] =	sst s3;
	s9 =	smul.u32 $0x3100, s11  }
0x5: {  	s4 =	sadd.s32 $0x37400, s0;
	s5 =	sadd.s32 $0x1C800, s0;
	s8 =	smul.u32 $0x31000, s1  }
0x6: {  	s6 =	sadd.s32 $0x4000, s0;
	s25 =	sshll.u32 s11, $0x9;
	s10 =	smul.u32 $0xC800, s1  }
0x7: {  	_ =	strace $0x8000004A;
	s8 =	sadd.s32 s9, s8;
	s9 =	sadd.s32 s25, s0  }
0x8: {  	s7 =	sadd.s32 s7, s10;
	s8 =	sshll.u32 s8, $0x4;
	s14 =	sadd.s32 $0x35200, s9  }
0x9: {  	s7 =	sshll.u32 s7, $0x4;
	s15 =	sadd.s32 $0x35280, s9;
	[dreg:$0x3] =	wrdreg s14  }
0xa: {  	s16 =	sadd.s32 $0x35300, s9;
	s22 =	sadd.s32 $0x35380, s9;
	[dreg:$0x4] =	wrdreg s15  }
0xb: {  	s8 =	sadd.s32 s0, s8;
	s0 =	sadd.s32 s7, s0;
	[dreg:$0x5] =	wrdreg s16  }
0xc: {  	[dreg:$0x6] =	wrdreg s22;
	s7 =	sadd.s32 $0xFAA00, s0  }
0xd: {  	s26 =	sadd.s32 $0xFB200, s0;
	[dreg:$0x7] =	wrdreg s7  }
0xe: {  	s9 =	sadd.s32 $0xFBA00, s0;
	[dreg:$0x8] =	wrdreg s26  }
0xf: {  	s10 =	sadd.s32 $0xFC200, s0;
	[dreg:$0x9] =	wrdreg s9  }
0x10: {  	s12 =	sadd.s32 $0xFCA00, s0;
	[dreg:$0xa] =	wrdreg s10  }
0x11: {  	s13 =	sadd.s32 $0xFD200, s0;
	[dreg:$0xb] =	wrdreg s12  }
0x12: {  	s17 =	sadd.s32 $0xFDA00, s0;
	[dreg:$0xc] =	wrdreg s13  }
0x13: {  	s18 =	sadd.s32 $0xFE200, s0;
	[dreg:$0xd] =	wrdreg s17  }
0x14: {  	s19 =	sadd.s32 $0xFEA00, s0;
	[dreg:$0xe] =	wrdreg s18  }
0x15: {  	s20 =	sadd.s32 $0xFF200, s0;
	[dreg:$0xf] =	wrdreg s19  }
0x16: {  	s21 =	sadd.s32 $0xFFA00, s0;
	[dreg:$0x10] =	wrdreg s20  }
0x17: {  	s23 =	sadd.s32 $0x100200, s0;
	[dreg:$0x11] =	wrdreg s21  }
0x18: {  	s24 =	sadd.s32 $0x100A00, s0;
	[dreg:$0x12] =	wrdreg s23  }
0x19: {  	s25 =	sadd.s32 $0x101200, s0;
	[dreg:$0x13] =	wrdreg s24  }
0x1a: {  	s28 =	simm.s32 $0x700;
	[dreg:$0x14] =	wrdreg s25;
	s10 =	sadd.s32 $0x101A00, s0  }
0x1b: {  	s29 =	simm.s32 $0x780;
	s12 =	sadd.s32 $0x102200, s0;
	[dreg:$0x15] =	wrdreg s10  }
0x1c: {  	s30 =	simm.s32 $0x1800;
	s17 =	sadd.s32 $0x102A00, s0;
	[dreg:$0x16] =	wrdreg s12  }
0x1d: {  	s31 =	simm.s32 $0x20;
	s18 =	sadd.s32 $0x103200, s0;
	[dreg:$0x17] =	wrdreg s17  }
0x1e: {  	p0 =	sne.s32 s1, $0x0;
	s19 =	sadd.s32 $0x103A00, s0;
	[dreg:$0x18] =	wrdreg s18  }
0x1f: {  	s8 =	sadd.s32 $0x15A5200, s8;
	s20 =	sadd.s32 $0x104200, s0;
	[dreg:$0x19] =	wrdreg s19  }
0x20: {  	s26 =	ssub.s32 $0x2, s1;
	s21 =	sadd.s32 $0x104A00, s0;
	[dreg:$0x1a] =	wrdreg s20  }
0x21: {  	s23 =	sadd.s32 $0x105200, s0;
	s25 =	sadd.s32 $0x105A00, s0;
	[dreg:$0x1b] =	wrdreg s21  }
0x22: {  	s1 =	simm.s32 $0x800;
	s13 =	sshrl.u32 s26, $0x1;
	[dreg:$0x1c] =	wrdreg s23  }
0x23: {  	[dreg:$0x1e] =	wrdreg s25;
	s17 =	smul.u32 $0x188, s11;
	s18 =	simm.s32 $0x400  }
0x24: {  	s19 =	simm.s32 $0x2;
	s20 =	simm.s32 $0x80;
	s21 =	simm.s32 $0x2800  }
.Ltmp0:
0x25: {  	s11 =	simm.s32 $0x480;
	s25 =	simm.s32 $0x600;
	(pc) =	sbr.rel .LBB2_1-.Ltmp0, $4  }
0x26: {  	s12 =	simm.s32 $0x0;
	s7 =	ssub.s32 s26, s13;
	s26 =	sadd.s32 $0x106200, s0  }
0x27: {  	s0 =	sadd.s32 $0x106A00, s0;
	s13 =	simm.s32 $0x0;
	[dreg:$0x1f] =	wrdreg s26  }
0x28: {  	s24 =	smax.u32 s7, $0x1;
	[smem:$0x7FD] =	sst s0;
	s26 =	simm.s32 $0x680  }
0x29: {  	v0 =	vimm.f32 $0.0e+00;
	s0 =	simm.s32 $0x1;
	[dreg:$0x1d] =	wrdreg s24;
	s24 =	simm.s32 $0x580  }
.LBB2_26:
0x2a: {  	[bflag:$0x0] =	sbarrier.arrive $0xFFFF  }
0x2b: {  	s14 =	rddreg [dreg:$0x3]  }
0x2c: {  	[tilespmem:s18], [sflag:$0x2] =	stream.linear.gather [hbm4b:s14+s3], $0x400, $0x38;
	[tilespmem:$0x1F800] =	vst v63  }
0x2d: {  	_ =	swait.ge [sflag:s19], $0x400  }
0x2e: {  	[sflag:s19] =	ssyncset.done $0x0  }
0x2f: {  	[sflag:s19] =	ssyncadd.s32 $0xFFFFFC00  }
0x30: {  	[tilespmem:s21], [sflag:$0x1] =	stream.indirect.gather [spmem:s2], $0x20, s18, s20, $0xb8;
	[tilespmem:$0x1F800] =	vst v63  }
0x31: {  	_ =	swait.ge [sflag:s0], $0x1000  }
0x32: {  	[sflag:s0] =	ssyncset.done $0x0  }
0x33: {  	s7 =	rddreg [dreg:$0x7];
	[sflag:s0] =	ssyncadd.s32 $0xFFFFF000  }
0x34: {  	[hbm4b:s7+s3] =	stream.linear.scatter [tilespmem:s21], [sflag:$0x2], $0x4000, $0x38;
	[tilespmem:$0x1F800] =	vst v63  }
0x35: {  	_ =	swait.ge [sflag:s19], $0x4000  }
0x36: {  	[sflag:s19] =	ssyncset.done $0x0  }
0x37: {  	s11 =	simm.s32 $0x480;
	[sflag:s19] =	ssyncadd.s32 $0xFFFFC000  }
0x38: {  	[tilespmem:s21], [sflag:$0x1] =	stream.indirect.gather [spmem:s2], $0x20, s11, s20, $0xb8;
	[tilespmem:$0x1F800] =	vst v63  }
0x39: {  	_ =	swait.ge [sflag:s0], $0x1000  }
0x3a: {  	[sflag:s0] =	ssyncset.done $0x0  }
0x3b: {  	s22 =	rddreg [dreg:$0x8];
	[sflag:s0] =	ssyncadd.s32 $0xFFFFF000  }
0x3c: {  	[hbm4b:s22+s3] =	stream.linear.scatter [tilespmem:s21], [sflag:$0x2], $0x4000, $0x38;
	[tilespmem:$0x1F800] =	vst v63  }
0x3d: {  	_ =	swait.ge [sflag:s19], $0x4000  }
0x3e: {  	[sflag:s19] =	ssyncset.done $0x0  }
0x3f: {  	s9 =	simm.s32 $0x500;
	[sflag:s19] =	ssyncadd.s32 $0xFFFFC000  }
0x40: {  	[tilespmem:s21], [sflag:$0x1] =	stream.indirect.gather [spmem:s2], $0x20, s9, s20, $0xb8;
	[tilespmem:$0x1F800] =	vst v63  }
0x41: {  	_ =	swait.ge [sflag:s0], $0x1000  }
0x42: {  	[sflag:s0] =	ssyncset.done $0x0  }
0x43: {  	s23 =	rddreg [dreg:$0x9];
	[sflag:s0] =	ssyncadd.s32 $0xFFFFF000  }
0x44: {  	[hbm4b:s23+s3] =	stream.linear.scatter [tilespmem:s21], [sflag:$0x2], $0x4000, $0x38;
	[tilespmem:$0x1F800] =	vst v63  }
0x45: {  	_ =	swait.ge [sflag:s19], $0x4000  }
0x46: {  	[sflag:s19] =	ssyncset.done $0x0  }
0x47: {  	[sflag:s19] =	ssyncadd.s32 $0xFFFFC000  }
0x48: {  	[tilespmem:s21], [sflag:$0x1] =	stream.indirect.gather [spmem:s2], $0x20, s24, s20, $0xb8;
	[tilespmem:$0x1F800] =	vst v63  }
0x49: {  	_ =	swait.ge [sflag:s0], $0x1000  }
0x4a: {  	[sflag:s0] =	ssyncset.done $0x0  }
0x4b: {  	s10 =	rddreg [dreg:$0xa];
	[sflag:s0] =	ssyncadd.s32 $0xFFFFF000  }
0x4c: {  	[hbm4b:s10+s3] =	stream.linear.scatter [tilespmem:s21], [sflag:$0x2], $0x4000, $0x38;
	[tilespmem:$0x1F800] =	vst v63  }
0x4d: {  	_ =	swait.ge [sflag:s19], $0x4000  }
0x4e: {  	[sflag:s19] =	ssyncset.done $0x0  }
0x4f: {  	[sflag:s19] =	ssyncadd.s32 $0xFFFFC000  }
0x50: {  	[tilespmem:s21], [sflag:$0x1] =	stream.indirect.gather [spmem:s2], $0x20, s25, s20, $0xb8;
	[tilespmem:$0x1F800] =	vst v63  }
0x51: {  	_ =	swait.ge [sflag:s0], $0x1000  }
0x52: {  	[sflag:s0] =	ssyncset.done $0x0  }
0x53: {  	s15 =	rddreg [dreg:$0xb];
	[sflag:s0] =	ssyncadd.s32 $0xFFFFF000  }
0x54: {  	[hbm4b:s15+s3] =	stream.linear.scatter [tilespmem:s21], [sflag:$0x2], $0x4000, $0x38;
	[tilespmem:$0x1F800] =	vst v63  }
0x55: {  	_ =	swait.ge [sflag:s19], $0x4000  }
0x56: {  	[sflag:s19] =	ssyncset.done $0x0  }
0x57: {  	[sflag:s19] =	ssyncadd.s32 $0xFFFFC000  }
0x58: {  	[tilespmem:s21], [sflag:$0x1] =	stream.indirect.gather [spmem:s2], $0x20, s26, s20, $0xb8;
	[tilespmem:$0x1F800] =	vst v63  }
0x59: {  	_ =	swait.ge [sflag:s0], $0x1000  }
0x5a: {  	[sflag:s0] =	ssyncset.done $0x0  }
0x5b: {  	s16 =	rddreg [dreg:$0xc];
	[sflag:s0] =	ssyncadd.s32 $0xFFFFF000  }
0x5c: {  	[hbm4b:s16+s3] =	stream.linear.scatter [tilespmem:s21], [sflag:$0x2], $0x4000, $0x38;
	[tilespmem:$0x1F800] =	vst v63  }
0x5d: {  	_ =	swait.ge [sflag:s19], $0x4000  }
0x5e: {  	[sflag:s19] =	ssyncset.done $0x0  }
0x5f: {  	[sflag:s19] =	ssyncadd.s32 $0xFFFFC000  }
0x60: {  	[tilespmem:s21], [sflag:$0x1] =	stream.indirect.gather [spmem:s2], $0x20, s28, s20, $0xb8;
	[tilespmem:$0x1F800] =	vst v63  }
0x61: {  	_ =	swait.ge [sflag:s0], $0x1000  }
0x62: {  	[sflag:s0] =	ssyncset.done $0x0  }
0x63: {  	s22 =	rddreg [dreg:$0xd];
	[sflag:s0] =	ssyncadd.s32 $0xFFFFF000  }
0x64: {  	[hbm4b:s22+s3] =	stream.linear.scatter [tilespmem:s21], [sflag:$0x2], $0x4000, $0x38;
	[tilespmem:$0x1F800] =	vst v63  }
0x65: {  	_ =	swait.ge [sflag:s19], $0x4000  }
0x66: {  	[sflag:s19] =	ssyncset.done $0x0  }
0x67: {  	[sflag:s19] =	ssyncadd.s32 $0xFFFFC000  }
0x68: {  	[tilespmem:s21], [sflag:$0x1] =	stream.indirect.gather [spmem:s2], $0x20, s29, s20, $0xb8;
	[tilespmem:$0x1F800] =	vst v63  }
0x69: {  	_ =	swait.ge [sflag:s0], $0x1000  }
0x6a: {  	[sflag:s0] =	ssyncset.done $0x0  }
0x6b: {  	s23 =	rddreg [dreg:$0xe];
	[sflag:s0] =	ssyncadd.s32 $0xFFFFF000  }
0x6c: {  	[hbm4b:s23+s3] =	stream.linear.scatter [tilespmem:s21], [sflag:$0x2], $0x4000, $0x38;
	[tilespmem:$0x1F800] =	vst v63  }
0x6d: {  	_ =	swait.ge [sflag:s19], $0x4000  }
0x6e: {  	[sflag:s19] =	ssyncset.done $0x0  }
0x6f: {  	s15 =	rddreg [dreg:$0x4];
	[sflag:s19] =	ssyncadd.s32 $0xFFFFC000  }
0x70: {  	[tilespmem:s18], [sflag:$0x2] =	stream.linear.gather [hbm4b:s15+s3], $0x400, $0x38;
	[tilespmem:$0x1F800] =	vst v63  }
0x71: {  	_ =	swait.ge [sflag:s19], $0x400  }
0x72: {  	[sflag:s19] =	ssyncset.done $0x0  }
0x73: {  	[sflag:s19] =	ssyncadd.s32 $0xFFFFFC00  }
0x74: {  	[tilespmem:s21], [sflag:$0x1] =	stream.indirect.gather [spmem:s2], $0x20, s18, s20, $0xb8;
	[tilespmem:$0x1F800] =	vst v63  }
0x75: {  	_ =	swait.ge [sflag:s0], $0x1000  }
0x76: {  	[sflag:s0] =	ssyncset.done $0x0  }
0x77: {  	s10 =	rddreg [dreg:$0xf];
	[sflag:s0] =	ssyncadd.s32 $0xFFFFF000  }
0x78: {  	[hbm4b:s10+s3] =	stream.linear.scatter [tilespmem:s21], [sflag:$0x2], $0x4000, $0x38;
	[tilespmem:$0x1F800] =	vst v63  }
0x79: {  	_ =	swait.ge [sflag:s19], $0x4000  }
0x7a: {  	[sflag:s19] =	ssyncset.done $0x0  }
0x7b: {  	[sflag:s19] =	ssyncadd.s32 $0xFFFFC000  }
0x7c: {  	[tilespmem:s21], [sflag:$0x1] =	stream.indirect.gather [spmem:s2], $0x20, s11, s20, $0xb8;
	[tilespmem:$0x1F800] =	vst v63  }
0x7d: {  	_ =	swait.ge [sflag:s0], $0x1000  }
0x7e: {  	[sflag:s0] =	ssyncset.done $0x0  }
0x7f: {  	s16 =	rddreg [dreg:$0x10];
	[sflag:s0] =	ssyncadd.s32 $0xFFFFF000  }
0x80: {  	[hbm4b:s16+s3] =	stream.linear.scatter [tilespmem:s21], [sflag:$0x2], $0x4000, $0x38;
	[tilespmem:$0x1F800] =	vst v63  }
0x81: {  	_ =	swait.ge [sflag:s19], $0x4000  }
0x82: {  	[sflag:s19] =	ssyncset.done $0x0  }
0x83: {  	[sflag:s19] =	ssyncadd.s32 $0xFFFFC000  }
0x84: {  	[tilespmem:s21], [sflag:$0x1] =	stream.indirect.gather [spmem:s2], $0x20, s9, s20, $0xb8;
	[tilespmem:$0x1F800] =	vst v63  }
0x85: {  	_ =	swait.ge [sflag:s0], $0x1000  }
0x86: {  	[sflag:s0] =	ssyncset.done $0x0  }
0x87: {  	s22 =	rddreg [dreg:$0x11];
	[sflag:s0] =	ssyncadd.s32 $0xFFFFF000  }
0x88: {  	[hbm4b:s22+s3] =	stream.linear.scatter [tilespmem:s21], [sflag:$0x2], $0x4000, $0x38;
	[tilespmem:$0x1F800] =	vst v63  }
0x89: {  	_ =	swait.ge [sflag:s19], $0x4000  }
0x8a: {  	[sflag:s19] =	ssyncset.done $0x0  }
0x8b: {  	[sflag:s19] =	ssyncadd.s32 $0xFFFFC000  }
0x8c: {  	[tilespmem:s21], [sflag:$0x1] =	stream.indirect.gather [spmem:s2], $0x20, s24, s20, $0xb8;
	[tilespmem:$0x1F800] =	vst v63  }
0x8d: {  	_ =	swait.ge [sflag:s0], $0x1000  }
0x8e: {  	[sflag:s0] =	ssyncset.done $0x0  }
0x8f: {  	s23 =	rddreg [dreg:$0x12];
	[sflag:s0] =	ssyncadd.s32 $0xFFFFF000  }
0x90: {  	[hbm4b:s23+s3] =	stream.linear.scatter [tilespmem:s21], [sflag:$0x2], $0x4000, $0x38;
	[tilespmem:$0x1F800] =	vst v63  }
0x91: {  	_ =	swait.ge [sflag:s19], $0x4000  }
0x92: {  	[sflag:s19] =	ssyncset.done $0x0  }
0x93: {  	[sflag:s19] =	ssyncadd.s32 $0xFFFFC000  }
0x94: {  	[tilespmem:s21], [sflag:$0x1] =	stream.indirect.gather [spmem:s2], $0x20, s25, s20, $0xb8;
	[tilespmem:$0x1F800] =	vst v63  }
0x95: {  	_ =	swait.ge [sflag:s0], $0x1000  }
0x96: {  	[sflag:s0] =	ssyncset.done $0x0  }
0x97: {  	s10 =	rddreg [dreg:$0x13];
	[sflag:s0] =	ssyncadd.s32 $0xFFFFF000  }
0x98: {  	[hbm4b:s10+s3] =	stream.linear.scatter [tilespmem:s21], [sflag:$0x2], $0x4000, $0x38;
	[tilespmem:$0x1F800] =	vst v63  }
0x99: {  	_ =	swait.ge [sflag:s19], $0x4000  }
0x9a: {  	[sflag:s19] =	ssyncset.done $0x0  }
0x9b: {  	[sflag:s19] =	ssyncadd.s32 $0xFFFFC000  }
0x9c: {  	[tilespmem:s21], [sflag:$0x1] =	stream.indirect.gather [spmem:s2], $0x20, s26, s20, $0xb8;
	[tilespmem:$0x1F800] =	vst v63  }
0x9d: {  	_ =	swait.ge [sflag:s0], $0x1000  }
0x9e: {  	[sflag:s0] =	ssyncset.done $0x0  }
0x9f: {  	s16 =	rddreg [dreg:$0x14];
	[sflag:s0] =	ssyncadd.s32 $0xFFFFF000  }
0xa0: {  	[hbm4b:s16+s3] =	stream.linear.scatter [tilespmem:s21], [sflag:$0x2], $0x4000, $0x38;
	[tilespmem:$0x1F800] =	vst v63  }
0xa1: {  	_ =	swait.ge [sflag:s19], $0x4000  }
0xa2: {  	[sflag:s19] =	ssyncset.done $0x0  }
0xa3: {  	[sflag:s19] =	ssyncadd.s32 $0xFFFFC000  }
0xa4: {  	[tilespmem:s21], [sflag:$0x1] =	stream.indirect.gather [spmem:s2], $0x20, s28, s20, $0xb8;
	[tilespmem:$0x1F800] =	vst v63  }
0xa5: {  	_ =	swait.ge [sflag:s0], $0x1000  }
0xa6: {  	[sflag:s0] =	ssyncset.done $0x0  }
0xa7: {  	s22 =	rddreg [dreg:$0x15];
	[sflag:s0] =	ssyncadd.s32 $0xFFFFF000  }
0xa8: {  	[hbm4b:s22+s3] =	stream.linear.scatter [tilespmem:s21], [sflag:$0x2], $0x4000, $0x38;
	[tilespmem:$0x1F800] =	vst v63  }
0xa9: {  	_ =	swait.ge [sflag:s19], $0x4000  }
0xaa: {  	[sflag:s19] =	ssyncset.done $0x0  }
0xab: {  	[sflag:s19] =	ssyncadd.s32 $0xFFFFC000  }
0xac: {  	[tilespmem:s21], [sflag:$0x1] =	stream.indirect.gather [spmem:s2], $0x20, s29, s20, $0xb8;
	[tilespmem:$0x1F800] =	vst v63  }
0xad: {  	_ =	swait.ge [sflag:s0], $0x1000  }
0xae: {  	[sflag:s0] =	ssyncset.done $0x0  }
0xaf: {  	s23 =	rddreg [dreg:$0x16];
	[sflag:s0] =	ssyncadd.s32 $0xFFFFF000  }
0xb0: {  	[hbm4b:s23+s3] =	stream.linear.scatter [tilespmem:s21], [sflag:$0x2], $0x4000, $0x38;
	[tilespmem:$0x1F800] =	vst v63  }
0xb1: {  	_ =	swait.ge [sflag:s19], $0x4000  }
0xb2: {  	[sflag:s19] =	ssyncset.done $0x0  }
0xb3: {  	s16 =	rddreg [dreg:$0x5];
	[sflag:s19] =	ssyncadd.s32 $0xFFFFC000  }
0xb4: {  	[tilespmem:s18], [sflag:$0x2] =	stream.linear.gather [hbm4b:s16+s3], $0x400, $0x38;
	[tilespmem:$0x1F800] =	vst v63  }
0xb5: {  	_ =	swait.ge [sflag:s19], $0x400  }
0xb6: {  	[sflag:s19] =	ssyncset.done $0x0  }
0xb7: {  	[sflag:s19] =	ssyncadd.s32 $0xFFFFFC00  }
0xb8: {  	[tilespmem:s21], [sflag:$0x1] =	stream.indirect.gather [spmem:s2], $0x20, s18, s20, $0xb8;
	[tilespmem:$0x1F800] =	vst v63  }
0xb9: {  	_ =	swait.ge [sflag:s0], $0x1000  }
0xba: {  	[sflag:s0] =	ssyncset.done $0x0  }
0xbb: {  	s10 =	rddreg [dreg:$0x17];
	[sflag:s0] =	ssyncadd.s32 $0xFFFFF000  }
0xbc: {  	[hbm4b:s10+s3] =	stream.linear.scatter [tilespmem:s21], [sflag:$0x2], $0x4000, $0x38;
	[tilespmem:$0x1F800] =	vst v63  }
0xbd: {  	_ =	swait.ge [sflag:s19], $0x4000  }
0xbe: {  	[sflag:s19] =	ssyncset.done $0x0  }
0xbf: {  	[sflag:s19] =	ssyncadd.s32 $0xFFFFC000  }
0xc0: {  	[tilespmem:s21], [sflag:$0x1] =	stream.indirect.gather [spmem:s2], $0x20, s11, s20, $0xb8;
	[tilespmem:$0x1F800] =	vst v63  }
0xc1: {  	_ =	swait.ge [sflag:s0], $0x1000  }
0xc2: {  	[sflag:s0] =	ssyncset.done $0x0  }
0xc3: {  	s22 =	rddreg [dreg:$0x18];
	[sflag:s0] =	ssyncadd.s32 $0xFFFFF000  }
0xc4: {  	[hbm4b:s22+s3] =	stream.linear.scatter [tilespmem:s21], [sflag:$0x2], $0x4000, $0x38;
	[tilespmem:$0x1F800] =	vst v63  }
0xc5: {  	_ =	swait.ge [sflag:s19], $0x4000  }
0xc6: {  	[sflag:s19] =	ssyncset.done $0x0  }
0xc7: {  	[sflag:s19] =	ssyncadd.s32 $0xFFFFC000  }
0xc8: {  	[tilespmem:s21], [sflag:$0x1] =	stream.indirect.gather [spmem:s2], $0x20, s9, s20, $0xb8;
	[tilespmem:$0x1F800] =	vst v63  }
0xc9: {  	_ =	swait.ge [sflag:s0], $0x1000  }
0xca: {  	[sflag:s0] =	ssyncset.done $0x0  }
0xcb: {  	s23 =	rddreg [dreg:$0x19];
	[sflag:s0] =	ssyncadd.s32 $0xFFFFF000  }
0xcc: {  	[hbm4b:s23+s3] =	stream.linear.scatter [tilespmem:s21], [sflag:$0x2], $0x4000, $0x38;
	[tilespmem:$0x1F800] =	vst v63  }
0xcd: {  	_ =	swait.ge [sflag:s19], $0x4000  }
0xce: {  	[sflag:s19] =	ssyncset.done $0x0  }
0xcf: {  	[sflag:s19] =	ssyncadd.s32 $0xFFFFC000  }
0xd0: {  	[tilespmem:s21], [sflag:$0x1] =	stream.indirect.gather [spmem:s2], $0x20, s24, s20, $0xb8;
	[tilespmem:$0x1F800] =	vst v63  }
0xd1: {  	_ =	swait.ge [sflag:s0], $0x1000  }
0xd2: {  	[sflag:s0] =	ssyncset.done $0x0  }
0xd3: {  	s9 =	rddreg [dreg:$0x1a];
	[sflag:s0] =	ssyncadd.s32 $0xFFFFF000  }
0xd4: {  	[hbm4b:s9+s3] =	stream.linear.scatter [tilespmem:s21], [sflag:$0x2], $0x4000, $0x38;
	[tilespmem:$0x1F800] =	vst v63  }
0xd5: {  	_ =	swait.ge [sflag:s19], $0x4000  }
0xd6: {  	[sflag:s19] =	ssyncset.done $0x0  }
0xd7: {  	[sflag:s19] =	ssyncadd.s32 $0xFFFFC000  }
0xd8: {  	[tilespmem:s21], [sflag:$0x1] =	stream.indirect.gather [spmem:s2], $0x20, s25, s20, $0xb8;
	[tilespmem:$0x1F800] =	vst v63  }
0xd9: {  	_ =	swait.ge [sflag:s0], $0x1000  }
0xda: {  	[sflag:s0] =	ssyncset.done $0x0  }
0xdb: {  	s10 =	rddreg [dreg:$0x1b];
	[sflag:s0] =	ssyncadd.s32 $0xFFFFF000  }
0xdc: {  	[hbm4b:s10+s3] =	stream.linear.scatter [tilespmem:s21], [sflag:$0x2], $0x4000, $0x38;
	[tilespmem:$0x1F800] =	vst v63  }
0xdd: {  	_ =	swait.ge [sflag:s19], $0x4000  }
0xde: {  	[sflag:s19] =	ssyncset.done $0x0  }
0xdf: {  	[sflag:s19] =	ssyncadd.s32 $0xFFFFC000  }
0xe0: {  	[tilespmem:s21], [sflag:$0x1] =	stream.indirect.gather [spmem:s2], $0x20, s26, s20, $0xb8;
	[tilespmem:$0x1F800] =	vst v63  }
0xe1: {  	_ =	swait.ge [sflag:s0], $0x1000  }
0xe2: {  	[sflag:s0] =	ssyncset.done $0x0  }
0xe3: {  	s22 =	rddreg [dreg:$0x1c];
	[sflag:s0] =	ssyncadd.s32 $0xFFFFF000  }
0xe4: {  	[hbm4b:s22+s3] =	stream.linear.scatter [tilespmem:s21], [sflag:$0x2], $0x4000, $0x38;
	[tilespmem:$0x1F800] =	vst v63  }
0xe5: {  	_ =	swait.ge [sflag:s19], $0x4000  }
0xe6: {  	[sflag:s19] =	ssyncset.done $0x0  }
0xe7: {  	[sflag:s19] =	ssyncadd.s32 $0xFFFFC000  }
0xe8: {  	[tilespmem:s21], [sflag:$0x1] =	stream.indirect.gather [spmem:s2], $0x20, s28, s20, $0xb8;
	[tilespmem:$0x1F800] =	vst v63  }
0xe9: {  	_ =	swait.ge [sflag:s0], $0x1000  }
0xea: {  	[sflag:s0] =	ssyncset.done $0x0  }
0xeb: {  	s23 =	rddreg [dreg:$0x1e];
	[sflag:s0] =	ssyncadd.s32 $0xFFFFF000  }
0xec: {  	[hbm4b:s23+s3] =	stream.linear.scatter [tilespmem:s21], [sflag:$0x2], $0x4000, $0x38;
	[tilespmem:$0x1F800] =	vst v63  }
0xed: {  	_ =	swait.ge [sflag:s19], $0x4000  }
0xee: {  	[sflag:s19] =	ssyncset.done $0x0  }
0xef: {  	[sflag:s19] =	ssyncadd.s32 $0xFFFFC000  }
0xf0: {  	[tilespmem:s21], [sflag:$0x1] =	stream.indirect.gather [spmem:s2], $0x20, s29, s20, $0xb8;
	[tilespmem:$0x1F800] =	vst v63  }
0xf1: {  	_ =	swait.ge [sflag:s0], $0x1000  }
0xf2: {  	[sflag:s0] =	ssyncset.done $0x0  }
0xf3: {  	s9 =	rddreg [dreg:$0x1f];
	[sflag:s0] =	ssyncadd.s32 $0xFFFFF000  }
0xf4: {  	[hbm4b:s9+s3] =	stream.linear.scatter [tilespmem:s21], [sflag:$0x2], $0x4000, $0x38;
	[tilespmem:$0x1F800] =	vst v63  }
0xf5: {  	_ =	swait.ge [sflag:s19], $0x4000  }
0xf6: {  	[sflag:s19] =	ssyncset.done $0x0  }
0xf7: {  	s22 =	rddreg [dreg:$0x6];
	[sflag:s19] =	ssyncadd.s32 $0xFFFFC000  }
0xf8: {  	[tilespmem:s18], [sflag:$0x2] =	stream.linear.gather [hbm4b:s22+s3], $0x400, $0x38;
	[tilespmem:$0x1F800] =	vst v63  }
0xf9: {  	_ =	swait.ge [sflag:s19], $0x400  }
0xfa: {  	[sflag:s19] =	ssyncset.done $0x0  }
0xfb: {  	[sflag:s19] =	ssyncadd.s32 $0xFFFFFC00  }
0xfc: {  	[tilespmem:s21], [sflag:$0x1] =	stream.indirect.gather [spmem:s2], $0x20, s18, s20, $0xb8;
	[tilespmem:$0x1F800] =	vst v63  }
0xfd: {  	_ =	swait.ge [sflag:s0], $0x1000  }
0xfe: {  	s10 =	sld [smem:$0x7FD]  }
0xff: {  	[sflag:s0] =	ssyncset.done $0x0  }
0x100: {  	[sflag:s0] =	ssyncadd.s32 $0xFFFFF000  }
0x101: {  	[hbm4b:s10+s3] =	stream.linear.scatter [tilespmem:s21], [sflag:$0x2], $0x4000, $0x38;
	[tilespmem:$0x1F800] =	vst v63  }
0x102: {  	_ =	swait.ge [sflag:s19], $0x4000  }
0x103: {  	s12 =	sadd.s32 $0x1, s12;
	s23 =	rddreg [dreg:$0x1d]  }
0x104: {  	p1 =	sne.s32 s12, s23  }
.Ltmp1:
0x105: {  	_ = 	snop;
	(pc) =	sbr.rel @!p1 .LBB2_27-.Ltmp1, $3  }
0x106: {  	_ =	sdelay $0x1  }
0x107: {  	[sflag:s19] =	ssyncset.done $0x0  }
0x108: {  	[sflag:s19] =	ssyncadd.s32 $0xFFFFC000  }
.LBB2_1:
0x109: {  	s7 =	simm.s32 $0x200;
	s9 =	simm.s32 $0x0  }
.LBB2_2:
0x10a: {  	p1 =	sne.s32 s7, $0xFE00;
	[tilespmem:s9+$0x2800] =	vst v0;
	s10 =	smov.u32 s7;
	s7 =	sadd.s32 $0x200, s7  }
.Ltmp2:
0x10b: {  	[tilespmem:s9+$0x2810] =	vst v0;
	(pc) =	sbr.rel @p1 .LBB2_2-.Ltmp2, $2  }
0x10c: {  	_ =	sdelay $0x2  }
0x10d: {  	s9 =	sshra.s32 s10, $0x2  }
0x10e: {  	[tilespmem:s9+$0x2800] =	vst v0  }
0x10f: {  	[tilespmem:s9+$0x2810] =	vst v0  }
0x110: {  	[tilespmem:s18], [sflag:$0x2] =	stream.linear.gather [hbm4b:s14+s13], $0x400, $0x38;
	[tilespmem:$0x1F800] =	vst v63  }
0x111: {  	_ =	swait.ge [sflag:s19], $0x400  }
0x112: {  	[sflag:s19] =	ssyncset.done $0x0  }
0x113: {  	[sflag:s19] =	ssyncadd.s32 $0xFFFFFC00  }
0x114: {  	[spmem:s2] =	stream.indirect.scatter [tilespmem:s21], [sflag:$0x2], $0x20, s18, s20, $0xb8;
	[tilespmem:$0x1F800] =	vst v63  }
0x115: {  	_ =	swait.ge [sflag:s19], $0x1000  }
0x116: {  	[sflag:s19] =	ssyncset.done $0x0  }
0x117: {  	[sflag:s19] =	ssyncadd.s32 $0xFFFFF000  }
0x118: {  	[spmem:s2] =	stream.indirect.scatter [tilespmem:s21], [sflag:$0x2], $0x20, s11, s20, $0xb8;
	[tilespmem:$0x1F800] =	vst v63  }
0x119: {  	_ =	swait.ge [sflag:s19], $0x1000  }
0x11a: {  	[sflag:s19] =	ssyncset.done $0x0  }
0x11b: {  	s7 =	simm.s32 $0x500;
	[sflag:s19] =	ssyncadd.s32 $0xFFFFF000  }
0x11c: {  	[spmem:s2] =	stream.indirect.scatter [tilespmem:s21], [sflag:$0x2], $0x20, s7, s20, $0xb8;
	[tilespmem:$0x1F800] =	vst v63  }
0x11d: {  	_ =	swait.ge [sflag:s19], $0x1000  }
0x11e: {  	[sflag:s19] =	ssyncset.done $0x0  }
0x11f: {  	[sflag:s19] =	ssyncadd.s32 $0xFFFFF000  }
0x120: {  	[spmem:s2] =	stream.indirect.scatter [tilespmem:s21], [sflag:$0x2], $0x20, s24, s20, $0xb8;
	[tilespmem:$0x1F800] =	vst v63  }
0x121: {  	_ =	swait.ge [sflag:s19], $0x1000  }
0x122: {  	[sflag:s19] =	ssyncset.done $0x0  }
0x123: {  	[sflag:s19] =	ssyncadd.s32 $0xFFFFF000  }
0x124: {  	[spmem:s2] =	stream.indirect.scatter [tilespmem:s21], [sflag:$0x2], $0x20, s25, s20, $0xb8;
	[tilespmem:$0x1F800] =	vst v63  }
0x125: {  	_ =	swait.ge [sflag:s19], $0x1000  }
0x126: {  	[sflag:s19] =	ssyncset.done $0x0  }
0x127: {  	[sflag:s19] =	ssyncadd.s32 $0xFFFFF000  }
0x128: {  	[spmem:s2] =	stream.indirect.scatter [tilespmem:s21], [sflag:$0x2], $0x20, s26, s20, $0xb8;
	[tilespmem:$0x1F800] =	vst v63  }
0x129: {  	_ =	swait.ge [sflag:s19], $0x1000  }
0x12a: {  	[sflag:s19] =	ssyncset.done $0x0  }
0x12b: {  	[sflag:s19] =	ssyncadd.s32 $0xFFFFF000  }
0x12c: {  	[spmem:s2] =	stream.indirect.scatter [tilespmem:s21], [sflag:$0x2], $0x20, s28, s20, $0xb8;
	[tilespmem:$0x1F800] =	vst v63  }
0x12d: {  	_ =	swait.ge [sflag:s19], $0x1000  }
0x12e: {  	[sflag:s19] =	ssyncset.done $0x0  }
0x12f: {  	[sflag:s19] =	ssyncadd.s32 $0xFFFFF000  }
0x130: {  	[spmem:s2] =	stream.indirect.scatter [tilespmem:s21], [sflag:$0x2], $0x20, s29, s20, $0xb8;
	[tilespmem:$0x1F800] =	vst v63  }
0x131: {  	_ =	swait.ge [sflag:s19], $0x1000  }
0x132: {  	[sflag:s19] =	ssyncset.done $0x0  }
0x133: {  	[sflag:s19] =	ssyncadd.s32 $0xFFFFF000  }
0x134: {  	[tilespmem:s18], [sflag:$0x2] =	stream.linear.gather [hbm4b:s15+s13], $0x400, $0x38;
	[tilespmem:$0x1F800] =	vst v63  }
0x135: {  	_ =	swait.ge [sflag:s19], $0x400  }
0x136: {  	[sflag:s19] =	ssyncset.done $0x0  }
0x137: {  	[sflag:s19] =	ssyncadd.s32 $0xFFFFFC00  }
0x138: {  	[spmem:s2] =	stream.indirect.scatter [tilespmem:s21], [sflag:$0x2], $0x20, s18, s20, $0xb8;
	[tilespmem:$0x1F800] =	vst v63  }
0x139: {  	_ =	swait.ge [sflag:s19], $0x1000  }
0x13a: {  	[sflag:s19] =	ssyncset.done $0x0  }
0x13b: {  	[sflag:s19] =	ssyncadd.s32 $0xFFFFF000  }
0x13c: {  	[spmem:s2] =	stream.indirect.scatter [tilespmem:s21], [sflag:$0x2], $0x20, s11, s20, $0xb8;
	[tilespmem:$0x1F800] =	vst v63  }
0x13d: {  	_ =	swait.ge [sflag:s19], $0x1000  }
0x13e: {  	[sflag:s19] =	ssyncset.done $0x0  }
0x13f: {  	[sflag:s19] =	ssyncadd.s32 $0xFFFFF000  }
0x140: {  	[spmem:s2] =	stream.indirect.scatter [tilespmem:s21], [sflag:$0x2], $0x20, s7, s20, $0xb8;
	[tilespmem:$0x1F800] =	vst v63  }
0x141: {  	_ =	swait.ge [sflag:s19], $0x1000  }
0x142: {  	[sflag:s19] =	ssyncset.done $0x0  }
0x143: {  	[sflag:s19] =	ssyncadd.s32 $0xFFFFF000  }
0x144: {  	[spmem:s2] =	stream.indirect.scatter [tilespmem:s21], [sflag:$0x2], $0x20, s24, s20, $0xb8;
	[tilespmem:$0x1F800] =	vst v63  }
0x145: {  	_ =	swait.ge [sflag:s19], $0x1000  }
0x146: {  	[sflag:s19] =	ssyncset.done $0x0  }
0x147: {  	[sflag:s19] =	ssyncadd.s32 $0xFFFFF000  }
0x148: {  	[spmem:s2] =	stream.indirect.scatter [tilespmem:s21], [sflag:$0x2], $0x20, s25, s20, $0xb8;
	[tilespmem:$0x1F800] =	vst v63  }
0x149: {  	_ =	swait.ge [sflag:s19], $0x1000  }
0x14a: {  	[sflag:s19] =	ssyncset.done $0x0  }
0x14b: {  	[sflag:s19] =	ssyncadd.s32 $0xFFFFF000  }
0x14c: {  	[spmem:s2] =	stream.indirect.scatter [tilespmem:s21], [sflag:$0x2], $0x20, s26, s20, $0xb8;
	[tilespmem:$0x1F800] =	vst v63  }
0x14d: {  	_ =	swait.ge [sflag:s19], $0x1000  }
0x14e: {  	[sflag:s19] =	ssyncset.done $0x0  }
0x14f: {  	[sflag:s19] =	ssyncadd.s32 $0xFFFFF000  }
0x150: {  	[spmem:s2] =	stream.indirect.scatter [tilespmem:s21], [sflag:$0x2], $0x20, s28, s20, $0xb8;
	[tilespmem:$0x1F800] =	vst v63  }
0x151: {  	_ =	swait.ge [sflag:s19], $0x1000  }
0x152: {  	[sflag:s19] =	ssyncset.done $0x0  }
0x153: {  	[sflag:s19] =	ssyncadd.s32 $0xFFFFF000  }
0x154: {  	[spmem:s2] =	stream.indirect.scatter [tilespmem:s21], [sflag:$0x2], $0x20, s29, s20, $0xb8;
	[tilespmem:$0x1F800] =	vst v63  }
0x155: {  	_ =	swait.ge [sflag:s19], $0x1000  }
0x156: {  	[sflag:s19] =	ssyncset.done $0x0  }
0x157: {  	[sflag:s19] =	ssyncadd.s32 $0xFFFFF000  }
0x158: {  	[tilespmem:s18], [sflag:$0x2] =	stream.linear.gather [hbm4b:s16+s13], $0x400, $0x38;
	[tilespmem:$0x1F800] =	vst v63  }
0x159: {  	_ =	swait.ge [sflag:s19], $0x400  }
0x15a: {  	[sflag:s19] =	ssyncset.done $0x0  }
0x15b: {  	[sflag:s19] =	ssyncadd.s32 $0xFFFFFC00  }
0x15c: {  	[spmem:s2] =	stream.indirect.scatter [tilespmem:s21], [sflag:$0x2], $0x20, s18, s20, $0xb8;
	[tilespmem:$0x1F800] =	vst v63  }
0x15d: {  	_ =	swait.ge [sflag:s19], $0x1000  }
0x15e: {  	[sflag:s19] =	ssyncset.done $0x0  }
0x15f: {  	[sflag:s19] =	ssyncadd.s32 $0xFFFFF000  }
0x160: {  	[spmem:s2] =	stream.indirect.scatter [tilespmem:s21], [sflag:$0x2], $0x20, s11, s20, $0xb8;
	[tilespmem:$0x1F800] =	vst v63  }
0x161: {  	_ =	swait.ge [sflag:s19], $0x1000  }
0x162: {  	[sflag:s19] =	ssyncset.done $0x0  }
0x163: {  	[sflag:s19] =	ssyncadd.s32 $0xFFFFF000  }
0x164: {  	[spmem:s2] =	stream.indirect.scatter [tilespmem:s21], [sflag:$0x2], $0x20, s7, s20, $0xb8;
	[tilespmem:$0x1F800] =	vst v63  }
0x165: {  	_ =	swait.ge [sflag:s19], $0x1000  }
0x166: {  	[sflag:s19] =	ssyncset.done $0x0  }
0x167: {  	[sflag:s19] =	ssyncadd.s32 $0xFFFFF000  }
0x168: {  	[spmem:s2] =	stream.indirect.scatter [tilespmem:s21], [sflag:$0x2], $0x20, s24, s20, $0xb8;
	[tilespmem:$0x1F800] =	vst v63  }
0x169: {  	_ =	swait.ge [sflag:s19], $0x1000  }
0x16a: {  	[sflag:s19] =	ssyncset.done $0x0  }
0x16b: {  	[sflag:s19] =	ssyncadd.s32 $0xFFFFF000  }
0x16c: {  	[spmem:s2] =	stream.indirect.scatter [tilespmem:s21], [sflag:$0x2], $0x20, s25, s20, $0xb8;
	[tilespmem:$0x1F800] =	vst v63  }
0x16d: {  	_ =	swait.ge [sflag:s19], $0x1000  }
0x16e: {  	[sflag:s19] =	ssyncset.done $0x0  }
0x16f: {  	[sflag:s19] =	ssyncadd.s32 $0xFFFFF000  }
0x170: {  	[spmem:s2] =	stream.indirect.scatter [tilespmem:s21], [sflag:$0x2], $0x20, s26, s20, $0xb8;
	[tilespmem:$0x1F800] =	vst v63  }
0x171: {  	_ =	swait.ge [sflag:s19], $0x1000  }
0x172: {  	[sflag:s19] =	ssyncset.done $0x0  }
0x173: {  	[sflag:s19] =	ssyncadd.s32 $0xFFFFF000  }
0x174: {  	[spmem:s2] =	stream.indirect.scatter [tilespmem:s21], [sflag:$0x2], $0x20, s28, s20, $0xb8;
	[tilespmem:$0x1F800] =	vst v63  }
0x175: {  	_ =	swait.ge [sflag:s19], $0x1000  }
0x176: {  	[sflag:s19] =	ssyncset.done $0x0  }
0x177: {  	[sflag:s19] =	ssyncadd.s32 $0xFFFFF000  }
0x178: {  	[spmem:s2] =	stream.indirect.scatter [tilespmem:s21], [sflag:$0x2], $0x20, s29, s20, $0xb8;
	[tilespmem:$0x1F800] =	vst v63  }
0x179: {  	_ =	swait.ge [sflag:s19], $0x1000  }
0x17a: {  	[sflag:s19] =	ssyncset.done $0x0  }
0x17b: {  	[sflag:s19] =	ssyncadd.s32 $0xFFFFF000  }
0x17c: {  	[tilespmem:s18], [sflag:$0x2] =	stream.linear.gather [hbm4b:s22+s13], $0x400, $0x38;
	[tilespmem:$0x1F800] =	vst v63  }
0x17d: {  	_ =	swait.ge [sflag:s19], $0x400  }
0x17e: {  	[sflag:s19] =	ssyncset.done $0x0  }
0x17f: {  	[sflag:s19] =	ssyncadd.s32 $0xFFFFFC00  }
0x180: {  	[spmem:s2] =	stream.indirect.scatter [tilespmem:s21], [sflag:$0x2], $0x20, s18, s20, $0xb8;
	[tilespmem:$0x1F800] =	vst v63  }
0x181: {  	_ =	swait.ge [sflag:s19], $0x1000  }
0x182: {  	[sflag:s19] =	ssyncset.done $0x0  }
0x183: {  	[sflag:s19] =	ssyncadd.s32 $0xFFFFF000  }
0x184: {  	[spmem:s2] =	stream.indirect.scatter [tilespmem:s21], [sflag:$0x2], $0x20, s11, s20, $0xb8;
	[tilespmem:$0x1F800] =	vst v63  }
0x185: {  	_ =	swait.ge [sflag:s19], $0x1000  }
0x186: {  	[sflag:s19] =	ssyncset.done $0x0  }
0x187: {  	[sflag:s19] =	ssyncadd.s32 $0xFFFFF000  }
0x188: {  	[spmem:s2] =	stream.indirect.scatter [tilespmem:s21], [sflag:$0x2], $0x20, s7, s20, $0xb8;
	[tilespmem:$0x1F800] =	vst v63  }
0x189: {  	_ =	swait.ge [sflag:s19], $0x1000  }
0x18a: {  	[sflag:s19] =	ssyncset.done $0x0  }
0x18b: {  	[sflag:s19] =	ssyncadd.s32 $0xFFFFF000  }
0x18c: {  	[spmem:s2] =	stream.indirect.scatter [tilespmem:s21], [sflag:$0x2], $0x20, s24, s20, $0xb8;
	[tilespmem:$0x1F800] =	vst v63  }
0x18d: {  	_ =	swait.ge [sflag:s19], $0x1000  }
0x18e: {  	[sflag:s19] =	ssyncset.done $0x0  }
0x18f: {  	[sflag:s19] =	ssyncadd.s32 $0xFFFFF000  }
0x190: {  	[spmem:s2] =	stream.indirect.scatter [tilespmem:s21], [sflag:$0x2], $0x20, s25, s20, $0xb8;
	[tilespmem:$0x1F800] =	vst v63  }
0x191: {  	_ =	swait.ge [sflag:s19], $0x1000  }
0x192: {  	[sflag:s19] =	ssyncset.done $0x0  }
0x193: {  	[sflag:s19] =	ssyncadd.s32 $0xFFFFF000  }
0x194: {  	[spmem:s2] =	stream.indirect.scatter [tilespmem:s21], [sflag:$0x2], $0x20, s26, s20, $0xb8;
	[tilespmem:$0x1F800] =	vst v63  }
0x195: {  	_ =	swait.ge [sflag:s19], $0x1000  }
0x196: {  	[sflag:s19] =	ssyncset.done $0x0  }
0x197: {  	[sflag:s19] =	ssyncadd.s32 $0xFFFFF000  }
0x198: {  	[spmem:s2] =	stream.indirect.scatter [tilespmem:s21], [sflag:$0x2], $0x20, s28, s20, $0xb8;
	[tilespmem:$0x1F800] =	vst v63  }
0x199: {  	_ =	swait.ge [sflag:s19], $0x1000  }
0x19a: {  	[sflag:s19] =	ssyncset.done $0x0  }
0x19b: {  	[sflag:s19] =	ssyncadd.s32 $0xFFFFF000  }
0x19c: {  	[spmem:s2] =	stream.indirect.scatter [tilespmem:s21], [sflag:$0x2], $0x20, s29, s20, $0xb8;
	[tilespmem:$0x1F800] =	vst v63  }
.Ltmp3:
0x19d: {  	_ =	swait.ge [sflag:s19], $0x1000;
	(pc) =	sbr.rel .LBB2_4-.Ltmp3, $4  }
0x19e: {  	[sflag:s19] =	ssyncset.done $0x0  }
0x19f: {  	[sflag:s19] =	ssyncadd.s32 $0xFFFFF000  }
0x1a0: {  	[bflag:$0x0] =	sbarrier.arrive $0xFFFF  }
0x1a1: {  	s14 =	simm.s32 $0x0  }
.LBB2_25:
0x1a2: {  	s14 =	sadd.s32 $0x1, s14  }
0x1a3: {  	p1 =	sne.s32 s14, $0x31  }
.Ltmp4:
0x1a4: {  	_ = 	snop;
	(pc) =	sbr.rel @!p1 .LBB2_26-.Ltmp4, $1  }
0x1a5: {  	_ =	sdelay $0x3  }
.LBB2_4:
0x1a6: {  	s15 =	sshll.u32 s14, $0x3  }
0x1a7: {  	s7 =	sadd.s32 s17, s15  }
0x1a8: {  	s7 =	sshll.u32 s7, $0x4  }
0x1a9: {  	s9 =	sadd.s32 s5, s7  }
0x1aa: {  	[tilespmem:s13], [sflag:$0x2] =	stream.linear.gather [hbm4b:s9+s13], $0x400, $0x38;
	[tilespmem:$0x1F800] =	vst v63  }
0x1ab: {  	_ =	swait.ge [sflag:s19], $0x400  }
0x1ac: {  	[sflag:s19] =	ssyncset.done $0x0  }
.Ltmp5:
0x1ad: {  	s7 =	sadd.s32 s6, s7;
	[sflag:s19] =	ssyncadd.s32 $0xFFFFFC00;
	(pc) =	sbr.rel .LBB2_5-.Ltmp5, $4  }
0x1ae: {  	[tilespmem:s18], [sflag:$0x2] =	stream.linear.gather [hbm4b:s7+s13], $0x400, $0x38;
	[tilespmem:$0x1F800] =	vst v63  }
0x1af: {  	_ =	swait.ge [sflag:s19], $0x400  }
0x1b0: {  	[sflag:s19] =	ssyncset.done $0x0  }
0x1b1: {  	s16 =	simm.s32 $0x0;
	[sflag:s19] =	ssyncadd.s32 $0xFFFFFC00  }
.LBB2_23:
0x1b2: {  	[tilespmem:s22+$0x0] =	vst v1  }
.LBB2_24:
0x1b3: {  	s16 =	sadd.s32 $0x1, s16  }
0x1b4: {  	p1 =	sne.s32 s16, $0x8  }
.Ltmp6:
0x1b5: {  	s7 =	sadd.s32 $0x400, s7;
	(pc) =	sbr.rel @!p1 .LBB2_25-.Ltmp6, $4  }
0x1b6: {  	[spmem:s2] =	stream.indirect.scatter.add.f32 [tilespmem:s21], [sflag:$0x1], $0x20, s7, s20, $0xb8;
	[tilespmem:$0x1F800] =	vst v63  }
0x1b7: {  	_ =	swait.ge [sflag:s0], $0x1000  }
0x1b8: {  	[sflag:s0] =	ssyncset.done $0x0  }
0x1b9: {  	[sflag:s0] =	ssyncadd.s32 $0xFFFFF000  }
.LBB2_5:
0x1ba: {  	s7 =	sadd.s32 s15, s16  }
0x1bb: {  	s7 =	sshll.u32 s7, $0x9  }
0x1bc: {  	s22 =	simm.s32 $0x0;
	s7 =	sadd.s32 s7, s8  }
0x1bd: {  	[tilespmem:s30], [sflag:$0x2] =	stream.linear.gather [hbm4b:s7+s22], $0x1000, $0x38;
	[tilespmem:$0x1F800] =	vst v63  }
0x1be: {  	_ =	swait.ge [sflag:s19], $0x1000  }
0x1bf: {  	[sflag:s19] =	ssyncset.done $0x0  }
.Ltmp7:
0x1c0: {  	s7 =	sshll.u32 s16, $0x7;
	[sflag:s19] =	ssyncadd.s32 $0xFFFFF000;
	(pc) =	sbr.rel @p0 .LBB2_15-.Ltmp7, $4  }
0x1c1: {  	[tilespmem:s1], [sflag:$0x1] =	stream.indirect.gather [hbm4b:s4+s31], $0x80, s7, s31, $0xb8;
	[tilespmem:$0x1F800] =	vst v63  }
0x1c2: {  	_ =	swait.ge [sflag:s0], $0x1000  }
0x1c3: {  	s10 =	simm.s32 $0x830;
	[sflag:s0] =	ssyncset.done $0x0  }
0x1c4: {  	s11 =	simm.s32 $0x810;
	s9 =	simm.s32 $0x2810;
	[sflag:s0] =	ssyncadd.s32 $0xFFFFF000  }
0x1c5: {  	v1 =	vld [tilespmem:s11+$0xFFFFFFF0];
	s10 =	sand.u32 $0x3E0, s22  }
0x1c6: {  	v2 =	vld [tilespmem:s10+$0x1800];
	_ =	sdelay $0x4  }
0x1c7: {  	v1 =	vmul.f32 v2, v1;
	_ =	sdelay $0x1  }
0x1c8: {  	[tilespmem:s9+$0xFFFFFFF0] =	vst v1  }
0x1c9: {  	v1 =	vld [tilespmem:s11+$0x0]  }
0x1ca: {  	v2 =	vld [tilespmem:s10+$0x1810];
	_ =	sdelay $0x4  }
0x1cb: {  	s22 =	simm.s32 $0x2810;
	s10 =	simm.s32 $0x20;
	v1 =	vmul.f32 v2, v1  }
.LBB2_7:
0x1cc: {  	p1 =	seq.s32 s10, $0x3E0;
	s11 =	sadd.s32 $0x80, s11;
	s9 =	sadd.s32 $0x80, s9  }
0x1cd: {  	s23 =	smov.u32 s10;
	s10 =	sadd.s32 $0x20, s10;
	[tilespmem:s22+$0x0] =	vst v1;
	s22 =	smov.u32 s9  }
0x1ce: {  	s23 =	sand.u32 $0x3E0, s23;
	v1 =	vld [tilespmem:s11+$0xFFFFFFF0]  }
0x1cf: {  	v2 =	vld [tilespmem:s23+$0x1800];
	_ =	sdelay $0x4  }
0x1d0: {  	v1 =	vmul.f32 v2, v1;
	_ =	sdelay $0x1  }
0x1d1: {  	[tilespmem:s9+$0xFFFFFFF0] =	vst v1  }
0x1d2: {  	v1 =	vld [tilespmem:s11+$0x0]  }
0x1d3: {  	v2 =	vld [tilespmem:s23+$0x1810]  }
.Ltmp8:
0x1d4: {  	(pc) =	sbr.rel @!p1 .LBB2_7-.Ltmp8, $2  }
0x1d5: {  	_ =	sdelay $0x2  }
0x1d6: {  	v1 =	vmul.f32 v2, v1  }
0x1d7: {  	_ = 	snop  }
0x1d8: {  	s9 =	sadd.s32 $0x20, s7;
	[tilespmem:s22+$0x0] =	vst v1  }
0x1d9: {  	[tilespmem:s1], [sflag:$0x1] =	stream.indirect.gather [hbm4b:s4+s31], $0x80, s9, s31, $0xb8;
	[tilespmem:$0x1F800] =	vst v63  }
0x1da: {  	_ =	swait.ge [sflag:s0], $0x1000  }
0x1db: {  	[sflag:s0] =	ssyncset.done $0x0  }
0x1dc: {  	s10 =	simm.s32 $0x0;
	s9 =	simm.s32 $0x810;
	[sflag:s0] =	ssyncadd.s32 $0xFFFFF000  }
0x1dd: {  	s11 =	sand.u32 $0x3E0, s10;
	v1 =	vld [tilespmem:s9+$0xFFFFFFF0]  }
0x1de: {  	v2 =	vld [tilespmem:s11+$0x1C00];
	_ =	sdelay $0x4  }
0x1df: {  	v1 =	vmul.f32 v2, v1  }
0x1e0: {  	s10 =	simm.s32 $0x3810  }
0x1e1: {  	[tilespmem:s10+$0xFFFFFFF0] =	vst v1  }
0x1e2: {  	v1 =	vld [tilespmem:s9+$0x0]  }
0x1e3: {  	v2 =	vld [tilespmem:s11+$0x1C10];
	_ =	sdelay $0x4  }
0x1e4: {  	s22 =	simm.s32 $0x3810;
	s11 =	simm.s32 $0x20;
	v1 =	vmul.f32 v2, v1  }
.LBB2_9:
0x1e5: {  	p1 =	seq.s32 s11, $0x3E0;
	s10 =	sadd.s32 $0x80, s10;
	s9 =	sadd.s32 $0x80, s9  }
0x1e6: {  	s23 =	smov.u32 s11;
	s11 =	sadd.s32 $0x20, s11;
	[tilespmem:s22+$0x0] =	vst v1;
	s22 =	smov.u32 s10  }
0x1e7: {  	s23 =	sand.u32 $0x3E0, s23;
	v1 =	vld [tilespmem:s9+$0xFFFFFFF0]  }
0x1e8: {  	v2 =	vld [tilespmem:s23+$0x1C00];
	_ =	sdelay $0x4  }
0x1e9: {  	v1 =	vmul.f32 v2, v1;
	_ =	sdelay $0x1  }
0x1ea: {  	[tilespmem:s10+$0xFFFFFFF0] =	vst v1  }
0x1eb: {  	v1 =	vld [tilespmem:s9+$0x0]  }
0x1ec: {  	v2 =	vld [tilespmem:s23+$0x1C10]  }
.Ltmp9:
0x1ed: {  	(pc) =	sbr.rel @!p1 .LBB2_9-.Ltmp9, $2  }
0x1ee: {  	_ =	sdelay $0x2  }
0x1ef: {  	v1 =	vmul.f32 v2, v1  }
0x1f0: {  	_ = 	snop  }
0x1f1: {  	s9 =	sadd.s32 $0x40, s7;
	[tilespmem:s22+$0x0] =	vst v1  }
0x1f2: {  	[tilespmem:s1], [sflag:$0x1] =	stream.indirect.gather [hbm4b:s4+s31], $0x80, s9, s31, $0xb8;
	[tilespmem:$0x1F800] =	vst v63  }
0x1f3: {  	_ =	swait.ge [sflag:s0], $0x1000  }
0x1f4: {  	[sflag:s0] =	ssyncset.done $0x0  }
0x1f5: {  	s10 =	simm.s32 $0x0;
	s9 =	simm.s32 $0x810;
	[sflag:s0] =	ssyncadd.s32 $0xFFFFF000  }
0x1f6: {  	s11 =	sand.u32 $0x3E0, s10;
	v1 =	vld [tilespmem:s9+$0xFFFFFFF0]  }
0x1f7: {  	v2 =	vld [tilespmem:s11+$0x2000];
	_ =	sdelay $0x4  }
0x1f8: {  	v1 =	vmul.f32 v2, v1  }
0x1f9: {  	s10 =	simm.s32 $0x4810  }
0x1fa: {  	[tilespmem:s10+$0xFFFFFFF0] =	vst v1  }
0x1fb: {  	v1 =	vld [tilespmem:s9+$0x0]  }
0x1fc: {  	v2 =	vld [tilespmem:s11+$0x2010];
	_ =	sdelay $0x4  }
0x1fd: {  	s22 =	simm.s32 $0x4810;
	s11 =	simm.s32 $0x20;
	v1 =	vmul.f32 v2, v1  }
.LBB2_11:
0x1fe: {  	p1 =	seq.s32 s11, $0x3E0;
	s10 =	sadd.s32 $0x80, s10;
	s9 =	sadd.s32 $0x80, s9  }
0x1ff: {  	s23 =	smov.u32 s11;
	s11 =	sadd.s32 $0x20, s11;
	[tilespmem:s22+$0x0] =	vst v1;
	s22 =	smov.u32 s10  }
0x200: {  	s23 =	sand.u32 $0x3E0, s23;
	v1 =	vld [tilespmem:s9+$0xFFFFFFF0]  }
0x201: {  	v2 =	vld [tilespmem:s23+$0x2000];
	_ =	sdelay $0x4  }
0x202: {  	v1 =	vmul.f32 v2, v1;
	_ =	sdelay $0x1  }
0x203: {  	[tilespmem:s10+$0xFFFFFFF0] =	vst v1  }
0x204: {  	v1 =	vld [tilespmem:s9+$0x0]  }
0x205: {  	v2 =	vld [tilespmem:s23+$0x2010]  }
.Ltmp10:
0x206: {  	(pc) =	sbr.rel @!p1 .LBB2_11-.Ltmp10, $2  }
0x207: {  	_ =	sdelay $0x2  }
0x208: {  	v1 =	vmul.f32 v2, v1  }
0x209: {  	_ = 	snop  }
0x20a: {  	s9 =	sadd.s32 $0x60, s7;
	[tilespmem:s22+$0x0] =	vst v1  }
0x20b: {  	[tilespmem:s1], [sflag:$0x1] =	stream.indirect.gather [hbm4b:s4+s31], $0x80, s9, s31, $0xb8;
	[tilespmem:$0x1F800] =	vst v63  }
0x20c: {  	_ =	swait.ge [sflag:s0], $0x1000  }
0x20d: {  	[sflag:s0] =	ssyncset.done $0x0  }
0x20e: {  	s10 =	simm.s32 $0x0;
	s9 =	simm.s32 $0x810;
	[sflag:s0] =	ssyncadd.s32 $0xFFFFF000  }
0x20f: {  	s11 =	sand.u32 $0x3E0, s10;
	v1 =	vld [tilespmem:s9+$0xFFFFFFF0]  }
0x210: {  	v2 =	vld [tilespmem:s11+$0x2400];
	_ =	sdelay $0x4  }
0x211: {  	v1 =	vmul.f32 v2, v1  }
0x212: {  	s10 =	simm.s32 $0x5810  }
0x213: {  	[tilespmem:s10+$0xFFFFFFF0] =	vst v1  }
0x214: {  	v1 =	vld [tilespmem:s9+$0x0]  }
0x215: {  	v2 =	vld [tilespmem:s11+$0x2410];
	_ =	sdelay $0x4  }
0x216: {  	s22 =	simm.s32 $0x5810;
	s11 =	simm.s32 $0x20;
	v1 =	vmul.f32 v2, v1  }
.LBB2_13:
0x217: {  	p1 =	seq.s32 s11, $0x3E0;
	s10 =	sadd.s32 $0x80, s10;
	s9 =	sadd.s32 $0x80, s9  }
0x218: {  	s23 =	smov.u32 s11;
	s11 =	sadd.s32 $0x20, s11;
	[tilespmem:s22+$0x0] =	vst v1;
	s22 =	smov.u32 s10  }
0x219: {  	s23 =	sand.u32 $0x3E0, s23;
	v1 =	vld [tilespmem:s9+$0xFFFFFFF0]  }
0x21a: {  	v2 =	vld [tilespmem:s23+$0x2400];
	_ =	sdelay $0x4  }
0x21b: {  	v1 =	vmul.f32 v2, v1;
	_ =	sdelay $0x1  }
0x21c: {  	[tilespmem:s10+$0xFFFFFFF0] =	vst v1  }
0x21d: {  	v1 =	vld [tilespmem:s9+$0x0]  }
0x21e: {  	v2 =	vld [tilespmem:s23+$0x2410]  }
.Ltmp11:
0x21f: {  	(pc) =	sbr.rel @!p1 .LBB2_13-.Ltmp11, $2  }
0x220: {  	_ =	sdelay $0x2  }
0x221: {  	v1 =	vmul.f32 v2, v1  }
.Ltmp12:
0x222: {  	(pc) =	sbr.rel .LBB2_24-.Ltmp12, $2  }
0x223: {  	_ =	sdelay $0x2  }
0x224: {  	[tilespmem:s22+$0x0] =	vst v1  }
.LBB2_15:
0x225: {  	v1 =	vld [tilespmem:s10+$0xFFFFFFF0];
	s11 =	sand.u32 $0x3E0, s22  }
0x226: {  	v2 =	vld [tilespmem:s11+$0x1800];
	_ =	sdelay $0x4  }
0x227: {  	v1 =	vmul.f32 v2, v1;
	_ =	sdelay $0x1  }
0x228: {  	[tilespmem:s9+$0xFFFFFFF0] =	vst v1  }
0x229: {  	v1 =	vld [tilespmem:s10+$0x0]  }
0x22a: {  	v2 =	vld [tilespmem:s11+$0x1810];
	_ =	sdelay $0x4  }
0x22b: {  	s22 =	simm.s32 $0x2810;
	s11 =	simm.s32 $0x20;
	v1 =	vmul.f32 v2, v1  }
.LBB2_16:
0x22c: {  	p1 =	seq.s32 s11, $0x3E0;
	s10 =	sadd.s32 $0x80, s10;
	s9 =	sadd.s32 $0x80, s9  }
0x22d: {  	s23 =	smov.u32 s11;
	s11 =	sadd.s32 $0x20, s11;
	[tilespmem:s22+$0x0] =	vst v1;
	s22 =	smov.u32 s9  }
0x22e: {  	s23 =	sand.u32 $0x3E0, s23;
	v1 =	vld [tilespmem:s10+$0xFFFFFFF0]  }
0x22f: {  	v2 =	vld [tilespmem:s23+$0x1800];
	_ =	sdelay $0x4  }
0x230: {  	v1 =	vmul.f32 v2, v1;
	_ =	sdelay $0x1  }
0x231: {  	[tilespmem:s9+$0xFFFFFFF0] =	vst v1  }
0x232: {  	v1 =	vld [tilespmem:s10+$0x0]  }
0x233: {  	v2 =	vld [tilespmem:s23+$0x1810]  }
.Ltmp13:
0x234: {  	(pc) =	sbr.rel @!p1 .LBB2_16-.Ltmp13, $2  }
0x235: {  	_ =	sdelay $0x2  }
0x236: {  	v1 =	vmul.f32 v2, v1  }
0x237: {  	_ = 	snop  }
0x238: {  	s9 =	sadd.s32 $0x20, s7;
	[tilespmem:s22+$0x0] =	vst v1  }
0x239: {  	[tilespmem:s1], [sflag:$0x1] =	stream.indirect.gather [hbm4b:s4+s31], $0x80, s9, s31, $0xb8;
	[tilespmem:$0x1F800] =	vst v63  }
0x23a: {  	_ =	swait.ge [sflag:s0], $0x1000  }
0x23b: {  	[sflag:s0] =	ssyncset.done $0x0  }
0x23c: {  	s10 =	simm.s32 $0x0;
	s9 =	simm.s32 $0x830;
	[sflag:s0] =	ssyncadd.s32 $0xFFFFF000  }
0x23d: {  	s11 =	sand.u32 $0x3E0, s10;
	v1 =	vld [tilespmem:s9+$0xFFFFFFF0]  }
0x23e: {  	v2 =	vld [tilespmem:s11+$0x1C00];
	_ =	sdelay $0x4  }
0x23f: {  	v1 =	vmul.f32 v2, v1  }
0x240: {  	s10 =	simm.s32 $0x3810  }
0x241: {  	[tilespmem:s10+$0xFFFFFFF0] =	vst v1  }
0x242: {  	v1 =	vld [tilespmem:s9+$0x0]  }
0x243: {  	v2 =	vld [tilespmem:s11+$0x1C10];
	_ =	sdelay $0x4  }
0x244: {  	s22 =	simm.s32 $0x3810;
	s11 =	simm.s32 $0x20;
	v1 =	vmul.f32 v2, v1  }
.LBB2_18:
0x245: {  	p1 =	seq.s32 s11, $0x3E0;
	s10 =	sadd.s32 $0x80, s10;
	s9 =	sadd.s32 $0x80, s9  }
0x246: {  	s23 =	smov.u32 s11;
	s11 =	sadd.s32 $0x20, s11;
	[tilespmem:s22+$0x0] =	vst v1;
	s22 =	smov.u32 s10  }
0x247: {  	s23 =	sand.u32 $0x3E0, s23;
	v1 =	vld [tilespmem:s9+$0xFFFFFFF0]  }
0x248: {  	v2 =	vld [tilespmem:s23+$0x1C00];
	_ =	sdelay $0x4  }
0x249: {  	v1 =	vmul.f32 v2, v1;
	_ =	sdelay $0x1  }
0x24a: {  	[tilespmem:s10+$0xFFFFFFF0] =	vst v1  }
0x24b: {  	v1 =	vld [tilespmem:s9+$0x0]  }
0x24c: {  	v2 =	vld [tilespmem:s23+$0x1C10]  }
.Ltmp14:
0x24d: {  	(pc) =	sbr.rel @!p1 .LBB2_18-.Ltmp14, $2  }
0x24e: {  	_ =	sdelay $0x2  }
0x24f: {  	v1 =	vmul.f32 v2, v1  }
0x250: {  	_ = 	snop  }
0x251: {  	s9 =	sadd.s32 $0x40, s7;
	[tilespmem:s22+$0x0] =	vst v1  }
0x252: {  	[tilespmem:s1], [sflag:$0x1] =	stream.indirect.gather [hbm4b:s4+s31], $0x80, s9, s31, $0xb8;
	[tilespmem:$0x1F800] =	vst v63  }
0x253: {  	_ =	swait.ge [sflag:s0], $0x1000  }
0x254: {  	[sflag:s0] =	ssyncset.done $0x0  }
0x255: {  	s10 =	simm.s32 $0x0;
	s9 =	simm.s32 $0x830;
	[sflag:s0] =	ssyncadd.s32 $0xFFFFF000  }
0x256: {  	s11 =	sand.u32 $0x3E0, s10;
	v1 =	vld [tilespmem:s9+$0xFFFFFFF0]  }
0x257: {  	v2 =	vld [tilespmem:s11+$0x2000];
	_ =	sdelay $0x4  }
0x258: {  	v1 =	vmul.f32 v2, v1  }
0x259: {  	s10 =	simm.s32 $0x4810  }
0x25a: {  	[tilespmem:s10+$0xFFFFFFF0] =	vst v1  }
0x25b: {  	v1 =	vld [tilespmem:s9+$0x0]  }
0x25c: {  	v2 =	vld [tilespmem:s11+$0x2010];
	_ =	sdelay $0x4  }
0x25d: {  	s22 =	simm.s32 $0x4810;
	s11 =	simm.s32 $0x20;
	v1 =	vmul.f32 v2, v1  }
.LBB2_20:
0x25e: {  	p1 =	seq.s32 s11, $0x3E0;
	s10 =	sadd.s32 $0x80, s10;
	s9 =	sadd.s32 $0x80, s9  }
0x25f: {  	s23 =	smov.u32 s11;
	s11 =	sadd.s32 $0x20, s11;
	[tilespmem:s22+$0x0] =	vst v1;
	s22 =	smov.u32 s10  }
0x260: {  	s23 =	sand.u32 $0x3E0, s23;
	v1 =	vld [tilespmem:s9+$0xFFFFFFF0]  }
0x261: {  	v2 =	vld [tilespmem:s23+$0x2000];
	_ =	sdelay $0x4  }
0x262: {  	v1 =	vmul.f32 v2, v1;
	_ =	sdelay $0x1  }
0x263: {  	[tilespmem:s10+$0xFFFFFFF0] =	vst v1  }
0x264: {  	v1 =	vld [tilespmem:s9+$0x0]  }
0x265: {  	v2 =	vld [tilespmem:s23+$0x2010]  }
.Ltmp15:
0x266: {  	(pc) =	sbr.rel @!p1 .LBB2_20-.Ltmp15, $2  }
0x267: {  	_ =	sdelay $0x2  }
0x268: {  	v1 =	vmul.f32 v2, v1  }
0x269: {  	_ = 	snop  }
0x26a: {  	s9 =	sadd.s32 $0x60, s7;
	[tilespmem:s22+$0x0] =	vst v1  }
0x26b: {  	[tilespmem:s1], [sflag:$0x1] =	stream.indirect.gather [hbm4b:s4+s31], $0x80, s9, s31, $0xb8;
	[tilespmem:$0x1F800] =	vst v63  }
0x26c: {  	_ =	swait.ge [sflag:s0], $0x1000  }
0x26d: {  	[sflag:s0] =	ssyncset.done $0x0  }
0x26e: {  	s10 =	simm.s32 $0x0;
	s9 =	simm.s32 $0x830;
	[sflag:s0] =	ssyncadd.s32 $0xFFFFF000  }
0x26f: {  	s11 =	sand.u32 $0x3E0, s10;
	v1 =	vld [tilespmem:s9+$0xFFFFFFF0]  }
0x270: {  	v2 =	vld [tilespmem:s11+$0x2400];
	_ =	sdelay $0x4  }
0x271: {  	v1 =	vmul.f32 v2, v1  }
0x272: {  	s10 =	simm.s32 $0x5810  }
0x273: {  	[tilespmem:s10+$0xFFFFFFF0] =	vst v1  }
0x274: {  	v1 =	vld [tilespmem:s9+$0x0]  }
0x275: {  	v2 =	vld [tilespmem:s11+$0x2410];
	_ =	sdelay $0x4  }
0x276: {  	s22 =	simm.s32 $0x5810;
	s11 =	simm.s32 $0x20;
	v1 =	vmul.f32 v2, v1  }
.LBB2_22:
0x277: {  	p1 =	sne.s32 s11, $0x3E0;
	s10 =	sadd.s32 $0x80, s10;
	s9 =	sadd.s32 $0x80, s9  }
0x278: {  	s23 =	smov.u32 s11;
	s11 =	sadd.s32 $0x20, s11;
	[tilespmem:s22+$0x0] =	vst v1;
	s22 =	smov.u32 s10  }
0x279: {  	s23 =	sand.u32 $0x3E0, s23;
	v1 =	vld [tilespmem:s9+$0xFFFFFFF0]  }
0x27a: {  	v2 =	vld [tilespmem:s23+$0x2400];
	_ =	sdelay $0x4  }
0x27b: {  	v1 =	vmul.f32 v2, v1;
	_ =	sdelay $0x1  }
0x27c: {  	[tilespmem:s10+$0xFFFFFFF0] =	vst v1  }
0x27d: {  	v1 =	vld [tilespmem:s9+$0x0]  }
0x27e: {  	v2 =	vld [tilespmem:s23+$0x2410]  }
.Ltmp16:
0x27f: {  	(pc) =	sbr.rel @p1 .LBB2_22-.Ltmp16, $2  }
0x280: {  	_ =	sdelay $0x2  }
0x281: {  	v1 =	vmul.f32 v2, v1  }
.Ltmp17:
0x282: {  	_ = 	snop;
	(pc) =	sbr.rel .LBB2_23-.Ltmp17, $1  }
0x283: {  	_ =	sdelay $0x3  }
.LBB2_27:
0x284: {  	_ =	sfence.sel $0x180000  }
0x285: {  	[bflag:$0x0] =	sbarrier.arrive $0xFFFF  }
0x286: {  	_ =	strace $0x9000004A  }
0x287: {  	s0 =	stileid.u32;
	[bflag:$0x2] =	sbarrier.arrive $0xFFFF  }
0x288: {  	p0 =	sne.s32 s0, $0x0;
	s0 =	rddreg [dreg:$0x2]  }
0x289: {  	s0 =	sadd.s32 @!p0 $0x100000, s0  }
0x28a: {  	[sflag:s0] =	ssyncadd.tile.s32 @!p0 $0x1;
	_ =	shalt  }
.Lfunc_end2:
_tile_overlayer_lowered:
.L_overlay_start_2:
0x28b: {  	(tag) =	ssettag $0x2  }
0x28c: {  	s0 =	rddreg [dreg:$0x0];
	s2 =	stileid.u32  }
0x28d: {  	s1 =	rddreg [dreg:$0x1];
	p0 =	sne.s32 s2, $0x0  }
0x28e: {  	s3 =	rddreg [dreg:$0x2];
	[bflag:$0x3] =	sbarrier.arrive $0xFFFF;
	s2 =	simm.s32 @!p0 $0x1C02  }
0x28f: {  	[timem:s3], [sflag:s2] =	dma.local @!p0 [hbm:s0], s1  }
0x290: {  	s0 =	simm.s32 @!p0 $0x2  }
0x291: {  	_ =	swait.ge @!p0 [sflag:s0], s1  }
0x292: {  	s1 =	ssub.s32 @!p0 $0x0, s1;
	[sflag:s0] =	ssyncset.done @!p0 $0x0  }
0x293: {  	[sflag:s0] =	ssyncadd.s32 @!p0 s1  }
0x294: {  	[bflag:$0x3] =	sbarrier.arrive $0xFFFF  }
0x295: {  	_ =	shalt  }

// kernel: kernel.16.cloned.1.call-start
scs
__scs_entry_jumppad:
0x0: {  	(pc) =	sbr.rel $0x88, $3  }
0x1: {  	(tag) =	ssettag $0x0;
	lr =	simm.s32 $0x1  }
0x2: {  	[smem:$0x3F8F] =	sst lr;
	_ =	strace $0xD0000000  }
0x3: {  	_ = 	snop  }
0x4: {  	_ = 	snop  }
0x5: {  	_ = 	snop  }
0x6: {  	_ = 	snop  }
0x7: {  	_ = 	snop  }
__scs_overlays_trampoline_lowered:
0x8: {  	[smem:$0x3F9E] =	sst s0  }
0x9: {  	[smem:$0x3F9F] =	sst s1  }
0xa: {  	[smem:$0x3FA0] =	sst s2  }
0xb: {  	[smem:$0x3FA1] =	sst s3  }
0xc: {  	[smem:$0x3FA2] =	sst s4  }
0xd: {  	[smem:$0x3FA3] =	sst s5  }
0xe: {  	[smem:$0x3FA4] =	sst s6  }
0xf: {  	[smem:$0x3FA5] =	sst s7  }
0x10: {  	[smem:$0x3FA6] =	sst s8  }
0x11: {  	[smem:$0x3FA7] =	sst s9;
	s0 =	simm.s32 @!p0 $0x0  }
0x12: {  	s1 =	sld [smem:$0x3F8D];
	s0 =	simm.s32 @p0 $0x1  }
0x13: {  	[smem:$0x3FA8] =	sst s0;
	s0 =	simm.s32 @!p1 $0x0  }
0x14: {  	s2 =	sld [smem:$0x3F8C];
	s0 =	simm.s32 @p1 $0x1  }
0x15: {  	[smem:$0x3FA9] =	sst s0;
	s0 =	simm.s32 @!p2 $0x0  }
0x16: {  	s3 =	sld [smem:$0x3FDB];
	s0 =	simm.s32 @p2 $0x1  }
0x17: {  	s4 =	simm.s32 $0x1BF5;
	[smem:$0x3FAB] =	sst s0  }
0x18: {  	s0 =	sld [smem:$0x3F8E];
	_ =	swait.ge [sflag:s4], $0x0  }
0x19: {  	s7 =	sld [smem:$0x3F8F]  }
0x1a: {  	s8 =	sadd.s32 $0xFFFFE003, lr  }
0x1b: {  	s9 =	sadd.s32 $0xFFFFFEF7, lr;
	s5 =	simm.s32 $0xFFFFFFFF;
	p2 =	slt.u32 s8, $0xFFFFF086  }
0x1c: {  	p1 =	slt.u32 s9, $0xF7A;
	s5 =	simm.s32 @!p2 $0x0  }
0x1d: {  	s5 =	simm.s32 @p1 $0x1;
	p0 =	seq.s32 s7, s2  }
0x1e: {  	s7 =	smul.u32 @!p0 $0xF7A, s2;
	p2 =	seq.s32 @!p0 s5, $0x0  }
0x1f: {  	s9 =	smul.u32 $0xF7A, s1;
	s8 =	simm.s32 @!p0 $0x1BF5;
	p2 =	por !p2, p0  }
0x20: {  	[sflag:s8] =	ssyncset.s32 @!p0 $0xFFFFF086;
	s6 =	sadd.s32 @!p0 s3, s7;
	s7 =	simm.s32 @!p0 $0x108  }
0x21: {  	s3 =	sadd.s32 s3, s9;
	s6 =	sadd.s32 @!p0 $0x88, s6;
	s7 =	simm.s32 @p2 $0x1082  }
0x22: {  	[simem:s7], [sflag:s8] =	dma.local @!p0 [hbm:s6], $0xF7A  }
0x23: {  	s9 =	sor.u32 $0xD0000000, s2;
	s6 =	simm.s32 $0x108;
	_ =	swait.ge @!p0 [sflag:s8], $0x0  }
0x24: {  	s3 =	sadd.s32 $0x88, s3;
	s6 =	simm.s32 @!p1 $0x1082;
	[sflag:s4] =	ssyncset.s32 $0xFFFFF086  }
0x25: {  	[simem:s6], [sflag:s4] =	dma.local [hbm:s3], $0xF7A  }
0x26: {  	[smem:$0x3F8F] =	sst s1;
	(tag) =	ssettag s2;
	_ =	strace s9  }
0x27: {  	s1 =	sld [smem:$0x3F9F]  }
0x28: {  	s2 =	sld [smem:$0x3FA0]  }
0x29: {  	s4 =	sld [smem:$0x3FA2]  }
0x2a: {  	p0 =	seq.s32 s5, $0x0;
	s5 =	sld [smem:$0x3FA3]  }
0x2b: {  	s6 =	sld [smem:$0x3FA4]  }
0x2c: {  	s7 =	sld [smem:$0x3FA5]  }
0x2d: {  	s3 =	simm.s32 $0x108;
	s8 =	sld [smem:$0x3FA6]  }
0x2e: {  	s3 =	simm.s32 @!p0 $0x1082;
	s9 =	sld [smem:$0x3FA7]  }
0x2f: {  	lr =	sadd.s32 s0, s3;
	s0 =	sld [smem:$0x3F9E]  }
0x30: {  	s3 =	sld [smem:$0x3FA1]  }
0x31: {  	[smem:$0x3FAA] =	sst s10  }
0x32: {  	s10 =	sld [smem:$0x3FA8];
	_ =	sdelay $0x3  }
0x33: {  	p0 =	seq.s32 s10, $0x1;
	s10 =	sld [smem:$0x3FAA];
	_ =	sdelay $0x3  }
0x34: {  	[smem:$0x3FAA] =	sst s10  }
0x35: {  	s10 =	sld [smem:$0x3FA9];
	_ =	sdelay $0x3  }
0x36: {  	p1 =	seq.s32 s10, $0x1;
	s10 =	sld [smem:$0x3FAA];
	_ =	sdelay $0x3  }
0x37: {  	[smem:$0x3FAA] =	sst s10  }
0x38: {  	s10 =	sld [smem:$0x3FAB]  }
0x39: {  	_ = 	snop;
	(pc) =	sbr.ind lr, $3  }
0x3a: {  	_ = 	snop  }
0x3b: {  	_ = 	snop  }
0x3c: {  	p2 =	seq.s32 s10, $0x1;
	s10 =	sld [smem:$0x3FAA]  }
0x3d: {  	_ =	shalt  }
0x3e: {  	_ =	shalt  }
0x3f: {  	_ =	shalt  }
0x40: {  	_ =	shalt  }
0x41: {  	_ =	shalt  }
0x42: {  	_ =	shalt  }
0x43: {  	_ =	shalt  }
0x44: {  	_ =	shalt  }
0x45: {  	_ =	shalt  }
0x46: {  	_ =	shalt  }
0x47: {  	_ =	shalt  }
0x48: {  	_ =	shalt  }
0x49: {  	_ =	shalt  }
0x4a: {  	_ =	shalt  }
0x4b: {  	_ =	shalt  }
0x4c: {  	_ =	shalt  }
0x4d: {  	_ =	shalt  }
0x4e: {  	_ =	shalt  }
0x4f: {  	_ =	shalt  }
0x50: {  	_ =	shalt  }
0x51: {  	_ =	shalt  }
0x52: {  	_ =	shalt  }
0x53: {  	_ =	shalt  }
0x54: {  	_ =	shalt  }
0x55: {  	_ =	shalt  }
0x56: {  	_ =	shalt  }
0x57: {  	_ =	shalt  }
0x58: {  	_ =	shalt  }
0x59: {  	_ =	shalt  }
0x5a: {  	_ =	shalt  }
0x5b: {  	_ =	shalt  }
0x5c: {  	_ =	shalt  }
0x5d: {  	_ =	shalt  }
0x5e: {  	_ =	shalt  }
0x5f: {  	_ =	shalt  }
0x60: {  	_ =	shalt  }
0x61: {  	_ =	shalt  }
0x62: {  	_ =	shalt  }
0x63: {  	_ =	shalt  }
0x64: {  	_ =	shalt  }
0x65: {  	_ =	shalt  }
0x66: {  	_ =	shalt  }
0x67: {  	_ =	shalt  }
0x68: {  	_ =	shalt  }
0x69: {  	_ =	shalt  }
0x6a: {  	_ =	shalt  }
0x6b: {  	_ =	shalt  }
0x6c: {  	_ =	shalt  }
0x6d: {  	_ =	shalt  }
0x6e: {  	_ =	shalt  }
0x6f: {  	_ =	shalt  }
0x70: {  	_ =	shalt  }
0x71: {  	_ =	shalt  }
0x72: {  	_ =	shalt  }
0x73: {  	_ =	shalt  }
0x74: {  	_ =	shalt  }
0x75: {  	_ =	shalt  }
0x76: {  	_ =	shalt  }
0x77: {  	_ =	shalt  }
0x78: {  	_ =	shalt  }
0x79: {  	_ =	shalt  }
0x7a: {  	_ =	shalt  }
0x7b: {  	_ =	shalt  }
0x7c: {  	_ =	shalt  }
0x7d: {  	_ =	shalt  }
0x7e: {  	_ =	shalt  }
0x7f: {  	_ =	shalt  }
0x80: {  	_ =	shalt  }
0x81: {  	_ =	shalt  }
0x82: {  	_ =	shalt  }
0x83: {  	_ =	shalt  }
0x84: {  	_ =	shalt  }
0x85: {  	_ =	shalt  }
0x86: {  	_ =	shalt  }
0x87: {  	_ =	shalt  }
.Lfunc_end0:
.L_simem_size_0:
called_computation.2_lowered:
.L_overlay_start_0:
0x88: {  	s2 =	sld [smem:$0x3FD9]  }
0x89: {  	s3 =	sld [smem:$0x3FFE];
	_ =	sdelay $0x1  }
0x8a: {  	s1 =	srdreg.scid  }
0x8b: {  	s0 =	sand.u32 $0x1, s1  }
0x8c: {  	s16 =	sshll.u32 s0, $0xA;
	s2 =	sadd.s32 s3, s2  }
0x8d: {  	s2 =	sadd.s32 s2, s16  }
0x8e: {  	[smem:$0x3FB6] =	sst s2  }
0x8f: {  	_ = 	snop  }
0x90: {  	(tm) =	ssettm $0x1  }
0x91: {  	s17 =	sld [smem:$0x3FFB];
	_ =	sdelay $0x3  }
0x92: {  	_ =	strace s17  }
0x93: {  	s2 =	sld [smem:$0x3FFC];
	_ =	sdelay $0x3  }
0x94: {  	_ =	strace s2  }
0x95: {  	s2 =	sld [smem:$0x3FFD];
	_ =	sdelay $0x3  }
0x96: {  	_ =	strace s2  }
0x97: {  	_ =	strace $0x8FFFFFFF  }
0x98: {  	s18 =	sld [smem:$0x3FDB];
	_ =	sdelay $0x1  }
0x99: {  	s19 =	simm.s32 $_scs_section_size  }
0x9a: {  	s4 =	simm.s32 $_size__tile_overlayer_lowered;
	s5 =	simm.s32 $_tile_overlayer_lowered  }
0x9b: {  	s22 =	simm.s32 $0x1BFF;
	s21 =	sshll.u32 s5, $0x1;
	s2 =	sadd.s32 s19, s18  }
0x9c: {  	s6 =	simm.s32 $0x0;
	s20 =	sshll.u32 s4, $0x1;
	s4 =	sadd.s32 s21, s2  }
0x9d: {  	[timem:s6], [sflag:s22] =	dma.local [hbm:s4], s20  }
0x9e: {  	_ =	swait.ge [sflag:s22], s20  }
0x9f: {  	s3 =	ssub.s32 $0x0, s20;
	[sflag:s22] =	ssyncset.done $0x0  }
0xa0: {  	[sflag:s22] =	ssyncadd.s32 s3;
	_ =	sdelay $0x1  }
0xa1: {  	s23 =	simm.s32 $0x1B8B  }
0xa2: {  	_ =	swait.ge [sflag:s23], $0x1  }
0xa3: {  	[sflag:s23] =	ssyncset.done $0x0  }
0xa4: {  	s25 =	simm.s32 $0x1B8E;
	s24 =	sld [smem:$0x3FFE];
	[sflag:s23] =	ssyncadd.s32 $0xFFFFFFFF  }
0xa5: {  	s26 =	simm.s32 $execute0_lowered;
	[smem:$0x3FD2] =	sst s25  }
0xa6: {  	s4 =	sshll.u32 s26, $0x1;
	_ =	strace $0x8000004C;
	[dreg:$0x1] =	wrdreg $0xFFFFFFFF  }
0xa7: {  	s28 =	simm.s32 $_size_execute0_lowered;
	s2 =	sadd.s32 s2, s4;
	[dreg:$0x0] =	wrdreg $0x0  }
0xa8: {  	s4 =	sshll.u32 s28, $0x1;
	[dreg:$0x2] =	wrdreg s2  }
0xa9: {  	[dreg:$0x3] =	wrdreg s4  }
0xaa: {  	[dreg:$0x4] =	wrdreg $0xC0  }
0xab: {  	_ =	task [dreg:s6], $0x5FFFF  }
0xac: {  	[dreg:$0x1] =	wrdreg $0xFFFFFFFF  }
0xad: {  	[dreg:$0x0] =	wrdreg $0x60  }
0xae: {  	[dreg:$0x2] =	wrdreg s24  }
0xaf: {  	[dreg:$0x3] =	wrdreg $0x68000  }
0xb0: {  	[dreg:$0x4] =	wrdreg $0x9  }
0xb1: {  	_ =	task.clear_ibuf [dreg:s6], $0x5FFFF;
	_ =	strace $0x9000004C  }
0xb2: {  	s29 =	simm.s32 $0x9;
	_ =	strace $0x8000004E  }
0xb3: {  	_ =	swait.ge [sflag:s29], $0x1  }
0xb4: {  	[sflag:s29] =	ssyncadd.s32 $0xFFFFFFFF  }
0xb5: {  	_ =	strace $0x9000004E  }
0xb6: {  	_ =	sfence  }
0xb7: {  	s30 =	sld [smem:$0x0];
	_ =	sdelay $0x2  }
0xb8: {  	s31 =	sshll.u32 s1, $0xD;
	s1 =	sshrl.u32 s1, $0x2  }
0xb9: {  	s3 =	sand.u32 $0x4000, s31;
	s1 =	sadd.s32 s1, s30  }
0xba: {  	s0 =	sor.u32 s3, s0;
	s1 =	sshll.u32 s1, $0x11  }
0xbb: {  	s0 =	sor.u32 s1, s0  }
0xbc: {  	s0 =	sadd.s32 $0x8F2B, s0  }
0xbd: {  	[sflag:s0] =	ssyncadd.remote.s32 $0x1  }
0xbe: {  	_ =	sfence.sel $0xFFFF  }
0xbf: {  	[dreg:$0x0] =	wrdreg $0xFFFFFFFF;
	(pc) =	sbr.abs _section_cstart, $3  }
0xc0: {  	[dreg:$0x1] =	wrdreg $0xFFFFFFFF  }
0xc1: {  	_ =	task.clear_ibuf [dreg:s6], $0x2FFFF;
	_ =	strace $0x9FFFFFFF  }
0xc2: {  	(tm) =	ssettm $0x7FFFFFFF  }
0xc3: {  	_ =	shalt  }
tec
execute0_lowered:
.L_overlay_start_1:
0x0: {  	(tag) =	ssettag $0x1  }
0x1: {  	s0 =	rddreg [dreg:$0x0]  }
0x2: {  	s11 =	stileid.u32;
	s1 =	srdreg.scid  }
0x3: {  	s2 =	rddreg [dreg:$0x1];
	s3 =	simm.s32 $0x0;
	s7 =	smul.u32 $0xC80, s11  }
0x4: {  	s1 =	sand.u32 $0x1, s1;
	[smem:$0x7FF] =	sst s3;
	s9 =	smul.u32 $0x3100, s11  }
0x5: {  	s4 =	sadd.s32 $0x37400, s0;
	s5 =	sadd.s32 $0x1C800, s0;
	s8 =	smul.u32 $0x31000, s1  }
0x6: {  	s6 =	sadd.s32 $0x4000, s0;
	s25 =	sshll.u32 s11, $0x9;
	s10 =	smul.u32 $0xC800, s1  }
0x7: {  	_ =	strace $0x8000004D;
	s8 =	sadd.s32 s9, s8;
	s9 =	sadd.s32 s25, s0  }
0x8: {  	s7 =	sadd.s32 s7, s10;
	s8 =	sshll.u32 s8, $0x4;
	s14 =	sadd.s32 $0x35200, s9  }
0x9: {  	s7 =	sshll.u32 s7, $0x4;
	s15 =	sadd.s32 $0x35280, s9;
	[dreg:$0x3] =	wrdreg s14  }
0xa: {  	s16 =	sadd.s32 $0x35300, s9;
	s22 =	sadd.s32 $0x35380, s9;
	[dreg:$0x4] =	wrdreg s15  }
0xb: {  	s8 =	sadd.s32 s0, s8;
	s0 =	sadd.s32 s7, s0;
	[dreg:$0x5] =	wrdreg s16  }
0xc: {  	[dreg:$0x6] =	wrdreg s22;
	s7 =	sadd.s32 $0xFAA00, s0  }
0xd: {  	s26 =	sadd.s32 $0xFB200, s0;
	[dreg:$0x7] =	wrdreg s7  }
0xe: {  	s9 =	sadd.s32 $0xFBA00, s0;
	[dreg:$0x8] =	wrdreg s26  }
0xf: {  	s10 =	sadd.s32 $0xFC200, s0;
	[dreg:$0x9] =	wrdreg s9  }
0x10: {  	s12 =	sadd.s32 $0xFCA00, s0;
	[dreg:$0xa] =	wrdreg s10  }
0x11: {  	s13 =	sadd.s32 $0xFD200, s0;
	[dreg:$0xb] =	wrdreg s12  }
0x12: {  	s17 =	sadd.s32 $0xFDA00, s0;
	[dreg:$0xc] =	wrdreg s13  }
0x13: {  	s18 =	sadd.s32 $0xFE200, s0;
	[dreg:$0xd] =	wrdreg s17  }
0x14: {  	s19 =	sadd.s32 $0xFEA00, s0;
	[dreg:$0xe] =	wrdreg s18  }
0x15: {  	s20 =	sadd.s32 $0xFF200, s0;
	[dreg:$0xf] =	wrdreg s19  }
0x16: {  	s21 =	sadd.s32 $0xFFA00, s0;
	[dreg:$0x10] =	wrdreg s20  }
0x17: {  	s23 =	sadd.s32 $0x100200, s0;
	[dreg:$0x11] =	wrdreg s21  }
0x18: {  	s24 =	sadd.s32 $0x100A00, s0;
	[dreg:$0x12] =	wrdreg s23  }
0x19: {  	s25 =	sadd.s32 $0x101200, s0;
	[dreg:$0x13] =	wrdreg s24  }
0x1a: {  	s28 =	simm.s32 $0x700;
	[dreg:$0x14] =	wrdreg s25;
	s10 =	sadd.s32 $0x101A00, s0  }
0x1b: {  	s29 =	simm.s32 $0x780;
	s12 =	sadd.s32 $0x102200, s0;
	[dreg:$0x15] =	wrdreg s10  }
0x1c: {  	s30 =	simm.s32 $0x1800;
	s17 =	sadd.s32 $0x102A00, s0;
	[dreg:$0x16] =	wrdreg s12  }
0x1d: {  	s31 =	simm.s32 $0x20;
	s18 =	sadd.s32 $0x103200, s0;
	[dreg:$0x17] =	wrdreg s17  }
0x1e: {  	p0 =	sne.s32 s1, $0x0;
	s19 =	sadd.s32 $0x103A00, s0;
	[dreg:$0x18] =	wrdreg s18  }
0x1f: {  	s8 =	sadd.s32 $0x1BC5200, s8;
	s20 =	sadd.s32 $0x104200, s0;
	[dreg:$0x19] =	wrdreg s19  }
0x20: {  	s26 =	ssub.s32 $0x2, s1;
	s21 =	sadd.s32 $0x104A00, s0;
	[dreg:$0x1a] =	wrdreg s20  }
0x21: {  	s23 =	sadd.s32 $0x105200, s0;
	s25 =	sadd.s32 $0x105A00, s0;
	[dreg:$0x1b] =	wrdreg s21  }
0x22: {  	s1 =	simm.s32 $0x800;
	s13 =	sshrl.u32 s26, $0x1;
	[dreg:$0x1c] =	wrdreg s23  }
0x23: {  	[dreg:$0x1e] =	wrdreg s25;
	s17 =	smul.u32 $0x188, s11;
	s18 =	simm.s32 $0x400  }
0x24: {  	s19 =	simm.s32 $0x2;
	s20 =	simm.s32 $0x80;
	s21 =	simm.s32 $0x2800  }
.Ltmp0:
0x25: {  	s11 =	simm.s32 $0x480;
	s25 =	simm.s32 $0x600;
	(pc) =	sbr.rel .LBB2_1-.Ltmp0, $4  }
0x26: {  	s12 =	simm.s32 $0x0;
	s7 =	ssub.s32 s26, s13;
	s26 =	sadd.s32 $0x106200, s0  }
0x27: {  	s0 =	sadd.s32 $0x106A00, s0;
	s13 =	simm.s32 $0x0;
	[dreg:$0x1f] =	wrdreg s26  }
0x28: {  	s24 =	smax.u32 s7, $0x1;
	[smem:$0x7FD] =	sst s0;
	s26 =	simm.s32 $0x680  }
0x29: {  	v0 =	vimm.f32 $0.0e+00;
	s0 =	simm.s32 $0x1;
	[dreg:$0x1d] =	wrdreg s24;
	s24 =	simm.s32 $0x580  }
.LBB2_26:
0x2a: {  	[bflag:$0x0] =	sbarrier.arrive $0xFFFF  }
0x2b: {  	s14 =	rddreg [dreg:$0x3]  }
0x2c: {  	[tilespmem:s18], [sflag:$0x2] =	stream.linear.gather [hbm4b:s14+s3], $0x400, $0x38;
	[tilespmem:$0x1F800] =	vst v63  }
0x2d: {  	_ =	swait.ge [sflag:s19], $0x400  }
0x2e: {  	[sflag:s19] =	ssyncset.done $0x0  }
0x2f: {  	[sflag:s19] =	ssyncadd.s32 $0xFFFFFC00  }
0x30: {  	[tilespmem:s21], [sflag:$0x1] =	stream.indirect.gather [spmem:s2], $0x20, s18, s20, $0xb8;
	[tilespmem:$0x1F800] =	vst v63  }
0x31: {  	_ =	swait.ge [sflag:s0], $0x1000  }
0x32: {  	[sflag:s0] =	ssyncset.done $0x0  }
0x33: {  	s7 =	rddreg [dreg:$0x7];
	[sflag:s0] =	ssyncadd.s32 $0xFFFFF000  }
0x34: {  	[hbm4b:s7+s3] =	stream.linear.scatter [tilespmem:s21], [sflag:$0x2], $0x4000, $0x38;
	[tilespmem:$0x1F800] =	vst v63  }
0x35: {  	_ =	swait.ge [sflag:s19], $0x4000  }
0x36: {  	[sflag:s19] =	ssyncset.done $0x0  }
0x37: {  	s11 =	simm.s32 $0x480;
	[sflag:s19] =	ssyncadd.s32 $0xFFFFC000  }
0x38: {  	[tilespmem:s21], [sflag:$0x1] =	stream.indirect.gather [spmem:s2], $0x20, s11, s20, $0xb8;
	[tilespmem:$0x1F800] =	vst v63  }
0x39: {  	_ =	swait.ge [sflag:s0], $0x1000  }
0x3a: {  	[sflag:s0] =	ssyncset.done $0x0  }
0x3b: {  	s22 =	rddreg [dreg:$0x8];
	[sflag:s0] =	ssyncadd.s32 $0xFFFFF000  }
0x3c: {  	[hbm4b:s22+s3] =	stream.linear.scatter [tilespmem:s21], [sflag:$0x2], $0x4000, $0x38;
	[tilespmem:$0x1F800] =	vst v63  }
0x3d: {  	_ =	swait.ge [sflag:s19], $0x4000  }
0x3e: {  	[sflag:s19] =	ssyncset.done $0x0  }
0x3f: {  	s9 =	simm.s32 $0x500;
	[sflag:s19] =	ssyncadd.s32 $0xFFFFC000  }
0x40: {  	[tilespmem:s21], [sflag:$0x1] =	stream.indirect.gather [spmem:s2], $0x20, s9, s20, $0xb8;
	[tilespmem:$0x1F800] =	vst v63  }
0x41: {  	_ =	swait.ge [sflag:s0], $0x1000  }
0x42: {  	[sflag:s0] =	ssyncset.done $0x0  }
0x43: {  	s23 =	rddreg [dreg:$0x9];
	[sflag:s0] =	ssyncadd.s32 $0xFFFFF000  }
0x44: {  	[hbm4b:s23+s3] =	stream.linear.scatter [tilespmem:s21], [sflag:$0x2], $0x4000, $0x38;
	[tilespmem:$0x1F800] =	vst v63  }
0x45: {  	_ =	swait.ge [sflag:s19], $0x4000  }
0x46: {  	[sflag:s19] =	ssyncset.done $0x0  }
0x47: {  	[sflag:s19] =	ssyncadd.s32 $0xFFFFC000  }
0x48: {  	[tilespmem:s21], [sflag:$0x1] =	stream.indirect.gather [spmem:s2], $0x20, s24, s20, $0xb8;
	[tilespmem:$0x1F800] =	vst v63  }
0x49: {  	_ =	swait.ge [sflag:s0], $0x1000  }
0x4a: {  	[sflag:s0] =	ssyncset.done $0x0  }
0x4b: {  	s10 =	rddreg [dreg:$0xa];
	[sflag:s0] =	ssyncadd.s32 $0xFFFFF000  }
0x4c: {  	[hbm4b:s10+s3] =	stream.linear.scatter [tilespmem:s21], [sflag:$0x2], $0x4000, $0x38;
	[tilespmem:$0x1F800] =	vst v63  }
0x4d: {  	_ =	swait.ge [sflag:s19], $0x4000  }
0x4e: {  	[sflag:s19] =	ssyncset.done $0x0  }
0x4f: {  	[sflag:s19] =	ssyncadd.s32 $0xFFFFC000  }
0x50: {  	[tilespmem:s21], [sflag:$0x1] =	stream.indirect.gather [spmem:s2], $0x20, s25, s20, $0xb8;
	[tilespmem:$0x1F800] =	vst v63  }
0x51: {  	_ =	swait.ge [sflag:s0], $0x1000  }
0x52: {  	[sflag:s0] =	ssyncset.done $0x0  }
0x53: {  	s15 =	rddreg [dreg:$0xb];
	[sflag:s0] =	ssyncadd.s32 $0xFFFFF000  }
0x54: {  	[hbm4b:s15+s3] =	stream.linear.scatter [tilespmem:s21], [sflag:$0x2], $0x4000, $0x38;
	[tilespmem:$0x1F800] =	vst v63  }
0x55: {  	_ =	swait.ge [sflag:s19], $0x4000  }
0x56: {  	[sflag:s19] =	ssyncset.done $0x0  }
0x57: {  	[sflag:s19] =	ssyncadd.s32 $0xFFFFC000  }
0x58: {  	[tilespmem:s21], [sflag:$0x1] =	stream.indirect.gather [spmem:s2], $0x20, s26, s20, $0xb8;
	[tilespmem:$0x1F800] =	vst v63  }
0x59: {  	_ =	swait.ge [sflag:s0], $0x1000  }
0x5a: {  	[sflag:s0] =	ssyncset.done $0x0  }
0x5b: {  	s16 =	rddreg [dreg:$0xc];
	[sflag:s0] =	ssyncadd.s32 $0xFFFFF000  }
0x5c: {  	[hbm4b:s16+s3] =	stream.linear.scatter [tilespmem:s21], [sflag:$0x2], $0x4000, $0x38;
	[tilespmem:$0x1F800] =	vst v63  }
0x5d: {  	_ =	swait.ge [sflag:s19], $0x4000  }
0x5e: {  	[sflag:s19] =	ssyncset.done $0x0  }
0x5f: {  	[sflag:s19] =	ssyncadd.s32 $0xFFFFC000  }
0x60: {  	[tilespmem:s21], [sflag:$0x1] =	stream.indirect.gather [spmem:s2], $0x20, s28, s20, $0xb8;
	[tilespmem:$0x1F800] =	vst v63  }
0x61: {  	_ =	swait.ge [sflag:s0], $0x1000  }
0x62: {  	[sflag:s0] =	ssyncset.done $0x0  }
0x63: {  	s22 =	rddreg [dreg:$0xd];
	[sflag:s0] =	ssyncadd.s32 $0xFFFFF000  }
0x64: {  	[hbm4b:s22+s3] =	stream.linear.scatter [tilespmem:s21], [sflag:$0x2], $0x4000, $0x38;
	[tilespmem:$0x1F800] =	vst v63  }
0x65: {  	_ =	swait.ge [sflag:s19], $0x4000  }
0x66: {  	[sflag:s19] =	ssyncset.done $0x0  }
0x67: {  	[sflag:s19] =	ssyncadd.s32 $0xFFFFC000  }
0x68: {  	[tilespmem:s21], [sflag:$0x1] =	stream.indirect.gather [spmem:s2], $0x20, s29, s20, $0xb8;
	[tilespmem:$0x1F800] =	vst v63  }
0x69: {  	_ =	swait.ge [sflag:s0], $0x1000  }
0x6a: {  	[sflag:s0] =	ssyncset.done $0x0  }
0x6b: {  	s23 =	rddreg [dreg:$0xe];
	[sflag:s0] =	ssyncadd.s32 $0xFFFFF000  }
0x6c: {  	[hbm4b:s23+s3] =	stream.linear.scatter [tilespmem:s21], [sflag:$0x2], $0x4000, $0x38;
	[tilespmem:$0x1F800] =	vst v63  }
0x6d: {  	_ =	swait.ge [sflag:s19], $0x4000  }
0x6e: {  	[sflag:s19] =	ssyncset.done $0x0  }
0x6f: {  	s15 =	rddreg [dreg:$0x4];
	[sflag:s19] =	ssyncadd.s32 $0xFFFFC000  }
0x70: {  	[tilespmem:s18], [sflag:$0x2] =	stream.linear.gather [hbm4b:s15+s3], $0x400, $0x38;
	[tilespmem:$0x1F800] =	vst v63  }
0x71: {  	_ =	swait.ge [sflag:s19], $0x400  }
0x72: {  	[sflag:s19] =	ssyncset.done $0x0  }
0x73: {  	[sflag:s19] =	ssyncadd.s32 $0xFFFFFC00  }
0x74: {  	[tilespmem:s21], [sflag:$0x1] =	stream.indirect.gather [spmem:s2], $0x20, s18, s20, $0xb8;
	[tilespmem:$0x1F800] =	vst v63  }
0x75: {  	_ =	swait.ge [sflag:s0], $0x1000  }
0x76: {  	[sflag:s0] =	ssyncset.done $0x0  }
0x77: {  	s10 =	rddreg [dreg:$0xf];
	[sflag:s0] =	ssyncadd.s32 $0xFFFFF000  }
0x78: {  	[hbm4b:s10+s3] =	stream.linear.scatter [tilespmem:s21], [sflag:$0x2], $0x4000, $0x38;
	[tilespmem:$0x1F800] =	vst v63  }
0x79: {  	_ =	swait.ge [sflag:s19], $0x4000  }
0x7a: {  	[sflag:s19] =	ssyncset.done $0x0  }
0x7b: {  	[sflag:s19] =	ssyncadd.s32 $0xFFFFC000  }
0x7c: {  	[tilespmem:s21], [sflag:$0x1] =	stream.indirect.gather [spmem:s2], $0x20, s11, s20, $0xb8;
	[tilespmem:$0x1F800] =	vst v63  }
0x7d: {  	_ =	swait.ge [sflag:s0], $0x1000  }
0x7e: {  	[sflag:s0] =	ssyncset.done $0x0  }
0x7f: {  	s16 =	rddreg [dreg:$0x10];
	[sflag:s0] =	ssyncadd.s32 $0xFFFFF000  }
0x80: {  	[hbm4b:s16+s3] =	stream.linear.scatter [tilespmem:s21], [sflag:$0x2], $0x4000, $0x38;
	[tilespmem:$0x1F800] =	vst v63  }
0x81: {  	_ =	swait.ge [sflag:s19], $0x4000  }
0x82: {  	[sflag:s19] =	ssyncset.done $0x0  }
0x83: {  	[sflag:s19] =	ssyncadd.s32 $0xFFFFC000  }
0x84: {  	[tilespmem:s21], [sflag:$0x1] =	stream.indirect.gather [spmem:s2], $0x20, s9, s20, $0xb8;
	[tilespmem:$0x1F800] =	vst v63  }
0x85: {  	_ =	swait.ge [sflag:s0], $0x1000  }
0x86: {  	[sflag:s0] =	ssyncset.done $0x0  }
0x87: {  	s22 =	rddreg [dreg:$0x11];
	[sflag:s0] =	ssyncadd.s32 $0xFFFFF000  }
0x88: {  	[hbm4b:s22+s3] =	stream.linear.scatter [tilespmem:s21], [sflag:$0x2], $0x4000, $0x38;
	[tilespmem:$0x1F800] =	vst v63  }
0x89: {  	_ =	swait.ge [sflag:s19], $0x4000  }
0x8a: {  	[sflag:s19] =	ssyncset.done $0x0  }
0x8b: {  	[sflag:s19] =	ssyncadd.s32 $0xFFFFC000  }
0x8c: {  	[tilespmem:s21], [sflag:$0x1] =	stream.indirect.gather [spmem:s2], $0x20, s24, s20, $0xb8;
	[tilespmem:$0x1F800] =	vst v63  }
0x8d: {  	_ =	swait.ge [sflag:s0], $0x1000  }
0x8e: {  	[sflag:s0] =	ssyncset.done $0x0  }
0x8f: {  	s23 =	rddreg [dreg:$0x12];
	[sflag:s0] =	ssyncadd.s32 $0xFFFFF000  }
0x90: {  	[hbm4b:s23+s3] =	stream.linear.scatter [tilespmem:s21], [sflag:$0x2], $0x4000, $0x38;
	[tilespmem:$0x1F800] =	vst v63  }
0x91: {  	_ =	swait.ge [sflag:s19], $0x4000  }
0x92: {  	[sflag:s19] =	ssyncset.done $0x0  }
0x93: {  	[sflag:s19] =	ssyncadd.s32 $0xFFFFC000  }
0x94: {  	[tilespmem:s21], [sflag:$0x1] =	stream.indirect.gather [spmem:s2], $0x20, s25, s20, $0xb8;
	[tilespmem:$0x1F800] =	vst v63  }
0x95: {  	_ =	swait.ge [sflag:s0], $0x1000  }
0x96: {  	[sflag:s0] =	ssyncset.done $0x0  }
0x97: {  	s10 =	rddreg [dreg:$0x13];
	[sflag:s0] =	ssyncadd.s32 $0xFFFFF000  }
0x98: {  	[hbm4b:s10+s3] =	stream.linear.scatter [tilespmem:s21], [sflag:$0x2], $0x4000, $0x38;
	[tilespmem:$0x1F800] =	vst v63  }
0x99: {  	_ =	swait.ge [sflag:s19], $0x4000  }
0x9a: {  	[sflag:s19] =	ssyncset.done $0x0  }
0x9b: {  	[sflag:s19] =	ssyncadd.s32 $0xFFFFC000  }
0x9c: {  	[tilespmem:s21], [sflag:$0x1] =	stream.indirect.gather [spmem:s2], $0x20, s26, s20, $0xb8;
	[tilespmem:$0x1F800] =	vst v63  }
0x9d: {  	_ =	swait.ge [sflag:s0], $0x1000  }
0x9e: {  	[sflag:s0] =	ssyncset.done $0x0  }
0x9f: {  	s16 =	rddreg [dreg:$0x14];
	[sflag:s0] =	ssyncadd.s32 $0xFFFFF000  }
0xa0: {  	[hbm4b:s16+s3] =	stream.linear.scatter [tilespmem:s21], [sflag:$0x2], $0x4000, $0x38;
	[tilespmem:$0x1F800] =	vst v63  }
0xa1: {  	_ =	swait.ge [sflag:s19], $0x4000  }
0xa2: {  	[sflag:s19] =	ssyncset.done $0x0  }
0xa3: {  	[sflag:s19] =	ssyncadd.s32 $0xFFFFC000  }
0xa4: {  	[tilespmem:s21], [sflag:$0x1] =	stream.indirect.gather [spmem:s2], $0x20, s28, s20, $0xb8;
	[tilespmem:$0x1F800] =	vst v63  }
0xa5: {  	_ =	swait.ge [sflag:s0], $0x1000  }
0xa6: {  	[sflag:s0] =	ssyncset.done $0x0  }
0xa7: {  	s22 =	rddreg [dreg:$0x15];
	[sflag:s0] =	ssyncadd.s32 $0xFFFFF000  }
0xa8: {  	[hbm4b:s22+s3] =	stream.linear.scatter [tilespmem:s21], [sflag:$0x2], $0x4000, $0x38;
	[tilespmem:$0x1F800] =	vst v63  }
0xa9: {  	_ =	swait.ge [sflag:s19], $0x4000  }
0xaa: {  	[sflag:s19] =	ssyncset.done $0x0  }
0xab: {  	[sflag:s19] =	ssyncadd.s32 $0xFFFFC000  }
0xac: {  	[tilespmem:s21], [sflag:$0x1] =	stream.indirect.gather [spmem:s2], $0x20, s29, s20, $0xb8;
	[tilespmem:$0x1F800] =	vst v63  }
0xad: {  	_ =	swait.ge [sflag:s0], $0x1000  }
0xae: {  	[sflag:s0] =	ssyncset.done $0x0  }
0xaf: {  	s23 =	rddreg [dreg:$0x16];
	[sflag:s0] =	ssyncadd.s32 $0xFFFFF000  }
0xb0: {  	[hbm4b:s23+s3] =	stream.linear.scatter [tilespmem:s21], [sflag:$0x2], $0x4000, $0x38;
	[tilespmem:$0x1F800] =	vst v63  }
0xb1: {  	_ =	swait.ge [sflag:s19], $0x4000  }
0xb2: {  	[sflag:s19] =	ssyncset.done $0x0  }
0xb3: {  	s16 =	rddreg [dreg:$0x5];
	[sflag:s19] =	ssyncadd.s32 $0xFFFFC000  }
0xb4: {  	[tilespmem:s18], [sflag:$0x2] =	stream.linear.gather [hbm4b:s16+s3], $0x400, $0x38;
	[tilespmem:$0x1F800] =	vst v63  }
0xb5: {  	_ =	swait.ge [sflag:s19], $0x400  }
0xb6: {  	[sflag:s19] =	ssyncset.done $0x0  }
0xb7: {  	[sflag:s19] =	ssyncadd.s32 $0xFFFFFC00  }
0xb8: {  	[tilespmem:s21], [sflag:$0x1] =	stream.indirect.gather [spmem:s2], $0x20, s18, s20, $0xb8;
	[tilespmem:$0x1F800] =	vst v63  }
0xb9: {  	_ =	swait.ge [sflag:s0], $0x1000  }
0xba: {  	[sflag:s0] =	ssyncset.done $0x0  }
0xbb: {  	s10 =	rddreg [dreg:$0x17];
	[sflag:s0] =	ssyncadd.s32 $0xFFFFF000  }
0xbc: {  	[hbm4b:s10+s3] =	stream.linear.scatter [tilespmem:s21], [sflag:$0x2], $0x4000, $0x38;
	[tilespmem:$0x1F800] =	vst v63  }
0xbd: {  	_ =	swait.ge [sflag:s19], $0x4000  }
0xbe: {  	[sflag:s19] =	ssyncset.done $0x0  }
0xbf: {  	[sflag:s19] =	ssyncadd.s32 $0xFFFFC000  }
0xc0: {  	[tilespmem:s21], [sflag:$0x1] =	stream.indirect.gather [spmem:s2], $0x20, s11, s20, $0xb8;
	[tilespmem:$0x1F800] =	vst v63  }
0xc1: {  	_ =	swait.ge [sflag:s0], $0x1000  }
0xc2: {  	[sflag:s0] =	ssyncset.done $0x0  }
0xc3: {  	s22 =	rddreg [dreg:$0x18];
	[sflag:s0] =	ssyncadd.s32 $0xFFFFF000  }
0xc4: {  	[hbm4b:s22+s3] =	stream.linear.scatter [tilespmem:s21], [sflag:$0x2], $0x4000, $0x38;
	[tilespmem:$0x1F800] =	vst v63  }
0xc5: {  	_ =	swait.ge [sflag:s19], $0x4000  }
0xc6: {  	[sflag:s19] =	ssyncset.done $0x0  }
0xc7: {  	[sflag:s19] =	ssyncadd.s32 $0xFFFFC000  }
0xc8: {  	[tilespmem:s21], [sflag:$0x1] =	stream.indirect.gather [spmem:s2], $0x20, s9, s20, $0xb8;
	[tilespmem:$0x1F800] =	vst v63  }
0xc9: {  	_ =	swait.ge [sflag:s0], $0x1000  }
0xca: {  	[sflag:s0] =	ssyncset.done $0x0  }
0xcb: {  	s23 =	rddreg [dreg:$0x19];
	[sflag:s0] =	ssyncadd.s32 $0xFFFFF000  }
0xcc: {  	[hbm4b:s23+s3] =	stream.linear.scatter [tilespmem:s21], [sflag:$0x2], $0x4000, $0x38;
	[tilespmem:$0x1F800] =	vst v63  }
0xcd: {  	_ =	swait.ge [sflag:s19], $0x4000  }
0xce: {  	[sflag:s19] =	ssyncset.done $0x0  }
0xcf: {  	[sflag:s19] =	ssyncadd.s32 $0xFFFFC000  }
0xd0: {  	[tilespmem:s21], [sflag:$0x1] =	stream.indirect.gather [spmem:s2], $0x20, s24, s20, $0xb8;
	[tilespmem:$0x1F800] =	vst v63  }
0xd1: {  	_ =	swait.ge [sflag:s0], $0x1000  }
0xd2: {  	[sflag:s0] =	ssyncset.done $0x0  }
0xd3: {  	s9 =	rddreg [dreg:$0x1a];
	[sflag:s0] =	ssyncadd.s32 $0xFFFFF000  }
0xd4: {  	[hbm4b:s9+s3] =	stream.linear.scatter [tilespmem:s21], [sflag:$0x2], $0x4000, $0x38;
	[tilespmem:$0x1F800] =	vst v63  }
0xd5: {  	_ =	swait.ge [sflag:s19], $0x4000  }
0xd6: {  	[sflag:s19] =	ssyncset.done $0x0  }
0xd7: {  	[sflag:s19] =	ssyncadd.s32 $0xFFFFC000  }
0xd8: {  	[tilespmem:s21], [sflag:$0x1] =	stream.indirect.gather [spmem:s2], $0x20, s25, s20, $0xb8;
	[tilespmem:$0x1F800] =	vst v63  }
0xd9: {  	_ =	swait.ge [sflag:s0], $0x1000  }
0xda: {  	[sflag:s0] =	ssyncset.done $0x0  }
0xdb: {  	s10 =	rddreg [dreg:$0x1b];
	[sflag:s0] =	ssyncadd.s32 $0xFFFFF000  }
0xdc: {  	[hbm4b:s10+s3] =	stream.linear.scatter [tilespmem:s21], [sflag:$0x2], $0x4000, $0x38;
	[tilespmem:$0x1F800] =	vst v63  }
0xdd: {  	_ =	swait.ge [sflag:s19], $0x4000  }
0xde: {  	[sflag:s19] =	ssyncset.done $0x0  }
0xdf: {  	[sflag:s19] =	ssyncadd.s32 $0xFFFFC000  }
0xe0: {  	[tilespmem:s21], [sflag:$0x1] =	stream.indirect.gather [spmem:s2], $0x20, s26, s20, $0xb8;
	[tilespmem:$0x1F800] =	vst v63  }
0xe1: {  	_ =	swait.ge [sflag:s0], $0x1000  }
0xe2: {  	[sflag:s0] =	ssyncset.done $0x0  }
0xe3: {  	s22 =	rddreg [dreg:$0x1c];
	[sflag:s0] =	ssyncadd.s32 $0xFFFFF000  }
0xe4: {  	[hbm4b:s22+s3] =	stream.linear.scatter [tilespmem:s21], [sflag:$0x2], $0x4000, $0x38;
	[tilespmem:$0x1F800] =	vst v63  }
0xe5: {  	_ =	swait.ge [sflag:s19], $0x4000  }
0xe6: {  	[sflag:s19] =	ssyncset.done $0x0  }
0xe7: {  	[sflag:s19] =	ssyncadd.s32 $0xFFFFC000  }
0xe8: {  	[tilespmem:s21], [sflag:$0x1] =	stream.indirect.gather [spmem:s2], $0x20, s28, s20, $0xb8;
	[tilespmem:$0x1F800] =	vst v63  }
0xe9: {  	_ =	swait.ge [sflag:s0], $0x1000  }
0xea: {  	[sflag:s0] =	ssyncset.done $0x0  }
0xeb: {  	s23 =	rddreg [dreg:$0x1e];
	[sflag:s0] =	ssyncadd.s32 $0xFFFFF000  }
0xec: {  	[hbm4b:s23+s3] =	stream.linear.scatter [tilespmem:s21], [sflag:$0x2], $0x4000, $0x38;
	[tilespmem:$0x1F800] =	vst v63  }
0xed: {  	_ =	swait.ge [sflag:s19], $0x4000  }
0xee: {  	[sflag:s19] =	ssyncset.done $0x0  }
0xef: {  	[sflag:s19] =	ssyncadd.s32 $0xFFFFC000  }
0xf0: {  	[tilespmem:s21], [sflag:$0x1] =	stream.indirect.gather [spmem:s2], $0x20, s29, s20, $0xb8;
	[tilespmem:$0x1F800] =	vst v63  }
0xf1: {  	_ =	swait.ge [sflag:s0], $0x1000  }
0xf2: {  	[sflag:s0] =	ssyncset.done $0x0  }
0xf3: {  	s9 =	rddreg [dreg:$0x1f];
	[sflag:s0] =	ssyncadd.s32 $0xFFFFF000  }
0xf4: {  	[hbm4b:s9+s3] =	stream.linear.scatter [tilespmem:s21], [sflag:$0x2], $0x4000, $0x38;
	[tilespmem:$0x1F800] =	vst v63  }
0xf5: {  	_ =	swait.ge [sflag:s19], $0x4000  }
0xf6: {  	[sflag:s19] =	ssyncset.done $0x0  }
0xf7: {  	s22 =	rddreg [dreg:$0x6];
	[sflag:s19] =	ssyncadd.s32 $0xFFFFC000  }
0xf8: {  	[tilespmem:s18], [sflag:$0x2] =	stream.linear.gather [hbm4b:s22+s3], $0x400, $0x38;
	[tilespmem:$0x1F800] =	vst v63  }
0xf9: {  	_ =	swait.ge [sflag:s19], $0x400  }
0xfa: {  	[sflag:s19] =	ssyncset.done $0x0  }
0xfb: {  	[sflag:s19] =	ssyncadd.s32 $0xFFFFFC00  }
0xfc: {  	[tilespmem:s21], [sflag:$0x1] =	stream.indirect.gather [spmem:s2], $0x20, s18, s20, $0xb8;
	[tilespmem:$0x1F800] =	vst v63  }
0xfd: {  	_ =	swait.ge [sflag:s0], $0x1000  }
0xfe: {  	s10 =	sld [smem:$0x7FD]  }
0xff: {  	[sflag:s0] =	ssyncset.done $0x0  }
0x100: {  	[sflag:s0] =	ssyncadd.s32 $0xFFFFF000  }
0x101: {  	[hbm4b:s10+s3] =	stream.linear.scatter [tilespmem:s21], [sflag:$0x2], $0x4000, $0x38;
	[tilespmem:$0x1F800] =	vst v63  }
0x102: {  	_ =	swait.ge [sflag:s19], $0x4000  }
0x103: {  	s12 =	sadd.s32 $0x1, s12;
	s23 =	rddreg [dreg:$0x1d]  }
0x104: {  	p1 =	sne.s32 s12, s23  }
.Ltmp1:
0x105: {  	_ = 	snop;
	(pc) =	sbr.rel @!p1 .LBB2_27-.Ltmp1, $3  }
0x106: {  	_ =	sdelay $0x1  }
0x107: {  	[sflag:s19] =	ssyncset.done $0x0  }
0x108: {  	[sflag:s19] =	ssyncadd.s32 $0xFFFFC000  }
.LBB2_1:
0x109: {  	s7 =	simm.s32 $0x200;
	s9 =	simm.s32 $0x0  }
.LBB2_2:
0x10a: {  	p1 =	sne.s32 s7, $0xFE00;
	[tilespmem:s9+$0x2800] =	vst v0;
	s10 =	smov.u32 s7;
	s7 =	sadd.s32 $0x200, s7  }
.Ltmp2:
0x10b: {  	[tilespmem:s9+$0x2810] =	vst v0;
	(pc) =	sbr.rel @p1 .LBB2_2-.Ltmp2, $2  }
0x10c: {  	_ =	sdelay $0x2  }
0x10d: {  	s9 =	sshra.s32 s10, $0x2  }
0x10e: {  	[tilespmem:s9+$0x2800] =	vst v0  }
0x10f: {  	[tilespmem:s9+$0x2810] =	vst v0  }
0x110: {  	[tilespmem:s18], [sflag:$0x2] =	stream.linear.gather [hbm4b:s14+s13], $0x400, $0x38;
	[tilespmem:$0x1F800] =	vst v63  }
0x111: {  	_ =	swait.ge [sflag:s19], $0x400  }
0x112: {  	[sflag:s19] =	ssyncset.done $0x0  }
0x113: {  	[sflag:s19] =	ssyncadd.s32 $0xFFFFFC00  }
0x114: {  	[spmem:s2] =	stream.indirect.scatter [tilespmem:s21], [sflag:$0x2], $0x20, s18, s20, $0xb8;
	[tilespmem:$0x1F800] =	vst v63  }
0x115: {  	_ =	swait.ge [sflag:s19], $0x1000  }
0x116: {  	[sflag:s19] =	ssyncset.done $0x0  }
0x117: {  	[sflag:s19] =	ssyncadd.s32 $0xFFFFF000  }
0x118: {  	[spmem:s2] =	stream.indirect.scatter [tilespmem:s21], [sflag:$0x2], $0x20, s11, s20, $0xb8;
	[tilespmem:$0x1F800] =	vst v63  }
0x119: {  	_ =	swait.ge [sflag:s19], $0x1000  }
0x11a: {  	[sflag:s19] =	ssyncset.done $0x0  }
0x11b: {  	s7 =	simm.s32 $0x500;
	[sflag:s19] =	ssyncadd.s32 $0xFFFFF000  }
0x11c: {  	[spmem:s2] =	stream.indirect.scatter [tilespmem:s21], [sflag:$0x2], $0x20, s7, s20, $0xb8;
	[tilespmem:$0x1F800] =	vst v63  }
0x11d: {  	_ =	swait.ge [sflag:s19], $0x1000  }
0x11e: {  	[sflag:s19] =	ssyncset.done $0x0  }
0x11f: {  	[sflag:s19] =	ssyncadd.s32 $0xFFFFF000  }
0x120: {  	[spmem:s2] =	stream.indirect.scatter [tilespmem:s21], [sflag:$0x2], $0x20, s24, s20, $0xb8;
	[tilespmem:$0x1F800] =	vst v63  }
0x121: {  	_ =	swait.ge [sflag:s19], $0x1000  }
0x122: {  	[sflag:s19] =	ssyncset.done $0x0  }
0x123: {  	[sflag:s19] =	ssyncadd.s32 $0xFFFFF000  }
0x124: {  	[spmem:s2] =	stream.indirect.scatter [tilespmem:s21], [sflag:$0x2], $0x20, s25, s20, $0xb8;
	[tilespmem:$0x1F800] =	vst v63  }
0x125: {  	_ =	swait.ge [sflag:s19], $0x1000  }
0x126: {  	[sflag:s19] =	ssyncset.done $0x0  }
0x127: {  	[sflag:s19] =	ssyncadd.s32 $0xFFFFF000  }
0x128: {  	[spmem:s2] =	stream.indirect.scatter [tilespmem:s21], [sflag:$0x2], $0x20, s26, s20, $0xb8;
	[tilespmem:$0x1F800] =	vst v63  }
0x129: {  	_ =	swait.ge [sflag:s19], $0x1000  }
0x12a: {  	[sflag:s19] =	ssyncset.done $0x0  }
0x12b: {  	[sflag:s19] =	ssyncadd.s32 $0xFFFFF000  }
0x12c: {  	[spmem:s2] =	stream.indirect.scatter [tilespmem:s21], [sflag:$0x2], $0x20, s28, s20, $0xb8;
	[tilespmem:$0x1F800] =	vst v63  }
0x12d: {  	_ =	swait.ge [sflag:s19], $0x1000  }
0x12e: {  	[sflag:s19] =	ssyncset.done $0x0  }
0x12f: {  	[sflag:s19] =	ssyncadd.s32 $0xFFFFF000  }
0x130: {  	[spmem:s2] =	stream.indirect.scatter [tilespmem:s21], [sflag:$0x2], $0x20, s29, s20, $0xb8;
	[tilespmem:$0x1F800] =	vst v63  }
0x131: {  	_ =	swait.ge [sflag:s19], $0x1000  }
0x132: {  	[sflag:s19] =	ssyncset.done $0x0  }
0x133: {  	[sflag:s19] =	ssyncadd.s32 $0xFFFFF000  }
0x134: {  	[tilespmem:s18], [sflag:$0x2] =	stream.linear.gather [hbm4b:s15+s13], $0x400, $0x38;
	[tilespmem:$0x1F800] =	vst v63  }
0x135: {  	_ =	swait.ge [sflag:s19], $0x400  }
0x136: {  	[sflag:s19] =	ssyncset.done $0x0  }
0x137: {  	[sflag:s19] =	ssyncadd.s32 $0xFFFFFC00  }
0x138: {  	[spmem:s2] =	stream.indirect.scatter [tilespmem:s21], [sflag:$0x2], $0x20, s18, s20, $0xb8;
	[tilespmem:$0x1F800] =	vst v63  }
0x139: {  	_ =	swait.ge [sflag:s19], $0x1000  }
0x13a: {  	[sflag:s19] =	ssyncset.done $0x0  }
0x13b: {  	[sflag:s19] =	ssyncadd.s32 $0xFFFFF000  }
0x13c: {  	[spmem:s2] =	stream.indirect.scatter [tilespmem:s21], [sflag:$0x2], $0x20, s11, s20, $0xb8;
	[tilespmem:$0x1F800] =	vst v63  }
0x13d: {  	_ =	swait.ge [sflag:s19], $0x1000  }
0x13e: {  	[sflag:s19] =	ssyncset.done $0x0  }
0x13f: {  	[sflag:s19] =	ssyncadd.s32 $0xFFFFF000  }
0x140: {  	[spmem:s2] =	stream.indirect.scatter [tilespmem:s21], [sflag:$0x2], $0x20, s7, s20, $0xb8;
	[tilespmem:$0x1F800] =	vst v63  }
0x141: {  	_ =	swait.ge [sflag:s19], $0x1000  }
0x142: {  	[sflag:s19] =	ssyncset.done $0x0  }
0x143: {  	[sflag:s19] =	ssyncadd.s32 $0xFFFFF000  }
0x144: {  	[spmem:s2] =	stream.indirect.scatter [tilespmem:s21], [sflag:$0x2], $0x20, s24, s20, $0xb8;
	[tilespmem:$0x1F800] =	vst v63  }
0x145: {  	_ =	swait.ge [sflag:s19], $0x1000  }
0x146: {  	[sflag:s19] =	ssyncset.done $0x0  }
0x147: {  	[sflag:s19] =	ssyncadd.s32 $0xFFFFF000  }
0x148: {  	[spmem:s2] =	stream.indirect.scatter [tilespmem:s21], [sflag:$0x2], $0x20, s25, s20, $0xb8;
	[tilespmem:$0x1F800] =	vst v63  }
0x149: {  	_ =	swait.ge [sflag:s19], $0x1000  }
0x14a: {  	[sflag:s19] =	ssyncset.done $0x0  }
0x14b: {  	[sflag:s19] =	ssyncadd.s32 $0xFFFFF000  }
0x14c: {  	[spmem:s2] =	stream.indirect.scatter [tilespmem:s21], [sflag:$0x2], $0x20, s26, s20, $0xb8;
	[tilespmem:$0x1F800] =	vst v63  }
0x14d: {  	_ =	swait.ge [sflag:s19], $0x1000  }
0x14e: {  	[sflag:s19] =	ssyncset.done $0x0  }
0x14f: {  	[sflag:s19] =	ssyncadd.s32 $0xFFFFF000  }
0x150: {  	[spmem:s2] =	stream.indirect.scatter [tilespmem:s21], [sflag:$0x2], $0x20, s28, s20, $0xb8;
	[tilespmem:$0x1F800] =	vst v63  }
0x151: {  	_ =	swait.ge [sflag:s19], $0x1000  }
0x152: {  	[sflag:s19] =	ssyncset.done $0x0  }
0x153: {  	[sflag:s19] =	ssyncadd.s32 $0xFFFFF000  }
0x154: {  	[spmem:s2] =	stream.indirect.scatter [tilespmem:s21], [sflag:$0x2], $0x20, s29, s20, $0xb8;
	[tilespmem:$0x1F800] =	vst v63  }
0x155: {  	_ =	swait.ge [sflag:s19], $0x1000  }
0x156: {  	[sflag:s19] =	ssyncset.done $0x0  }
0x157: {  	[sflag:s19] =	ssyncadd.s32 $0xFFFFF000  }
0x158: {  	[tilespmem:s18], [sflag:$0x2] =	stream.linear.gather [hbm4b:s16+s13], $0x400, $0x38;
	[tilespmem:$0x1F800] =	vst v63  }
0x159: {  	_ =	swait.ge [sflag:s19], $0x400  }
0x15a: {  	[sflag:s19] =	ssyncset.done $0x0  }
0x15b: {  	[sflag:s19] =	ssyncadd.s32 $0xFFFFFC00  }
0x15c: {  	[spmem:s2] =	stream.indirect.scatter [tilespmem:s21], [sflag:$0x2], $0x20, s18, s20, $0xb8;
	[tilespmem:$0x1F800] =	vst v63  }
0x15d: {  	_ =	swait.ge [sflag:s19], $0x1000  }
0x15e: {  	[sflag:s19] =	ssyncset.done $0x0  }
0x15f: {  	[sflag:s19] =	ssyncadd.s32 $0xFFFFF000  }
0x160: {  	[spmem:s2] =	stream.indirect.scatter [tilespmem:s21], [sflag:$0x2], $0x20, s11, s20, $0xb8;
	[tilespmem:$0x1F800] =	vst v63  }
0x161: {  	_ =	swait.ge [sflag:s19], $0x1000  }
0x162: {  	[sflag:s19] =	ssyncset.done $0x0  }
0x163: {  	[sflag:s19] =	ssyncadd.s32 $0xFFFFF000  }
0x164: {  	[spmem:s2] =	stream.indirect.scatter [tilespmem:s21], [sflag:$0x2], $0x20, s7, s20, $0xb8;
	[tilespmem:$0x1F800] =	vst v63  }
0x165: {  	_ =	swait.ge [sflag:s19], $0x1000  }
0x166: {  	[sflag:s19] =	ssyncset.done $0x0  }
0x167: {  	[sflag:s19] =	ssyncadd.s32 $0xFFFFF000  }
0x168: {  	[spmem:s2] =	stream.indirect.scatter [tilespmem:s21], [sflag:$0x2], $0x20, s24, s20, $0xb8;
	[tilespmem:$0x1F800] =	vst v63  }
0x169: {  	_ =	swait.ge [sflag:s19], $0x1000  }
0x16a: {  	[sflag:s19] =	ssyncset.done $0x0  }
0x16b: {  	[sflag:s19] =	ssyncadd.s32 $0xFFFFF000  }
0x16c: {  	[spmem:s2] =	stream.indirect.scatter [tilespmem:s21], [sflag:$0x2], $0x20, s25, s20, $0xb8;
	[tilespmem:$0x1F800] =	vst v63  }
0x16d: {  	_ =	swait.ge [sflag:s19], $0x1000  }
0x16e: {  	[sflag:s19] =	ssyncset.done $0x0  }
0x16f: {  	[sflag:s19] =	ssyncadd.s32 $0xFFFFF000  }
0x170: {  	[spmem:s2] =	stream.indirect.scatter [tilespmem:s21], [sflag:$0x2], $0x20, s26, s20, $0xb8;
	[tilespmem:$0x1F800] =	vst v63  }
0x171: {  	_ =	swait.ge [sflag:s19], $0x1000  }
0x172: {  	[sflag:s19] =	ssyncset.done $0x0  }
0x173: {  	[sflag:s19] =	ssyncadd.s32 $0xFFFFF000  }
0x174: {  	[spmem:s2] =	stream.indirect.scatter [tilespmem:s21], [sflag:$0x2], $0x20, s28, s20, $0xb8;
	[tilespmem:$0x1F800] =	vst v63  }
0x175: {  	_ =	swait.ge [sflag:s19], $0x1000  }
0x176: {  	[sflag:s19] =	ssyncset.done $0x0  }
0x177: {  	[sflag:s19] =	ssyncadd.s32 $0xFFFFF000  }
0x178: {  	[spmem:s2] =	stream.indirect.scatter [tilespmem:s21], [sflag:$0x2], $0x20, s29, s20, $0xb8;
	[tilespmem:$0x1F800] =	vst v63  }
0x179: {  	_ =	swait.ge [sflag:s19], $0x1000  }
0x17a: {  	[sflag:s19] =	ssyncset.done $0x0  }
0x17b: {  	[sflag:s19] =	ssyncadd.s32 $0xFFFFF000  }
0x17c: {  	[tilespmem:s18], [sflag:$0x2] =	stream.linear.gather [hbm4b:s22+s13], $0x400, $0x38;
	[tilespmem:$0x1F800] =	vst v63  }
0x17d: {  	_ =	swait.ge [sflag:s19], $0x400  }
0x17e: {  	[sflag:s19] =	ssyncset.done $0x0  }
0x17f: {  	[sflag:s19] =	ssyncadd.s32 $0xFFFFFC00  }
0x180: {  	[spmem:s2] =	stream.indirect.scatter [tilespmem:s21], [sflag:$0x2], $0x20, s18, s20, $0xb8;
	[tilespmem:$0x1F800] =	vst v63  }
0x181: {  	_ =	swait.ge [sflag:s19], $0x1000  }
0x182: {  	[sflag:s19] =	ssyncset.done $0x0  }
0x183: {  	[sflag:s19] =	ssyncadd.s32 $0xFFFFF000  }
0x184: {  	[spmem:s2] =	stream.indirect.scatter [tilespmem:s21], [sflag:$0x2], $0x20, s11, s20, $0xb8;
	[tilespmem:$0x1F800] =	vst v63  }
0x185: {  	_ =	swait.ge [sflag:s19], $0x1000  }
0x186: {  	[sflag:s19] =	ssyncset.done $0x0  }
0x187: {  	[sflag:s19] =	ssyncadd.s32 $0xFFFFF000  }
0x188: {  	[spmem:s2] =	stream.indirect.scatter [tilespmem:s21], [sflag:$0x2], $0x20, s7, s20, $0xb8;
	[tilespmem:$0x1F800] =	vst v63  }
0x189: {  	_ =	swait.ge [sflag:s19], $0x1000  }
0x18a: {  	[sflag:s19] =	ssyncset.done $0x0  }
0x18b: {  	[sflag:s19] =	ssyncadd.s32 $0xFFFFF000  }
0x18c: {  	[spmem:s2] =	stream.indirect.scatter [tilespmem:s21], [sflag:$0x2], $0x20, s24, s20, $0xb8;
	[tilespmem:$0x1F800] =	vst v63  }
0x18d: {  	_ =	swait.ge [sflag:s19], $0x1000  }
0x18e: {  	[sflag:s19] =	ssyncset.done $0x0  }
0x18f: {  	[sflag:s19] =	ssyncadd.s32 $0xFFFFF000  }
0x190: {  	[spmem:s2] =	stream.indirect.scatter [tilespmem:s21], [sflag:$0x2], $0x20, s25, s20, $0xb8;
	[tilespmem:$0x1F800] =	vst v63  }
0x191: {  	_ =	swait.ge [sflag:s19], $0x1000  }
0x192: {  	[sflag:s19] =	ssyncset.done $0x0  }
0x193: {  	[sflag:s19] =	ssyncadd.s32 $0xFFFFF000  }
0x194: {  	[spmem:s2] =	stream.indirect.scatter [tilespmem:s21], [sflag:$0x2], $0x20, s26, s20, $0xb8;
	[tilespmem:$0x1F800] =	vst v63  }
0x195: {  	_ =	swait.ge [sflag:s19], $0x1000  }
0x196: {  	[sflag:s19] =	ssyncset.done $0x0  }
0x197: {  	[sflag:s19] =	ssyncadd.s32 $0xFFFFF000  }
0x198: {  	[spmem:s2] =	stream.indirect.scatter [tilespmem:s21], [sflag:$0x2], $0x20, s28, s20, $0xb8;
	[tilespmem:$0x1F800] =	vst v63  }
0x199: {  	_ =	swait.ge [sflag:s19], $0x1000  }
0x19a: {  	[sflag:s19] =	ssyncset.done $0x0  }
0x19b: {  	[sflag:s19] =	ssyncadd.s32 $0xFFFFF000  }
0x19c: {  	[spmem:s2] =	stream.indirect.scatter [tilespmem:s21], [sflag:$0x2], $0x20, s29, s20, $0xb8;
	[tilespmem:$0x1F800] =	vst v63  }
.Ltmp3:
0x19d: {  	_ =	swait.ge [sflag:s19], $0x1000;
	(pc) =	sbr.rel .LBB2_4-.Ltmp3, $4  }
0x19e: {  	[sflag:s19] =	ssyncset.done $0x0  }
0x19f: {  	[sflag:s19] =	ssyncadd.s32 $0xFFFFF000  }
0x1a0: {  	[bflag:$0x0] =	sbarrier.arrive $0xFFFF  }
0x1a1: {  	s14 =	simm.s32 $0x0  }
.LBB2_25:
0x1a2: {  	s14 =	sadd.s32 $0x1, s14  }
0x1a3: {  	p1 =	sne.s32 s14, $0x31  }
.Ltmp4:
0x1a4: {  	_ = 	snop;
	(pc) =	sbr.rel @!p1 .LBB2_26-.Ltmp4, $1  }
0x1a5: {  	_ =	sdelay $0x3  }
.LBB2_4:
0x1a6: {  	s15 =	sshll.u32 s14, $0x3  }
0x1a7: {  	s7 =	sadd.s32 s17, s15  }
0x1a8: {  	s7 =	sshll.u32 s7, $0x4  }
0x1a9: {  	s9 =	sadd.s32 s5, s7  }
0x1aa: {  	[tilespmem:s13], [sflag:$0x2] =	stream.linear.gather [hbm4b:s9+s13], $0x400, $0x38;
	[tilespmem:$0x1F800] =	vst v63  }
0x1ab: {  	_ =	swait.ge [sflag:s19], $0x400  }
0x1ac: {  	[sflag:s19] =	ssyncset.done $0x0  }
.Ltmp5:
0x1ad: {  	s7 =	sadd.s32 s6, s7;
	[sflag:s19] =	ssyncadd.s32 $0xFFFFFC00;
	(pc) =	sbr.rel .LBB2_5-.Ltmp5, $4  }
0x1ae: {  	[tilespmem:s18], [sflag:$0x2] =	stream.linear.gather [hbm4b:s7+s13], $0x400, $0x38;
	[tilespmem:$0x1F800] =	vst v63  }
0x1af: {  	_ =	swait.ge [sflag:s19], $0x400  }
0x1b0: {  	[sflag:s19] =	ssyncset.done $0x0  }
0x1b1: {  	s16 =	simm.s32 $0x0;
	[sflag:s19] =	ssyncadd.s32 $0xFFFFFC00  }
.LBB2_23:
0x1b2: {  	[tilespmem:s22+$0x0] =	vst v1  }
.LBB2_24:
0x1b3: {  	s16 =	sadd.s32 $0x1, s16  }
0x1b4: {  	p1 =	sne.s32 s16, $0x8  }
.Ltmp6:
0x1b5: {  	s7 =	sadd.s32 $0x400, s7;
	(pc) =	sbr.rel @!p1 .LBB2_25-.Ltmp6, $4  }
0x1b6: {  	[spmem:s2] =	stream.indirect.scatter.add.f32 [tilespmem:s21], [sflag:$0x1], $0x20, s7, s20, $0xb8;
	[tilespmem:$0x1F800] =	vst v63  }
0x1b7: {  	_ =	swait.ge [sflag:s0], $0x1000  }
0x1b8: {  	[sflag:s0] =	ssyncset.done $0x0  }
0x1b9: {  	[sflag:s0] =	ssyncadd.s32 $0xFFFFF000  }
.LBB2_5:
0x1ba: {  	s7 =	sadd.s32 s15, s16  }
0x1bb: {  	s7 =	sshll.u32 s7, $0x9  }
0x1bc: {  	s22 =	simm.s32 $0x0;
	s7 =	sadd.s32 s7, s8  }
0x1bd: {  	[tilespmem:s30], [sflag:$0x2] =	stream.linear.gather [hbm4b:s7+s22], $0x1000, $0x38;
	[tilespmem:$0x1F800] =	vst v63  }
0x1be: {  	_ =	swait.ge [sflag:s19], $0x1000  }
0x1bf: {  	[sflag:s19] =	ssyncset.done $0x0  }
.Ltmp7:
0x1c0: {  	s7 =	sshll.u32 s16, $0x7;
	[sflag:s19] =	ssyncadd.s32 $0xFFFFF000;
	(pc) =	sbr.rel @p0 .LBB2_15-.Ltmp7, $4  }
0x1c1: {  	[tilespmem:s1], [sflag:$0x1] =	stream.indirect.gather [hbm4b:s4+s31], $0x80, s7, s31, $0xb8;
	[tilespmem:$0x1F800] =	vst v63  }
0x1c2: {  	_ =	swait.ge [sflag:s0], $0x1000  }
0x1c3: {  	s10 =	simm.s32 $0x830;
	[sflag:s0] =	ssyncset.done $0x0  }
0x1c4: {  	s11 =	simm.s32 $0x810;
	s9 =	simm.s32 $0x2810;
	[sflag:s0] =	ssyncadd.s32 $0xFFFFF000  }
0x1c5: {  	v1 =	vld [tilespmem:s11+$0xFFFFFFF0];
	s10 =	sand.u32 $0x3E0, s22  }
0x1c6: {  	v2 =	vld [tilespmem:s10+$0x1800];
	_ =	sdelay $0x4  }
0x1c7: {  	v1 =	vmul.f32 v2, v1;
	_ =	sdelay $0x1  }
0x1c8: {  	[tilespmem:s9+$0xFFFFFFF0] =	vst v1  }
0x1c9: {  	v1 =	vld [tilespmem:s11+$0x0]  }
0x1ca: {  	v2 =	vld [tilespmem:s10+$0x1810];
	_ =	sdelay $0x4  }
0x1cb: {  	s22 =	simm.s32 $0x2810;
	s10 =	simm.s32 $0x20;
	v1 =	vmul.f32 v2, v1  }
.LBB2_7:
0x1cc: {  	p1 =	seq.s32 s10, $0x3E0;
	s11 =	sadd.s32 $0x80, s11;
	s9 =	sadd.s32 $0x80, s9  }
0x1cd: {  	s23 =	smov.u32 s10;
	s10 =	sadd.s32 $0x20, s10;
	[tilespmem:s22+$0x0] =	vst v1;
	s22 =	smov.u32 s9  }
0x1ce: {  	s23 =	sand.u32 $0x3E0, s23;
	v1 =	vld [tilespmem:s11+$0xFFFFFFF0]  }
0x1cf: {  	v2 =	vld [tilespmem:s23+$0x1800];
	_ =	sdelay $0x4  }
0x1d0: {  	v1 =	vmul.f32 v2, v1;
	_ =	sdelay $0x1  }
0x1d1: {  	[tilespmem:s9+$0xFFFFFFF0] =	vst v1  }
0x1d2: {  	v1 =	vld [tilespmem:s11+$0x0]  }
0x1d3: {  	v2 =	vld [tilespmem:s23+$0x1810]  }
.Ltmp8:
0x1d4: {  	(pc) =	sbr.rel @!p1 .LBB2_7-.Ltmp8, $2  }
0x1d5: {  	_ =	sdelay $0x2  }
0x1d6: {  	v1 =	vmul.f32 v2, v1  }
0x1d7: {  	_ = 	snop  }
0x1d8: {  	s9 =	sadd.s32 $0x20, s7;
	[tilespmem:s22+$0x0] =	vst v1  }
0x1d9: {  	[tilespmem:s1], [sflag:$0x1] =	stream.indirect.gather [hbm4b:s4+s31], $0x80, s9, s31, $0xb8;
	[tilespmem:$0x1F800] =	vst v63  }
0x1da: {  	_ =	swait.ge [sflag:s0], $0x1000  }
0x1db: {  	[sflag:s0] =	ssyncset.done $0x0  }
0x1dc: {  	s10 =	simm.s32 $0x0;
	s9 =	simm.s32 $0x810;
	[sflag:s0] =	ssyncadd.s32 $0xFFFFF000  }
0x1dd: {  	s11 =	sand.u32 $0x3E0, s10;
	v1 =	vld [tilespmem:s9+$0xFFFFFFF0]  }
0x1de: {  	v2 =	vld [tilespmem:s11+$0x1C00];
	_ =	sdelay $0x4  }
0x1df: {  	v1 =	vmul.f32 v2, v1  }
0x1e0: {  	s10 =	simm.s32 $0x3810  }
0x1e1: {  	[tilespmem:s10+$0xFFFFFFF0] =	vst v1  }
0x1e2: {  	v1 =	vld [tilespmem:s9+$0x0]  }
0x1e3: {  	v2 =	vld [tilespmem:s11+$0x1C10];
	_ =	sdelay $0x4  }
0x1e4: {  	s22 =	simm.s32 $0x3810;
	s11 =	simm.s32 $0x20;
	v1 =	vmul.f32 v2, v1  }
.LBB2_9:
0x1e5: {  	p1 =	seq.s32 s11, $0x3E0;
	s10 =	sadd.s32 $0x80, s10;
	s9 =	sadd.s32 $0x80, s9  }
0x1e6: {  	s23 =	smov.u32 s11;
	s11 =	sadd.s32 $0x20, s11;
	[tilespmem:s22+$0x0] =	vst v1;
	s22 =	smov.u32 s10  }
0x1e7: {  	s23 =	sand.u32 $0x3E0, s23;
	v1 =	vld [tilespmem:s9+$0xFFFFFFF0]  }
0x1e8: {  	v2 =	vld [tilespmem:s23+$0x1C00];
	_ =	sdelay $0x4  }
0x1e9: {  	v1 =	vmul.f32 v2, v1;
	_ =	sdelay $0x1  }
0x1ea: {  	[tilespmem:s10+$0xFFFFFFF0] =	vst v1  }
0x1eb: {  	v1 =	vld [tilespmem:s9+$0x0]  }
0x1ec: {  	v2 =	vld [tilespmem:s23+$0x1C10]  }
.Ltmp9:
0x1ed: {  	(pc) =	sbr.rel @!p1 .LBB2_9-.Ltmp9, $2  }
0x1ee: {  	_ =	sdelay $0x2  }
0x1ef: {  	v1 =	vmul.f32 v2, v1  }
0x1f0: {  	_ = 	snop  }
0x1f1: {  	s9 =	sadd.s32 $0x40, s7;
	[tilespmem:s22+$0x0] =	vst v1  }
0x1f2: {  	[tilespmem:s1], [sflag:$0x1] =	stream.indirect.gather [hbm4b:s4+s31], $0x80, s9, s31, $0xb8;
	[tilespmem:$0x1F800] =	vst v63  }
0x1f3: {  	_ =	swait.ge [sflag:s0], $0x1000  }
0x1f4: {  	[sflag:s0] =	ssyncset.done $0x0  }
0x1f5: {  	s10 =	simm.s32 $0x0;
	s9 =	simm.s32 $0x810;
	[sflag:s0] =	ssyncadd.s32 $0xFFFFF000  }
0x1f6: {  	s11 =	sand.u32 $0x3E0, s10;
	v1 =	vld [tilespmem:s9+$0xFFFFFFF0]  }
0x1f7: {  	v2 =	vld [tilespmem:s11+$0x2000];
	_ =	sdelay $0x4  }
0x1f8: {  	v1 =	vmul.f32 v2, v1  }
0x1f9: {  	s10 =	simm.s32 $0x4810  }
0x1fa: {  	[tilespmem:s10+$0xFFFFFFF0] =	vst v1  }
0x1fb: {  	v1 =	vld [tilespmem:s9+$0x0]  }
0x1fc: {  	v2 =	vld [tilespmem:s11+$0x2010];
	_ =	sdelay $0x4  }
0x1fd: {  	s22 =	simm.s32 $0x4810;
	s11 =	simm.s32 $0x20;
	v1 =	vmul.f32 v2, v1  }
.LBB2_11:
0x1fe: {  	p1 =	seq.s32 s11, $0x3E0;
	s10 =	sadd.s32 $0x80, s10;
	s9 =	sadd.s32 $0x80, s9  }
0x1ff: {  	s23 =	smov.u32 s11;
	s11 =	sadd.s32 $0x20, s11;
	[tilespmem:s22+$0x0] =	vst v1;
	s22 =	smov.u32 s10  }
0x200: {  	s23 =	sand.u32 $0x3E0, s23;
	v1 =	vld [tilespmem:s9+$0xFFFFFFF0]  }
0x201: {  	v2 =	vld [tilespmem:s23+$0x2000];
	_ =	sdelay $0x4  }
0x202: {  	v1 =	vmul.f32 v2, v1;
	_ =	sdelay $0x1  }
0x203: {  	[tilespmem:s10+$0xFFFFFFF0] =	vst v1  }
0x204: {  	v1 =	vld [tilespmem:s9+$0x0]  }
0x205: {  	v2 =	vld [tilespmem:s23+$0x2010]  }
.Ltmp10:
0x206: {  	(pc) =	sbr.rel @!p1 .LBB2_11-.Ltmp10, $2  }
0x207: {  	_ =	sdelay $0x2  }
0x208: {  	v1 =	vmul.f32 v2, v1  }
0x209: {  	_ = 	snop  }
0x20a: {  	s9 =	sadd.s32 $0x60, s7;
	[tilespmem:s22+$0x0] =	vst v1  }
0x20b: {  	[tilespmem:s1], [sflag:$0x1] =	stream.indirect.gather [hbm4b:s4+s31], $0x80, s9, s31, $0xb8;
	[tilespmem:$0x1F800] =	vst v63  }
0x20c: {  	_ =	swait.ge [sflag:s0], $0x1000  }
0x20d: {  	[sflag:s0] =	ssyncset.done $0x0  }
0x20e: {  	s10 =	simm.s32 $0x0;
	s9 =	simm.s32 $0x810;
	[sflag:s0] =	ssyncadd.s32 $0xFFFFF000  }
0x20f: {  	s11 =	sand.u32 $0x3E0, s10;
	v1 =	vld [tilespmem:s9+$0xFFFFFFF0]  }
0x210: {  	v2 =	vld [tilespmem:s11+$0x2400];
	_ =	sdelay $0x4  }
0x211: {  	v1 =	vmul.f32 v2, v1  }
0x212: {  	s10 =	simm.s32 $0x5810  }
0x213: {  	[tilespmem:s10+$0xFFFFFFF0] =	vst v1  }
0x214: {  	v1 =	vld [tilespmem:s9+$0x0]  }
0x215: {  	v2 =	vld [tilespmem:s11+$0x2410];
	_ =	sdelay $0x4  }
0x216: {  	s22 =	simm.s32 $0x5810;
	s11 =	simm.s32 $0x20;
	v1 =	vmul.f32 v2, v1  }
.LBB2_13:
0x217: {  	p1 =	seq.s32 s11, $0x3E0;
	s10 =	sadd.s32 $0x80, s10;
	s9 =	sadd.s32 $0x80, s9  }
0x218: {  	s23 =	smov.u32 s11;
	s11 =	sadd.s32 $0x20, s11;
	[tilespmem:s22+$0x0] =	vst v1;
	s22 =	smov.u32 s10  }
0x219: {  	s23 =	sand.u32 $0x3E0, s23;
	v1 =	vld [tilespmem:s9+$0xFFFFFFF0]  }
0x21a: {  	v2 =	vld [tilespmem:s23+$0x2400];
	_ =	sdelay $0x4  }
0x21b: {  	v1 =	vmul.f32 v2, v1;
	_ =	sdelay $0x1  }
0x21c: {  	[tilespmem:s10+$0xFFFFFFF0] =	vst v1  }
0x21d: {  	v1 =	vld [tilespmem:s9+$0x0]  }
0x21e: {  	v2 =	vld [tilespmem:s23+$0x2410]  }
.Ltmp11:
0x21f: {  	(pc) =	sbr.rel @!p1 .LBB2_13-.Ltmp11, $2  }
0x220: {  	_ =	sdelay $0x2  }
0x221: {  	v1 =	vmul.f32 v2, v1  }
.Ltmp12:
0x222: {  	(pc) =	sbr.rel .LBB2_24-.Ltmp12, $2  }
0x223: {  	_ =	sdelay $0x2  }
0x224: {  	[tilespmem:s22+$0x0] =	vst v1  }
.LBB2_15:
0x225: {  	v1 =	vld [tilespmem:s10+$0xFFFFFFF0];
	s11 =	sand.u32 $0x3E0, s22  }
0x226: {  	v2 =	vld [tilespmem:s11+$0x1800];
	_ =	sdelay $0x4  }
0x227: {  	v1 =	vmul.f32 v2, v1;
	_ =	sdelay $0x1  }
0x228: {  	[tilespmem:s9+$0xFFFFFFF0] =	vst v1  }
0x229: {  	v1 =	vld [tilespmem:s10+$0x0]  }
0x22a: {  	v2 =	vld [tilespmem:s11+$0x1810];
	_ =	sdelay $0x4  }
0x22b: {  	s22 =	simm.s32 $0x2810;
	s11 =	simm.s32 $0x20;
	v1 =	vmul.f32 v2, v1  }
.LBB2_16:
0x22c: {  	p1 =	seq.s32 s11, $0x3E0;
	s10 =	sadd.s32 $0x80, s10;
	s9 =	sadd.s32 $0x80, s9  }
0x22d: {  	s23 =	smov.u32 s11;
	s11 =	sadd.s32 $0x20, s11;
	[tilespmem:s22+$0x0] =	vst v1;
	s22 =	smov.u32 s9  }
0x22e: {  	s23 =	sand.u32 $0x3E0, s23;
	v1 =	vld [tilespmem:s10+$0xFFFFFFF0]  }
0x22f: {  	v2 =	vld [tilespmem:s23+$0x1800];
	_ =	sdelay $0x4  }
0x230: {  	v1 =	vmul.f32 v2, v1;
	_ =	sdelay $0x1  }
0x231: {  	[tilespmem:s9+$0xFFFFFFF0] =	vst v1  }
0x232: {  	v1 =	vld [tilespmem:s10+$0x0]  }
0x233: {  	v2 =	vld [tilespmem:s23+$0x1810]  }
.Ltmp13:
0x234: {  	(pc) =	sbr.rel @!p1 .LBB2_16-.Ltmp13, $2  }
0x235: {  	_ =	sdelay $0x2  }
0x236: {  	v1 =	vmul.f32 v2, v1  }
0x237: {  	_ = 	snop  }
0x238: {  	s9 =	sadd.s32 $0x20, s7;
	[tilespmem:s22+$0x0] =	vst v1  }
0x239: {  	[tilespmem:s1], [sflag:$0x1] =	stream.indirect.gather [hbm4b:s4+s31], $0x80, s9, s31, $0xb8;
	[tilespmem:$0x1F800] =	vst v63  }
0x23a: {  	_ =	swait.ge [sflag:s0], $0x1000  }
0x23b: {  	[sflag:s0] =	ssyncset.done $0x0  }
0x23c: {  	s10 =	simm.s32 $0x0;
	s9 =	simm.s32 $0x830;
	[sflag:s0] =	ssyncadd.s32 $0xFFFFF000  }
0x23d: {  	s11 =	sand.u32 $0x3E0, s10;
	v1 =	vld [tilespmem:s9+$0xFFFFFFF0]  }
0x23e: {  	v2 =	vld [tilespmem:s11+$0x1C00];
	_ =	sdelay $0x4  }
0x23f: {  	v1 =	vmul.f32 v2, v1  }
0x240: {  	s10 =	simm.s32 $0x3810  }
0x241: {  	[tilespmem:s10+$0xFFFFFFF0] =	vst v1  }
0x242: {  	v1 =	vld [tilespmem:s9+$0x0]  }
0x243: {  	v2 =	vld [tilespmem:s11+$0x1C10];
	_ =	sdelay $0x4  }
0x244: {  	s22 =	simm.s32 $0x3810;
	s11 =	simm.s32 $0x20;
	v1 =	vmul.f32 v2, v1  }
.LBB2_18:
0x245: {  	p1 =	seq.s32 s11, $0x3E0;
	s10 =	sadd.s32 $0x80, s10;
	s9 =	sadd.s32 $0x80, s9  }
0x246: {  	s23 =	smov.u32 s11;
	s11 =	sadd.s32 $0x20, s11;
	[tilespmem:s22+$0x0] =	vst v1;
	s22 =	smov.u32 s10  }
0x247: {  	s23 =	sand.u32 $0x3E0, s23;
	v1 =	vld [tilespmem:s9+$0xFFFFFFF0]  }
0x248: {  	v2 =	vld [tilespmem:s23+$0x1C00];
	_ =	sdelay $0x4  }
0x249: {  	v1 =	vmul.f32 v2, v1;
	_ =	sdelay $0x1  }
0x24a: {  	[tilespmem:s10+$0xFFFFFFF0] =	vst v1  }
0x24b: {  	v1 =	vld [tilespmem:s9+$0x0]  }
0x24c: {  	v2 =	vld [tilespmem:s23+$0x1C10]  }
.Ltmp14:
0x24d: {  	(pc) =	sbr.rel @!p1 .LBB2_18-.Ltmp14, $2  }
0x24e: {  	_ =	sdelay $0x2  }
0x24f: {  	v1 =	vmul.f32 v2, v1  }
0x250: {  	_ = 	snop  }
0x251: {  	s9 =	sadd.s32 $0x40, s7;
	[tilespmem:s22+$0x0] =	vst v1  }
0x252: {  	[tilespmem:s1], [sflag:$0x1] =	stream.indirect.gather [hbm4b:s4+s31], $0x80, s9, s31, $0xb8;
	[tilespmem:$0x1F800] =	vst v63  }
0x253: {  	_ =	swait.ge [sflag:s0], $0x1000  }
0x254: {  	[sflag:s0] =	ssyncset.done $0x0  }
0x255: {  	s10 =	simm.s32 $0x0;
	s9 =	simm.s32 $0x830;
	[sflag:s0] =	ssyncadd.s32 $0xFFFFF000  }
0x256: {  	s11 =	sand.u32 $0x3E0, s10;
	v1 =	vld [tilespmem:s9+$0xFFFFFFF0]  }
0x257: {  	v2 =	vld [tilespmem:s11+$0x2000];
	_ =	sdelay $0x4  }
0x258: {  	v1 =	vmul.f32 v2, v1  }
0x259: {  	s10 =	simm.s32 $0x4810  }
0x25a: {  	[tilespmem:s10+$0xFFFFFFF0] =	vst v1  }
0x25b: {  	v1 =	vld [tilespmem:s9+$0x0]  }
0x25c: {  	v2 =	vld [tilespmem:s11+$0x2010];
	_ =	sdelay $0x4  }
0x25d: {  	s22 =	simm.s32 $0x4810;
	s11 =	simm.s32 $0x20;
	v1 =	vmul.f32 v2, v1  }
.LBB2_20:
0x25e: {  	p1 =	seq.s32 s11, $0x3E0;
	s10 =	sadd.s32 $0x80, s10;
	s9 =	sadd.s32 $0x80, s9  }
0x25f: {  	s23 =	smov.u32 s11;
	s11 =	sadd.s32 $0x20, s11;
	[tilespmem:s22+$0x0] =	vst v1;
	s22 =	smov.u32 s10  }
0x260: {  	s23 =	sand.u32 $0x3E0, s23;
	v1 =	vld [tilespmem:s9+$0xFFFFFFF0]  }
0x261: {  	v2 =	vld [tilespmem:s23+$0x2000];
	_ =	sdelay $0x4  }
0x262: {  	v1 =	vmul.f32 v2, v1;
	_ =	sdelay $0x1  }
0x263: {  	[tilespmem:s10+$0xFFFFFFF0] =	vst v1  }
0x264: {  	v1 =	vld [tilespmem:s9+$0x0]  }
0x265: {  	v2 =	vld [tilespmem:s23+$0x2010]  }
.Ltmp15:
0x266: {  	(pc) =	sbr.rel @!p1 .LBB2_20-.Ltmp15, $2  }
0x267: {  	_ =	sdelay $0x2  }
0x268: {  	v1 =	vmul.f32 v2, v1  }
0x269: {  	_ = 	snop  }
0x26a: {  	s9 =	sadd.s32 $0x60, s7;
	[tilespmem:s22+$0x0] =	vst v1  }
0x26b: {  	[tilespmem:s1], [sflag:$0x1] =	stream.indirect.gather [hbm4b:s4+s31], $0x80, s9, s31, $0xb8;
	[tilespmem:$0x1F800] =	vst v63  }
0x26c: {  	_ =	swait.ge [sflag:s0], $0x1000  }
0x26d: {  	[sflag:s0] =	ssyncset.done $0x0  }
0x26e: {  	s10 =	simm.s32 $0x0;
	s9 =	simm.s32 $0x830;
	[sflag:s0] =	ssyncadd.s32 $0xFFFFF000  }
0x26f: {  	s11 =	sand.u32 $0x3E0, s10;
	v1 =	vld [tilespmem:s9+$0xFFFFFFF0]  }
0x270: {  	v2 =	vld [tilespmem:s11+$0x2400];
	_ =	sdelay $0x4  }
0x271: {  	v1 =	vmul.f32 v2, v1  }
0x272: {  	s10 =	simm.s32 $0x5810  }
0x273: {  	[tilespmem:s10+$0xFFFFFFF0] =	vst v1  }
0x274: {  	v1 =	vld [tilespmem:s9+$0x0]  }
0x275: {  	v2 =	vld [tilespmem:s11+$0x2410];
	_ =	sdelay $0x4  }
0x276: {  	s22 =	simm.s32 $0x5810;
	s11 =	simm.s32 $0x20;
	v1 =	vmul.f32 v2, v1  }
.LBB2_22:
0x277: {  	p1 =	sne.s32 s11, $0x3E0;
	s10 =	sadd.s32 $0x80, s10;
	s9 =	sadd.s32 $0x80, s9  }
0x278: {  	s23 =	smov.u32 s11;
	s11 =	sadd.s32 $0x20, s11;
	[tilespmem:s22+$0x0] =	vst v1;
	s22 =	smov.u32 s10  }
0x279: {  	s23 =	sand.u32 $0x3E0, s23;
	v1 =	vld [tilespmem:s9+$0xFFFFFFF0]  }
0x27a: {  	v2 =	vld [tilespmem:s23+$0x2400];
	_ =	sdelay $0x4  }
0x27b: {  	v1 =	vmul.f32 v2, v1;
	_ =	sdelay $0x1  }
0x27c: {  	[tilespmem:s10+$0xFFFFFFF0] =	vst v1  }
0x27d: {  	v1 =	vld [tilespmem:s9+$0x0]  }
0x27e: {  	v2 =	vld [tilespmem:s23+$0x2410]  }
.Ltmp16:
0x27f: {  	(pc) =	sbr.rel @p1 .LBB2_22-.Ltmp16, $2  }
0x280: {  	_ =	sdelay $0x2  }
0x281: {  	v1 =	vmul.f32 v2, v1  }
.Ltmp17:
0x282: {  	_ = 	snop;
	(pc) =	sbr.rel .LBB2_23-.Ltmp17, $1  }
0x283: {  	_ =	sdelay $0x3  }
.LBB2_27:
0x284: {  	_ =	sfence.sel $0x180000  }
0x285: {  	[bflag:$0x0] =	sbarrier.arrive $0xFFFF  }
0x286: {  	_ =	strace $0x9000004D  }
0x287: {  	s0 =	stileid.u32;
	[bflag:$0x2] =	sbarrier.arrive $0xFFFF  }
0x288: {  	p0 =	sne.s32 s0, $0x0;
	s0 =	rddreg [dreg:$0x2]  }
0x289: {  	s0 =	sadd.s32 @!p0 $0x100000, s0  }
0x28a: {  	[sflag:s0] =	ssyncadd.tile.s32 @!p0 $0x1;
	_ =	shalt  }
.Lfunc_end2:
_tile_overlayer_lowered:
.L_overlay_start_2:
0x28b: {  	(tag) =	ssettag $0x2  }
0x28c: {  	s0 =	rddreg [dreg:$0x0];
	s2 =	stileid.u32  }
0x28d: {  	s1 =	rddreg [dreg:$0x1];
	p0 =	sne.s32 s2, $0x0  }
0x28e: {  	s3 =	rddreg [dreg:$0x2];
	[bflag:$0x3] =	sbarrier.arrive $0xFFFF;
	s2 =	simm.s32 @!p0 $0x1C02  }
0x28f: {  	[timem:s3], [sflag:s2] =	dma.local @!p0 [hbm:s0], s1  }
0x290: {  	s0 =	simm.s32 @!p0 $0x2  }
0x291: {  	_ =	swait.ge @!p0 [sflag:s0], s1  }
0x292: {  	s1 =	ssub.s32 @!p0 $0x0, s1;
	[sflag:s0] =	ssyncset.done @!p0 $0x0  }
0x293: {  	[sflag:s0] =	ssyncadd.s32 @!p0 s1  }
0x294: {  	[bflag:$0x3] =	sbarrier.arrive $0xFFFF  }
0x295: {  	_ =	shalt  }

</sc_bundles>
